<compile_context>
chip_gen: v7x
topology: tpu7x:2x2x1
jax: 0.10.2.dev20260603
libtpu: 0.0.44.dev20260713+nightly
codegen_flags: <defaults>
</compile_context>

<pallas_src>
import functools

import jax
import jax.numpy as jnp
from jax import lax
from jax.experimental import pallas as pl
from jax.experimental.pallas import tpu as pltpu
from jax.experimental.pallas import tpu_sc as plsc

P = 1000
L = 4096
B = 16
CH = 32
V = 200019
HALF = 100352
NKH = HALF // 1024
TRASH = B * HALF
MAXM = (B * (L // CH) + 15) // 16
K0 = 199680
KTAIL = V - K0


def _sc_body(x_hbm, n_hbm, m_hbm,
             n_vmem, idxstage_v, sidx_v, ones_v, zeros_v, spmem, sem, sem2):
    c = lax.axis_index("c")
    s = lax.axis_index("s")

    pltpu.sync_copy(n_hbm, n_vmem.at[pl.ds(0, 16)])
    ns = [n_vmem[pl.ds(i, 16)][0] for i in range(B)]
    cum = [jnp.int32(0)]
    for i in range(B):
        cum.append(cum[-1] + lax.div(ns[i] + (CH - 1), CH))
    total = cum[B]
    m = lax.div(jnp.maximum(total - s + 15, 0), 16)

    def chunk_info(t):
        g = s + 16 * t
        b = jnp.int32(0)
        for i in range(1, B):
            b = b + (g >= cum[i]).astype(jnp.int32)
        cb = jnp.int32(0)
        nb = jnp.int32(0)
        for i in range(B):
            is_i = (b == i).astype(jnp.int32)
            cb = cb + is_i * cum[i]
            nb = nb + is_i * ns[i]
        start = (g - cb) * CH
        valid = jnp.minimum(nb - start, CH)
        return b, start, valid

    def stage(t, c2):
        b, start, _ = chunk_info(t)
        pltpu.async_copy(x_hbm.at[b, pl.ds(start, CH)],
                         idxstage_v.at[t, pl.ds(0, CH)], sem)
        return c2
    lax.fori_loop(0, m, stage, 0)

    zv = jnp.zeros((16,), jnp.float32)

    def zz(i, c2):
        zeros_v[pl.ds(i * 16, 16)] = zv
        return c2
    lax.fori_loop(0, 512, zz, 0)
    for g in range(8):
        ones_v[pl.ds(g * 16, 16)] = jnp.ones((16,), jnp.float32)

    def stage_drain(t, c2):
        pltpu.make_async_copy(x_hbm.at[0, pl.ds(0, CH)],
                              idxstage_v.at[0, pl.ds(0, CH)], sem).wait()
        return c2
    lax.fori_loop(0, m, stage_drain, 0)

    lane = lax.iota(jnp.int32, 16)
    sbase = s * HALF
    lo = c * HALF
    tot_e = m * CH
    nstream = lax.div(tot_e + 127, 128)
    trash_vec = jnp.zeros((16,), jnp.int32) + TRASH

    for i in range(12):
        pltpu.async_copy(zeros_v.at[pl.ds(0, 8192)],
                         spmem.at[pl.ds(sbase + i * 8192, 8192)], sem2)
    pltpu.async_copy(zeros_v.at[pl.ds(0, 2048)],
                     spmem.at[pl.ds(sbase + 98304, 2048)], sem2)
    for i in range(12):
        pltpu.make_async_copy(zeros_v.at[pl.ds(0, 8192)],
                              spmem.at[pl.ds(0, 8192)], sem2).wait()
    pltpu.make_async_copy(zeros_v.at[pl.ds(0, 2048)],
                          spmem.at[pl.ds(0, 2048)], sem2).wait()

    def xform(t, c2):
        b, _, valid = chunk_info(t)
        for g in range(CH // 16):
            tok = idxstage_v[t, pl.ds(g * 16, 16)]
            keep = ((tok >= lo) & (tok < lo + HALF)
                    & ((g * 16 + lane) < valid))
            off = jnp.where(keep, b * HALF + tok - lo, TRASH)
            e = t * CH + g * 16
            sidx_v[lax.div(e, 1024), lax.div(lax.rem(e, 1024), 128),
                   pl.ds(lax.rem(e, 128), 16)] = off
        return c2
    lax.fori_loop(0, m, xform, 0)

    def pad(pg, c2):
        e = tot_e + pg * 16
        sidx_v[lax.div(e, 1024), lax.div(lax.rem(e, 1024), 128),
               pl.ds(lax.rem(e, 128), 16)] = trash_vec
        return c2
    lax.fori_loop(0, lax.div(nstream * 128 - tot_e, 16), pad, 0)
    plsc.subcore_barrier()

    def scat(k, c2):
        pltpu.async_copy(ones_v.at[pl.ds(0, 128)],
                         spmem.at[sidx_v.at[lax.div(k, 8), lax.rem(k, 8)]],
                         sem2, add=True)
        return c2
    lax.fori_loop(0, nstream, scat, 0)

    def scat_drain(k, c2):
        pltpu.make_async_copy(ones_v.at[pl.ds(0, 128)],
                              spmem.at[pl.ds(0, 128)], sem2).wait()
        return c2
    lax.fori_loop(0, nstream, scat_drain, 0)
    plsc.subcore_barrier()

    obase = (c * B + s) * HALF
    for i in range(24):
        h = (i % 2) * 4096
        if i >= 2:
            pltpu.make_async_copy(zeros_v.at[pl.ds(0, 4096)],
                                  m_hbm.at[pl.ds(0, 4096)], sem2).wait()
        pltpu.sync_copy(spmem.at[pl.ds(sbase + i * 4096, 4096)],
                        zeros_v.at[pl.ds(h, 4096)])
        pltpu.async_copy(zeros_v.at[pl.ds(h, 4096)],
                         m_hbm.at[pl.ds(obase + i * 4096, 4096)], sem2)
    pltpu.make_async_copy(zeros_v.at[pl.ds(0, 4096)],
                          m_hbm.at[pl.ds(0, 4096)], sem2).wait()
    pltpu.sync_copy(spmem.at[pl.ds(sbase + 98304, 2048)],
                    zeros_v.at[pl.ds(0, 2048)])
    pltpu.async_copy(zeros_v.at[pl.ds(0, 2048)],
                     m_hbm.at[pl.ds(obase + 98304, 2048)], sem2)
    pltpu.make_async_copy(zeros_v.at[pl.ds(0, 4096)],
                          m_hbm.at[pl.ds(0, 4096)], sem2).wait()
    pltpu.make_async_copy(zeros_v.at[pl.ds(0, 2048)],
                          m_hbm.at[pl.ds(0, 2048)], sem2).wait()


def _scatter_sc(X, N):
    mesh = plsc.VectorSubcoreMesh(core_axis_name="c", subcore_axis_name="s")
    f = pl.kernel(
        _sc_body,
        out_type=jax.ShapeDtypeStruct((2 * B * HALF,), jnp.float32),
        mesh=mesh,
        scratch_types=[
            pltpu.VMEM((32,), jnp.int32),
            pltpu.VMEM((MAXM, CH + 16), jnp.int32),
            pltpu.VMEM((MAXM * CH // 1024, 8, 128), jnp.int32),
            pltpu.VMEM((128,), jnp.float32),
            pltpu.VMEM((8192,), jnp.float32),
            pltpu.VMEM_SHARED((B * HALF + 16,), jnp.float32),
            pltpu.SemaphoreType.DMA,
            pltpu.SemaphoreType.DMA,
        ],
    )
    return f(X, N)


def _mm_body(m_ref, t_ref, o_ref):
    @pl.when(pl.program_id(0) == 0)
    def _():
        o_ref[...] = jnp.zeros_like(o_ref)
    o_ref[...] += lax.dot_general(
        m_ref[...], t_ref[...], (((1,), (1,)), ((), ())),
        preferred_element_type=jnp.float32)


def _mm(M32, tableT):
    return pl.pallas_call(
        _mm_body,
        grid=(K0 // 1024,),
        in_specs=[
            pl.BlockSpec((B, 1024), lambda k: (k // NKH, k % NKH)),
            pl.BlockSpec((P, 1024), lambda k: (0, k)),
        ],
        out_specs=pl.BlockSpec((B, P), lambda k: (0, 0)),
        out_shape=jax.ShapeDtypeStruct((B, P), jnp.float32),
    )(M32, tableT)


def _tail_body(s1_ref, mt_ref, tt_ref, n_ref, gamma_ref, beta_ref,
               w_ref, bias_ref, out_ref):
    s = s1_ref[...] + lax.dot_general(
        mt_ref[...], tt_ref[...], (((1,), (1,)), ((), ())),
        preferred_element_type=jnp.float32)
    nf = n_ref[...].astype(jnp.float32)
    x = s / nf
    mean = jnp.mean(x, axis=1, keepdims=True)
    xc = x - mean
    var = jnp.mean(xc * xc, axis=1, keepdims=True)
    xn = xc * lax.rsqrt(var + 1e-5)
    xn = xn * gamma_ref[...] + beta_ref[...]
    z = jnp.sum(xn * w_ref[...], axis=1, keepdims=True) + bias_ref[...]
    out_ref[...] = jax.nn.sigmoid(z)


def _tail_tc(s1, mt, tt, N, gamma, beta, W, b):
    return pl.pallas_call(
        _tail_body,
        out_shape=jax.ShapeDtypeStruct((B, 1), jnp.float32),
    )(s1, mt, tt, N.reshape(B, 1), gamma.reshape(1, P), beta.reshape(1, P),
      W.reshape(1, P), b.reshape(1, 1))


@jax.jit
def kernel(X, N, table, gamma, beta, W, b):
    X = X.astype(jnp.int32)
    N = N.astype(jnp.int32)
    tableT = table.T
    M32 = _scatter_sc(X, N).reshape(2 * B, HALF)
    s1 = _mm(M32, tableT)
    mt = lax.slice(M32, (B, K0 - HALF), (2 * B, V - HALF))
    tt = lax.slice(tableT, (0, K0), (P, V))
    return _tail_tc(s1, mt, tt, N, gamma, beta, W, b).reshape(B)

# --- scband reference (transcript-rebuilt; emitter-appended) ---
"""Pipeline reference for scband-ber-tii-1795296330439 (READ-ONLY COPY).

The authoritative reference and input builder live on the scoring server;
editing this copy changes nothing except your own understanding.
"""

import jax, jax.numpy as jnp
import numpy as np

VOCAB = 200019
P = 1000
B = 16
L = 4096

def setup_inputs(seed: int = 0) -> dict:
    key = jax.random.key(seed)
    k1, k2, k3, k4, k5 = jax.random.split(key, 5)
    X = jax.random.randint(k1, (B, L), 0, VOCAB, dtype=jnp.int64) if jax.config.jax_enable_x64 else jax.random.randint(k1, (B, L), 0, VOCAB, dtype=jnp.int32)
    N = jax.random.randint(k2, (B,), 1, L + 1, dtype=X.dtype)
    table = jax.random.normal(k3, (VOCAB, P), dtype=jnp.float32)
    gamma = jnp.ones((P,), dtype=jnp.float32)
    beta = jnp.zeros((P,), dtype=jnp.float32)
    W = jax.random.normal(k4, (P, 1), dtype=jnp.float32) * (1.0 / np.sqrt(P))
    b = jax.random.normal(k5, (1,), dtype=jnp.float32) * 0.01
    return {"X": X, "N": N, "table": table, "gamma": gamma, "beta": beta, "W": W, "b": b}

def reference(X, N, table, gamma, beta, W, b):
    # embedding lookup (SparseCore gather)
    emb = jnp.take(table, X, axis=0)  # [B, L, P]
    # nested->padded with 0.0: zero out positions >= N[i]
    mask = (jnp.arange(L)[None, :] < N[:, None]).astype(jnp.float32)  # [B, L]
    emb = emb * mask[:, :, None]
    s = jnp.sum(emb, axis=1)  # [B, P]
    x = s / N[:, None].astype(jnp.float32)
    # LayerNorm over last dim, eps=1e-5 (torch default)
    mean = jnp.mean(x, axis=-1, keepdims=True)
    var = jnp.mean((x - mean) ** 2, axis=-1, keepdims=True)
    xn = (x - mean) / jnp.sqrt(var + 1e-5)
    xn = xn * gamma[None, :] + beta[None, :]
    logits = jax.nn.sigmoid(xn @ W + b[None, :])  # [B, 1]
    return logits.reshape(B)

if __name__ == "__main__":
    import jax
    _d = setup_inputs()
    print(jax.jit(kernel)(*tuple(_d.values())))

</pallas_src>

<mosaic_0001>
#map = affine_map<(d0, d1) -> (0, 0)>
#map1 = affine_map<(d0, d1) -> (0)>
module attributes {stable_mosaic.version = 14 : i64} {
  func.func @_sc_body(%arg0: i32, %arg1: i32, %arg2: memref<16x4096xi32, #tpu.memory_space<hbm>>, %arg3: memref<16xi32, #tpu.memory_space<hbm>>, %arg4: memref<3211264xf32, #tpu.memory_space<hbm>>, %arg5: memref<32xi32, #tpu.memory_space<vmem>>, %arg6: memref<128x48xi32, #tpu.memory_space<vmem>>, %arg7: memref<4x8x128xi32, #tpu.memory_space<vmem>>, %arg8: memref<128xf32, #tpu.memory_space<vmem>>, %arg9: memref<8192xf32, #tpu.memory_space<vmem>>, %arg10: memref<1605648xf32, #tpu.memory_space<vmem_shared>>, %arg11: memref<!tpu.dma_semaphore, #tpu.memory_space<semaphore_mem>>, %arg12: memref<!tpu.dma_semaphore, #tpu.memory_space<semaphore_mem>>) attributes {dimension_semantics = [#tpu.dimension_semantics<core_parallel>, #tpu.dimension_semantics<subcore_parallel>], iteration_bounds = array<i64: 2, 16>, scalar_prefetch = 0 : i64, scratch_operands = 8 : i64, tpu.core_type = #tpu.core_type<sc_vector_subcore>, window_params = [{transform_indices = #map}, {transform_indices = #map1}, {transform_indices = #map1}]} {
    "tpu.region"() ({
      %run_scoped3A = tpu.sem_alloc : memref<!tpu.dma_semaphore, #tpu.memory_space<semaphore_mem>>
      %dma_start3A_956 = arith.constant 0 : i32
      %dma_start3A_957 = tpu.memref_slice %arg5[%dma_start3A_956] : memref<32xi32, #tpu.memory_space<vmem>> -> memref<16xi32, #tpu.memory_space<vmem>>
      %dma_start3A_958 = arith.constant 0 : i32
      %dma_start3A_959 = tpu.memref_slice %arg5[%dma_start3A_958] : memref<32xi32, #tpu.memory_space<vmem>> -> memref<16xi32, #tpu.memory_space<vmem>>
      tpu.enqueue_dma source(%arg3 : memref<16xi32, #tpu.memory_space<hbm>>) target(%dma_start3A_959 : memref<16xi32, #tpu.memory_space<vmem>>) target_semaphore(%run_scoped3A : memref<!tpu.dma_semaphore, #tpu.memory_space<semaphore_mem>>)
      %dma_wait3A_960 = arith.constant 0 : i32
      %dma_wait3A_961 = tpu.memref_slice %arg5[%dma_wait3A_960] : memref<32xi32, #tpu.memory_space<vmem>> -> memref<16xi32, #tpu.memory_space<vmem>>
      %dma_wait3A_962 = arith.constant 0 : i32
      %dma_wait3A_963 = tpu.memref_slice %arg5[%dma_wait3A_962] : memref<32xi32, #tpu.memory_space<vmem>> -> memref<16xi32, #tpu.memory_space<vmem>>
      tpu.wait_dma2 semaphore(%run_scoped3A : memref<!tpu.dma_semaphore, #tpu.memory_space<semaphore_mem>>) src(%arg3 : memref<16xi32, #tpu.memory_space<hbm>>) dst(%dma_wait3A_963 : memref<16xi32, #tpu.memory_space<vmem>>)
      tpu.yield
    }) : () -> ()
    %get3A = arith.constant 0 : index
    %get3A_0 = tpu.vector_load %arg5[%get3A] {strides = array<i32>} : memref<32xi32, #tpu.memory_space<vmem>>, vector<16xi32>,
    %get3A_1 = vector.shape_cast %get3A_0 : vector<16xi32> to vector<16xi32>
    %slice3A = vector.extract_strided_slice %get3A_1 {offsets = [0], sizes = [1], strides = [1]} : vector<16xi32> to vector<1xi32>
    %squeeze3A = vector.extract %slice3A[0] : i32 from vector<1xi32>
    %get3A_2 = arith.constant 1 : index
    %get3A_3 = tpu.vector_load %arg5[%get3A_2] {strides = array<i32>} : memref<32xi32, #tpu.memory_space<vmem>>, vector<16xi32>,
    %get3A_4 = vector.shape_cast %get3A_3 : vector<16xi32> to vector<16xi32>
    %slice3A_5 = vector.extract_strided_slice %get3A_4 {offsets = [0], sizes = [1], strides = [1]} : vector<16xi32> to vector<1xi32>
    %squeeze3A_6 = vector.extract %slice3A_5[0] : i32 from vector<1xi32>
    %get3A_7 = arith.constant 2 : index
    %get3A_8 = tpu.vector_load %arg5[%get3A_7] {strides = array<i32>} : memref<32xi32, #tpu.memory_space<vmem>>, vector<16xi32>,
    %get3A_9 = vector.shape_cast %get3A_8 : vector<16xi32> to vector<16xi32>
    %slice3A_10 = vector.extract_strided_slice %get3A_9 {offsets = [0], sizes = [1], strides = [1]} : vector<16xi32> to vector<1xi32>
    %squeeze3A_11 = vector.extract %slice3A_10[0] : i32 from vector<1xi32>
    %get3A_12 = arith.constant 3 : index
    %get3A_13 = tpu.vector_load %arg5[%get3A_12] {strides = array<i32>} : memref<32xi32, #tpu.memory_space<vmem>>, vector<16xi32>,
    %get3A_14 = vector.shape_cast %get3A_13 : vector<16xi32> to vector<16xi32>
    %slice3A_15 = vector.extract_strided_slice %get3A_14 {offsets = [0], sizes = [1], strides = [1]} : vector<16xi32> to vector<1xi32>
    %squeeze3A_16 = vector.extract %slice3A_15[0] : i32 from vector<1xi32>
    %get3A_17 = arith.constant 4 : index
    %get3A_18 = tpu.vector_load %arg5[%get3A_17] {strides = array<i32>} : memref<32xi32, #tpu.memory_space<vmem>>, vector<16xi32>,
    %get3A_19 = vector.shape_cast %get3A_18 : vector<16xi32> to vector<16xi32>
    %slice3A_20 = vector.extract_strided_slice %get3A_19 {offsets = [0], sizes = [1], strides = [1]} : vector<16xi32> to vector<1xi32>
    %squeeze3A_21 = vector.extract %slice3A_20[0] : i32 from vector<1xi32>
    %get3A_22 = arith.constant 5 : index
    %get3A_23 = tpu.vector_load %arg5[%get3A_22] {strides = array<i32>} : memref<32xi32, #tpu.memory_space<vmem>>, vector<16xi32>,
    %get3A_24 = vector.shape_cast %get3A_23 : vector<16xi32> to vector<16xi32>
    %slice3A_25 = vector.extract_strided_slice %get3A_24 {offsets = [0], sizes = [1], strides = [1]} : vector<16xi32> to vector<1xi32>
    %squeeze3A_26 = vector.extract %slice3A_25[0] : i32 from vector<1xi32>
    %get3A_27 = arith.constant 6 : index
    %get3A_28 = tpu.vector_load %arg5[%get3A_27] {strides = array<i32>} : memref<32xi32, #tpu.memory_space<vmem>>, vector<16xi32>,
    %get3A_29 = vector.shape_cast %get3A_28 : vector<16xi32> to vector<16xi32>
    %slice3A_30 = vector.extract_strided_slice %get3A_29 {offsets = [0], sizes = [1], strides = [1]} : vector<16xi32> to vector<1xi32>
    %squeeze3A_31 = vector.extract %slice3A_30[0] : i32 from vector<1xi32>
    %get3A_32 = arith.constant 7 : index
    %get3A_33 = tpu.vector_load %arg5[%get3A_32] {strides = array<i32>} : memref<32xi32, #tpu.memory_space<vmem>>, vector<16xi32>,
    %get3A_34 = vector.shape_cast %get3A_33 : vector<16xi32> to vector<16xi32>
    %slice3A_35 = vector.extract_strided_slice %get3A_34 {offsets = [0], sizes = [1], strides = [1]} : vector<16xi32> to vector<1xi32>
    %squeeze3A_36 = vector.extract %slice3A_35[0] : i32 from vector<1xi32>
    %get3A_37 = arith.constant 8 : index
    %get3A_38 = tpu.vector_load %arg5[%get3A_37] {strides = array<i32>} : memref<32xi32, #tpu.memory_space<vmem>>, vector<16xi32>,
    %get3A_39 = vector.shape_cast %get3A_38 : vector<16xi32> to vector<16xi32>
    %slice3A_40 = vector.extract_strided_slice %get3A_39 {offsets = [0], sizes = [1], strides = [1]} : vector<16xi32> to vector<1xi32>
    %squeeze3A_41 = vector.extract %slice3A_40[0] : i32 from vector<1xi32>
    %get3A_42 = arith.constant 9 : index
    %get3A_43 = tpu.vector_load %arg5[%get3A_42] {strides = array<i32>} : memref<32xi32, #tpu.memory_space<vmem>>, vector<16xi32>,
    %get3A_44 = vector.shape_cast %get3A_43 : vector<16xi32> to vector<16xi32>
    %slice3A_45 = vector.extract_strided_slice %get3A_44 {offsets = [0], sizes = [1], strides = [1]} : vector<16xi32> to vector<1xi32>
    %squeeze3A_46 = vector.extract %slice3A_45[0] : i32 from vector<1xi32>
    %get3A_47 = arith.constant 10 : index
    %get3A_48 = tpu.vector_load %arg5[%get3A_47] {strides = array<i32>} : memref<32xi32, #tpu.memory_space<vmem>>, vector<16xi32>,
    %get3A_49 = vector.shape_cast %get3A_48 : vector<16xi32> to vector<16xi32>
    %slice3A_50 = vector.extract_strided_slice %get3A_49 {offsets = [0], sizes = [1], strides = [1]} : vector<16xi32> to vector<1xi32>
    %squeeze3A_51 = vector.extract %slice3A_50[0] : i32 from vector<1xi32>
    %get3A_52 = arith.constant 11 : index
    %get3A_53 = tpu.vector_load %arg5[%get3A_52] {strides = array<i32>} : memref<32xi32, #tpu.memory_space<vmem>>, vector<16xi32>,
    %get3A_54 = vector.shape_cast %get3A_53 : vector<16xi32> to vector<16xi32>
    %slice3A_55 = vector.extract_strided_slice %get3A_54 {offsets = [0], sizes = [1], strides = [1]} : vector<16xi32> to vector<1xi32>
    %squeeze3A_56 = vector.extract %slice3A_55[0] : i32 from vector<1xi32>
    %get3A_57 = arith.constant 12 : index
    %get3A_58 = tpu.vector_load %arg5[%get3A_57] {strides = array<i32>} : memref<32xi32, #tpu.memory_space<vmem>>, vector<16xi32>,
    %get3A_59 = vector.shape_cast %get3A_58 : vector<16xi32> to vector<16xi32>
    %slice3A_60 = vector.extract_strided_slice %get3A_59 {offsets = [0], sizes = [1], strides = [1]} : vector<16xi32> to vector<1xi32>
    %squeeze3A_61 = vector.extract %slice3A_60[0] : i32 from vector<1xi32>
    %get3A_62 = arith.constant 13 : index
    %get3A_63 = tpu.vector_load %arg5[%get3A_62] {strides = array<i32>} : memref<32xi32, #tpu.memory_space<vmem>>, vector<16xi32>,
    %get3A_64 = vector.shape_cast %get3A_63 : vector<16xi32> to vector<16xi32>
    %slice3A_65 = vector.extract_strided_slice %get3A_64 {offsets = [0], sizes = [1], strides = [1]} : vector<16xi32> to vector<1xi32>
    %squeeze3A_66 = vector.extract %slice3A_65[0] : i32 from vector<1xi32>
    %get3A_67 = arith.constant 14 : index
    %get3A_68 = tpu.vector_load %arg5[%get3A_67] {strides = array<i32>} : memref<32xi32, #tpu.memory_space<vmem>>, vector<16xi32>,
    %get3A_69 = vector.shape_cast %get3A_68 : vector<16xi32> to vector<16xi32>
    %slice3A_70 = vector.extract_strided_slice %get3A_69 {offsets = [0], sizes = [1], strides = [1]} : vector<16xi32> to vector<1xi32>
    %squeeze3A_71 = vector.extract %slice3A_70[0] : i32 from vector<1xi32>
    %get3A_72 = arith.constant 15 : index
    %get3A_73 = tpu.vector_load %arg5[%get3A_72] {strides = array<i32>} : memref<32xi32, #tpu.memory_space<vmem>>, vector<16xi32>,
    %get3A_74 = vector.shape_cast %get3A_73 : vector<16xi32> to vector<16xi32>
    %slice3A_75 = vector.extract_strided_slice %get3A_74 {offsets = [0], sizes = [1], strides = [1]} : vector<16xi32> to vector<1xi32>
    %squeeze3A_76 = vector.extract %slice3A_75[0] : i32 from vector<1xi32>
    %add3A = arith.constant 31 : i32
    %add3A_77 = arith.addi %squeeze3A, %add3A : i32
    %div3A = arith.constant 32 : i32
    %div3A_78 = arith.divsi %add3A_77, %div3A : i32
    %add3A_79 = arith.constant 0 : i32
    %add3A_80 = arith.addi %add3A_79, %div3A_78 : i32
    %add3A_81 = arith.constant 31 : i32
    %add3A_82 = arith.addi %squeeze3A_6, %add3A_81 : i32
    %div3A_83 = arith.constant 32 : i32
    %div3A_84 = arith.divsi %add3A_82, %div3A_83 : i32
    %add3A_85 = arith.addi %add3A_80, %div3A_84 : i32
    %add3A_86 = arith.constant 31 : i32
    %add3A_87 = arith.addi %squeeze3A_11, %add3A_86 : i32
    %div3A_88 = arith.constant 32 : i32
    %div3A_89 = arith.divsi %add3A_87, %div3A_88 : i32
    %add3A_90 = arith.addi %add3A_85, %div3A_89 : i32
    %add3A_91 = arith.constant 31 : i32
    %add3A_92 = arith.addi %squeeze3A_16, %add3A_91 : i32
    %div3A_93 = arith.constant 32 : i32
    %div3A_94 = arith.divsi %add3A_92, %div3A_93 : i32
    %add3A_95 = arith.addi %add3A_90, %div3A_94 : i32
    %add3A_96 = arith.constant 31 : i32
    %add3A_97 = arith.addi %squeeze3A_21, %add3A_96 : i32
    %div3A_98 = arith.constant 32 : i32
    %div3A_99 = arith.divsi %add3A_97, %div3A_98 : i32
    %add3A_100 = arith.addi %add3A_95, %div3A_99 : i32
    %add3A_101 = arith.constant 31 : i32
    %add3A_102 = arith.addi %squeeze3A_26, %add3A_101 : i32
    %div3A_103 = arith.constant 32 : i32
    %div3A_104 = arith.divsi %add3A_102, %div3A_103 : i32
    %add3A_105 = arith.addi %add3A_100, %div3A_104 : i32
    %add3A_106 = arith.constant 31 : i32
    %add3A_107 = arith.addi %squeeze3A_31, %add3A_106 : i32
    %div3A_108 = arith.constant 32 : i32
    %div3A_109 = arith.divsi %add3A_107, %div3A_108 : i32
    %add3A_110 = arith.addi %add3A_105, %div3A_109 : i32
    %add3A_111 = arith.constant 31 : i32
    %add3A_112 = arith.addi %squeeze3A_36, %add3A_111 : i32
    %div3A_113 = arith.constant 32 : i32
    %div3A_114 = arith.divsi %add3A_112, %div3A_113 : i32
    %add3A_115 = arith.addi %add3A_110, %div3A_114 : i32
    %add3A_116 = arith.constant 31 : i32
    %add3A_117 = arith.addi %squeeze3A_41, %add3A_116 : i32
    %div3A_118 = arith.constant 32 : i32
    %div3A_119 = arith.divsi %add3A_117, %div3A_118 : i32
    %add3A_120 = arith.addi %add3A_115, %div3A_119 : i32
    %add3A_121 = arith.constant 31 : i32
    %add3A_122 = arith.addi %squeeze3A_46, %add3A_121 : i32
    %div3A_123 = arith.constant 32 : i32
    %div3A_124 = arith.divsi %add3A_122, %div3A_123 : i32
    %add3A_125 = arith.addi %add3A_120, %div3A_124 : i32
    %add3A_126 = arith.constant 31 : i32
    %add3A_127 = arith.addi %squeeze3A_51, %add3A_126 : i32
    %div3A_128 = arith.constant 32 : i32
    %div3A_129 = arith.divsi %add3A_127, %div3A_128 : i32
    %add3A_130 = arith.addi %add3A_125, %div3A_129 : i32
    %add3A_131 = arith.constant 31 : i32
    %add3A_132 = arith.addi %squeeze3A_56, %add3A_131 : i32
    %div3A_133 = arith.constant 32 : i32
    %div3A_134 = arith.divsi %add3A_132, %div3A_133 : i32
    %add3A_135 = arith.addi %add3A_130, %div3A_134 : i32
    %add3A_136 = arith.constant 31 : i32
    %add3A_137 = arith.addi %squeeze3A_61, %add3A_136 : i32
    %div3A_138 = arith.constant 32 : i32
    %div3A_139 = arith.divsi %add3A_137, %div3A_138 : i32
    %add3A_140 = arith.addi %add3A_135, %div3A_139 : i32
    %add3A_141 = arith.constant 31 : i32
    %add3A_142 = arith.addi %squeeze3A_66, %add3A_141 : i32
    %div3A_143 = arith.constant 32 : i32
    %div3A_144 = arith.divsi %add3A_142, %div3A_143 : i32
    %add3A_145 = arith.addi %add3A_140, %div3A_144 : i32
    %add3A_146 = arith.constant 31 : i32
    %add3A_147 = arith.addi %squeeze3A_71, %add3A_146 : i32
    %div3A_148 = arith.constant 32 : i32
    %div3A_149 = arith.divsi %add3A_147, %div3A_148 : i32
    %add3A_150 = arith.addi %add3A_145, %div3A_149 : i32
    %add3A_151 = arith.constant 31 : i32
    %add3A_152 = arith.addi %squeeze3A_76, %add3A_151 : i32
    %div3A_153 = arith.constant 32 : i32
    %div3A_154 = arith.divsi %add3A_152, %div3A_153 : i32
    %add3A_155 = arith.addi %add3A_150, %div3A_154 : i32
    %sub3A = arith.subi %add3A_155, %arg1 : i32
    %add3A_156 = arith.constant 15 : i32
    %add3A_157 = arith.addi %sub3A, %add3A_156 : i32
    %max3A = arith.constant 0 : i32
    %max3A_158 = arith.maxsi %add3A_157, %max3A : i32
    %div3A_159 = arith.constant 16 : i32
    %div3A_160 = arith.divsi %max3A_158, %div3A_159 : i32
    %while3A = arith.constant 0 : i32
    %while3A_161 = arith.constant 0 : i32
    %while3A_162 = arith.constant 0 : i32
    %while3A_163 = arith.subi %div3A_160, %while3A_162 : i32
    %while3A_164 = arith.addi %while3A_162, %while3A_163 : i32
    %while3A_165 = arith.constant 1 : i32
    %while3A_166 = arith.divsi %while3A_163, %while3A_165 : i32
    %while3A_167 = arith.muli %while3A_166, %while3A_165 : i32
    %while3A_168 = arith.addi %while3A_162, %while3A_167 : i32
    %while3A_169 = arith.constant 1 : i32
    scf.for %while3A_956 = %while3A_162 to %while3A_168 step %while3A_169  : i32 {
      %mul3A_957 = arith.constant 16 : i32
      %mul3A_958 = arith.muli %mul3A_957, %while3A_956 : i32
      %add3A_959 = arith.addi %arg1, %mul3A_958 : i32
      %ge3A = arith.cmpi sge, %add3A_959, %add3A_80 : i32
      %convert_element_type3A = arith.extui %ge3A : i1 to i32
      %add3A_960 = arith.constant 0 : i32
      %add3A_961 = arith.addi %add3A_960, %convert_element_type3A : i32
      %ge3A_962 = arith.cmpi sge, %add3A_959, %add3A_85 : i32
      %convert_element_type3A_963 = arith.extui %ge3A_962 : i1 to i32
      %add3A_964 = arith.addi %add3A_961, %convert_element_type3A_963 : i32
      %ge3A_965 = arith.cmpi sge, %add3A_959, %add3A_90 : i32
      %convert_element_type3A_966 = arith.extui %ge3A_965 : i1 to i32
      %add3A_967 = arith.addi %add3A_964, %convert_element_type3A_966 : i32
      %ge3A_968 = arith.cmpi sge, %add3A_959, %add3A_95 : i32
      %convert_element_type3A_969 = arith.extui %ge3A_968 : i1 to i32
      %add3A_970 = arith.addi %add3A_967, %convert_element_type3A_969 : i32
      %ge3A_971 = arith.cmpi sge, %add3A_959, %add3A_100 : i32
      %convert_element_type3A_972 = arith.extui %ge3A_971 : i1 to i32
      %add3A_973 = arith.addi %add3A_970, %convert_element_type3A_972 : i32
      %ge3A_974 = arith.cmpi sge, %add3A_959, %add3A_105 : i32
      %convert_element_type3A_975 = arith.extui %ge3A_974 : i1 to i32
      %add3A_976 = arith.addi %add3A_973, %convert_element_type3A_975 : i32
      %ge3A_977 = arith.cmpi sge, %add3A_959, %add3A_110 : i32
      %convert_element_type3A_978 = arith.extui %ge3A_977 : i1 to i32
      %add3A_979 = arith.addi %add3A_976, %convert_element_type3A_978 : i32
      %ge3A_980 = arith.cmpi sge, %add3A_959, %add3A_115 : i32
      %convert_element_type3A_981 = arith.extui %ge3A_980 : i1 to i32
      %add3A_982 = arith.addi %add3A_979, %convert_element_type3A_981 : i32
      %ge3A_983 = arith.cmpi sge, %add3A_959, %add3A_120 : i32
      %convert_element_type3A_984 = arith.extui %ge3A_983 : i1 to i32
      %add3A_985 = arith.addi %add3A_982, %convert_element_type3A_984 : i32
      %ge3A_986 = arith.cmpi sge, %add3A_959, %add3A_125 : i32
      %convert_element_type3A_987 = arith.extui %ge3A_986 : i1 to i32
      %add3A_988 = arith.addi %add3A_985, %convert_element_type3A_987 : i32
      %ge3A_989 = arith.cmpi sge, %add3A_959, %add3A_130 : i32
      %convert_element_type3A_990 = arith.extui %ge3A_989 : i1 to i32
      %add3A_991 = arith.addi %add3A_988, %convert_element_type3A_990 : i32
      %ge3A_992 = arith.cmpi sge, %add3A_959, %add3A_135 : i32
      %convert_element_type3A_993 = arith.extui %ge3A_992 : i1 to i32
      %add3A_994 = arith.addi %add3A_991, %convert_element_type3A_993 : i32
      %ge3A_995 = arith.cmpi sge, %add3A_959, %add3A_140 : i32
      %convert_element_type3A_996 = arith.extui %ge3A_995 : i1 to i32
      %add3A_997 = arith.addi %add3A_994, %convert_element_type3A_996 : i32
      %ge3A_998 = arith.cmpi sge, %add3A_959, %add3A_145 : i32
      %convert_element_type3A_999 = arith.extui %ge3A_998 : i1 to i32
      %add3A_1000 = arith.addi %add3A_997, %convert_element_type3A_999 : i32
      %ge3A_1001 = arith.cmpi sge, %add3A_959, %add3A_150 : i32
      %convert_element_type3A_1002 = arith.extui %ge3A_1001 : i1 to i32
      %add3A_1003 = arith.addi %add3A_1000, %convert_element_type3A_1002 : i32
      %eq3A = arith.constant 0 : i32
      %eq3A_1004 = arith.cmpi eq, %add3A_1003, %eq3A : i32
      %convert_element_type3A_1005 = arith.extui %eq3A_1004 : i1 to i32
      %mul3A_1006 = arith.muli %convert_element_type3A_1005, %while3A_161 : i32
      %add3A_1007 = arith.constant 0 : i32
      %add3A_1008 = arith.addi %add3A_1007, %mul3A_1006 : i32
      %mul3A_1009 = arith.muli %convert_element_type3A_1005, %squeeze3A : i32
      %add3A_1010 = arith.constant 0 : i32
      %add3A_1011 = arith.addi %add3A_1010, %mul3A_1009 : i32
      %eq3A_1012 = arith.constant 1 : i32
      %eq3A_1013 = arith.cmpi eq, %add3A_1003, %eq3A_1012 : i32
      %convert_element_type3A_1014 = arith.extui %eq3A_1013 : i1 to i32
      %mul3A_1015 = arith.muli %convert_element_type3A_1014, %add3A_80 : i32
      %add3A_1016 = arith.addi %add3A_1008, %mul3A_1015 : i32
      %mul3A_1017 = arith.muli %convert_element_type3A_1014, %squeeze3A_6 : i32
      %add3A_1018 = arith.addi %add3A_1011, %mul3A_1017 : i32
      %eq3A_1019 = arith.constant 2 : i32
      %eq3A_1020 = arith.cmpi eq, %add3A_1003, %eq3A_1019 : i32
      %convert_element_type3A_1021 = arith.extui %eq3A_1020 : i1 to i32
      %mul3A_1022 = arith.muli %convert_element_type3A_1021, %add3A_85 : i32
      %add3A_1023 = arith.addi %add3A_1016, %mul3A_1022 : i32
      %mul3A_1024 = arith.muli %convert_element_type3A_1021, %squeeze3A_11 : i32
      %add3A_1025 = arith.addi %add3A_1018, %mul3A_1024 : i32
      %eq3A_1026 = arith.constant 3 : i32
      %eq3A_1027 = arith.cmpi eq, %add3A_1003, %eq3A_1026 : i32
      %convert_element_type3A_1028 = arith.extui %eq3A_1027 : i1 to i32
      %mul3A_1029 = arith.muli %convert_element_type3A_1028, %add3A_90 : i32
      %add3A_1030 = arith.addi %add3A_1023, %mul3A_1029 : i32
      %mul3A_1031 = arith.muli %convert_element_type3A_1028, %squeeze3A_16 : i32
      %add3A_1032 = arith.addi %add3A_1025, %mul3A_1031 : i32
      %eq3A_1033 = arith.constant 4 : i32
      %eq3A_1034 = arith.cmpi eq, %add3A_1003, %eq3A_1033 : i32
      %convert_element_type3A_1035 = arith.extui %eq3A_1034 : i1 to i32
      %mul3A_1036 = arith.muli %convert_element_type3A_1035, %add3A_95 : i32
      %add3A_1037 = arith.addi %add3A_1030, %mul3A_1036 : i32
      %mul3A_1038 = arith.muli %convert_element_type3A_1035, %squeeze3A_21 : i32
      %add3A_1039 = arith.addi %add3A_1032, %mul3A_1038 : i32
      %eq3A_1040 = arith.constant 5 : i32
      %eq3A_1041 = arith.cmpi eq, %add3A_1003, %eq3A_1040 : i32
      %convert_element_type3A_1042 = arith.extui %eq3A_1041 : i1 to i32
      %mul3A_1043 = arith.muli %convert_element_type3A_1042, %add3A_100 : i32
      %add3A_1044 = arith.addi %add3A_1037, %mul3A_1043 : i32
      %mul3A_1045 = arith.muli %convert_element_type3A_1042, %squeeze3A_26 : i32
      %add3A_1046 = arith.addi %add3A_1039, %mul3A_1045 : i32
      %eq3A_1047 = arith.constant 6 : i32
      %eq3A_1048 = arith.cmpi eq, %add3A_1003, %eq3A_1047 : i32
      %convert_element_type3A_1049 = arith.extui %eq3A_1048 : i1 to i32
      %mul3A_1050 = arith.muli %convert_element_type3A_1049, %add3A_105 : i32
      %add3A_1051 = arith.addi %add3A_1044, %mul3A_1050 : i32
      %mul3A_1052 = arith.muli %convert_element_type3A_1049, %squeeze3A_31 : i32
      %add3A_1053 = arith.addi %add3A_1046, %mul3A_1052 : i32
      %eq3A_1054 = arith.constant 7 : i32
      %eq3A_1055 = arith.cmpi eq, %add3A_1003, %eq3A_1054 : i32
      %convert_element_type3A_1056 = arith.extui %eq3A_1055 : i1 to i32
      %mul3A_1057 = arith.muli %convert_element_type3A_1056, %add3A_110 : i32
      %add3A_1058 = arith.addi %add3A_1051, %mul3A_1057 : i32
      %mul3A_1059 = arith.muli %convert_element_type3A_1056, %squeeze3A_36 : i32
      %add3A_1060 = arith.addi %add3A_1053, %mul3A_1059 : i32
      %eq3A_1061 = arith.constant 8 : i32
      %eq3A_1062 = arith.cmpi eq, %add3A_1003, %eq3A_1061 : i32
      %convert_element_type3A_1063 = arith.extui %eq3A_1062 : i1 to i32
      %mul3A_1064 = arith.muli %convert_element_type3A_1063, %add3A_115 : i32
      %add3A_1065 = arith.addi %add3A_1058, %mul3A_1064 : i32
      %mul3A_1066 = arith.muli %convert_element_type3A_1063, %squeeze3A_41 : i32
      %add3A_1067 = arith.addi %add3A_1060, %mul3A_1066 : i32
      %eq3A_1068 = arith.constant 9 : i32
      %eq3A_1069 = arith.cmpi eq, %add3A_1003, %eq3A_1068 : i32
      %convert_element_type3A_1070 = arith.extui %eq3A_1069 : i1 to i32
      %mul3A_1071 = arith.muli %convert_element_type3A_1070, %add3A_120 : i32
      %add3A_1072 = arith.addi %add3A_1065, %mul3A_1071 : i32
      %mul3A_1073 = arith.muli %convert_element_type3A_1070, %squeeze3A_46 : i32
      %add3A_1074 = arith.addi %add3A_1067, %mul3A_1073 : i32
      %eq3A_1075 = arith.constant 10 : i32
      %eq3A_1076 = arith.cmpi eq, %add3A_1003, %eq3A_1075 : i32
      %convert_element_type3A_1077 = arith.extui %eq3A_1076 : i1 to i32
      %mul3A_1078 = arith.muli %convert_element_type3A_1077, %add3A_125 : i32
      %add3A_1079 = arith.addi %add3A_1072, %mul3A_1078 : i32
      %mul3A_1080 = arith.muli %convert_element_type3A_1077, %squeeze3A_51 : i32
      %add3A_1081 = arith.addi %add3A_1074, %mul3A_1080 : i32
      %eq3A_1082 = arith.constant 11 : i32
      %eq3A_1083 = arith.cmpi eq, %add3A_1003, %eq3A_1082 : i32
      %convert_element_type3A_1084 = arith.extui %eq3A_1083 : i1 to i32
      %mul3A_1085 = arith.muli %convert_element_type3A_1084, %add3A_130 : i32
      %add3A_1086 = arith.addi %add3A_1079, %mul3A_1085 : i32
      %mul3A_1087 = arith.muli %convert_element_type3A_1084, %squeeze3A_56 : i32
      %add3A_1088 = arith.addi %add3A_1081, %mul3A_1087 : i32
      %eq3A_1089 = arith.constant 12 : i32
      %eq3A_1090 = arith.cmpi eq, %add3A_1003, %eq3A_1089 : i32
      %convert_element_type3A_1091 = arith.extui %eq3A_1090 : i1 to i32
      %mul3A_1092 = arith.muli %convert_element_type3A_1091, %add3A_135 : i32
      %add3A_1093 = arith.addi %add3A_1086, %mul3A_1092 : i32
      %mul3A_1094 = arith.muli %convert_element_type3A_1091, %squeeze3A_61 : i32
      %add3A_1095 = arith.addi %add3A_1088, %mul3A_1094 : i32
      %eq3A_1096 = arith.constant 13 : i32
      %eq3A_1097 = arith.cmpi eq, %add3A_1003, %eq3A_1096 : i32
      %convert_element_type3A_1098 = arith.extui %eq3A_1097 : i1 to i32
      %mul3A_1099 = arith.muli %convert_element_type3A_1098, %add3A_140 : i32
      %add3A_1100 = arith.addi %add3A_1093, %mul3A_1099 : i32
      %mul3A_1101 = arith.muli %convert_element_type3A_1098, %squeeze3A_66 : i32
      %add3A_1102 = arith.addi %add3A_1095, %mul3A_1101 : i32
      %eq3A_1103 = arith.constant 14 : i32
      %eq3A_1104 = arith.cmpi eq, %add3A_1003, %eq3A_1103 : i32
      %convert_element_type3A_1105 = arith.extui %eq3A_1104 : i1 to i32
      %mul3A_1106 = arith.muli %convert_element_type3A_1105, %add3A_145 : i32
      %add3A_1107 = arith.addi %add3A_1100, %mul3A_1106 : i32
      %mul3A_1108 = arith.muli %convert_element_type3A_1105, %squeeze3A_71 : i32
      %add3A_1109 = arith.addi %add3A_1102, %mul3A_1108 : i32
      %eq3A_1110 = arith.constant 15 : i32
      %eq3A_1111 = arith.cmpi eq, %add3A_1003, %eq3A_1110 : i32
      %convert_element_type3A_1112 = arith.extui %eq3A_1111 : i1 to i32
      %mul3A_1113 = arith.muli %convert_element_type3A_1112, %add3A_150 : i32
      %add3A_1114 = arith.addi %add3A_1107, %mul3A_1113 : i32
      %mul3A_1115 = arith.muli %convert_element_type3A_1112, %squeeze3A_76 : i32
      %add3A_1116 = arith.addi %add3A_1109, %mul3A_1115 : i32
      %sub3A_1117 = arith.subi %add3A_959, %add3A_1114 : i32
      %mul3A_1118 = arith.constant 32 : i32
      %mul3A_1119 = arith.muli %sub3A_1117, %mul3A_1118 : i32
      %sub3A_1120 = arith.subi %add3A_1116, %mul3A_1119 : i32
      %min3A = arith.constant 32 : i32
      %min3A_1121 = arith.minsi %sub3A_1120, %min3A : i32
      %dma_start3A_1122 = arith.constant 0 : i32
      %dma_start3A_1123 = tpu.memref_slice %arg6[%while3A_956, %dma_start3A_1122] : memref<128x48xi32, #tpu.memory_space<vmem>> -> memref<1x32xi32, #tpu.memory_space<vmem>>
      %dma_start3A_1124 = tpu.memref_squeeze %dma_start3A_1123 : memref<1x32xi32, #tpu.memory_space<vmem>> -> memref<32xi32, #tpu.memory_space<vmem>>
      %dma_start3A_1125 = tpu.memref_slice %arg2[%add3A_1003, %mul3A_1119] : memref<16x4096xi32, #tpu.memory_space<hbm>> -> memref<1x32xi32, #tpu.memory_space<hbm>>
      %dma_start3A_1126 = tpu.memref_squeeze %dma_start3A_1125 : memref<1x32xi32, #tpu.memory_space<hbm>> -> memref<32xi32, #tpu.memory_space<hbm>>
      %dma_start3A_1127 = arith.constant 0 : i32
      %dma_start3A_1128 = tpu.memref_slice %arg6[%while3A_956, %dma_start3A_1127] : memref<128x48xi32, #tpu.memory_space<vmem>> -> memref<1x32xi32, #tpu.memory_space<vmem>>
      %dma_start3A_1129 = tpu.memref_squeeze %dma_start3A_1128 : memref<1x32xi32, #tpu.memory_space<vmem>> -> memref<32xi32, #tpu.memory_space<vmem>>
      %dma_start3A_1130 = tpu.memref_slice %arg2[%add3A_1003, %mul3A_1119] : memref<16x4096xi32, #tpu.memory_space<hbm>> -> memref<1x32xi32, #tpu.memory_space<hbm>>
      %dma_start3A_1131 = tpu.memref_squeeze %dma_start3A_1130 : memref<1x32xi32, #tpu.memory_space<hbm>> -> memref<32xi32, #tpu.memory_space<hbm>>
      tpu.enqueue_dma source(%dma_start3A_1131 : memref<32xi32, #tpu.memory_space<hbm>>) target(%dma_start3A_1129 : memref<32xi32, #tpu.memory_space<vmem>>) target_semaphore(%arg11 : memref<!tpu.dma_semaphore, #tpu.memory_space<semaphore_mem>>)
    }
    %while3A_170 = arith.constant 1 : i32
    scf.for %while3A_956 = %while3A_168 to %while3A_164 step %while3A_170  : i32 {
      %mul3A_957 = arith.constant 16 : i32
      %mul3A_958 = arith.muli %mul3A_957, %while3A_956 : i32
      %add3A_959 = arith.addi %arg1, %mul3A_958 : i32
      %ge3A = arith.cmpi sge, %add3A_959, %add3A_80 : i32
      %convert_element_type3A = arith.extui %ge3A : i1 to i32
      %add3A_960 = arith.constant 0 : i32
      %add3A_961 = arith.addi %add3A_960, %convert_element_type3A : i32
      %ge3A_962 = arith.cmpi sge, %add3A_959, %add3A_85 : i32
      %convert_element_type3A_963 = arith.extui %ge3A_962 : i1 to i32
      %add3A_964 = arith.addi %add3A_961, %convert_element_type3A_963 : i32
      %ge3A_965 = arith.cmpi sge, %add3A_959, %add3A_90 : i32
      %convert_element_type3A_966 = arith.extui %ge3A_965 : i1 to i32
      %add3A_967 = arith.addi %add3A_964, %convert_element_type3A_966 : i32
      %ge3A_968 = arith.cmpi sge, %add3A_959, %add3A_95 : i32
      %convert_element_type3A_969 = arith.extui %ge3A_968 : i1 to i32
      %add3A_970 = arith.addi %add3A_967, %convert_element_type3A_969 : i32
      %ge3A_971 = arith.cmpi sge, %add3A_959, %add3A_100 : i32
      %convert_element_type3A_972 = arith.extui %ge3A_971 : i1 to i32
      %add3A_973 = arith.addi %add3A_970, %convert_element_type3A_972 : i32
      %ge3A_974 = arith.cmpi sge, %add3A_959, %add3A_105 : i32
      %convert_element_type3A_975 = arith.extui %ge3A_974 : i1 to i32
      %add3A_976 = arith.addi %add3A_973, %convert_element_type3A_975 : i32
      %ge3A_977 = arith.cmpi sge, %add3A_959, %add3A_110 : i32
      %convert_element_type3A_978 = arith.extui %ge3A_977 : i1 to i32
      %add3A_979 = arith.addi %add3A_976, %convert_element_type3A_978 : i32
      %ge3A_980 = arith.cmpi sge, %add3A_959, %add3A_115 : i32
      %convert_element_type3A_981 = arith.extui %ge3A_980 : i1 to i32
      %add3A_982 = arith.addi %add3A_979, %convert_element_type3A_981 : i32
      %ge3A_983 = arith.cmpi sge, %add3A_959, %add3A_120 : i32
      %convert_element_type3A_984 = arith.extui %ge3A_983 : i1 to i32
      %add3A_985 = arith.addi %add3A_982, %convert_element_type3A_984 : i32
      %ge3A_986 = arith.cmpi sge, %add3A_959, %add3A_125 : i32
      %convert_element_type3A_987 = arith.extui %ge3A_986 : i1 to i32
      %add3A_988 = arith.addi %add3A_985, %convert_element_type3A_987 : i32
      %ge3A_989 = arith.cmpi sge, %add3A_959, %add3A_130 : i32
      %convert_element_type3A_990 = arith.extui %ge3A_989 : i1 to i32
      %add3A_991 = arith.addi %add3A_988, %convert_element_type3A_990 : i32
      %ge3A_992 = arith.cmpi sge, %add3A_959, %add3A_135 : i32
      %convert_element_type3A_993 = arith.extui %ge3A_992 : i1 to i32
      %add3A_994 = arith.addi %add3A_991, %convert_element_type3A_993 : i32
      %ge3A_995 = arith.cmpi sge, %add3A_959, %add3A_140 : i32
      %convert_element_type3A_996 = arith.extui %ge3A_995 : i1 to i32
      %add3A_997 = arith.addi %add3A_994, %convert_element_type3A_996 : i32
      %ge3A_998 = arith.cmpi sge, %add3A_959, %add3A_145 : i32
      %convert_element_type3A_999 = arith.extui %ge3A_998 : i1 to i32
      %add3A_1000 = arith.addi %add3A_997, %convert_element_type3A_999 : i32
      %ge3A_1001 = arith.cmpi sge, %add3A_959, %add3A_150 : i32
      %convert_element_type3A_1002 = arith.extui %ge3A_1001 : i1 to i32
      %add3A_1003 = arith.addi %add3A_1000, %convert_element_type3A_1002 : i32
      %eq3A = arith.constant 0 : i32
      %eq3A_1004 = arith.cmpi eq, %add3A_1003, %eq3A : i32
      %convert_element_type3A_1005 = arith.extui %eq3A_1004 : i1 to i32
      %mul3A_1006 = arith.muli %convert_element_type3A_1005, %while3A_161 : i32
      %add3A_1007 = arith.constant 0 : i32
      %add3A_1008 = arith.addi %add3A_1007, %mul3A_1006 : i32
      %mul3A_1009 = arith.muli %convert_element_type3A_1005, %squeeze3A : i32
      %add3A_1010 = arith.constant 0 : i32
      %add3A_1011 = arith.addi %add3A_1010, %mul3A_1009 : i32
      %eq3A_1012 = arith.constant 1 : i32
      %eq3A_1013 = arith.cmpi eq, %add3A_1003, %eq3A_1012 : i32
      %convert_element_type3A_1014 = arith.extui %eq3A_1013 : i1 to i32
      %mul3A_1015 = arith.muli %convert_element_type3A_1014, %add3A_80 : i32
      %add3A_1016 = arith.addi %add3A_1008, %mul3A_1015 : i32
      %mul3A_1017 = arith.muli %convert_element_type3A_1014, %squeeze3A_6 : i32
      %add3A_1018 = arith.addi %add3A_1011, %mul3A_1017 : i32
      %eq3A_1019 = arith.constant 2 : i32
      %eq3A_1020 = arith.cmpi eq, %add3A_1003, %eq3A_1019 : i32
      %convert_element_type3A_1021 = arith.extui %eq3A_1020 : i1 to i32
      %mul3A_1022 = arith.muli %convert_element_type3A_1021, %add3A_85 : i32
      %add3A_1023 = arith.addi %add3A_1016, %mul3A_1022 : i32
      %mul3A_1024 = arith.muli %convert_element_type3A_1021, %squeeze3A_11 : i32
      %add3A_1025 = arith.addi %add3A_1018, %mul3A_1024 : i32
      %eq3A_1026 = arith.constant 3 : i32
      %eq3A_1027 = arith.cmpi eq, %add3A_1003, %eq3A_1026 : i32
      %convert_element_type3A_1028 = arith.extui %eq3A_1027 : i1 to i32
      %mul3A_1029 = arith.muli %convert_element_type3A_1028, %add3A_90 : i32
      %add3A_1030 = arith.addi %add3A_1023, %mul3A_1029 : i32
      %mul3A_1031 = arith.muli %convert_element_type3A_1028, %squeeze3A_16 : i32
      %add3A_1032 = arith.addi %add3A_1025, %mul3A_1031 : i32
      %eq3A_1033 = arith.constant 4 : i32
      %eq3A_1034 = arith.cmpi eq, %add3A_1003, %eq3A_1033 : i32
      %convert_element_type3A_1035 = arith.extui %eq3A_1034 : i1 to i32
      %mul3A_1036 = arith.muli %convert_element_type3A_1035, %add3A_95 : i32
      %add3A_1037 = arith.addi %add3A_1030, %mul3A_1036 : i32
      %mul3A_1038 = arith.muli %convert_element_type3A_1035, %squeeze3A_21 : i32
      %add3A_1039 = arith.addi %add3A_1032, %mul3A_1038 : i32
      %eq3A_1040 = arith.constant 5 : i32
      %eq3A_1041 = arith.cmpi eq, %add3A_1003, %eq3A_1040 : i32
      %convert_element_type3A_1042 = arith.extui %eq3A_1041 : i1 to i32
      %mul3A_1043 = arith.muli %convert_element_type3A_1042, %add3A_100 : i32
      %add3A_1044 = arith.addi %add3A_1037, %mul3A_1043 : i32
      %mul3A_1045 = arith.muli %convert_element_type3A_1042, %squeeze3A_26 : i32
      %add3A_1046 = arith.addi %add3A_1039, %mul3A_1045 : i32
      %eq3A_1047 = arith.constant 6 : i32
      %eq3A_1048 = arith.cmpi eq, %add3A_1003, %eq3A_1047 : i32
      %convert_element_type3A_1049 = arith.extui %eq3A_1048 : i1 to i32
      %mul3A_1050 = arith.muli %convert_element_type3A_1049, %add3A_105 : i32
      %add3A_1051 = arith.addi %add3A_1044, %mul3A_1050 : i32
      %mul3A_1052 = arith.muli %convert_element_type3A_1049, %squeeze3A_31 : i32
      %add3A_1053 = arith.addi %add3A_1046, %mul3A_1052 : i32
      %eq3A_1054 = arith.constant 7 : i32
      %eq3A_1055 = arith.cmpi eq, %add3A_1003, %eq3A_1054 : i32
      %convert_element_type3A_1056 = arith.extui %eq3A_1055 : i1 to i32
      %mul3A_1057 = arith.muli %convert_element_type3A_1056, %add3A_110 : i32
      %add3A_1058 = arith.addi %add3A_1051, %mul3A_1057 : i32
      %mul3A_1059 = arith.muli %convert_element_type3A_1056, %squeeze3A_36 : i32
      %add3A_1060 = arith.addi %add3A_1053, %mul3A_1059 : i32
      %eq3A_1061 = arith.constant 8 : i32
      %eq3A_1062 = arith.cmpi eq, %add3A_1003, %eq3A_1061 : i32
      %convert_element_type3A_1063 = arith.extui %eq3A_1062 : i1 to i32
      %mul3A_1064 = arith.muli %convert_element_type3A_1063, %add3A_115 : i32
      %add3A_1065 = arith.addi %add3A_1058, %mul3A_1064 : i32
      %mul3A_1066 = arith.muli %convert_element_type3A_1063, %squeeze3A_41 : i32
      %add3A_1067 = arith.addi %add3A_1060, %mul3A_1066 : i32
      %eq3A_1068 = arith.constant 9 : i32
      %eq3A_1069 = arith.cmpi eq, %add3A_1003, %eq3A_1068 : i32
      %convert_element_type3A_1070 = arith.extui %eq3A_1069 : i1 to i32
      %mul3A_1071 = arith.muli %convert_element_type3A_1070, %add3A_120 : i32
      %add3A_1072 = arith.addi %add3A_1065, %mul3A_1071 : i32
      %mul3A_1073 = arith.muli %convert_element_type3A_1070, %squeeze3A_46 : i32
      %add3A_1074 = arith.addi %add3A_1067, %mul3A_1073 : i32
      %eq3A_1075 = arith.constant 10 : i32
      %eq3A_1076 = arith.cmpi eq, %add3A_1003, %eq3A_1075 : i32
      %convert_element_type3A_1077 = arith.extui %eq3A_1076 : i1 to i32
      %mul3A_1078 = arith.muli %convert_element_type3A_1077, %add3A_125 : i32
      %add3A_1079 = arith.addi %add3A_1072, %mul3A_1078 : i32
      %mul3A_1080 = arith.muli %convert_element_type3A_1077, %squeeze3A_51 : i32
      %add3A_1081 = arith.addi %add3A_1074, %mul3A_1080 : i32
      %eq3A_1082 = arith.constant 11 : i32
      %eq3A_1083 = arith.cmpi eq, %add3A_1003, %eq3A_1082 : i32
      %convert_element_type3A_1084 = arith.extui %eq3A_1083 : i1 to i32
      %mul3A_1085 = arith.muli %convert_element_type3A_1084, %add3A_130 : i32
      %add3A_1086 = arith.addi %add3A_1079, %mul3A_1085 : i32
      %mul3A_1087 = arith.muli %convert_element_type3A_1084, %squeeze3A_56 : i32
      %add3A_1088 = arith.addi %add3A_1081, %mul3A_1087 : i32
      %eq3A_1089 = arith.constant 12 : i32
      %eq3A_1090 = arith.cmpi eq, %add3A_1003, %eq3A_1089 : i32
      %convert_element_type3A_1091 = arith.extui %eq3A_1090 : i1 to i32
      %mul3A_1092 = arith.muli %convert_element_type3A_1091, %add3A_135 : i32
      %add3A_1093 = arith.addi %add3A_1086, %mul3A_1092 : i32
      %mul3A_1094 = arith.muli %convert_element_type3A_1091, %squeeze3A_61 : i32
      %add3A_1095 = arith.addi %add3A_1088, %mul3A_1094 : i32
      %eq3A_1096 = arith.constant 13 : i32
      %eq3A_1097 = arith.cmpi eq, %add3A_1003, %eq3A_1096 : i32
      %convert_element_type3A_1098 = arith.extui %eq3A_1097 : i1 to i32
      %mul3A_1099 = arith.muli %convert_element_type3A_1098, %add3A_140 : i32
      %add3A_1100 = arith.addi %add3A_1093, %mul3A_1099 : i32
      %mul3A_1101 = arith.muli %convert_element_type3A_1098, %squeeze3A_66 : i32
      %add3A_1102 = arith.addi %add3A_1095, %mul3A_1101 : i32
      %eq3A_1103 = arith.constant 14 : i32
      %eq3A_1104 = arith.cmpi eq, %add3A_1003, %eq3A_1103 : i32
      %convert_element_type3A_1105 = arith.extui %eq3A_1104 : i1 to i32
      %mul3A_1106 = arith.muli %convert_element_type3A_1105, %add3A_145 : i32
      %add3A_1107 = arith.addi %add3A_1100, %mul3A_1106 : i32
      %mul3A_1108 = arith.muli %convert_element_type3A_1105, %squeeze3A_71 : i32
      %add3A_1109 = arith.addi %add3A_1102, %mul3A_1108 : i32
      %eq3A_1110 = arith.constant 15 : i32
      %eq3A_1111 = arith.cmpi eq, %add3A_1003, %eq3A_1110 : i32
      %convert_element_type3A_1112 = arith.extui %eq3A_1111 : i1 to i32
      %mul3A_1113 = arith.muli %convert_element_type3A_1112, %add3A_150 : i32
      %add3A_1114 = arith.addi %add3A_1107, %mul3A_1113 : i32
      %mul3A_1115 = arith.muli %convert_element_type3A_1112, %squeeze3A_76 : i32
      %add3A_1116 = arith.addi %add3A_1109, %mul3A_1115 : i32
      %sub3A_1117 = arith.subi %add3A_959, %add3A_1114 : i32
      %mul3A_1118 = arith.constant 32 : i32
      %mul3A_1119 = arith.muli %sub3A_1117, %mul3A_1118 : i32
      %sub3A_1120 = arith.subi %add3A_1116, %mul3A_1119 : i32
      %min3A = arith.constant 32 : i32
      %min3A_1121 = arith.minsi %sub3A_1120, %min3A : i32
      %dma_start3A_1122 = arith.constant 0 : i32
      %dma_start3A_1123 = tpu.memref_slice %arg6[%while3A_956, %dma_start3A_1122] : memref<128x48xi32, #tpu.memory_space<vmem>> -> memref<1x32xi32, #tpu.memory_space<vmem>>
      %dma_start3A_1124 = tpu.memref_squeeze %dma_start3A_1123 : memref<1x32xi32, #tpu.memory_space<vmem>> -> memref<32xi32, #tpu.memory_space<vmem>>
      %dma_start3A_1125 = tpu.memref_slice %arg2[%add3A_1003, %mul3A_1119] : memref<16x4096xi32, #tpu.memory_space<hbm>> -> memref<1x32xi32, #tpu.memory_space<hbm>>
      %dma_start3A_1126 = tpu.memref_squeeze %dma_start3A_1125 : memref<1x32xi32, #tpu.memory_space<hbm>> -> memref<32xi32, #tpu.memory_space<hbm>>
      %dma_start3A_1127 = arith.constant 0 : i32
      %dma_start3A_1128 = tpu.memref_slice %arg6[%while3A_956, %dma_start3A_1127] : memref<128x48xi32, #tpu.memory_space<vmem>> -> memref<1x32xi32, #tpu.memory_space<vmem>>
      %dma_start3A_1129 = tpu.memref_squeeze %dma_start3A_1128 : memref<1x32xi32, #tpu.memory_space<vmem>> -> memref<32xi32, #tpu.memory_space<vmem>>
      %dma_start3A_1130 = tpu.memref_slice %arg2[%add3A_1003, %mul3A_1119] : memref<16x4096xi32, #tpu.memory_space<hbm>> -> memref<1x32xi32, #tpu.memory_space<hbm>>
      %dma_start3A_1131 = tpu.memref_squeeze %dma_start3A_1130 : memref<1x32xi32, #tpu.memory_space<hbm>> -> memref<32xi32, #tpu.memory_space<hbm>>
      tpu.enqueue_dma source(%dma_start3A_1131 : memref<32xi32, #tpu.memory_space<hbm>>) target(%dma_start3A_1129 : memref<32xi32, #tpu.memory_space<vmem>>) target_semaphore(%arg11 : memref<!tpu.dma_semaphore, #tpu.memory_space<semaphore_mem>>)
    }
    %broadcast_in_dim3A = arith.constant 0.000000e+00 : f32
    %broadcast_in_dim3A_171 = vector.broadcast %broadcast_in_dim3A : f32 to vector<16xf32>
    %scan3A = arith.constant 0 : i32
    %scan3A_172 = arith.constant 0 : i32
    %scan3A_173 = arith.constant 512 : i32
    %scan3A_174 = arith.addi %scan3A_172, %scan3A_173 : i32
    %scan3A_175 = arith.constant 1 : i32
    scf.for %scan3A_956 = %scan3A_172 to %scan3A_174 step %scan3A_175  : i32 {
      %mul3A_957 = arith.constant 16 : i32
      %mul3A_958 = arith.muli %scan3A_956, %mul3A_957 : i32
      %swap3A_959 = arith.index_cast %mul3A_958 : i32 to index
      %swap3A_960 = tpu.vector_load %arg9[%swap3A_959] {strides = array<i32>} : memref<8192xf32, #tpu.memory_space<vmem>>, vector<16xf32>,
      %swap3A_961 = vector.shape_cast %swap3A_960 : vector<16xf32> to vector<16xf32>
      %swap3A_962 = vector.shape_cast %broadcast_in_dim3A_171 : vector<16xf32> to vector<16xf32>
      tpu.vector_store %arg9[%swap3A_959], %swap3A_962 {strides = array<i32>} : memref<8192xf32, #tpu.memory_space<vmem>>, vector<16xf32>,
    }
    %scan3A_176 = arith.constant 512 : i32
    %broadcast_in_dim3A_177 = arith.constant 1.000000e+00 : f32
    %broadcast_in_dim3A_178 = vector.broadcast %broadcast_in_dim3A_177 : f32 to vector<16xf32>
    %swap3A = arith.constant 0 : index
    %swap3A_179 = tpu.vector_load %arg8[%swap3A] {strides = array<i32>} : memref<128xf32, #tpu.memory_space<vmem>>, vector<16xf32>,
    %swap3A_180 = vector.shape_cast %swap3A_179 : vector<16xf32> to vector<16xf32>
    %swap3A_181 = vector.shape_cast %broadcast_in_dim3A_178 : vector<16xf32> to vector<16xf32>
    tpu.vector_store %arg8[%swap3A], %swap3A_181 {strides = array<i32>} : memref<128xf32, #tpu.memory_space<vmem>>, vector<16xf32>,
    %broadcast_in_dim3A_182 = arith.constant 1.000000e+00 : f32
    %broadcast_in_dim3A_183 = vector.broadcast %broadcast_in_dim3A_182 : f32 to vector<16xf32>
    %swap3A_184 = arith.constant 16 : index
    %swap3A_185 = tpu.vector_load %arg8[%swap3A_184] {strides = array<i32>} : memref<128xf32, #tpu.memory_space<vmem>>, vector<16xf32>,
    %swap3A_186 = vector.shape_cast %swap3A_185 : vector<16xf32> to vector<16xf32>
    %swap3A_187 = vector.shape_cast %broadcast_in_dim3A_183 : vector<16xf32> to vector<16xf32>
    tpu.vector_store %arg8[%swap3A_184], %swap3A_187 {strides = array<i32>} : memref<128xf32, #tpu.memory_space<vmem>>, vector<16xf32>,
    %broadcast_in_dim3A_188 = arith.constant 1.000000e+00 : f32
    %broadcast_in_dim3A_189 = vector.broadcast %broadcast_in_dim3A_188 : f32 to vector<16xf32>
    %swap3A_190 = arith.constant 32 : index
    %swap3A_191 = tpu.vector_load %arg8[%swap3A_190] {strides = array<i32>} : memref<128xf32, #tpu.memory_space<vmem>>, vector<16xf32>,
    %swap3A_192 = vector.shape_cast %swap3A_191 : vector<16xf32> to vector<16xf32>
    %swap3A_193 = vector.shape_cast %broadcast_in_dim3A_189 : vector<16xf32> to vector<16xf32>
    tpu.vector_store %arg8[%swap3A_190], %swap3A_193 {strides = array<i32>} : memref<128xf32, #tpu.memory_space<vmem>>, vector<16xf32>,
    %broadcast_in_dim3A_194 = arith.constant 1.000000e+00 : f32
    %broadcast_in_dim3A_195 = vector.broadcast %broadcast_in_dim3A_194 : f32 to vector<16xf32>
    %swap3A_196 = arith.constant 48 : index
    %swap3A_197 = tpu.vector_load %arg8[%swap3A_196] {strides = array<i32>} : memref<128xf32, #tpu.memory_space<vmem>>, vector<16xf32>,
    %swap3A_198 = vector.shape_cast %swap3A_197 : vector<16xf32> to vector<16xf32>
    %swap3A_199 = vector.shape_cast %broadcast_in_dim3A_195 : vector<16xf32> to vector<16xf32>
    tpu.vector_store %arg8[%swap3A_196], %swap3A_199 {strides = array<i32>} : memref<128xf32, #tpu.memory_space<vmem>>, vector<16xf32>,
    %broadcast_in_dim3A_200 = arith.constant 1.000000e+00 : f32
    %broadcast_in_dim3A_201 = vector.broadcast %broadcast_in_dim3A_200 : f32 to vector<16xf32>
    %swap3A_202 = arith.constant 64 : index
    %swap3A_203 = tpu.vector_load %arg8[%swap3A_202] {strides = array<i32>} : memref<128xf32, #tpu.memory_space<vmem>>, vector<16xf32>,
    %swap3A_204 = vector.shape_cast %swap3A_203 : vector<16xf32> to vector<16xf32>
    %swap3A_205 = vector.shape_cast %broadcast_in_dim3A_201 : vector<16xf32> to vector<16xf32>
    tpu.vector_store %arg8[%swap3A_202], %swap3A_205 {strides = array<i32>} : memref<128xf32, #tpu.memory_space<vmem>>, vector<16xf32>,
    %broadcast_in_dim3A_206 = arith.constant 1.000000e+00 : f32
    %broadcast_in_dim3A_207 = vector.broadcast %broadcast_in_dim3A_206 : f32 to vector<16xf32>
    %swap3A_208 = arith.constant 80 : index
    %swap3A_209 = tpu.vector_load %arg8[%swap3A_208] {strides = array<i32>} : memref<128xf32, #tpu.memory_space<vmem>>, vector<16xf32>,
    %swap3A_210 = vector.shape_cast %swap3A_209 : vector<16xf32> to vector<16xf32>
    %swap3A_211 = vector.shape_cast %broadcast_in_dim3A_207 : vector<16xf32> to vector<16xf32>
    tpu.vector_store %arg8[%swap3A_208], %swap3A_211 {strides = array<i32>} : memref<128xf32, #tpu.memory_space<vmem>>, vector<16xf32>,
    %broadcast_in_dim3A_212 = arith.constant 1.000000e+00 : f32
    %broadcast_in_dim3A_213 = vector.broadcast %broadcast_in_dim3A_212 : f32 to vector<16xf32>
    %swap3A_214 = arith.constant 96 : index
    %swap3A_215 = tpu.vector_load %arg8[%swap3A_214] {strides = array<i32>} : memref<128xf32, #tpu.memory_space<vmem>>, vector<16xf32>,
    %swap3A_216 = vector.shape_cast %swap3A_215 : vector<16xf32> to vector<16xf32>
    %swap3A_217 = vector.shape_cast %broadcast_in_dim3A_213 : vector<16xf32> to vector<16xf32>
    tpu.vector_store %arg8[%swap3A_214], %swap3A_217 {strides = array<i32>} : memref<128xf32, #tpu.memory_space<vmem>>, vector<16xf32>,
    %broadcast_in_dim3A_218 = arith.constant 1.000000e+00 : f32
    %broadcast_in_dim3A_219 = vector.broadcast %broadcast_in_dim3A_218 : f32 to vector<16xf32>
    %swap3A_220 = arith.constant 112 : index
    %swap3A_221 = tpu.vector_load %arg8[%swap3A_220] {strides = array<i32>} : memref<128xf32, #tpu.memory_space<vmem>>, vector<16xf32>,
    %swap3A_222 = vector.shape_cast %swap3A_221 : vector<16xf32> to vector<16xf32>
    %swap3A_223 = vector.shape_cast %broadcast_in_dim3A_219 : vector<16xf32> to vector<16xf32>
    tpu.vector_store %arg8[%swap3A_220], %swap3A_223 {strides = array<i32>} : memref<128xf32, #tpu.memory_space<vmem>>, vector<16xf32>,
    %while3A_224 = arith.constant 0 : i32
    %while3A_225 = arith.constant 0 : i32
    %while3A_226 = arith.subi %div3A_160, %while3A_225 : i32
    %while3A_227 = arith.addi %while3A_225, %while3A_226 : i32
    %while3A_228 = arith.constant 1 : i32
    %while3A_229 = arith.divsi %while3A_226, %while3A_228 : i32
    %while3A_230 = arith.muli %while3A_229, %while3A_228 : i32
    %while3A_231 = arith.addi %while3A_225, %while3A_230 : i32
    %while3A_232 = arith.constant 1 : i32
    scf.for %while3A_956 = %while3A_225 to %while3A_231 step %while3A_232  : i32 {
      %dma_wait3A_957 = arith.constant 0 : i32
      %dma_wait3A_958 = arith.constant 0 : i32
      %dma_wait3A_959 = arith.constant 0 : i32
      %dma_wait3A_960 = tpu.memref_slice %arg6[%dma_wait3A_958, %dma_wait3A_959] : memref<128x48xi32, #tpu.memory_space<vmem>> -> memref<1x32xi32, #tpu.memory_space<vmem>>
      %dma_wait3A_961 = tpu.memref_squeeze %dma_wait3A_960 : memref<1x32xi32, #tpu.memory_space<vmem>> -> memref<32xi32, #tpu.memory_space<vmem>>
      %dma_wait3A_962 = arith.constant 0 : i32
      %dma_wait3A_963 = tpu.memref_slice %arg2[%dma_wait3A_957, %dma_wait3A_962] : memref<16x4096xi32, #tpu.memory_space<hbm>> -> memref<1x32xi32, #tpu.memory_space<hbm>>
      %dma_wait3A_964 = tpu.memref_squeeze %dma_wait3A_963 : memref<1x32xi32, #tpu.memory_space<hbm>> -> memref<32xi32, #tpu.memory_space<hbm>>
      %dma_wait3A_965 = arith.constant 0 : i32
      %dma_wait3A_966 = tpu.memref_slice %arg6[%dma_wait3A_958, %dma_wait3A_965] : memref<128x48xi32, #tpu.memory_space<vmem>> -> memref<1x32xi32, #tpu.memory_space<vmem>>
      %dma_wait3A_967 = tpu.memref_squeeze %dma_wait3A_966 : memref<1x32xi32, #tpu.memory_space<vmem>> -> memref<32xi32, #tpu.memory_space<vmem>>
      %dma_wait3A_968 = arith.constant 0 : i32
      %dma_wait3A_969 = tpu.memref_slice %arg2[%dma_wait3A_957, %dma_wait3A_968] : memref<16x4096xi32, #tpu.memory_space<hbm>> -> memref<1x32xi32, #tpu.memory_space<hbm>>
      %dma_wait3A_970 = tpu.memref_squeeze %dma_wait3A_969 : memref<1x32xi32, #tpu.memory_space<hbm>> -> memref<32xi32, #tpu.memory_space<hbm>>
      tpu.wait_dma2 semaphore(%arg11 : memref<!tpu.dma_semaphore, #tpu.memory_space<semaphore_mem>>) src(%dma_wait3A_970 : memref<32xi32, #tpu.memory_space<hbm>>) dst(%dma_wait3A_967 : memref<32xi32, #tpu.memory_space<vmem>>)
    }
    %while3A_233 = arith.constant 1 : i32
    scf.for %while3A_956 = %while3A_231 to %while3A_227 step %while3A_233  : i32 {
      %dma_wait3A_957 = arith.constant 0 : i32
      %dma_wait3A_958 = arith.constant 0 : i32
      %dma_wait3A_959 = arith.constant 0 : i32
      %dma_wait3A_960 = tpu.memref_slice %arg6[%dma_wait3A_958, %dma_wait3A_959] : memref<128x48xi32, #tpu.memory_space<vmem>> -> memref<1x32xi32, #tpu.memory_space<vmem>>
      %dma_wait3A_961 = tpu.memref_squeeze %dma_wait3A_960 : memref<1x32xi32, #tpu.memory_space<vmem>> -> memref<32xi32, #tpu.memory_space<vmem>>
      %dma_wait3A_962 = arith.constant 0 : i32
      %dma_wait3A_963 = tpu.memref_slice %arg2[%dma_wait3A_957, %dma_wait3A_962] : memref<16x4096xi32, #tpu.memory_space<hbm>> -> memref<1x32xi32, #tpu.memory_space<hbm>>
      %dma_wait3A_964 = tpu.memref_squeeze %dma_wait3A_963 : memref<1x32xi32, #tpu.memory_space<hbm>> -> memref<32xi32, #tpu.memory_space<hbm>>
      %dma_wait3A_965 = arith.constant 0 : i32
      %dma_wait3A_966 = tpu.memref_slice %arg6[%dma_wait3A_958, %dma_wait3A_965] : memref<128x48xi32, #tpu.memory_space<vmem>> -> memref<1x32xi32, #tpu.memory_space<vmem>>
      %dma_wait3A_967 = tpu.memref_squeeze %dma_wait3A_966 : memref<1x32xi32, #tpu.memory_space<vmem>> -> memref<32xi32, #tpu.memory_space<vmem>>
      %dma_wait3A_968 = arith.constant 0 : i32
      %dma_wait3A_969 = tpu.memref_slice %arg2[%dma_wait3A_957, %dma_wait3A_968] : memref<16x4096xi32, #tpu.memory_space<hbm>> -> memref<1x32xi32, #tpu.memory_space<hbm>>
      %dma_wait3A_970 = tpu.memref_squeeze %dma_wait3A_969 : memref<1x32xi32, #tpu.memory_space<hbm>> -> memref<32xi32, #tpu.memory_space<hbm>>
      tpu.wait_dma2 semaphore(%arg11 : memref<!tpu.dma_semaphore, #tpu.memory_space<semaphore_mem>>) src(%dma_wait3A_970 : memref<32xi32, #tpu.memory_space<hbm>>) dst(%dma_wait3A_967 : memref<32xi32, #tpu.memory_space<vmem>>)
    }
    %iota3A = tpu.iota {dimensions = array<i32: 0>} : vector<16xi32>
    %mul3A = arith.constant 100352 : i32
    %mul3A_234 = arith.muli %arg1, %mul3A : i32
    %mul3A_235 = arith.constant 100352 : i32
    %mul3A_236 = arith.muli %arg0, %mul3A_235 : i32
    %mul3A_237 = arith.constant 32 : i32
    %mul3A_238 = arith.muli %div3A_160, %mul3A_237 : i32
    %add3A_239 = arith.constant 127 : i32
    %add3A_240 = arith.addi %mul3A_238, %add3A_239 : i32
    %div3A_241 = arith.constant 128 : i32
    %div3A_242 = arith.divsi %add3A_240, %div3A_241 : i32
    %broadcast_in_dim3A_243 = arith.constant 0 : i32
    %broadcast_in_dim3A_244 = vector.broadcast %broadcast_in_dim3A_243 : i32 to vector<16xi32>
    %add3A_245 = arith.constant 1605632 : i32
    %add3A_246 = vector.broadcast %add3A_245 : i32 to vector<16xi32>
    %add3A_247 = arith.addi %broadcast_in_dim3A_244, %add3A_246 : vector<16xi32>
    %add3A_248 = arith.constant 0 : i32
    %add3A_249 = arith.addi %mul3A_234, %add3A_248 : i32
    %dma_start3A = arith.constant 0 : i32
    %dma_start3A_250 = tpu.memref_slice %arg9[%dma_start3A] : memref<8192xf32, #tpu.memory_space<vmem>> -> memref<8192xf32, #tpu.memory_space<vmem>>
    %dma_start3A_251 = tpu.memref_slice %arg10[%add3A_249] : memref<1605648xf32, #tpu.memory_space<vmem_shared>> -> memref<8192xf32, #tpu.memory_space<vmem_shared>>
    %dma_start3A_252 = tpu.memref_slice %arg10[%add3A_249] : memref<1605648xf32, #tpu.memory_space<vmem_shared>> -> memref<8192xf32, #tpu.memory_space<vmem_shared>>
    %dma_start3A_253 = arith.constant 0 : i32
    %dma_start3A_254 = tpu.memref_slice %arg9[%dma_start3A_253] : memref<8192xf32, #tpu.memory_space<vmem>> -> memref<8192xf32, #tpu.memory_space<vmem>>
    tpu.enqueue_dma source(%dma_start3A_254 : memref<8192xf32, #tpu.memory_space<vmem>>) target(%dma_start3A_252 : memref<8192xf32, #tpu.memory_space<vmem_shared>>) target_semaphore(%arg12 : memref<!tpu.dma_semaphore, #tpu.memory_space<semaphore_mem>>)
    %add3A_255 = arith.constant 8192 : i32
    %add3A_256 = arith.addi %mul3A_234, %add3A_255 : i32
    %dma_start3A_257 = arith.constant 0 : i32
    %dma_start3A_258 = tpu.memref_slice %arg9[%dma_start3A_257] : memref<8192xf32, #tpu.memory_space<vmem>> -> memref<8192xf32, #tpu.memory_space<vmem>>
    %dma_start3A_259 = tpu.memref_slice %arg10[%add3A_256] : memref<1605648xf32, #tpu.memory_space<vmem_shared>> -> memref<8192xf32, #tpu.memory_space<vmem_shared>>
    %dma_start3A_260 = tpu.memref_slice %arg10[%add3A_256] : memref<1605648xf32, #tpu.memory_space<vmem_shared>> -> memref<8192xf32, #tpu.memory_space<vmem_shared>>
    %dma_start3A_261 = arith.constant 0 : i32
    %dma_start3A_262 = tpu.memref_slice %arg9[%dma_start3A_261] : memref<8192xf32, #tpu.memory_space<vmem>> -> memref<8192xf32, #tpu.memory_space<vmem>>
    tpu.enqueue_dma source(%dma_start3A_262 : memref<8192xf32, #tpu.memory_space<vmem>>) target(%dma_start3A_260 : memref<8192xf32, #tpu.memory_space<vmem_shared>>) target_semaphore(%arg12 : memref<!tpu.dma_semaphore, #tpu.memory_space<semaphore_mem>>)
    %add3A_263 = arith.constant 16384 : i32
    %add3A_264 = arith.addi %mul3A_234, %add3A_263 : i32
    %dma_start3A_265 = arith.constant 0 : i32
    %dma_start3A_266 = tpu.memref_slice %arg9[%dma_start3A_265] : memref<8192xf32, #tpu.memory_space<vmem>> -> memref<8192xf32, #tpu.memory_space<vmem>>
    %dma_start3A_267 = tpu.memref_slice %arg10[%add3A_264] : memref<1605648xf32, #tpu.memory_space<vmem_shared>> -> memref<8192xf32, #tpu.memory_space<vmem_shared>>
    %dma_start3A_268 = tpu.memref_slice %arg10[%add3A_264] : memref<1605648xf32, #tpu.memory_space<vmem_shared>> -> memref<8192xf32, #tpu.memory_space<vmem_shared>>
    %dma_start3A_269 = arith.constant 0 : i32
    %dma_start3A_270 = tpu.memref_slice %arg9[%dma_start3A_269] : memref<8192xf32, #tpu.memory_space<vmem>> -> memref<8192xf32, #tpu.memory_space<vmem>>
    tpu.enqueue_dma source(%dma_start3A_270 : memref<8192xf32, #tpu.memory_space<vmem>>) target(%dma_start3A_268 : memref<8192xf32, #tpu.memory_space<vmem_shared>>) target_semaphore(%arg12 : memref<!tpu.dma_semaphore, #tpu.memory_space<semaphore_mem>>)
    %add3A_271 = arith.constant 24576 : i32
    %add3A_272 = arith.addi %mul3A_234, %add3A_271 : i32
    %dma_start3A_273 = arith.constant 0 : i32
    %dma_start3A_274 = tpu.memref_slice %arg9[%dma_start3A_273] : memref<8192xf32, #tpu.memory_space<vmem>> -> memref<8192xf32, #tpu.memory_space<vmem>>
    %dma_start3A_275 = tpu.memref_slice %arg10[%add3A_272] : memref<1605648xf32, #tpu.memory_space<vmem_shared>> -> memref<8192xf32, #tpu.memory_space<vmem_shared>>
    %dma_start3A_276 = tpu.memref_slice %arg10[%add3A_272] : memref<1605648xf32, #tpu.memory_space<vmem_shared>> -> memref<8192xf32, #tpu.memory_space<vmem_shared>>
    %dma_start3A_277 = arith.constant 0 : i32
    %dma_start3A_278 = tpu.memref_slice %arg9[%dma_start3A_277] : memref<8192xf32, #tpu.memory_space<vmem>> -> memref<8192xf32, #tpu.memory_space<vmem>>
    tpu.enqueue_dma source(%dma_start3A_278 : memref<8192xf32, #tpu.memory_space<vmem>>) target(%dma_start3A_276 : memref<8192xf32, #tpu.memory_space<vmem_shared>>) target_semaphore(%arg12 : memref<!tpu.dma_semaphore, #tpu.memory_space<semaphore_mem>>)
    %add3A_279 = arith.constant 32768 : i32
    %add3A_280 = arith.addi %mul3A_234, %add3A_279 : i32
    %dma_start3A_281 = arith.constant 0 : i32
    %dma_start3A_282 = tpu.memref_slice %arg9[%dma_start3A_281] : memref<8192xf32, #tpu.memory_space<vmem>> -> memref<8192xf32, #tpu.memory_space<vmem>>
    %dma_start3A_283 = tpu.memref_slice %arg10[%add3A_280] : memref<1605648xf32, #tpu.memory_space<vmem_shared>> -> memref<8192xf32, #tpu.memory_space<vmem_shared>>
    %dma_start3A_284 = tpu.memref_slice %arg10[%add3A_280] : memref<1605648xf32, #tpu.memory_space<vmem_shared>> -> memref<8192xf32, #tpu.memory_space<vmem_shared>>
    %dma_start3A_285 = arith.constant 0 : i32
    %dma_start3A_286 = tpu.memref_slice %arg9[%dma_start3A_285] : memref<8192xf32, #tpu.memory_space<vmem>> -> memref<8192xf32, #tpu.memory_space<vmem>>
    tpu.enqueue_dma source(%dma_start3A_286 : memref<8192xf32, #tpu.memory_space<vmem>>) target(%dma_start3A_284 : memref<8192xf32, #tpu.memory_space<vmem_shared>>) target_semaphore(%arg12 : memref<!tpu.dma_semaphore, #tpu.memory_space<semaphore_mem>>)
    %add3A_287 = arith.constant 40960 : i32
    %add3A_288 = arith.addi %mul3A_234, %add3A_287 : i32
    %dma_start3A_289 = arith.constant 0 : i32
    %dma_start3A_290 = tpu.memref_slice %arg9[%dma_start3A_289] : memref<8192xf32, #tpu.memory_space<vmem>> -> memref<8192xf32, #tpu.memory_space<vmem>>
    %dma_start3A_291 = tpu.memref_slice %arg10[%add3A_288] : memref<1605648xf32, #tpu.memory_space<vmem_shared>> -> memref<8192xf32, #tpu.memory_space<vmem_shared>>
    %dma_start3A_292 = tpu.memref_slice %arg10[%add3A_288] : memref<1605648xf32, #tpu.memory_space<vmem_shared>> -> memref<8192xf32, #tpu.memory_space<vmem_shared>>
    %dma_start3A_293 = arith.constant 0 : i32
    %dma_start3A_294 = tpu.memref_slice %arg9[%dma_start3A_293] : memref<8192xf32, #tpu.memory_space<vmem>> -> memref<8192xf32, #tpu.memory_space<vmem>>
    tpu.enqueue_dma source(%dma_start3A_294 : memref<8192xf32, #tpu.memory_space<vmem>>) target(%dma_start3A_292 : memref<8192xf32, #tpu.memory_space<vmem_shared>>) target_semaphore(%arg12 : memref<!tpu.dma_semaphore, #tpu.memory_space<semaphore_mem>>)
    %add3A_295 = arith.constant 49152 : i32
    %add3A_296 = arith.addi %mul3A_234, %add3A_295 : i32
    %dma_start3A_297 = arith.constant 0 : i32
    %dma_start3A_298 = tpu.memref_slice %arg9[%dma_start3A_297] : memref<8192xf32, #tpu.memory_space<vmem>> -> memref<8192xf32, #tpu.memory_space<vmem>>
    %dma_start3A_299 = tpu.memref_slice %arg10[%add3A_296] : memref<1605648xf32, #tpu.memory_space<vmem_shared>> -> memref<8192xf32, #tpu.memory_space<vmem_shared>>
    %dma_start3A_300 = tpu.memref_slice %arg10[%add3A_296] : memref<1605648xf32, #tpu.memory_space<vmem_shared>> -> memref<8192xf32, #tpu.memory_space<vmem_shared>>
    %dma_start3A_301 = arith.constant 0 : i32
    %dma_start3A_302 = tpu.memref_slice %arg9[%dma_start3A_301] : memref<8192xf32, #tpu.memory_space<vmem>> -> memref<8192xf32, #tpu.memory_space<vmem>>
    tpu.enqueue_dma source(%dma_start3A_302 : memref<8192xf32, #tpu.memory_space<vmem>>) target(%dma_start3A_300 : memref<8192xf32, #tpu.memory_space<vmem_shared>>) target_semaphore(%arg12 : memref<!tpu.dma_semaphore, #tpu.memory_space<semaphore_mem>>)
    %add3A_303 = arith.constant 57344 : i32
    %add3A_304 = arith.addi %mul3A_234, %add3A_303 : i32
    %dma_start3A_305 = arith.constant 0 : i32
    %dma_start3A_306 = tpu.memref_slice %arg9[%dma_start3A_305] : memref<8192xf32, #tpu.memory_space<vmem>> -> memref<8192xf32, #tpu.memory_space<vmem>>
    %dma_start3A_307 = tpu.memref_slice %arg10[%add3A_304] : memref<1605648xf32, #tpu.memory_space<vmem_shared>> -> memref<8192xf32, #tpu.memory_space<vmem_shared>>
    %dma_start3A_308 = tpu.memref_slice %arg10[%add3A_304] : memref<1605648xf32, #tpu.memory_space<vmem_shared>> -> memref<8192xf32, #tpu.memory_space<vmem_shared>>
    %dma_start3A_309 = arith.constant 0 : i32
    %dma_start3A_310 = tpu.memref_slice %arg9[%dma_start3A_309] : memref<8192xf32, #tpu.memory_space<vmem>> -> memref<8192xf32, #tpu.memory_space<vmem>>
    tpu.enqueue_dma source(%dma_start3A_310 : memref<8192xf32, #tpu.memory_space<vmem>>) target(%dma_start3A_308 : memref<8192xf32, #tpu.memory_space<vmem_shared>>) target_semaphore(%arg12 : memref<!tpu.dma_semaphore, #tpu.memory_space<semaphore_mem>>)
    %add3A_311 = arith.constant 65536 : i32
    %add3A_312 = arith.addi %mul3A_234, %add3A_311 : i32
    %dma_start3A_313 = arith.constant 0 : i32
    %dma_start3A_314 = tpu.memref_slice %arg9[%dma_start3A_313] : memref<8192xf32, #tpu.memory_space<vmem>> -> memref<8192xf32, #tpu.memory_space<vmem>>
    %dma_start3A_315 = tpu.memref_slice %arg10[%add3A_312] : memref<1605648xf32, #tpu.memory_space<vmem_shared>> -> memref<8192xf32, #tpu.memory_space<vmem_shared>>
    %dma_start3A_316 = tpu.memref_slice %arg10[%add3A_312] : memref<1605648xf32, #tpu.memory_space<vmem_shared>> -> memref<8192xf32, #tpu.memory_space<vmem_shared>>
    %dma_start3A_317 = arith.constant 0 : i32
    %dma_start3A_318 = tpu.memref_slice %arg9[%dma_start3A_317] : memref<8192xf32, #tpu.memory_space<vmem>> -> memref<8192xf32, #tpu.memory_space<vmem>>
    tpu.enqueue_dma source(%dma_start3A_318 : memref<8192xf32, #tpu.memory_space<vmem>>) target(%dma_start3A_316 : memref<8192xf32, #tpu.memory_space<vmem_shared>>) target_semaphore(%arg12 : memref<!tpu.dma_semaphore, #tpu.memory_space<semaphore_mem>>)
    %add3A_319 = arith.constant 73728 : i32
    %add3A_320 = arith.addi %mul3A_234, %add3A_319 : i32
    %dma_start3A_321 = arith.constant 0 : i32
    %dma_start3A_322 = tpu.memref_slice %arg9[%dma_start3A_321] : memref<8192xf32, #tpu.memory_space<vmem>> -> memref<8192xf32, #tpu.memory_space<vmem>>
    %dma_start3A_323 = tpu.memref_slice %arg10[%add3A_320] : memref<1605648xf32, #tpu.memory_space<vmem_shared>> -> memref<8192xf32, #tpu.memory_space<vmem_shared>>
    %dma_start3A_324 = tpu.memref_slice %arg10[%add3A_320] : memref<1605648xf32, #tpu.memory_space<vmem_shared>> -> memref<8192xf32, #tpu.memory_space<vmem_shared>>
    %dma_start3A_325 = arith.constant 0 : i32
    %dma_start3A_326 = tpu.memref_slice %arg9[%dma_start3A_325] : memref<8192xf32, #tpu.memory_space<vmem>> -> memref<8192xf32, #tpu.memory_space<vmem>>
    tpu.enqueue_dma source(%dma_start3A_326 : memref<8192xf32, #tpu.memory_space<vmem>>) target(%dma_start3A_324 : memref<8192xf32, #tpu.memory_space<vmem_shared>>) target_semaphore(%arg12 : memref<!tpu.dma_semaphore, #tpu.memory_space<semaphore_mem>>)
    %add3A_327 = arith.constant 81920 : i32
    %add3A_328 = arith.addi %mul3A_234, %add3A_327 : i32
    %dma_start3A_329 = arith.constant 0 : i32
    %dma_start3A_330 = tpu.memref_slice %arg9[%dma_start3A_329] : memref<8192xf32, #tpu.memory_space<vmem>> -> memref<8192xf32, #tpu.memory_space<vmem>>
    %dma_start3A_331 = tpu.memref_slice %arg10[%add3A_328] : memref<1605648xf32, #tpu.memory_space<vmem_shared>> -> memref<8192xf32, #tpu.memory_space<vmem_shared>>
    %dma_start3A_332 = tpu.memref_slice %arg10[%add3A_328] : memref<1605648xf32, #tpu.memory_space<vmem_shared>> -> memref<8192xf32, #tpu.memory_space<vmem_shared>>
    %dma_start3A_333 = arith.constant 0 : i32
    %dma_start3A_334 = tpu.memref_slice %arg9[%dma_start3A_333] : memref<8192xf32, #tpu.memory_space<vmem>> -> memref<8192xf32, #tpu.memory_space<vmem>>
    tpu.enqueue_dma source(%dma_start3A_334 : memref<8192xf32, #tpu.memory_space<vmem>>) target(%dma_start3A_332 : memref<8192xf32, #tpu.memory_space<vmem_shared>>) target_semaphore(%arg12 : memref<!tpu.dma_semaphore, #tpu.memory_space<semaphore_mem>>)
    %add3A_335 = arith.constant 90112 : i32
    %add3A_336 = arith.addi %mul3A_234, %add3A_335 : i32
    %dma_start3A_337 = arith.constant 0 : i32
    %dma_start3A_338 = tpu.memref_slice %arg9[%dma_start3A_337] : memref<8192xf32, #tpu.memory_space<vmem>> -> memref<8192xf32, #tpu.memory_space<vmem>>
    %dma_start3A_339 = tpu.memref_slice %arg10[%add3A_336] : memref<1605648xf32, #tpu.memory_space<vmem_shared>> -> memref<8192xf32, #tpu.memory_space<vmem_shared>>
    %dma_start3A_340 = tpu.memref_slice %arg10[%add3A_336] : memref<1605648xf32, #tpu.memory_space<vmem_shared>> -> memref<8192xf32, #tpu.memory_space<vmem_shared>>
    %dma_start3A_341 = arith.constant 0 : i32
    %dma_start3A_342 = tpu.memref_slice %arg9[%dma_start3A_341] : memref<8192xf32, #tpu.memory_space<vmem>> -> memref<8192xf32, #tpu.memory_space<vmem>>
    tpu.enqueue_dma source(%dma_start3A_342 : memref<8192xf32, #tpu.memory_space<vmem>>) target(%dma_start3A_340 : memref<8192xf32, #tpu.memory_space<vmem_shared>>) target_semaphore(%arg12 : memref<!tpu.dma_semaphore, #tpu.memory_space<semaphore_mem>>)
    %add3A_343 = arith.constant 98304 : i32
    %add3A_344 = arith.addi %mul3A_234, %add3A_343 : i32
    %dma_start3A_345 = arith.constant 0 : i32
    %dma_start3A_346 = tpu.memref_slice %arg9[%dma_start3A_345] : memref<8192xf32, #tpu.memory_space<vmem>> -> memref<2048xf32, #tpu.memory_space<vmem>>
    %dma_start3A_347 = tpu.memref_slice %arg10[%add3A_344] : memref<1605648xf32, #tpu.memory_space<vmem_shared>> -> memref<2048xf32, #tpu.memory_space<vmem_shared>>
    %dma_start3A_348 = tpu.memref_slice %arg10[%add3A_344] : memref<1605648xf32, #tpu.memory_space<vmem_shared>> -> memref<2048xf32, #tpu.memory_space<vmem_shared>>
    %dma_start3A_349 = arith.constant 0 : i32
    %dma_start3A_350 = tpu.memref_slice %arg9[%dma_start3A_349] : memref<8192xf32, #tpu.memory_space<vmem>> -> memref<2048xf32, #tpu.memory_space<vmem>>
    tpu.enqueue_dma source(%dma_start3A_350 : memref<2048xf32, #tpu.memory_space<vmem>>) target(%dma_start3A_348 : memref<2048xf32, #tpu.memory_space<vmem_shared>>) target_semaphore(%arg12 : memref<!tpu.dma_semaphore, #tpu.memory_space<semaphore_mem>>)
    %dma_wait3A = arith.constant 0 : i32
    %dma_wait3A_351 = tpu.memref_slice %arg9[%dma_wait3A] : memref<8192xf32, #tpu.memory_space<vmem>> -> memref<8192xf32, #tpu.memory_space<vmem>>
    %dma_wait3A_352 = arith.constant 0 : i32
    %dma_wait3A_353 = tpu.memref_slice %arg10[%dma_wait3A_352] : memref<1605648xf32, #tpu.memory_space<vmem_shared>> -> memref<8192xf32, #tpu.memory_space<vmem_shared>>
    %dma_wait3A_354 = arith.constant 0 : i32
    %dma_wait3A_355 = tpu.memref_slice %arg10[%dma_wait3A_354] : memref<1605648xf32, #tpu.memory_space<vmem_shared>> -> memref<8192xf32, #tpu.memory_space<vmem_shared>>
    %dma_wait3A_356 = arith.constant 0 : i32
    %dma_wait3A_357 = tpu.memref_slice %arg9[%dma_wait3A_356] : memref<8192xf32, #tpu.memory_space<vmem>> -> memref<8192xf32, #tpu.memory_space<vmem>>
    tpu.wait_dma2 semaphore(%arg12 : memref<!tpu.dma_semaphore, #tpu.memory_space<semaphore_mem>>) src(%dma_wait3A_357 : memref<8192xf32, #tpu.memory_space<vmem>>) dst(%dma_wait3A_355 : memref<8192xf32, #tpu.memory_space<vmem_shared>>)
    %dma_wait3A_358 = arith.constant 0 : i32
    %dma_wait3A_359 = tpu.memref_slice %arg9[%dma_wait3A_358] : memref<8192xf32, #tpu.memory_space<vmem>> -> memref<8192xf32, #tpu.memory_space<vmem>>
    %dma_wait3A_360 = arith.constant 0 : i32
    %dma_wait3A_361 = tpu.memref_slice %arg10[%dma_wait3A_360] : memref<1605648xf32, #tpu.memory_space<vmem_shared>> -> memref<8192xf32, #tpu.memory_space<vmem_shared>>
    %dma_wait3A_362 = arith.constant 0 : i32
    %dma_wait3A_363 = tpu.memref_slice %arg10[%dma_wait3A_362] : memref<1605648xf32, #tpu.memory_space<vmem_shared>> -> memref<8192xf32, #tpu.memory_space<vmem_shared>>
    %dma_wait3A_364 = arith.constant 0 : i32
    %dma_wait3A_365 = tpu.memref_slice %arg9[%dma_wait3A_364] : memref<8192xf32, #tpu.memory_space<vmem>> -> memref<8192xf32, #tpu.memory_space<vmem>>
    tpu.wait_dma2 semaphore(%arg12 : memref<!tpu.dma_semaphore, #tpu.memory_space<semaphore_mem>>) src(%dma_wait3A_365 : memref<8192xf32, #tpu.memory_space<vmem>>) dst(%dma_wait3A_363 : memref<8192xf32, #tpu.memory_space<vmem_shared>>)
    %dma_wait3A_366 = arith.constant 0 : i32
    %dma_wait3A_367 = tpu.memref_slice %arg9[%dma_wait3A_366] : memref<8192xf32, #tpu.memory_space<vmem>> -> memref<8192xf32, #tpu.memory_space<vmem>>
    %dma_wait3A_368 = arith.constant 0 : i32
    %dma_wait3A_369 = tpu.memref_slice %arg10[%dma_wait3A_368] : memref<1605648xf32, #tpu.memory_space<vmem_shared>> -> memref<8192xf32, #tpu.memory_space<vmem_shared>>
    %dma_wait3A_370 = arith.constant 0 : i32
    %dma_wait3A_371 = tpu.memref_slice %arg10[%dma_wait3A_370] : memref<1605648xf32, #tpu.memory_space<vmem_shared>> -> memref<8192xf32, #tpu.memory_space<vmem_shared>>
    %dma_wait3A_372 = arith.constant 0 : i32
    %dma_wait3A_373 = tpu.memref_slice %arg9[%dma_wait3A_372] : memref<8192xf32, #tpu.memory_space<vmem>> -> memref<8192xf32, #tpu.memory_space<vmem>>
    tpu.wait_dma2 semaphore(%arg12 : memref<!tpu.dma_semaphore, #tpu.memory_space<semaphore_mem>>) src(%dma_wait3A_373 : memref<8192xf32, #tpu.memory_space<vmem>>) dst(%dma_wait3A_371 : memref<8192xf32, #tpu.memory_space<vmem_shared>>)
    %dma_wait3A_374 = arith.constant 0 : i32
    %dma_wait3A_375 = tpu.memref_slice %arg9[%dma_wait3A_374] : memref<8192xf32, #tpu.memory_space<vmem>> -> memref<8192xf32, #tpu.memory_space<vmem>>
    %dma_wait3A_376 = arith.constant 0 : i32
    %dma_wait3A_377 = tpu.memref_slice %arg10[%dma_wait3A_376] : memref<1605648xf32, #tpu.memory_space<vmem_shared>> -> memref<8192xf32, #tpu.memory_space<vmem_shared>>
    %dma_wait3A_378 = arith.constant 0 : i32
    %dma_wait3A_379 = tpu.memref_slice %arg10[%dma_wait3A_378] : memref<1605648xf32, #tpu.memory_space<vmem_shared>> -> memref<8192xf32, #tpu.memory_space<vmem_shared>>
    %dma_wait3A_380 = arith.constant 0 : i32
    %dma_wait3A_381 = tpu.memref_slice %arg9[%dma_wait3A_380] : memref<8192xf32, #tpu.memory_space<vmem>> -> memref<8192xf32, #tpu.memory_space<vmem>>
    tpu.wait_dma2 semaphore(%arg12 : memref<!tpu.dma_semaphore, #tpu.memory_space<semaphore_mem>>) src(%dma_wait3A_381 : memref<8192xf32, #tpu.memory_space<vmem>>) dst(%dma_wait3A_379 : memref<8192xf32, #tpu.memory_space<vmem_shared>>)
    %dma_wait3A_382 = arith.constant 0 : i32
    %dma_wait3A_383 = tpu.memref_slice %arg9[%dma_wait3A_382] : memref<8192xf32, #tpu.memory_space<vmem>> -> memref<8192xf32, #tpu.memory_space<vmem>>
    %dma_wait3A_384 = arith.constant 0 : i32
    %dma_wait3A_385 = tpu.memref_slice %arg10[%dma_wait3A_384] : memref<1605648xf32, #tpu.memory_space<vmem_shared>> -> memref<8192xf32, #tpu.memory_space<vmem_shared>>
    %dma_wait3A_386 = arith.constant 0 : i32
    %dma_wait3A_387 = tpu.memref_slice %arg10[%dma_wait3A_386] : memref<1605648xf32, #tpu.memory_space<vmem_shared>> -> memref<8192xf32, #tpu.memory_space<vmem_shared>>
    %dma_wait3A_388 = arith.constant 0 : i32
    %dma_wait3A_389 = tpu.memref_slice %arg9[%dma_wait3A_388] : memref<8192xf32, #tpu.memory_space<vmem>> -> memref<8192xf32, #tpu.memory_space<vmem>>
    tpu.wait_dma2 semaphore(%arg12 : memref<!tpu.dma_semaphore, #tpu.memory_space<semaphore_mem>>) src(%dma_wait3A_389 : memref<8192xf32, #tpu.memory_space<vmem>>) dst(%dma_wait3A_387 : memref<8192xf32, #tpu.memory_space<vmem_shared>>)
    %dma_wait3A_390 = arith.constant 0 : i32
    %dma_wait3A_391 = tpu.memref_slice %arg9[%dma_wait3A_390] : memref<8192xf32, #tpu.memory_space<vmem>> -> memref<8192xf32, #tpu.memory_space<vmem>>
    %dma_wait3A_392 = arith.constant 0 : i32
    %dma_wait3A_393 = tpu.memref_slice %arg10[%dma_wait3A_392] : memref<1605648xf32, #tpu.memory_space<vmem_shared>> -> memref<8192xf32, #tpu.memory_space<vmem_shared>>
    %dma_wait3A_394 = arith.constant 0 : i32
    %dma_wait3A_395 = tpu.memref_slice %arg10[%dma_wait3A_394] : memref<1605648xf32, #tpu.memory_space<vmem_shared>> -> memref<8192xf32, #tpu.memory_space<vmem_shared>>
    %dma_wait3A_396 = arith.constant 0 : i32
    %dma_wait3A_397 = tpu.memref_slice %arg9[%dma_wait3A_396] : memref<8192xf32, #tpu.memory_space<vmem>> -> memref<8192xf32, #tpu.memory_space<vmem>>
    tpu.wait_dma2 semaphore(%arg12 : memref<!tpu.dma_semaphore, #tpu.memory_space<semaphore_mem>>) src(%dma_wait3A_397 : memref<8192xf32, #tpu.memory_space<vmem>>) dst(%dma_wait3A_395 : memref<8192xf32, #tpu.memory_space<vmem_shared>>)
    %dma_wait3A_398 = arith.constant 0 : i32
    %dma_wait3A_399 = tpu.memref_slice %arg9[%dma_wait3A_398] : memref<8192xf32, #tpu.memory_space<vmem>> -> memref<8192xf32, #tpu.memory_space<vmem>>
    %dma_wait3A_400 = arith.constant 0 : i32
    %dma_wait3A_401 = tpu.memref_slice %arg10[%dma_wait3A_400] : memref<1605648xf32, #tpu.memory_space<vmem_shared>> -> memref<8192xf32, #tpu.memory_space<vmem_shared>>
    %dma_wait3A_402 = arith.constant 0 : i32
    %dma_wait3A_403 = tpu.memref_slice %arg10[%dma_wait3A_402] : memref<1605648xf32, #tpu.memory_space<vmem_shared>> -> memref<8192xf32, #tpu.memory_space<vmem_shared>>
    %dma_wait3A_404 = arith.constant 0 : i32
    %dma_wait3A_405 = tpu.memref_slice %arg9[%dma_wait3A_404] : memref<8192xf32, #tpu.memory_space<vmem>> -> memref<8192xf32, #tpu.memory_space<vmem>>
    tpu.wait_dma2 semaphore(%arg12 : memref<!tpu.dma_semaphore, #tpu.memory_space<semaphore_mem>>) src(%dma_wait3A_405 : memref<8192xf32, #tpu.memory_space<vmem>>) dst(%dma_wait3A_403 : memref<8192xf32, #tpu.memory_space<vmem_shared>>)
    %dma_wait3A_406 = arith.constant 0 : i32
    %dma_wait3A_407 = tpu.memref_slice %arg9[%dma_wait3A_406] : memref<8192xf32, #tpu.memory_space<vmem>> -> memref<8192xf32, #tpu.memory_space<vmem>>
    %dma_wait3A_408 = arith.constant 0 : i32
    %dma_wait3A_409 = tpu.memref_slice %arg10[%dma_wait3A_408] : memref<1605648xf32, #tpu.memory_space<vmem_shared>> -> memref<8192xf32, #tpu.memory_space<vmem_shared>>
    %dma_wait3A_410 = arith.constant 0 : i32
    %dma_wait3A_411 = tpu.memref_slice %arg10[%dma_wait3A_410] : memref<1605648xf32, #tpu.memory_space<vmem_shared>> -> memref<8192xf32, #tpu.memory_space<vmem_shared>>
    %dma_wait3A_412 = arith.constant 0 : i32
    %dma_wait3A_413 = tpu.memref_slice %arg9[%dma_wait3A_412] : memref<8192xf32, #tpu.memory_space<vmem>> -> memref<8192xf32, #tpu.memory_space<vmem>>
    tpu.wait_dma2 semaphore(%arg12 : memref<!tpu.dma_semaphore, #tpu.memory_space<semaphore_mem>>) src(%dma_wait3A_413 : memref<8192xf32, #tpu.memory_space<vmem>>) dst(%dma_wait3A_411 : memref<8192xf32, #tpu.memory_space<vmem_shared>>)
    %dma_wait3A_414 = arith.constant 0 : i32
    %dma_wait3A_415 = tpu.memref_slice %arg9[%dma_wait3A_414] : memref<8192xf32, #tpu.memory_space<vmem>> -> memref<8192xf32, #tpu.memory_space<vmem>>
    %dma_wait3A_416 = arith.constant 0 : i32
    %dma_wait3A_417 = tpu.memref_slice %arg10[%dma_wait3A_416] : memref<1605648xf32, #tpu.memory_space<vmem_shared>> -> memref<8192xf32, #tpu.memory_space<vmem_shared>>
    %dma_wait3A_418 = arith.constant 0 : i32
    %dma_wait3A_419 = tpu.memref_slice %arg10[%dma_wait3A_418] : memref<1605648xf32, #tpu.memory_space<vmem_shared>> -> memref<8192xf32, #tpu.memory_space<vmem_shared>>
    %dma_wait3A_420 = arith.constant 0 : i32
    %dma_wait3A_421 = tpu.memref_slice %arg9[%dma_wait3A_420] : memref<8192xf32, #tpu.memory_space<vmem>> -> memref<8192xf32, #tpu.memory_space<vmem>>
    tpu.wait_dma2 semaphore(%arg12 : memref<!tpu.dma_semaphore, #tpu.memory_space<semaphore_mem>>) src(%dma_wait3A_421 : memref<8192xf32, #tpu.memory_space<vmem>>) dst(%dma_wait3A_419 : memref<8192xf32, #tpu.memory_space<vmem_shared>>)
    %dma_wait3A_422 = arith.constant 0 : i32
    %dma_wait3A_423 = tpu.memref_slice %arg9[%dma_wait3A_422] : memref<8192xf32, #tpu.memory_space<vmem>> -> memref<8192xf32, #tpu.memory_space<vmem>>
    %dma_wait3A_424 = arith.constant 0 : i32
    %dma_wait3A_425 = tpu.memref_slice %arg10[%dma_wait3A_424] : memref<1605648xf32, #tpu.memory_space<vmem_shared>> -> memref<8192xf32, #tpu.memory_space<vmem_shared>>
    %dma_wait3A_426 = arith.constant 0 : i32
    %dma_wait3A_427 = tpu.memref_slice %arg10[%dma_wait3A_426] : memref<1605648xf32, #tpu.memory_space<vmem_shared>> -> memref<8192xf32, #tpu.memory_space<vmem_shared>>
    %dma_wait3A_428 = arith.constant 0 : i32
    %dma_wait3A_429 = tpu.memref_slice %arg9[%dma_wait3A_428] : memref<8192xf32, #tpu.memory_space<vmem>> -> memref<8192xf32, #tpu.memory_space<vmem>>
    tpu.wait_dma2 semaphore(%arg12 : memref<!tpu.dma_semaphore, #tpu.memory_space<semaphore_mem>>) src(%dma_wait3A_429 : memref<8192xf32, #tpu.memory_space<vmem>>) dst(%dma_wait3A_427 : memref<8192xf32, #tpu.memory_space<vmem_shared>>)
    %dma_wait3A_430 = arith.constant 0 : i32
    %dma_wait3A_431 = tpu.memref_slice %arg9[%dma_wait3A_430] : memref<8192xf32, #tpu.memory_space<vmem>> -> memref<8192xf32, #tpu.memory_space<vmem>>
    %dma_wait3A_432 = arith.constant 0 : i32
    %dma_wait3A_433 = tpu.memref_slice %arg10[%dma_wait3A_432] : memref<1605648xf32, #tpu.memory_space<vmem_shared>> -> memref<8192xf32, #tpu.memory_space<vmem_shared>>
    %dma_wait3A_434 = arith.constant 0 : i32
    %dma_wait3A_435 = tpu.memref_slice %arg10[%dma_wait3A_434] : memref<1605648xf32, #tpu.memory_space<vmem_shared>> -> memref<8192xf32, #tpu.memory_space<vmem_shared>>
    %dma_wait3A_436 = arith.constant 0 : i32
    %dma_wait3A_437 = tpu.memref_slice %arg9[%dma_wait3A_436] : memref<8192xf32, #tpu.memory_space<vmem>> -> memref<8192xf32, #tpu.memory_space<vmem>>
    tpu.wait_dma2 semaphore(%arg12 : memref<!tpu.dma_semaphore, #tpu.memory_space<semaphore_mem>>) src(%dma_wait3A_437 : memref<8192xf32, #tpu.memory_space<vmem>>) dst(%dma_wait3A_435 : memref<8192xf32, #tpu.memory_space<vmem_shared>>)
    %dma_wait3A_438 = arith.constant 0 : i32
    %dma_wait3A_439 = tpu.memref_slice %arg9[%dma_wait3A_438] : memref<8192xf32, #tpu.memory_space<vmem>> -> memref<8192xf32, #tpu.memory_space<vmem>>
    %dma_wait3A_440 = arith.constant 0 : i32
    %dma_wait3A_441 = tpu.memref_slice %arg10[%dma_wait3A_440] : memref<1605648xf32, #tpu.memory_space<vmem_shared>> -> memref<8192xf32, #tpu.memory_space<vmem_shared>>
    %dma_wait3A_442 = arith.constant 0 : i32
    %dma_wait3A_443 = tpu.memref_slice %arg10[%dma_wait3A_442] : memref<1605648xf32, #tpu.memory_space<vmem_shared>> -> memref<8192xf32, #tpu.memory_space<vmem_shared>>
    %dma_wait3A_444 = arith.constant 0 : i32
    %dma_wait3A_445 = tpu.memref_slice %arg9[%dma_wait3A_444] : memref<8192xf32, #tpu.memory_space<vmem>> -> memref<8192xf32, #tpu.memory_space<vmem>>
    tpu.wait_dma2 semaphore(%arg12 : memref<!tpu.dma_semaphore, #tpu.memory_space<semaphore_mem>>) src(%dma_wait3A_445 : memref<8192xf32, #tpu.memory_space<vmem>>) dst(%dma_wait3A_443 : memref<8192xf32, #tpu.memory_space<vmem_shared>>)
    %dma_wait3A_446 = arith.constant 0 : i32
    %dma_wait3A_447 = tpu.memref_slice %arg9[%dma_wait3A_446] : memref<8192xf32, #tpu.memory_space<vmem>> -> memref<2048xf32, #tpu.memory_space<vmem>>
    %dma_wait3A_448 = arith.constant 0 : i32
    %dma_wait3A_449 = tpu.memref_slice %arg10[%dma_wait3A_448] : memref<1605648xf32, #tpu.memory_space<vmem_shared>> -> memref<2048xf32, #tpu.memory_space<vmem_shared>>
    %dma_wait3A_450 = arith.constant 0 : i32
    %dma_wait3A_451 = tpu.memref_slice %arg10[%dma_wait3A_450] : memref<1605648xf32, #tpu.memory_space<vmem_shared>> -> memref<2048xf32, #tpu.memory_space<vmem_shared>>
    %dma_wait3A_452 = arith.constant 0 : i32
    %dma_wait3A_453 = tpu.memref_slice %arg9[%dma_wait3A_452] : memref<8192xf32, #tpu.memory_space<vmem>> -> memref<2048xf32, #tpu.memory_space<vmem>>
    tpu.wait_dma2 semaphore(%arg12 : memref<!tpu.dma_semaphore, #tpu.memory_space<semaphore_mem>>) src(%dma_wait3A_453 : memref<2048xf32, #tpu.memory_space<vmem>>) dst(%dma_wait3A_451 : memref<2048xf32, #tpu.memory_space<vmem_shared>>)
    %while3A_454 = arith.constant 0 : i32
    %while3A_455 = arith.constant 0 : i32
    %while3A_456 = arith.constant 0 : i32
    %while3A_457 = arith.subi %div3A_160, %while3A_456 : i32
    %while3A_458 = arith.addi %while3A_456, %while3A_457 : i32
    %while3A_459 = arith.constant 1 : i32
    %while3A_460 = arith.divsi %while3A_457, %while3A_459 : i32
    %while3A_461 = arith.muli %while3A_460, %while3A_459 : i32
    %while3A_462 = arith.addi %while3A_456, %while3A_461 : i32
    %while3A_463 = arith.constant 1 : i32
    scf.for %while3A_956 = %while3A_456 to %while3A_462 step %while3A_463  : i32 {
      %mul3A_957 = arith.constant 16 : i32
      %mul3A_958 = arith.muli %mul3A_957, %while3A_956 : i32
      %add3A_959 = arith.addi %arg1, %mul3A_958 : i32
      %ge3A = arith.cmpi sge, %add3A_959, %add3A_80 : i32
      %convert_element_type3A = arith.extui %ge3A : i1 to i32
      %add3A_960 = arith.constant 0 : i32
      %add3A_961 = arith.addi %add3A_960, %convert_element_type3A : i32
      %ge3A_962 = arith.cmpi sge, %add3A_959, %add3A_85 : i32
      %convert_element_type3A_963 = arith.extui %ge3A_962 : i1 to i32
      %add3A_964 = arith.addi %add3A_961, %convert_element_type3A_963 : i32
      %ge3A_965 = arith.cmpi sge, %add3A_959, %add3A_90 : i32
      %convert_element_type3A_966 = arith.extui %ge3A_965 : i1 to i32
      %add3A_967 = arith.addi %add3A_964, %convert_element_type3A_966 : i32
      %ge3A_968 = arith.cmpi sge, %add3A_959, %add3A_95 : i32
      %convert_element_type3A_969 = arith.extui %ge3A_968 : i1 to i32
      %add3A_970 = arith.addi %add3A_967, %convert_element_type3A_969 : i32
      %ge3A_971 = arith.cmpi sge, %add3A_959, %add3A_100 : i32
      %convert_element_type3A_972 = arith.extui %ge3A_971 : i1 to i32
      %add3A_973 = arith.addi %add3A_970, %convert_element_type3A_972 : i32
      %ge3A_974 = arith.cmpi sge, %add3A_959, %add3A_105 : i32
      %convert_element_type3A_975 = arith.extui %ge3A_974 : i1 to i32
      %add3A_976 = arith.addi %add3A_973, %convert_element_type3A_975 : i32
      %ge3A_977 = arith.cmpi sge, %add3A_959, %add3A_110 : i32
      %convert_element_type3A_978 = arith.extui %ge3A_977 : i1 to i32
      %add3A_979 = arith.addi %add3A_976, %convert_element_type3A_978 : i32
      %ge3A_980 = arith.cmpi sge, %add3A_959, %add3A_115 : i32
      %convert_element_type3A_981 = arith.extui %ge3A_980 : i1 to i32
      %add3A_982 = arith.addi %add3A_979, %convert_element_type3A_981 : i32
      %ge3A_983 = arith.cmpi sge, %add3A_959, %add3A_120 : i32
      %convert_element_type3A_984 = arith.extui %ge3A_983 : i1 to i32
      %add3A_985 = arith.addi %add3A_982, %convert_element_type3A_984 : i32
      %ge3A_986 = arith.cmpi sge, %add3A_959, %add3A_125 : i32
      %convert_element_type3A_987 = arith.extui %ge3A_986 : i1 to i32
      %add3A_988 = arith.addi %add3A_985, %convert_element_type3A_987 : i32
      %ge3A_989 = arith.cmpi sge, %add3A_959, %add3A_130 : i32
      %convert_element_type3A_990 = arith.extui %ge3A_989 : i1 to i32
      %add3A_991 = arith.addi %add3A_988, %convert_element_type3A_990 : i32
      %ge3A_992 = arith.cmpi sge, %add3A_959, %add3A_135 : i32
      %convert_element_type3A_993 = arith.extui %ge3A_992 : i1 to i32
      %add3A_994 = arith.addi %add3A_991, %convert_element_type3A_993 : i32
      %ge3A_995 = arith.cmpi sge, %add3A_959, %add3A_140 : i32
      %convert_element_type3A_996 = arith.extui %ge3A_995 : i1 to i32
      %add3A_997 = arith.addi %add3A_994, %convert_element_type3A_996 : i32
      %ge3A_998 = arith.cmpi sge, %add3A_959, %add3A_145 : i32
      %convert_element_type3A_999 = arith.extui %ge3A_998 : i1 to i32
      %add3A_1000 = arith.addi %add3A_997, %convert_element_type3A_999 : i32
      %ge3A_1001 = arith.cmpi sge, %add3A_959, %add3A_150 : i32
      %convert_element_type3A_1002 = arith.extui %ge3A_1001 : i1 to i32
      %add3A_1003 = arith.addi %add3A_1000, %convert_element_type3A_1002 : i32
      %eq3A = arith.constant 0 : i32
      %eq3A_1004 = arith.cmpi eq, %add3A_1003, %eq3A : i32
      %convert_element_type3A_1005 = arith.extui %eq3A_1004 : i1 to i32
      %mul3A_1006 = arith.muli %convert_element_type3A_1005, %while3A_455 : i32
      %add3A_1007 = arith.constant 0 : i32
      %add3A_1008 = arith.addi %add3A_1007, %mul3A_1006 : i32
      %mul3A_1009 = arith.muli %convert_element_type3A_1005, %squeeze3A : i32
      %add3A_1010 = arith.constant 0 : i32
      %add3A_1011 = arith.addi %add3A_1010, %mul3A_1009 : i32
      %eq3A_1012 = arith.constant 1 : i32
      %eq3A_1013 = arith.cmpi eq, %add3A_1003, %eq3A_1012 : i32
      %convert_element_type3A_1014 = arith.extui %eq3A_1013 : i1 to i32
      %mul3A_1015 = arith.muli %convert_element_type3A_1014, %add3A_80 : i32
      %add3A_1016 = arith.addi %add3A_1008, %mul3A_1015 : i32
      %mul3A_1017 = arith.muli %convert_element_type3A_1014, %squeeze3A_6 : i32
      %add3A_1018 = arith.addi %add3A_1011, %mul3A_1017 : i32
      %eq3A_1019 = arith.constant 2 : i32
      %eq3A_1020 = arith.cmpi eq, %add3A_1003, %eq3A_1019 : i32
      %convert_element_type3A_1021 = arith.extui %eq3A_1020 : i1 to i32
      %mul3A_1022 = arith.muli %convert_element_type3A_1021, %add3A_85 : i32
      %add3A_1023 = arith.addi %add3A_1016, %mul3A_1022 : i32
      %mul3A_1024 = arith.muli %convert_element_type3A_1021, %squeeze3A_11 : i32
      %add3A_1025 = arith.addi %add3A_1018, %mul3A_1024 : i32
      %eq3A_1026 = arith.constant 3 : i32
      %eq3A_1027 = arith.cmpi eq, %add3A_1003, %eq3A_1026 : i32
      %convert_element_type3A_1028 = arith.extui %eq3A_1027 : i1 to i32
      %mul3A_1029 = arith.muli %convert_element_type3A_1028, %add3A_90 : i32
      %add3A_1030 = arith.addi %add3A_1023, %mul3A_1029 : i32
      %mul3A_1031 = arith.muli %convert_element_type3A_1028, %squeeze3A_16 : i32
      %add3A_1032 = arith.addi %add3A_1025, %mul3A_1031 : i32
      %eq3A_1033 = arith.constant 4 : i32
      %eq3A_1034 = arith.cmpi eq, %add3A_1003, %eq3A_1033 : i32
      %convert_element_type3A_1035 = arith.extui %eq3A_1034 : i1 to i32
      %mul3A_1036 = arith.muli %convert_element_type3A_1035, %add3A_95 : i32
      %add3A_1037 = arith.addi %add3A_1030, %mul3A_1036 : i32
      %mul3A_1038 = arith.muli %convert_element_type3A_1035, %squeeze3A_21 : i32
      %add3A_1039 = arith.addi %add3A_1032, %mul3A_1038 : i32
      %eq3A_1040 = arith.constant 5 : i32
      %eq3A_1041 = arith.cmpi eq, %add3A_1003, %eq3A_1040 : i32
      %convert_element_type3A_1042 = arith.extui %eq3A_1041 : i1 to i32
      %mul3A_1043 = arith.muli %convert_element_type3A_1042, %add3A_100 : i32
      %add3A_1044 = arith.addi %add3A_1037, %mul3A_1043 : i32
      %mul3A_1045 = arith.muli %convert_element_type3A_1042, %squeeze3A_26 : i32
      %add3A_1046 = arith.addi %add3A_1039, %mul3A_1045 : i32
      %eq3A_1047 = arith.constant 6 : i32
      %eq3A_1048 = arith.cmpi eq, %add3A_1003, %eq3A_1047 : i32
      %convert_element_type3A_1049 = arith.extui %eq3A_1048 : i1 to i32
      %mul3A_1050 = arith.muli %convert_element_type3A_1049, %add3A_105 : i32
      %add3A_1051 = arith.addi %add3A_1044, %mul3A_1050 : i32
      %mul3A_1052 = arith.muli %convert_element_type3A_1049, %squeeze3A_31 : i32
      %add3A_1053 = arith.addi %add3A_1046, %mul3A_1052 : i32
      %eq3A_1054 = arith.constant 7 : i32
      %eq3A_1055 = arith.cmpi eq, %add3A_1003, %eq3A_1054 : i32
      %convert_element_type3A_1056 = arith.extui %eq3A_1055 : i1 to i32
      %mul3A_1057 = arith.muli %convert_element_type3A_1056, %add3A_110 : i32
      %add3A_1058 = arith.addi %add3A_1051, %mul3A_1057 : i32
      %mul3A_1059 = arith.muli %convert_element_type3A_1056, %squeeze3A_36 : i32
      %add3A_1060 = arith.addi %add3A_1053, %mul3A_1059 : i32
      %eq3A_1061 = arith.constant 8 : i32
      %eq3A_1062 = arith.cmpi eq, %add3A_1003, %eq3A_1061 : i32
      %convert_element_type3A_1063 = arith.extui %eq3A_1062 : i1 to i32
      %mul3A_1064 = arith.muli %convert_element_type3A_1063, %add3A_115 : i32
      %add3A_1065 = arith.addi %add3A_1058, %mul3A_1064 : i32
      %mul3A_1066 = arith.muli %convert_element_type3A_1063, %squeeze3A_41 : i32
      %add3A_1067 = arith.addi %add3A_1060, %mul3A_1066 : i32
      %eq3A_1068 = arith.constant 9 : i32
      %eq3A_1069 = arith.cmpi eq, %add3A_1003, %eq3A_1068 : i32
      %convert_element_type3A_1070 = arith.extui %eq3A_1069 : i1 to i32
      %mul3A_1071 = arith.muli %convert_element_type3A_1070, %add3A_120 : i32
      %add3A_1072 = arith.addi %add3A_1065, %mul3A_1071 : i32
      %mul3A_1073 = arith.muli %convert_element_type3A_1070, %squeeze3A_46 : i32
      %add3A_1074 = arith.addi %add3A_1067, %mul3A_1073 : i32
      %eq3A_1075 = arith.constant 10 : i32
      %eq3A_1076 = arith.cmpi eq, %add3A_1003, %eq3A_1075 : i32
      %convert_element_type3A_1077 = arith.extui %eq3A_1076 : i1 to i32
      %mul3A_1078 = arith.muli %convert_element_type3A_1077, %add3A_125 : i32
      %add3A_1079 = arith.addi %add3A_1072, %mul3A_1078 : i32
      %mul3A_1080 = arith.muli %convert_element_type3A_1077, %squeeze3A_51 : i32
      %add3A_1081 = arith.addi %add3A_1074, %mul3A_1080 : i32
      %eq3A_1082 = arith.constant 11 : i32
      %eq3A_1083 = arith.cmpi eq, %add3A_1003, %eq3A_1082 : i32
      %convert_element_type3A_1084 = arith.extui %eq3A_1083 : i1 to i32
      %mul3A_1085 = arith.muli %convert_element_type3A_1084, %add3A_130 : i32
      %add3A_1086 = arith.addi %add3A_1079, %mul3A_1085 : i32
      %mul3A_1087 = arith.muli %convert_element_type3A_1084, %squeeze3A_56 : i32
      %add3A_1088 = arith.addi %add3A_1081, %mul3A_1087 : i32
      %eq3A_1089 = arith.constant 12 : i32
      %eq3A_1090 = arith.cmpi eq, %add3A_1003, %eq3A_1089 : i32
      %convert_element_type3A_1091 = arith.extui %eq3A_1090 : i1 to i32
      %mul3A_1092 = arith.muli %convert_element_type3A_1091, %add3A_135 : i32
      %add3A_1093 = arith.addi %add3A_1086, %mul3A_1092 : i32
      %mul3A_1094 = arith.muli %convert_element_type3A_1091, %squeeze3A_61 : i32
      %add3A_1095 = arith.addi %add3A_1088, %mul3A_1094 : i32
      %eq3A_1096 = arith.constant 13 : i32
      %eq3A_1097 = arith.cmpi eq, %add3A_1003, %eq3A_1096 : i32
      %convert_element_type3A_1098 = arith.extui %eq3A_1097 : i1 to i32
      %mul3A_1099 = arith.muli %convert_element_type3A_1098, %add3A_140 : i32
      %add3A_1100 = arith.addi %add3A_1093, %mul3A_1099 : i32
      %mul3A_1101 = arith.muli %convert_element_type3A_1098, %squeeze3A_66 : i32
      %add3A_1102 = arith.addi %add3A_1095, %mul3A_1101 : i32
      %eq3A_1103 = arith.constant 14 : i32
      %eq3A_1104 = arith.cmpi eq, %add3A_1003, %eq3A_1103 : i32
      %convert_element_type3A_1105 = arith.extui %eq3A_1104 : i1 to i32
      %mul3A_1106 = arith.muli %convert_element_type3A_1105, %add3A_145 : i32
      %add3A_1107 = arith.addi %add3A_1100, %mul3A_1106 : i32
      %mul3A_1108 = arith.muli %convert_element_type3A_1105, %squeeze3A_71 : i32
      %add3A_1109 = arith.addi %add3A_1102, %mul3A_1108 : i32
      %eq3A_1110 = arith.constant 15 : i32
      %eq3A_1111 = arith.cmpi eq, %add3A_1003, %eq3A_1110 : i32
      %convert_element_type3A_1112 = arith.extui %eq3A_1111 : i1 to i32
      %mul3A_1113 = arith.muli %convert_element_type3A_1112, %add3A_150 : i32
      %add3A_1114 = arith.addi %add3A_1107, %mul3A_1113 : i32
      %mul3A_1115 = arith.muli %convert_element_type3A_1112, %squeeze3A_76 : i32
      %add3A_1116 = arith.addi %add3A_1109, %mul3A_1115 : i32
      %sub3A_1117 = arith.subi %add3A_959, %add3A_1114 : i32
      %mul3A_1118 = arith.constant 32 : i32
      %mul3A_1119 = arith.muli %sub3A_1117, %mul3A_1118 : i32
      %sub3A_1120 = arith.subi %add3A_1116, %mul3A_1119 : i32
      %min3A = arith.constant 32 : i32
      %min3A_1121 = arith.minsi %sub3A_1120, %min3A : i32
      %get3A_1122 = arith.index_cast %while3A_956 : i32 to index
      %get3A_1123 = arith.constant 0 : index
      %get3A_1124 = tpu.vector_load %arg6[%get3A_1122, %get3A_1123] {strides = array<i32>} : memref<128x48xi32, #tpu.memory_space<vmem>>, vector<1x16xi32>,
      %get3A_1125 = vector.shape_cast %get3A_1124 : vector<1x16xi32> to vector<16xi32>
      %ge3A_1126 = vector.broadcast %mul3A_236 : i32 to vector<16xi32>
      %ge3A_1127 = arith.cmpi sge, %get3A_1125, %ge3A_1126 : vector<16xi32>
      %add3A_1128 = arith.constant 100352 : i32
      %add3A_1129 = arith.addi %mul3A_236, %add3A_1128 : i32
      %lt3A = vector.broadcast %add3A_1129 : i32 to vector<16xi32>
      %lt3A_1130 = arith.cmpi slt, %get3A_1125, %lt3A : vector<16xi32>
      %and3A = arith.andi %ge3A_1127, %lt3A_1130 : vector<16xi1>
      %add3A_1131 = arith.constant 0 : i32
      %add3A_1132 = vector.broadcast %add3A_1131 : i32 to vector<16xi32>
      %add3A_1133 = arith.addi %add3A_1132, %iota3A : vector<16xi32>
      %lt3A_1134 = vector.broadcast %min3A_1121 : i32 to vector<16xi32>
      %lt3A_1135 = arith.cmpi slt, %add3A_1133, %lt3A_1134 : vector<16xi32>
      %and3A_1136 = arith.andi %and3A, %lt3A_1135 : vector<16xi1>
      %mul3A_1137 = arith.constant 100352 : i32
      %mul3A_1138 = arith.muli %add3A_1003, %mul3A_1137 : i32
      %add3A_1139 = vector.broadcast %mul3A_1138 : i32 to vector<16xi32>
      %add3A_1140 = arith.addi %add3A_1139, %get3A_1125 : vector<16xi32>
      %sub3A_1141 = vector.broadcast %mul3A_236 : i32 to vector<16xi32>
      %sub3A_1142 = arith.subi %add3A_1140, %sub3A_1141 : vector<16xi32>
      %jit3A = arith.constant 1605632 : i32
      %broadcast_in_dim3A_1143 = vector.broadcast %jit3A : i32 to vector<16xi32>
      %select_n3A = arith.select %and3A_1136, %sub3A_1142, %broadcast_in_dim3A_1143 : vector<16xi1>, vector<16xi32>
      %mul3A_1144 = arith.constant 32 : i32
      %mul3A_1145 = arith.muli %while3A_956, %mul3A_1144 : i32
      %add3A_1146 = arith.constant 0 : i32
      %add3A_1147 = arith.addi %mul3A_1145, %add3A_1146 : i32
      %div3A_1148 = arith.constant 1024 : i32
      %div3A_1149 = arith.divsi %add3A_1147, %div3A_1148 : i32
      %rem3A = arith.constant 1024 : i32
      %rem3A_1150 = arith.remsi %add3A_1147, %rem3A : i32
      %div3A_1151 = arith.constant 128 : i32
      %div3A_1152 = arith.divsi %rem3A_1150, %div3A_1151 : i32
      %rem3A_1153 = arith.constant 128 : i32
      %rem3A_1154 = arith.remsi %add3A_1147, %rem3A_1153 : i32
      %swap3A_1155 = arith.index_cast %div3A_1149 : i32 to index
      %swap3A_1156 = arith.index_cast %div3A_1152 : i32 to index
      %swap3A_1157 = arith.index_cast %rem3A_1154 : i32 to index
      %swap3A_1158 = tpu.vector_load %arg7[%swap3A_1155, %swap3A_1156, %swap3A_1157] {strides = array<i32>} : memref<4x8x128xi32, #tpu.memory_space<vmem>>, vector<1x1x16xi32>,
      %swap3A_1159 = vector.shape_cast %swap3A_1158 : vector<1x1x16xi32> to vector<16xi32>
      %swap3A_1160 = vector.shape_cast %select_n3A : vector<16xi32> to vector<1x1x16xi32>
      tpu.vector_store %arg7[%swap3A_1155, %swap3A_1156, %swap3A_1157], %swap3A_1160 {strides = array<i32>} : memref<4x8x128xi32, #tpu.memory_space<vmem>>, vector<1x1x16xi32>,
      %get3A_1161 = arith.index_cast %while3A_956 : i32 to index
      %get3A_1162 = arith.constant 16 : index
      %get3A_1163 = tpu.vector_load %arg6[%get3A_1161, %get3A_1162] {strides = array<i32>} : memref<128x48xi32, #tpu.memory_space<vmem>>, vector<1x16xi32>,
      %get3A_1164 = vector.shape_cast %get3A_1163 : vector<1x16xi32> to vector<16xi32>
      %ge3A_1165 = vector.broadcast %mul3A_236 : i32 to vector<16xi32>
      %ge3A_1166 = arith.cmpi sge, %get3A_1164, %ge3A_1165 : vector<16xi32>
      %add3A_1167 = arith.constant 100352 : i32
      %add3A_1168 = arith.addi %mul3A_236, %add3A_1167 : i32
      %lt3A_1169 = vector.broadcast %add3A_1168 : i32 to vector<16xi32>
      %lt3A_1170 = arith.cmpi slt, %get3A_1164, %lt3A_1169 : vector<16xi32>
      %and3A_1171 = arith.andi %ge3A_1166, %lt3A_1170 : vector<16xi1>
      %add3A_1172 = arith.constant 16 : i32
      %add3A_1173 = vector.broadcast %add3A_1172 : i32 to vector<16xi32>
      %add3A_1174 = arith.addi %add3A_1173, %iota3A : vector<16xi32>
      %lt3A_1175 = vector.broadcast %min3A_1121 : i32 to vector<16xi32>
      %lt3A_1176 = arith.cmpi slt, %add3A_1174, %lt3A_1175 : vector<16xi32>
      %and3A_1177 = arith.andi %and3A_1171, %lt3A_1176 : vector<16xi1>
      %mul3A_1178 = arith.constant 100352 : i32
      %mul3A_1179 = arith.muli %add3A_1003, %mul3A_1178 : i32
      %add3A_1180 = vector.broadcast %mul3A_1179 : i32 to vector<16xi32>
      %add3A_1181 = arith.addi %add3A_1180, %get3A_1164 : vector<16xi32>
      %sub3A_1182 = vector.broadcast %mul3A_236 : i32 to vector<16xi32>
      %sub3A_1183 = arith.subi %add3A_1181, %sub3A_1182 : vector<16xi32>
      %jit3A_1184 = arith.constant 1605632 : i32
      %broadcast_in_dim3A_1185 = vector.broadcast %jit3A_1184 : i32 to vector<16xi32>
      %select_n3A_1186 = arith.select %and3A_1177, %sub3A_1183, %broadcast_in_dim3A_1185 : vector<16xi1>, vector<16xi32>
      %mul3A_1187 = arith.constant 32 : i32
      %mul3A_1188 = arith.muli %while3A_956, %mul3A_1187 : i32
      %add3A_1189 = arith.constant 16 : i32
      %add3A_1190 = arith.addi %mul3A_1188, %add3A_1189 : i32
      %div3A_1191 = arith.constant 1024 : i32
      %div3A_1192 = arith.divsi %add3A_1190, %div3A_1191 : i32
      %rem3A_1193 = arith.constant 1024 : i32
      %rem3A_1194 = arith.remsi %add3A_1190, %rem3A_1193 : i32
      %div3A_1195 = arith.constant 128 : i32
      %div3A_1196 = arith.divsi %rem3A_1194, %div3A_1195 : i32
      %rem3A_1197 = arith.constant 128 : i32
      %rem3A_1198 = arith.remsi %add3A_1190, %rem3A_1197 : i32
      %swap3A_1199 = arith.index_cast %div3A_1192 : i32 to index
      %swap3A_1200 = arith.index_cast %div3A_1196 : i32 to index
      %swap3A_1201 = arith.index_cast %rem3A_1198 : i32 to index
      %swap3A_1202 = tpu.vector_load %arg7[%swap3A_1199, %swap3A_1200, %swap3A_1201] {strides = array<i32>} : memref<4x8x128xi32, #tpu.memory_space<vmem>>, vector<1x1x16xi32>,
      %swap3A_1203 = vector.shape_cast %swap3A_1202 : vector<1x1x16xi32> to vector<16xi32>
      %swap3A_1204 = vector.shape_cast %select_n3A_1186 : vector<16xi32> to vector<1x1x16xi32>
      tpu.vector_store %arg7[%swap3A_1199, %swap3A_1200, %swap3A_1201], %swap3A_1204 {strides = array<i32>} : memref<4x8x128xi32, #tpu.memory_space<vmem>>, vector<1x1x16xi32>,
    }
    %while3A_464 = arith.constant 1 : i32
    scf.for %while3A_956 = %while3A_462 to %while3A_458 step %while3A_464  : i32 {
      %mul3A_957 = arith.constant 16 : i32
      %mul3A_958 = arith.muli %mul3A_957, %while3A_956 : i32
      %add3A_959 = arith.addi %arg1, %mul3A_958 : i32
      %ge3A = arith.cmpi sge, %add3A_959, %add3A_80 : i32
      %convert_element_type3A = arith.extui %ge3A : i1 to i32
      %add3A_960 = arith.constant 0 : i32
      %add3A_961 = arith.addi %add3A_960, %convert_element_type3A : i32
      %ge3A_962 = arith.cmpi sge, %add3A_959, %add3A_85 : i32
      %convert_element_type3A_963 = arith.extui %ge3A_962 : i1 to i32
      %add3A_964 = arith.addi %add3A_961, %convert_element_type3A_963 : i32
      %ge3A_965 = arith.cmpi sge, %add3A_959, %add3A_90 : i32
      %convert_element_type3A_966 = arith.extui %ge3A_965 : i1 to i32
      %add3A_967 = arith.addi %add3A_964, %convert_element_type3A_966 : i32
      %ge3A_968 = arith.cmpi sge, %add3A_959, %add3A_95 : i32
      %convert_element_type3A_969 = arith.extui %ge3A_968 : i1 to i32
      %add3A_970 = arith.addi %add3A_967, %convert_element_type3A_969 : i32
      %ge3A_971 = arith.cmpi sge, %add3A_959, %add3A_100 : i32
      %convert_element_type3A_972 = arith.extui %ge3A_971 : i1 to i32
      %add3A_973 = arith.addi %add3A_970, %convert_element_type3A_972 : i32
      %ge3A_974 = arith.cmpi sge, %add3A_959, %add3A_105 : i32
      %convert_element_type3A_975 = arith.extui %ge3A_974 : i1 to i32
      %add3A_976 = arith.addi %add3A_973, %convert_element_type3A_975 : i32
      %ge3A_977 = arith.cmpi sge, %add3A_959, %add3A_110 : i32
      %convert_element_type3A_978 = arith.extui %ge3A_977 : i1 to i32
      %add3A_979 = arith.addi %add3A_976, %convert_element_type3A_978 : i32
      %ge3A_980 = arith.cmpi sge, %add3A_959, %add3A_115 : i32
      %convert_element_type3A_981 = arith.extui %ge3A_980 : i1 to i32
      %add3A_982 = arith.addi %add3A_979, %convert_element_type3A_981 : i32
      %ge3A_983 = arith.cmpi sge, %add3A_959, %add3A_120 : i32
      %convert_element_type3A_984 = arith.extui %ge3A_983 : i1 to i32
      %add3A_985 = arith.addi %add3A_982, %convert_element_type3A_984 : i32
      %ge3A_986 = arith.cmpi sge, %add3A_959, %add3A_125 : i32
      %convert_element_type3A_987 = arith.extui %ge3A_986 : i1 to i32
      %add3A_988 = arith.addi %add3A_985, %convert_element_type3A_987 : i32
      %ge3A_989 = arith.cmpi sge, %add3A_959, %add3A_130 : i32
      %convert_element_type3A_990 = arith.extui %ge3A_989 : i1 to i32
      %add3A_991 = arith.addi %add3A_988, %convert_element_type3A_990 : i32
      %ge3A_992 = arith.cmpi sge, %add3A_959, %add3A_135 : i32
      %convert_element_type3A_993 = arith.extui %ge3A_992 : i1 to i32
      %add3A_994 = arith.addi %add3A_991, %convert_element_type3A_993 : i32
      %ge3A_995 = arith.cmpi sge, %add3A_959, %add3A_140 : i32
      %convert_element_type3A_996 = arith.extui %ge3A_995 : i1 to i32
      %add3A_997 = arith.addi %add3A_994, %convert_element_type3A_996 : i32
      %ge3A_998 = arith.cmpi sge, %add3A_959, %add3A_145 : i32
      %convert_element_type3A_999 = arith.extui %ge3A_998 : i1 to i32
      %add3A_1000 = arith.addi %add3A_997, %convert_element_type3A_999 : i32
      %ge3A_1001 = arith.cmpi sge, %add3A_959, %add3A_150 : i32
      %convert_element_type3A_1002 = arith.extui %ge3A_1001 : i1 to i32
      %add3A_1003 = arith.addi %add3A_1000, %convert_element_type3A_1002 : i32
      %eq3A = arith.constant 0 : i32
      %eq3A_1004 = arith.cmpi eq, %add3A_1003, %eq3A : i32
      %convert_element_type3A_1005 = arith.extui %eq3A_1004 : i1 to i32
      %mul3A_1006 = arith.muli %convert_element_type3A_1005, %while3A_455 : i32
      %add3A_1007 = arith.constant 0 : i32
      %add3A_1008 = arith.addi %add3A_1007, %mul3A_1006 : i32
      %mul3A_1009 = arith.muli %convert_element_type3A_1005, %squeeze3A : i32
      %add3A_1010 = arith.constant 0 : i32
      %add3A_1011 = arith.addi %add3A_1010, %mul3A_1009 : i32
      %eq3A_1012 = arith.constant 1 : i32
      %eq3A_1013 = arith.cmpi eq, %add3A_1003, %eq3A_1012 : i32
      %convert_element_type3A_1014 = arith.extui %eq3A_1013 : i1 to i32
      %mul3A_1015 = arith.muli %convert_element_type3A_1014, %add3A_80 : i32
      %add3A_1016 = arith.addi %add3A_1008, %mul3A_1015 : i32
      %mul3A_1017 = arith.muli %convert_element_type3A_1014, %squeeze3A_6 : i32
      %add3A_1018 = arith.addi %add3A_1011, %mul3A_1017 : i32
      %eq3A_1019 = arith.constant 2 : i32
      %eq3A_1020 = arith.cmpi eq, %add3A_1003, %eq3A_1019 : i32
      %convert_element_type3A_1021 = arith.extui %eq3A_1020 : i1 to i32
      %mul3A_1022 = arith.muli %convert_element_type3A_1021, %add3A_85 : i32
      %add3A_1023 = arith.addi %add3A_1016, %mul3A_1022 : i32
      %mul3A_1024 = arith.muli %convert_element_type3A_1021, %squeeze3A_11 : i32
      %add3A_1025 = arith.addi %add3A_1018, %mul3A_1024 : i32
      %eq3A_1026 = arith.constant 3 : i32
      %eq3A_1027 = arith.cmpi eq, %add3A_1003, %eq3A_1026 : i32
      %convert_element_type3A_1028 = arith.extui %eq3A_1027 : i1 to i32
      %mul3A_1029 = arith.muli %convert_element_type3A_1028, %add3A_90 : i32
      %add3A_1030 = arith.addi %add3A_1023, %mul3A_1029 : i32
      %mul3A_1031 = arith.muli %convert_element_type3A_1028, %squeeze3A_16 : i32
      %add3A_1032 = arith.addi %add3A_1025, %mul3A_1031 : i32
      %eq3A_1033 = arith.constant 4 : i32
      %eq3A_1034 = arith.cmpi eq, %add3A_1003, %eq3A_1033 : i32
      %convert_element_type3A_1035 = arith.extui %eq3A_1034 : i1 to i32
      %mul3A_1036 = arith.muli %convert_element_type3A_1035, %add3A_95 : i32
      %add3A_1037 = arith.addi %add3A_1030, %mul3A_1036 : i32
      %mul3A_1038 = arith.muli %convert_element_type3A_1035, %squeeze3A_21 : i32
      %add3A_1039 = arith.addi %add3A_1032, %mul3A_1038 : i32
      %eq3A_1040 = arith.constant 5 : i32
      %eq3A_1041 = arith.cmpi eq, %add3A_1003, %eq3A_1040 : i32
      %convert_element_type3A_1042 = arith.extui %eq3A_1041 : i1 to i32
      %mul3A_1043 = arith.muli %convert_element_type3A_1042, %add3A_100 : i32
      %add3A_1044 = arith.addi %add3A_1037, %mul3A_1043 : i32
      %mul3A_1045 = arith.muli %convert_element_type3A_1042, %squeeze3A_26 : i32
      %add3A_1046 = arith.addi %add3A_1039, %mul3A_1045 : i32
      %eq3A_1047 = arith.constant 6 : i32
      %eq3A_1048 = arith.cmpi eq, %add3A_1003, %eq3A_1047 : i32
      %convert_element_type3A_1049 = arith.extui %eq3A_1048 : i1 to i32
      %mul3A_1050 = arith.muli %convert_element_type3A_1049, %add3A_105 : i32
      %add3A_1051 = arith.addi %add3A_1044, %mul3A_1050 : i32
      %mul3A_1052 = arith.muli %convert_element_type3A_1049, %squeeze3A_31 : i32
      %add3A_1053 = arith.addi %add3A_1046, %mul3A_1052 : i32
      %eq3A_1054 = arith.constant 7 : i32
      %eq3A_1055 = arith.cmpi eq, %add3A_1003, %eq3A_1054 : i32
      %convert_element_type3A_1056 = arith.extui %eq3A_1055 : i1 to i32
      %mul3A_1057 = arith.muli %convert_element_type3A_1056, %add3A_110 : i32
      %add3A_1058 = arith.addi %add3A_1051, %mul3A_1057 : i32
      %mul3A_1059 = arith.muli %convert_element_type3A_1056, %squeeze3A_36 : i32
      %add3A_1060 = arith.addi %add3A_1053, %mul3A_1059 : i32
      %eq3A_1061 = arith.constant 8 : i32
      %eq3A_1062 = arith.cmpi eq, %add3A_1003, %eq3A_1061 : i32
      %convert_element_type3A_1063 = arith.extui %eq3A_1062 : i1 to i32
      %mul3A_1064 = arith.muli %convert_element_type3A_1063, %add3A_115 : i32
      %add3A_1065 = arith.addi %add3A_1058, %mul3A_1064 : i32
      %mul3A_1066 = arith.muli %convert_element_type3A_1063, %squeeze3A_41 : i32
      %add3A_1067 = arith.addi %add3A_1060, %mul3A_1066 : i32
      %eq3A_1068 = arith.constant 9 : i32
      %eq3A_1069 = arith.cmpi eq, %add3A_1003, %eq3A_1068 : i32
      %convert_element_type3A_1070 = arith.extui %eq3A_1069 : i1 to i32
      %mul3A_1071 = arith.muli %convert_element_type3A_1070, %add3A_120 : i32
      %add3A_1072 = arith.addi %add3A_1065, %mul3A_1071 : i32
      %mul3A_1073 = arith.muli %convert_element_type3A_1070, %squeeze3A_46 : i32
      %add3A_1074 = arith.addi %add3A_1067, %mul3A_1073 : i32
      %eq3A_1075 = arith.constant 10 : i32
      %eq3A_1076 = arith.cmpi eq, %add3A_1003, %eq3A_1075 : i32
      %convert_element_type3A_1077 = arith.extui %eq3A_1076 : i1 to i32
      %mul3A_1078 = arith.muli %convert_element_type3A_1077, %add3A_125 : i32
      %add3A_1079 = arith.addi %add3A_1072, %mul3A_1078 : i32
      %mul3A_1080 = arith.muli %convert_element_type3A_1077, %squeeze3A_51 : i32
      %add3A_1081 = arith.addi %add3A_1074, %mul3A_1080 : i32
      %eq3A_1082 = arith.constant 11 : i32
      %eq3A_1083 = arith.cmpi eq, %add3A_1003, %eq3A_1082 : i32
      %convert_element_type3A_1084 = arith.extui %eq3A_1083 : i1 to i32
      %mul3A_1085 = arith.muli %convert_element_type3A_1084, %add3A_130 : i32
      %add3A_1086 = arith.addi %add3A_1079, %mul3A_1085 : i32
      %mul3A_1087 = arith.muli %convert_element_type3A_1084, %squeeze3A_56 : i32
      %add3A_1088 = arith.addi %add3A_1081, %mul3A_1087 : i32
      %eq3A_1089 = arith.constant 12 : i32
      %eq3A_1090 = arith.cmpi eq, %add3A_1003, %eq3A_1089 : i32
      %convert_element_type3A_1091 = arith.extui %eq3A_1090 : i1 to i32
      %mul3A_1092 = arith.muli %convert_element_type3A_1091, %add3A_135 : i32
      %add3A_1093 = arith.addi %add3A_1086, %mul3A_1092 : i32
      %mul3A_1094 = arith.muli %convert_element_type3A_1091, %squeeze3A_61 : i32
      %add3A_1095 = arith.addi %add3A_1088, %mul3A_1094 : i32
      %eq3A_1096 = arith.constant 13 : i32
      %eq3A_1097 = arith.cmpi eq, %add3A_1003, %eq3A_1096 : i32
      %convert_element_type3A_1098 = arith.extui %eq3A_1097 : i1 to i32
      %mul3A_1099 = arith.muli %convert_element_type3A_1098, %add3A_140 : i32
      %add3A_1100 = arith.addi %add3A_1093, %mul3A_1099 : i32
      %mul3A_1101 = arith.muli %convert_element_type3A_1098, %squeeze3A_66 : i32
      %add3A_1102 = arith.addi %add3A_1095, %mul3A_1101 : i32
      %eq3A_1103 = arith.constant 14 : i32
      %eq3A_1104 = arith.cmpi eq, %add3A_1003, %eq3A_1103 : i32
      %convert_element_type3A_1105 = arith.extui %eq3A_1104 : i1 to i32
      %mul3A_1106 = arith.muli %convert_element_type3A_1105, %add3A_145 : i32
      %add3A_1107 = arith.addi %add3A_1100, %mul3A_1106 : i32
      %mul3A_1108 = arith.muli %convert_element_type3A_1105, %squeeze3A_71 : i32
      %add3A_1109 = arith.addi %add3A_1102, %mul3A_1108 : i32
      %eq3A_1110 = arith.constant 15 : i32
      %eq3A_1111 = arith.cmpi eq, %add3A_1003, %eq3A_1110 : i32
      %convert_element_type3A_1112 = arith.extui %eq3A_1111 : i1 to i32
      %mul3A_1113 = arith.muli %convert_element_type3A_1112, %add3A_150 : i32
      %add3A_1114 = arith.addi %add3A_1107, %mul3A_1113 : i32
      %mul3A_1115 = arith.muli %convert_element_type3A_1112, %squeeze3A_76 : i32
      %add3A_1116 = arith.addi %add3A_1109, %mul3A_1115 : i32
      %sub3A_1117 = arith.subi %add3A_959, %add3A_1114 : i32
      %mul3A_1118 = arith.constant 32 : i32
      %mul3A_1119 = arith.muli %sub3A_1117, %mul3A_1118 : i32
      %sub3A_1120 = arith.subi %add3A_1116, %mul3A_1119 : i32
      %min3A = arith.constant 32 : i32
      %min3A_1121 = arith.minsi %sub3A_1120, %min3A : i32
      %get3A_1122 = arith.index_cast %while3A_956 : i32 to index
      %get3A_1123 = arith.constant 0 : index
      %get3A_1124 = tpu.vector_load %arg6[%get3A_1122, %get3A_1123] {strides = array<i32>} : memref<128x48xi32, #tpu.memory_space<vmem>>, vector<1x16xi32>,
      %get3A_1125 = vector.shape_cast %get3A_1124 : vector<1x16xi32> to vector<16xi32>
      %ge3A_1126 = vector.broadcast %mul3A_236 : i32 to vector<16xi32>
      %ge3A_1127 = arith.cmpi sge, %get3A_1125, %ge3A_1126 : vector<16xi32>
      %add3A_1128 = arith.constant 100352 : i32
      %add3A_1129 = arith.addi %mul3A_236, %add3A_1128 : i32
      %lt3A = vector.broadcast %add3A_1129 : i32 to vector<16xi32>
      %lt3A_1130 = arith.cmpi slt, %get3A_1125, %lt3A : vector<16xi32>
      %and3A = arith.andi %ge3A_1127, %lt3A_1130 : vector<16xi1>
      %add3A_1131 = arith.constant 0 : i32
      %add3A_1132 = vector.broadcast %add3A_1131 : i32 to vector<16xi32>
      %add3A_1133 = arith.addi %add3A_1132, %iota3A : vector<16xi32>
      %lt3A_1134 = vector.broadcast %min3A_1121 : i32 to vector<16xi32>
      %lt3A_1135 = arith.cmpi slt, %add3A_1133, %lt3A_1134 : vector<16xi32>
      %and3A_1136 = arith.andi %and3A, %lt3A_1135 : vector<16xi1>
      %mul3A_1137 = arith.constant 100352 : i32
      %mul3A_1138 = arith.muli %add3A_1003, %mul3A_1137 : i32
      %add3A_1139 = vector.broadcast %mul3A_1138 : i32 to vector<16xi32>
      %add3A_1140 = arith.addi %add3A_1139, %get3A_1125 : vector<16xi32>
      %sub3A_1141 = vector.broadcast %mul3A_236 : i32 to vector<16xi32>
      %sub3A_1142 = arith.subi %add3A_1140, %sub3A_1141 : vector<16xi32>
      %jit3A = arith.constant 1605632 : i32
      %broadcast_in_dim3A_1143 = vector.broadcast %jit3A : i32 to vector<16xi32>
      %select_n3A = arith.select %and3A_1136, %sub3A_1142, %broadcast_in_dim3A_1143 : vector<16xi1>, vector<16xi32>
      %mul3A_1144 = arith.constant 32 : i32
      %mul3A_1145 = arith.muli %while3A_956, %mul3A_1144 : i32
      %add3A_1146 = arith.constant 0 : i32
      %add3A_1147 = arith.addi %mul3A_1145, %add3A_1146 : i32
      %div3A_1148 = arith.constant 1024 : i32
      %div3A_1149 = arith.divsi %add3A_1147, %div3A_1148 : i32
      %rem3A = arith.constant 1024 : i32
      %rem3A_1150 = arith.remsi %add3A_1147, %rem3A : i32
      %div3A_1151 = arith.constant 128 : i32
      %div3A_1152 = arith.divsi %rem3A_1150, %div3A_1151 : i32
      %rem3A_1153 = arith.constant 128 : i32
      %rem3A_1154 = arith.remsi %add3A_1147, %rem3A_1153 : i32
      %swap3A_1155 = arith.index_cast %div3A_1149 : i32 to index
      %swap3A_1156 = arith.index_cast %div3A_1152 : i32 to index
      %swap3A_1157 = arith.index_cast %rem3A_1154 : i32 to index
      %swap3A_1158 = tpu.vector_load %arg7[%swap3A_1155, %swap3A_1156, %swap3A_1157] {strides = array<i32>} : memref<4x8x128xi32, #tpu.memory_space<vmem>>, vector<1x1x16xi32>,
      %swap3A_1159 = vector.shape_cast %swap3A_1158 : vector<1x1x16xi32> to vector<16xi32>
      %swap3A_1160 = vector.shape_cast %select_n3A : vector<16xi32> to vector<1x1x16xi32>
      tpu.vector_store %arg7[%swap3A_1155, %swap3A_1156, %swap3A_1157], %swap3A_1160 {strides = array<i32>} : memref<4x8x128xi32, #tpu.memory_space<vmem>>, vector<1x1x16xi32>,
      %get3A_1161 = arith.index_cast %while3A_956 : i32 to index
      %get3A_1162 = arith.constant 16 : index
      %get3A_1163 = tpu.vector_load %arg6[%get3A_1161, %get3A_1162] {strides = array<i32>} : memref<128x48xi32, #tpu.memory_space<vmem>>, vector<1x16xi32>,
      %get3A_1164 = vector.shape_cast %get3A_1163 : vector<1x16xi32> to vector<16xi32>
      %ge3A_1165 = vector.broadcast %mul3A_236 : i32 to vector<16xi32>
      %ge3A_1166 = arith.cmpi sge, %get3A_1164, %ge3A_1165 : vector<16xi32>
      %add3A_1167 = arith.constant 100352 : i32
      %add3A_1168 = arith.addi %mul3A_236, %add3A_1167 : i32
      %lt3A_1169 = vector.broadcast %add3A_1168 : i32 to vector<16xi32>
      %lt3A_1170 = arith.cmpi slt, %get3A_1164, %lt3A_1169 : vector<16xi32>
      %and3A_1171 = arith.andi %ge3A_1166, %lt3A_1170 : vector<16xi1>
      %add3A_1172 = arith.constant 16 : i32
      %add3A_1173 = vector.broadcast %add3A_1172 : i32 to vector<16xi32>
      %add3A_1174 = arith.addi %add3A_1173, %iota3A : vector<16xi32>
      %lt3A_1175 = vector.broadcast %min3A_1121 : i32 to vector<16xi32>
      %lt3A_1176 = arith.cmpi slt, %add3A_1174, %lt3A_1175 : vector<16xi32>
      %and3A_1177 = arith.andi %and3A_1171, %lt3A_1176 : vector<16xi1>
      %mul3A_1178 = arith.constant 100352 : i32
      %mul3A_1179 = arith.muli %add3A_1003, %mul3A_1178 : i32
      %add3A_1180 = vector.broadcast %mul3A_1179 : i32 to vector<16xi32>
      %add3A_1181 = arith.addi %add3A_1180, %get3A_1164 : vector<16xi32>
      %sub3A_1182 = vector.broadcast %mul3A_236 : i32 to vector<16xi32>
      %sub3A_1183 = arith.subi %add3A_1181, %sub3A_1182 : vector<16xi32>
      %jit3A_1184 = arith.constant 1605632 : i32
      %broadcast_in_dim3A_1185 = vector.broadcast %jit3A_1184 : i32 to vector<16xi32>
      %select_n3A_1186 = arith.select %and3A_1177, %sub3A_1183, %broadcast_in_dim3A_1185 : vector<16xi1>, vector<16xi32>
      %mul3A_1187 = arith.constant 32 : i32
      %mul3A_1188 = arith.muli %while3A_956, %mul3A_1187 : i32
      %add3A_1189 = arith.constant 16 : i32
      %add3A_1190 = arith.addi %mul3A_1188, %add3A_1189 : i32
      %div3A_1191 = arith.constant 1024 : i32
      %div3A_1192 = arith.divsi %add3A_1190, %div3A_1191 : i32
      %rem3A_1193 = arith.constant 1024 : i32
      %rem3A_1194 = arith.remsi %add3A_1190, %rem3A_1193 : i32
      %div3A_1195 = arith.constant 128 : i32
      %div3A_1196 = arith.divsi %rem3A_1194, %div3A_1195 : i32
      %rem3A_1197 = arith.constant 128 : i32
      %rem3A_1198 = arith.remsi %add3A_1190, %rem3A_1197 : i32
      %swap3A_1199 = arith.index_cast %div3A_1192 : i32 to index
      %swap3A_1200 = arith.index_cast %div3A_1196 : i32 to index
      %swap3A_1201 = arith.index_cast %rem3A_1198 : i32 to index
      %swap3A_1202 = tpu.vector_load %arg7[%swap3A_1199, %swap3A_1200, %swap3A_1201] {strides = array<i32>} : memref<4x8x128xi32, #tpu.memory_space<vmem>>, vector<1x1x16xi32>,
      %swap3A_1203 = vector.shape_cast %swap3A_1202 : vector<1x1x16xi32> to vector<16xi32>
      %swap3A_1204 = vector.shape_cast %select_n3A_1186 : vector<16xi32> to vector<1x1x16xi32>
      tpu.vector_store %arg7[%swap3A_1199, %swap3A_1200, %swap3A_1201], %swap3A_1204 {strides = array<i32>} : memref<4x8x128xi32, #tpu.memory_space<vmem>>, vector<1x1x16xi32>,
    }
    %mul3A_465 = arith.constant 128 : i32
    %mul3A_466 = arith.muli %div3A_242, %mul3A_465 : i32
    %sub3A_467 = arith.subi %mul3A_466, %mul3A_238 : i32
    %div3A_468 = arith.constant 16 : i32
    %div3A_469 = arith.divsi %sub3A_467, %div3A_468 : i32
    %while3A_470 = arith.constant 0 : i32
    %while3A_471 = arith.constant 0 : i32
    %while3A_472 = arith.subi %div3A_469, %while3A_471 : i32
    %while3A_473 = arith.addi %while3A_471, %while3A_472 : i32
    %while3A_474 = arith.constant 1 : i32
    %while3A_475 = arith.divsi %while3A_472, %while3A_474 : i32
    %while3A_476 = arith.muli %while3A_475, %while3A_474 : i32
    %while3A_477 = arith.addi %while3A_471, %while3A_476 : i32
    %while3A_478 = arith.constant 1 : i32
    scf.for %while3A_956 = %while3A_471 to %while3A_477 step %while3A_478  : i32 {
      %mul3A_957 = arith.constant 16 : i32
      %mul3A_958 = arith.muli %while3A_956, %mul3A_957 : i32
      %add3A_959 = arith.addi %mul3A_238, %mul3A_958 : i32
      %div3A_960 = arith.constant 1024 : i32
      %div3A_961 = arith.divsi %add3A_959, %div3A_960 : i32
      %rem3A = arith.constant 1024 : i32
      %rem3A_962 = arith.remsi %add3A_959, %rem3A : i32
      %div3A_963 = arith.constant 128 : i32
      %div3A_964 = arith.divsi %rem3A_962, %div3A_963 : i32
      %rem3A_965 = arith.constant 128 : i32
      %rem3A_966 = arith.remsi %add3A_959, %rem3A_965 : i32
      %swap3A_967 = arith.index_cast %div3A_961 : i32 to index
      %swap3A_968 = arith.index_cast %div3A_964 : i32 to index
      %swap3A_969 = arith.index_cast %rem3A_966 : i32 to index
      %swap3A_970 = tpu.vector_load %arg7[%swap3A_967, %swap3A_968, %swap3A_969] {strides = array<i32>} : memref<4x8x128xi32, #tpu.memory_space<vmem>>, vector<1x1x16xi32>,
      %swap3A_971 = vector.shape_cast %swap3A_970 : vector<1x1x16xi32> to vector<16xi32>
      %swap3A_972 = vector.shape_cast %add3A_247 : vector<16xi32> to vector<1x1x16xi32>
      tpu.vector_store %arg7[%swap3A_967, %swap3A_968, %swap3A_969], %swap3A_972 {strides = array<i32>} : memref<4x8x128xi32, #tpu.memory_space<vmem>>, vector<1x1x16xi32>,
    }
    %while3A_479 = arith.constant 1 : i32
    scf.for %while3A_956 = %while3A_477 to %while3A_473 step %while3A_479  : i32 {
      %mul3A_957 = arith.constant 16 : i32
      %mul3A_958 = arith.muli %while3A_956, %mul3A_957 : i32
      %add3A_959 = arith.addi %mul3A_238, %mul3A_958 : i32
      %div3A_960 = arith.constant 1024 : i32
      %div3A_961 = arith.divsi %add3A_959, %div3A_960 : i32
      %rem3A = arith.constant 1024 : i32
      %rem3A_962 = arith.remsi %add3A_959, %rem3A : i32
      %div3A_963 = arith.constant 128 : i32
      %div3A_964 = arith.divsi %rem3A_962, %div3A_963 : i32
      %rem3A_965 = arith.constant 128 : i32
      %rem3A_966 = arith.remsi %add3A_959, %rem3A_965 : i32
      %swap3A_967 = arith.index_cast %div3A_961 : i32 to index
      %swap3A_968 = arith.index_cast %div3A_964 : i32 to index
      %swap3A_969 = arith.index_cast %rem3A_966 : i32 to index
      %swap3A_970 = tpu.vector_load %arg7[%swap3A_967, %swap3A_968, %swap3A_969] {strides = array<i32>} : memref<4x8x128xi32, #tpu.memory_space<vmem>>, vector<1x1x16xi32>,
      %swap3A_971 = vector.shape_cast %swap3A_970 : vector<1x1x16xi32> to vector<16xi32>
      %swap3A_972 = vector.shape_cast %add3A_247 : vector<16xi32> to vector<1x1x16xi32>
      tpu.vector_store %arg7[%swap3A_967, %swap3A_968, %swap3A_969], %swap3A_972 {strides = array<i32>} : memref<4x8x128xi32, #tpu.memory_space<vmem>>, vector<1x1x16xi32>,
    }
    %barrier3A = arith.constant 0 : index
    tpu.barrier barrier_id(%barrier3A)
    %while3A_480 = arith.constant 0 : i32
    %while3A_481 = arith.constant 0 : i32
    %while3A_482 = arith.subi %div3A_242, %while3A_481 : i32
    %while3A_483 = arith.addi %while3A_481, %while3A_482 : i32
    %while3A_484 = arith.constant 1 : i32
    %while3A_485 = arith.divsi %while3A_482, %while3A_484 : i32
    %while3A_486 = arith.muli %while3A_485, %while3A_484 : i32
    %while3A_487 = arith.addi %while3A_481, %while3A_486 : i32
    %while3A_488 = arith.constant 1 : i32
    scf.for %while3A_956 = %while3A_481 to %while3A_487 step %while3A_488  : i32 {
      %div3A_957 = arith.constant 8 : i32
      %div3A_958 = arith.divsi %while3A_956, %div3A_957 : i32
      %rem3A = arith.constant 8 : i32
      %rem3A_959 = arith.remsi %while3A_956, %rem3A : i32
      %dma_start3A_960 = arith.constant 0 : i32
      %dma_start3A_961 = tpu.memref_slice %arg8[%dma_start3A_960] : memref<128xf32, #tpu.memory_space<vmem>> -> memref<128xf32, #tpu.memory_space<vmem>>
      %dma_start3A_962 = arith.constant 0 : i32
      %dma_start3A_963 = tpu.memref_slice %arg7[%div3A_958, %rem3A_959, %dma_start3A_962] : memref<4x8x128xi32, #tpu.memory_space<vmem>> -> memref<1x1x128xi32, #tpu.memory_space<vmem>>
      %dma_start3A_964 = tpu.memref_squeeze %dma_start3A_963 : memref<1x1x128xi32, #tpu.memory_space<vmem>> -> memref<128xi32, #tpu.memory_space<vmem>>
      %dma_start3A_965 = arith.constant 0 : i32
      %dma_start3A_966 = tpu.memref_slice %arg10[%dma_start3A_965] : memref<1605648xf32, #tpu.memory_space<vmem_shared>> -> memref<1605648xf32, #tpu.memory_space<vmem_shared>>
      tpu.enqueue_indirect_dma source(%dma_start3A_961 : memref<128xf32, #tpu.memory_space<vmem>>) target(%dma_start3A_966 : memref<1605648xf32, #tpu.memory_space<vmem_shared>>) offsets(%dma_start3A_964 : memref<128xi32, #tpu.memory_space<vmem>>) semaphore(%arg12 : memref<!tpu.dma_semaphore, #tpu.memory_space<semaphore_mem>>) {add = true}
    }
    %while3A_489 = arith.constant 1 : i32
    scf.for %while3A_956 = %while3A_487 to %while3A_483 step %while3A_489  : i32 {
      %div3A_957 = arith.constant 8 : i32
      %div3A_958 = arith.divsi %while3A_956, %div3A_957 : i32
      %rem3A = arith.constant 8 : i32
      %rem3A_959 = arith.remsi %while3A_956, %rem3A : i32
      %dma_start3A_960 = arith.constant 0 : i32
      %dma_start3A_961 = tpu.memref_slice %arg8[%dma_start3A_960] : memref<128xf32, #tpu.memory_space<vmem>> -> memref<128xf32, #tpu.memory_space<vmem>>
      %dma_start3A_962 = arith.constant 0 : i32
      %dma_start3A_963 = tpu.memref_slice %arg7[%div3A_958, %rem3A_959, %dma_start3A_962] : memref<4x8x128xi32, #tpu.memory_space<vmem>> -> memref<1x1x128xi32, #tpu.memory_space<vmem>>
      %dma_start3A_964 = tpu.memref_squeeze %dma_start3A_963 : memref<1x1x128xi32, #tpu.memory_space<vmem>> -> memref<128xi32, #tpu.memory_space<vmem>>
      %dma_start3A_965 = arith.constant 0 : i32
      %dma_start3A_966 = tpu.memref_slice %arg10[%dma_start3A_965] : memref<1605648xf32, #tpu.memory_space<vmem_shared>> -> memref<1605648xf32, #tpu.memory_space<vmem_shared>>
      tpu.enqueue_indirect_dma source(%dma_start3A_961 : memref<128xf32, #tpu.memory_space<vmem>>) target(%dma_start3A_966 : memref<1605648xf32, #tpu.memory_space<vmem_shared>>) offsets(%dma_start3A_964 : memref<128xi32, #tpu.memory_space<vmem>>) semaphore(%arg12 : memref<!tpu.dma_semaphore, #tpu.memory_space<semaphore_mem>>) {add = true}
    }
    %while3A_490 = arith.constant 0 : i32
    %while3A_491 = arith.constant 0 : i32
    %while3A_492 = arith.subi %div3A_242, %while3A_491 : i32
    %while3A_493 = arith.addi %while3A_491, %while3A_492 : i32
    %while3A_494 = arith.constant 1 : i32
    %while3A_495 = arith.divsi %while3A_492, %while3A_494 : i32
    %while3A_496 = arith.muli %while3A_495, %while3A_494 : i32
    %while3A_497 = arith.addi %while3A_491, %while3A_496 : i32
    %while3A_498 = arith.constant 1 : i32
    scf.for %while3A_956 = %while3A_491 to %while3A_497 step %while3A_498  : i32 {
      %dma_wait3A_957 = arith.constant 0 : i32
      %dma_wait3A_958 = tpu.memref_slice %arg8[%dma_wait3A_957] : memref<128xf32, #tpu.memory_space<vmem>> -> memref<128xf32, #tpu.memory_space<vmem>>
      %dma_wait3A_959 = arith.constant 0 : i32
      %dma_wait3A_960 = tpu.memref_slice %arg10[%dma_wait3A_959] : memref<1605648xf32, #tpu.memory_space<vmem_shared>> -> memref<128xf32, #tpu.memory_space<vmem_shared>>
      %dma_wait3A_961 = arith.constant 0 : i32
      %dma_wait3A_962 = tpu.memref_slice %arg10[%dma_wait3A_961] : memref<1605648xf32, #tpu.memory_space<vmem_shared>> -> memref<128xf32, #tpu.memory_space<vmem_shared>>
      %dma_wait3A_963 = arith.constant 0 : i32
      %dma_wait3A_964 = tpu.memref_slice %arg8[%dma_wait3A_963] : memref<128xf32, #tpu.memory_space<vmem>> -> memref<128xf32, #tpu.memory_space<vmem>>
      tpu.wait_dma2 semaphore(%arg12 : memref<!tpu.dma_semaphore, #tpu.memory_space<semaphore_mem>>) src(%dma_wait3A_964 : memref<128xf32, #tpu.memory_space<vmem>>) dst(%dma_wait3A_962 : memref<128xf32, #tpu.memory_space<vmem_shared>>)
    }
    %while3A_499 = arith.constant 1 : i32
    scf.for %while3A_956 = %while3A_497 to %while3A_493 step %while3A_499  : i32 {
      %dma_wait3A_957 = arith.constant 0 : i32
      %dma_wait3A_958 = tpu.memref_slice %arg8[%dma_wait3A_957] : memref<128xf32, #tpu.memory_space<vmem>> -> memref<128xf32, #tpu.memory_space<vmem>>
      %dma_wait3A_959 = arith.constant 0 : i32
      %dma_wait3A_960 = tpu.memref_slice %arg10[%dma_wait3A_959] : memref<1605648xf32, #tpu.memory_space<vmem_shared>> -> memref<128xf32, #tpu.memory_space<vmem_shared>>
      %dma_wait3A_961 = arith.constant 0 : i32
      %dma_wait3A_962 = tpu.memref_slice %arg10[%dma_wait3A_961] : memref<1605648xf32, #tpu.memory_space<vmem_shared>> -> memref<128xf32, #tpu.memory_space<vmem_shared>>
      %dma_wait3A_963 = arith.constant 0 : i32
      %dma_wait3A_964 = tpu.memref_slice %arg8[%dma_wait3A_963] : memref<128xf32, #tpu.memory_space<vmem>> -> memref<128xf32, #tpu.memory_space<vmem>>
      tpu.wait_dma2 semaphore(%arg12 : memref<!tpu.dma_semaphore, #tpu.memory_space<semaphore_mem>>) src(%dma_wait3A_964 : memref<128xf32, #tpu.memory_space<vmem>>) dst(%dma_wait3A_962 : memref<128xf32, #tpu.memory_space<vmem_shared>>)
    }
    %barrier3A_500 = arith.constant 0 : index
    tpu.barrier barrier_id(%barrier3A_500)
    %mul3A_501 = arith.constant 16 : i32
    %mul3A_502 = arith.muli %arg0, %mul3A_501 : i32
    %add3A_503 = arith.addi %mul3A_502, %arg1 : i32
    %mul3A_504 = arith.constant 100352 : i32
    %mul3A_505 = arith.muli %add3A_503, %mul3A_504 : i32
    %add3A_506 = arith.constant 0 : i32
    %add3A_507 = arith.addi %mul3A_234, %add3A_506 : i32
    "tpu.region"() ({
      %run_scoped3A = tpu.sem_alloc : memref<!tpu.dma_semaphore, #tpu.memory_space<semaphore_mem>>
      %dma_start3A_956 = arith.constant 0 : i32
      %dma_start3A_957 = tpu.memref_slice %arg9[%dma_start3A_956] : memref<8192xf32, #tpu.memory_space<vmem>> -> memref<4096xf32, #tpu.memory_space<vmem>>
      %dma_start3A_958 = tpu.memref_slice %arg10[%add3A_507] : memref<1605648xf32, #tpu.memory_space<vmem_shared>> -> memref<4096xf32, #tpu.memory_space<vmem_shared>>
      %dma_start3A_959 = arith.constant 0 : i32
      %dma_start3A_960 = tpu.memref_slice %arg9[%dma_start3A_959] : memref<8192xf32, #tpu.memory_space<vmem>> -> memref<4096xf32, #tpu.memory_space<vmem>>
      %dma_start3A_961 = tpu.memref_slice %arg10[%add3A_507] : memref<1605648xf32, #tpu.memory_space<vmem_shared>> -> memref<4096xf32, #tpu.memory_space<vmem_shared>>
      tpu.enqueue_dma source(%dma_start3A_961 : memref<4096xf32, #tpu.memory_space<vmem_shared>>) target(%dma_start3A_960 : memref<4096xf32, #tpu.memory_space<vmem>>) target_semaphore(%run_scoped3A : memref<!tpu.dma_semaphore, #tpu.memory_space<semaphore_mem>>)
      %dma_wait3A_962 = arith.constant 0 : i32
      %dma_wait3A_963 = tpu.memref_slice %arg9[%dma_wait3A_962] : memref<8192xf32, #tpu.memory_space<vmem>> -> memref<4096xf32, #tpu.memory_space<vmem>>
      %dma_wait3A_964 = tpu.memref_slice %arg10[%add3A_507] : memref<1605648xf32, #tpu.memory_space<vmem_shared>> -> memref<4096xf32, #tpu.memory_space<vmem_shared>>
      %dma_wait3A_965 = arith.constant 0 : i32
      %dma_wait3A_966 = tpu.memref_slice %arg9[%dma_wait3A_965] : memref<8192xf32, #tpu.memory_space<vmem>> -> memref<4096xf32, #tpu.memory_space<vmem>>
      %dma_wait3A_967 = tpu.memref_slice %arg10[%add3A_507] : memref<1605648xf32, #tpu.memory_space<vmem_shared>> -> memref<4096xf32, #tpu.memory_space<vmem_shared>>
      tpu.wait_dma2 semaphore(%run_scoped3A : memref<!tpu.dma_semaphore, #tpu.memory_space<semaphore_mem>>) src(%dma_wait3A_967 : memref<4096xf32, #tpu.memory_space<vmem_shared>>) dst(%dma_wait3A_966 : memref<4096xf32, #tpu.memory_space<vmem>>)
      tpu.yield
    }) : () -> ()
    %add3A_508 = arith.constant 0 : i32
    %add3A_509 = arith.addi %mul3A_505, %add3A_508 : i32
    %dma_start3A_510 = arith.constant 0 : i32
    %dma_start3A_511 = tpu.memref_slice %arg9[%dma_start3A_510] : memref<8192xf32, #tpu.memory_space<vmem>> -> memref<4096xf32, #tpu.memory_space<vmem>>
    %dma_start3A_512 = tpu.memref_slice %arg4[%add3A_509] : memref<3211264xf32, #tpu.memory_space<hbm>> -> memref<4096xf32, #tpu.memory_space<hbm>>
    %dma_start3A_513 = tpu.memref_slice %arg4[%add3A_509] : memref<3211264xf32, #tpu.memory_space<hbm>> -> memref<4096xf32, #tpu.memory_space<hbm>>
    %dma_start3A_514 = arith.constant 0 : i32
    %dma_start3A_515 = tpu.memref_slice %arg9[%dma_start3A_514] : memref<8192xf32, #tpu.memory_space<vmem>> -> memref<4096xf32, #tpu.memory_space<vmem>>
    tpu.enqueue_dma source(%dma_start3A_515 : memref<4096xf32, #tpu.memory_space<vmem>>) target(%dma_start3A_513 : memref<4096xf32, #tpu.memory_space<hbm>>) target_semaphore(%arg12 : memref<!tpu.dma_semaphore, #tpu.memory_space<semaphore_mem>>)
    %add3A_516 = arith.constant 4096 : i32
    %add3A_517 = arith.addi %mul3A_234, %add3A_516 : i32
    "tpu.region"() ({
      %run_scoped3A = tpu.sem_alloc : memref<!tpu.dma_semaphore, #tpu.memory_space<semaphore_mem>>
      %dma_start3A_956 = arith.constant 4096 : i32
      %dma_start3A_957 = tpu.memref_slice %arg9[%dma_start3A_956] : memref<8192xf32, #tpu.memory_space<vmem>> -> memref<4096xf32, #tpu.memory_space<vmem>>
      %dma_start3A_958 = tpu.memref_slice %arg10[%add3A_517] : memref<1605648xf32, #tpu.memory_space<vmem_shared>> -> memref<4096xf32, #tpu.memory_space<vmem_shared>>
      %dma_start3A_959 = arith.constant 4096 : i32
      %dma_start3A_960 = tpu.memref_slice %arg9[%dma_start3A_959] : memref<8192xf32, #tpu.memory_space<vmem>> -> memref<4096xf32, #tpu.memory_space<vmem>>
      %dma_start3A_961 = tpu.memref_slice %arg10[%add3A_517] : memref<1605648xf32, #tpu.memory_space<vmem_shared>> -> memref<4096xf32, #tpu.memory_space<vmem_shared>>
      tpu.enqueue_dma source(%dma_start3A_961 : memref<4096xf32, #tpu.memory_space<vmem_shared>>) target(%dma_start3A_960 : memref<4096xf32, #tpu.memory_space<vmem>>) target_semaphore(%run_scoped3A : memref<!tpu.dma_semaphore, #tpu.memory_space<semaphore_mem>>)
      %dma_wait3A_962 = arith.constant 4096 : i32
      %dma_wait3A_963 = tpu.memref_slice %arg9[%dma_wait3A_962] : memref<8192xf32, #tpu.memory_space<vmem>> -> memref<4096xf32, #tpu.memory_space<vmem>>
      %dma_wait3A_964 = tpu.memref_slice %arg10[%add3A_517] : memref<1605648xf32, #tpu.memory_space<vmem_shared>> -> memref<4096xf32, #tpu.memory_space<vmem_shared>>
      %dma_wait3A_965 = arith.constant 4096 : i32
      %dma_wait3A_966 = tpu.memref_slice %arg9[%dma_wait3A_965] : memref<8192xf32, #tpu.memory_space<vmem>> -> memref<4096xf32, #tpu.memory_space<vmem>>
      %dma_wait3A_967 = tpu.memref_slice %arg10[%add3A_517] : memref<1605648xf32, #tpu.memory_space<vmem_shared>> -> memref<4096xf32, #tpu.memory_space<vmem_shared>>
      tpu.wait_dma2 semaphore(%run_scoped3A : memref<!tpu.dma_semaphore, #tpu.memory_space<semaphore_mem>>) src(%dma_wait3A_967 : memref<4096xf32, #tpu.memory_space<vmem_shared>>) dst(%dma_wait3A_966 : memref<4096xf32, #tpu.memory_space<vmem>>)
      tpu.yield
    }) : () -> ()
    %add3A_518 = arith.constant 4096 : i32
    %add3A_519 = arith.addi %mul3A_505, %add3A_518 : i32
    %dma_start3A_520 = arith.constant 4096 : i32
    %dma_start3A_521 = tpu.memref_slice %arg9[%dma_start3A_520] : memref<8192xf32, #tpu.memory_space<vmem>> -> memref<4096xf32, #tpu.memory_space<vmem>>
    %dma_start3A_522 = tpu.memref_slice %arg4[%add3A_519] : memref<3211264xf32, #tpu.memory_space<hbm>> -> memref<4096xf32, #tpu.memory_space<hbm>>
    %dma_start3A_523 = tpu.memref_slice %arg4[%add3A_519] : memref<3211264xf32, #tpu.memory_space<hbm>> -> memref<4096xf32, #tpu.memory_space<hbm>>
    %dma_start3A_524 = arith.constant 4096 : i32
    %dma_start3A_525 = tpu.memref_slice %arg9[%dma_start3A_524] : memref<8192xf32, #tpu.memory_space<vmem>> -> memref<4096xf32, #tpu.memory_space<vmem>>
    tpu.enqueue_dma source(%dma_start3A_525 : memref<4096xf32, #tpu.memory_space<vmem>>) target(%dma_start3A_523 : memref<4096xf32, #tpu.memory_space<hbm>>) target_semaphore(%arg12 : memref<!tpu.dma_semaphore, #tpu.memory_space<semaphore_mem>>)
    %dma_wait3A_526 = arith.constant 0 : i32
    %dma_wait3A_527 = tpu.memref_slice %arg9[%dma_wait3A_526] : memref<8192xf32, #tpu.memory_space<vmem>> -> memref<4096xf32, #tpu.memory_space<vmem>>
    %dma_wait3A_528 = arith.constant 0 : i32
    %dma_wait3A_529 = tpu.memref_slice %arg4[%dma_wait3A_528] : memref<3211264xf32, #tpu.memory_space<hbm>> -> memref<4096xf32, #tpu.memory_space<hbm>>
    %dma_wait3A_530 = arith.constant 0 : i32
    %dma_wait3A_531 = tpu.memref_slice %arg4[%dma_wait3A_530] : memref<3211264xf32, #tpu.memory_space<hbm>> -> memref<4096xf32, #tpu.memory_space<hbm>>
    %dma_wait3A_532 = arith.constant 0 : i32
    %dma_wait3A_533 = tpu.memref_slice %arg9[%dma_wait3A_532] : memref<8192xf32, #tpu.memory_space<vmem>> -> memref<4096xf32, #tpu.memory_space<vmem>>
    tpu.wait_dma2 semaphore(%arg12 : memref<!tpu.dma_semaphore, #tpu.memory_space<semaphore_mem>>) src(%dma_wait3A_533 : memref<4096xf32, #tpu.memory_space<vmem>>) dst(%dma_wait3A_531 : memref<4096xf32, #tpu.memory_space<hbm>>)
    %add3A_534 = arith.constant 8192 : i32
    %add3A_535 = arith.addi %mul3A_234, %add3A_534 : i32
    "tpu.region"() ({
      %run_scoped3A = tpu.sem_alloc : memref<!tpu.dma_semaphore, #tpu.memory_space<semaphore_mem>>
      %dma_start3A_956 = arith.constant 0 : i32
      %dma_start3A_957 = tpu.memref_slice %arg9[%dma_start3A_956] : memref<8192xf32, #tpu.memory_space<vmem>> -> memref<4096xf32, #tpu.memory_space<vmem>>
      %dma_start3A_958 = tpu.memref_slice %arg10[%add3A_535] : memref<1605648xf32, #tpu.memory_space<vmem_shared>> -> memref<4096xf32, #tpu.memory_space<vmem_shared>>
      %dma_start3A_959 = arith.constant 0 : i32
      %dma_start3A_960 = tpu.memref_slice %arg9[%dma_start3A_959] : memref<8192xf32, #tpu.memory_space<vmem>> -> memref<4096xf32, #tpu.memory_space<vmem>>
      %dma_start3A_961 = tpu.memref_slice %arg10[%add3A_535] : memref<1605648xf32, #tpu.memory_space<vmem_shared>> -> memref<4096xf32, #tpu.memory_space<vmem_shared>>
      tpu.enqueue_dma source(%dma_start3A_961 : memref<4096xf32, #tpu.memory_space<vmem_shared>>) target(%dma_start3A_960 : memref<4096xf32, #tpu.memory_space<vmem>>) target_semaphore(%run_scoped3A : memref<!tpu.dma_semaphore, #tpu.memory_space<semaphore_mem>>)
      %dma_wait3A_962 = arith.constant 0 : i32
      %dma_wait3A_963 = tpu.memref_slice %arg9[%dma_wait3A_962] : memref<8192xf32, #tpu.memory_space<vmem>> -> memref<4096xf32, #tpu.memory_space<vmem>>
      %dma_wait3A_964 = tpu.memref_slice %arg10[%add3A_535] : memref<1605648xf32, #tpu.memory_space<vmem_shared>> -> memref<4096xf32, #tpu.memory_space<vmem_shared>>
      %dma_wait3A_965 = arith.constant 0 : i32
      %dma_wait3A_966 = tpu.memref_slice %arg9[%dma_wait3A_965] : memref<8192xf32, #tpu.memory_space<vmem>> -> memref<4096xf32, #tpu.memory_space<vmem>>
      %dma_wait3A_967 = tpu.memref_slice %arg10[%add3A_535] : memref<1605648xf32, #tpu.memory_space<vmem_shared>> -> memref<4096xf32, #tpu.memory_space<vmem_shared>>
      tpu.wait_dma2 semaphore(%run_scoped3A : memref<!tpu.dma_semaphore, #tpu.memory_space<semaphore_mem>>) src(%dma_wait3A_967 : memref<4096xf32, #tpu.memory_space<vmem_shared>>) dst(%dma_wait3A_966 : memref<4096xf32, #tpu.memory_space<vmem>>)
      tpu.yield
    }) : () -> ()
    %add3A_536 = arith.constant 8192 : i32
    %add3A_537 = arith.addi %mul3A_505, %add3A_536 : i32
    %dma_start3A_538 = arith.constant 0 : i32
    %dma_start3A_539 = tpu.memref_slice %arg9[%dma_start3A_538] : memref<8192xf32, #tpu.memory_space<vmem>> -> memref<4096xf32, #tpu.memory_space<vmem>>
    %dma_start3A_540 = tpu.memref_slice %arg4[%add3A_537] : memref<3211264xf32, #tpu.memory_space<hbm>> -> memref<4096xf32, #tpu.memory_space<hbm>>
    %dma_start3A_541 = tpu.memref_slice %arg4[%add3A_537] : memref<3211264xf32, #tpu.memory_space<hbm>> -> memref<4096xf32, #tpu.memory_space<hbm>>
    %dma_start3A_542 = arith.constant 0 : i32
    %dma_start3A_543 = tpu.memref_slice %arg9[%dma_start3A_542] : memref<8192xf32, #tpu.memory_space<vmem>> -> memref<4096xf32, #tpu.memory_space<vmem>>
    tpu.enqueue_dma source(%dma_start3A_543 : memref<4096xf32, #tpu.memory_space<vmem>>) target(%dma_start3A_541 : memref<4096xf32, #tpu.memory_space<hbm>>) target_semaphore(%arg12 : memref<!tpu.dma_semaphore, #tpu.memory_space<semaphore_mem>>)
    %dma_wait3A_544 = arith.constant 0 : i32
    %dma_wait3A_545 = tpu.memref_slice %arg9[%dma_wait3A_544] : memref<8192xf32, #tpu.memory_space<vmem>> -> memref<4096xf32, #tpu.memory_space<vmem>>
    %dma_wait3A_546 = arith.constant 0 : i32
    %dma_wait3A_547 = tpu.memref_slice %arg4[%dma_wait3A_546] : memref<3211264xf32, #tpu.memory_space<hbm>> -> memref<4096xf32, #tpu.memory_space<hbm>>
    %dma_wait3A_548 = arith.constant 0 : i32
    %dma_wait3A_549 = tpu.memref_slice %arg4[%dma_wait3A_548] : memref<3211264xf32, #tpu.memory_space<hbm>> -> memref<4096xf32, #tpu.memory_space<hbm>>
    %dma_wait3A_550 = arith.constant 0 : i32
    %dma_wait3A_551 = tpu.memref_slice %arg9[%dma_wait3A_550] : memref<8192xf32, #tpu.memory_space<vmem>> -> memref<4096xf32, #tpu.memory_space<vmem>>
    tpu.wait_dma2 semaphore(%arg12 : memref<!tpu.dma_semaphore, #tpu.memory_space<semaphore_mem>>) src(%dma_wait3A_551 : memref<4096xf32, #tpu.memory_space<vmem>>) dst(%dma_wait3A_549 : memref<4096xf32, #tpu.memory_space<hbm>>)
    %add3A_552 = arith.constant 12288 : i32
    %add3A_553 = arith.addi %mul3A_234, %add3A_552 : i32
    "tpu.region"() ({
      %run_scoped3A = tpu.sem_alloc : memref<!tpu.dma_semaphore, #tpu.memory_space<semaphore_mem>>
      %dma_start3A_956 = arith.constant 4096 : i32
      %dma_start3A_957 = tpu.memref_slice %arg9[%dma_start3A_956] : memref<8192xf32, #tpu.memory_space<vmem>> -> memref<4096xf32, #tpu.memory_space<vmem>>
      %dma_start3A_958 = tpu.memref_slice %arg10[%add3A_553] : memref<1605648xf32, #tpu.memory_space<vmem_shared>> -> memref<4096xf32, #tpu.memory_space<vmem_shared>>
      %dma_start3A_959 = arith.constant 4096 : i32
      %dma_start3A_960 = tpu.memref_slice %arg9[%dma_start3A_959] : memref<8192xf32, #tpu.memory_space<vmem>> -> memref<4096xf32, #tpu.memory_space<vmem>>
      %dma_start3A_961 = tpu.memref_slice %arg10[%add3A_553] : memref<1605648xf32, #tpu.memory_space<vmem_shared>> -> memref<4096xf32, #tpu.memory_space<vmem_shared>>
      tpu.enqueue_dma source(%dma_start3A_961 : memref<4096xf32, #tpu.memory_space<vmem_shared>>) target(%dma_start3A_960 : memref<4096xf32, #tpu.memory_space<vmem>>) target_semaphore(%run_scoped3A : memref<!tpu.dma_semaphore, #tpu.memory_space<semaphore_mem>>)
      %dma_wait3A_962 = arith.constant 4096 : i32
      %dma_wait3A_963 = tpu.memref_slice %arg9[%dma_wait3A_962] : memref<8192xf32, #tpu.memory_space<vmem>> -> memref<4096xf32, #tpu.memory_space<vmem>>
      %dma_wait3A_964 = tpu.memref_slice %arg10[%add3A_553] : memref<1605648xf32, #tpu.memory_space<vmem_shared>> -> memref<4096xf32, #tpu.memory_space<vmem_shared>>
      %dma_wait3A_965 = arith.constant 4096 : i32
      %dma_wait3A_966 = tpu.memref_slice %arg9[%dma_wait3A_965] : memref<8192xf32, #tpu.memory_space<vmem>> -> memref<4096xf32, #tpu.memory_space<vmem>>
      %dma_wait3A_967 = tpu.memref_slice %arg10[%add3A_553] : memref<1605648xf32, #tpu.memory_space<vmem_shared>> -> memref<4096xf32, #tpu.memory_space<vmem_shared>>
      tpu.wait_dma2 semaphore(%run_scoped3A : memref<!tpu.dma_semaphore, #tpu.memory_space<semaphore_mem>>) src(%dma_wait3A_967 : memref<4096xf32, #tpu.memory_space<vmem_shared>>) dst(%dma_wait3A_966 : memref<4096xf32, #tpu.memory_space<vmem>>)
      tpu.yield
    }) : () -> ()
    %add3A_554 = arith.constant 12288 : i32
    %add3A_555 = arith.addi %mul3A_505, %add3A_554 : i32
    %dma_start3A_556 = arith.constant 4096 : i32
    %dma_start3A_557 = tpu.memref_slice %arg9[%dma_start3A_556] : memref<8192xf32, #tpu.memory_space<vmem>> -> memref<4096xf32, #tpu.memory_space<vmem>>
    %dma_start3A_558 = tpu.memref_slice %arg4[%add3A_555] : memref<3211264xf32, #tpu.memory_space<hbm>> -> memref<4096xf32, #tpu.memory_space<hbm>>
    %dma_start3A_559 = tpu.memref_slice %arg4[%add3A_555] : memref<3211264xf32, #tpu.memory_space<hbm>> -> memref<4096xf32, #tpu.memory_space<hbm>>
    %dma_start3A_560 = arith.constant 4096 : i32
    %dma_start3A_561 = tpu.memref_slice %arg9[%dma_start3A_560] : memref<8192xf32, #tpu.memory_space<vmem>> -> memref<4096xf32, #tpu.memory_space<vmem>>
    tpu.enqueue_dma source(%dma_start3A_561 : memref<4096xf32, #tpu.memory_space<vmem>>) target(%dma_start3A_559 : memref<4096xf32, #tpu.memory_space<hbm>>) target_semaphore(%arg12 : memref<!tpu.dma_semaphore, #tpu.memory_space<semaphore_mem>>)
    %dma_wait3A_562 = arith.constant 0 : i32
    %dma_wait3A_563 = tpu.memref_slice %arg9[%dma_wait3A_562] : memref<8192xf32, #tpu.memory_space<vmem>> -> memref<4096xf32, #tpu.memory_space<vmem>>
    %dma_wait3A_564 = arith.constant 0 : i32
    %dma_wait3A_565 = tpu.memref_slice %arg4[%dma_wait3A_564] : memref<3211264xf32, #tpu.memory_space<hbm>> -> memref<4096xf32, #tpu.memory_space<hbm>>
    %dma_wait3A_566 = arith.constant 0 : i32
    %dma_wait3A_567 = tpu.memref_slice %arg4[%dma_wait3A_566] : memref<3211264xf32, #tpu.memory_space<hbm>> -> memref<4096xf32, #tpu.memory_space<hbm>>
    %dma_wait3A_568 = arith.constant 0 : i32
    %dma_wait3A_569 = tpu.memref_slice %arg9[%dma_wait3A_568] : memref<8192xf32, #tpu.memory_space<vmem>> -> memref<4096xf32, #tpu.memory_space<vmem>>
    tpu.wait_dma2 semaphore(%arg12 : memref<!tpu.dma_semaphore, #tpu.memory_space<semaphore_mem>>) src(%dma_wait3A_569 : memref<4096xf32, #tpu.memory_space<vmem>>) dst(%dma_wait3A_567 : memref<4096xf32, #tpu.memory_space<hbm>>)
    %add3A_570 = arith.constant 16384 : i32
    %add3A_571 = arith.addi %mul3A_234, %add3A_570 : i32
    "tpu.region"() ({
      %run_scoped3A = tpu.sem_alloc : memref<!tpu.dma_semaphore, #tpu.memory_space<semaphore_mem>>
      %dma_start3A_956 = arith.constant 0 : i32
      %dma_start3A_957 = tpu.memref_slice %arg9[%dma_start3A_956] : memref<8192xf32, #tpu.memory_space<vmem>> -> memref<4096xf32, #tpu.memory_space<vmem>>
      %dma_start3A_958 = tpu.memref_slice %arg10[%add3A_571] : memref<1605648xf32, #tpu.memory_space<vmem_shared>> -> memref<4096xf32, #tpu.memory_space<vmem_shared>>
      %dma_start3A_959 = arith.constant 0 : i32
      %dma_start3A_960 = tpu.memref_slice %arg9[%dma_start3A_959] : memref<8192xf32, #tpu.memory_space<vmem>> -> memref<4096xf32, #tpu.memory_space<vmem>>
      %dma_start3A_961 = tpu.memref_slice %arg10[%add3A_571] : memref<1605648xf32, #tpu.memory_space<vmem_shared>> -> memref<4096xf32, #tpu.memory_space<vmem_shared>>
      tpu.enqueue_dma source(%dma_start3A_961 : memref<4096xf32, #tpu.memory_space<vmem_shared>>) target(%dma_start3A_960 : memref<4096xf32, #tpu.memory_space<vmem>>) target_semaphore(%run_scoped3A : memref<!tpu.dma_semaphore, #tpu.memory_space<semaphore_mem>>)
      %dma_wait3A_962 = arith.constant 0 : i32
      %dma_wait3A_963 = tpu.memref_slice %arg9[%dma_wait3A_962] : memref<8192xf32, #tpu.memory_space<vmem>> -> memref<4096xf32, #tpu.memory_space<vmem>>
      %dma_wait3A_964 = tpu.memref_slice %arg10[%add3A_571] : memref<1605648xf32, #tpu.memory_space<vmem_shared>> -> memref<4096xf32, #tpu.memory_space<vmem_shared>>
      %dma_wait3A_965 = arith.constant 0 : i32
      %dma_wait3A_966 = tpu.memref_slice %arg9[%dma_wait3A_965] : memref<8192xf32, #tpu.memory_space<vmem>> -> memref<4096xf32, #tpu.memory_space<vmem>>
      %dma_wait3A_967 = tpu.memref_slice %arg10[%add3A_571] : memref<1605648xf32, #tpu.memory_space<vmem_shared>> -> memref<4096xf32, #tpu.memory_space<vmem_shared>>
      tpu.wait_dma2 semaphore(%run_scoped3A : memref<!tpu.dma_semaphore, #tpu.memory_space<semaphore_mem>>) src(%dma_wait3A_967 : memref<4096xf32, #tpu.memory_space<vmem_shared>>) dst(%dma_wait3A_966 : memref<4096xf32, #tpu.memory_space<vmem>>)
      tpu.yield
    }) : () -> ()
    %add3A_572 = arith.constant 16384 : i32
    %add3A_573 = arith.addi %mul3A_505, %add3A_572 : i32
    %dma_start3A_574 = arith.constant 0 : i32
    %dma_start3A_575 = tpu.memref_slice %arg9[%dma_start3A_574] : memref<8192xf32, #tpu.memory_space<vmem>> -> memref<4096xf32, #tpu.memory_space<vmem>>
    %dma_start3A_576 = tpu.memref_slice %arg4[%add3A_573] : memref<3211264xf32, #tpu.memory_space<hbm>> -> memref<4096xf32, #tpu.memory_space<hbm>>
    %dma_start3A_577 = tpu.memref_slice %arg4[%add3A_573] : memref<3211264xf32, #tpu.memory_space<hbm>> -> memref<4096xf32, #tpu.memory_space<hbm>>
    %dma_start3A_578 = arith.constant 0 : i32
    %dma_start3A_579 = tpu.memref_slice %arg9[%dma_start3A_578] : memref<8192xf32, #tpu.memory_space<vmem>> -> memref<4096xf32, #tpu.memory_space<vmem>>
    tpu.enqueue_dma source(%dma_start3A_579 : memref<4096xf32, #tpu.memory_space<vmem>>) target(%dma_start3A_577 : memref<4096xf32, #tpu.memory_space<hbm>>) target_semaphore(%arg12 : memref<!tpu.dma_semaphore, #tpu.memory_space<semaphore_mem>>)
    %dma_wait3A_580 = arith.constant 0 : i32
    %dma_wait3A_581 = tpu.memref_slice %arg9[%dma_wait3A_580] : memref<8192xf32, #tpu.memory_space<vmem>> -> memref<4096xf32, #tpu.memory_space<vmem>>
    %dma_wait3A_582 = arith.constant 0 : i32
    %dma_wait3A_583 = tpu.memref_slice %arg4[%dma_wait3A_582] : memref<3211264xf32, #tpu.memory_space<hbm>> -> memref<4096xf32, #tpu.memory_space<hbm>>
    %dma_wait3A_584 = arith.constant 0 : i32
    %dma_wait3A_585 = tpu.memref_slice %arg4[%dma_wait3A_584] : memref<3211264xf32, #tpu.memory_space<hbm>> -> memref<4096xf32, #tpu.memory_space<hbm>>
    %dma_wait3A_586 = arith.constant 0 : i32
    %dma_wait3A_587 = tpu.memref_slice %arg9[%dma_wait3A_586] : memref<8192xf32, #tpu.memory_space<vmem>> -> memref<4096xf32, #tpu.memory_space<vmem>>
    tpu.wait_dma2 semaphore(%arg12 : memref<!tpu.dma_semaphore, #tpu.memory_space<semaphore_mem>>) src(%dma_wait3A_587 : memref<4096xf32, #tpu.memory_space<vmem>>) dst(%dma_wait3A_585 : memref<4096xf32, #tpu.memory_space<hbm>>)
    %add3A_588 = arith.constant 20480 : i32
    %add3A_589 = arith.addi %mul3A_234, %add3A_588 : i32
    "tpu.region"() ({
      %run_scoped3A = tpu.sem_alloc : memref<!tpu.dma_semaphore, #tpu.memory_space<semaphore_mem>>
      %dma_start3A_956 = arith.constant 4096 : i32
      %dma_start3A_957 = tpu.memref_slice %arg9[%dma_start3A_956] : memref<8192xf32, #tpu.memory_space<vmem>> -> memref<4096xf32, #tpu.memory_space<vmem>>
      %dma_start3A_958 = tpu.memref_slice %arg10[%add3A_589] : memref<1605648xf32, #tpu.memory_space<vmem_shared>> -> memref<4096xf32, #tpu.memory_space<vmem_shared>>
      %dma_start3A_959 = arith.constant 4096 : i32
      %dma_start3A_960 = tpu.memref_slice %arg9[%dma_start3A_959] : memref<8192xf32, #tpu.memory_space<vmem>> -> memref<4096xf32, #tpu.memory_space<vmem>>
      %dma_start3A_961 = tpu.memref_slice %arg10[%add3A_589] : memref<1605648xf32, #tpu.memory_space<vmem_shared>> -> memref<4096xf32, #tpu.memory_space<vmem_shared>>
      tpu.enqueue_dma source(%dma_start3A_961 : memref<4096xf32, #tpu.memory_space<vmem_shared>>) target(%dma_start3A_960 : memref<4096xf32, #tpu.memory_space<vmem>>) target_semaphore(%run_scoped3A : memref<!tpu.dma_semaphore, #tpu.memory_space<semaphore_mem>>)
      %dma_wait3A_962 = arith.constant 4096 : i32
      %dma_wait3A_963 = tpu.memref_slice %arg9[%dma_wait3A_962] : memref<8192xf32, #tpu.memory_space<vmem>> -> memref<4096xf32, #tpu.memory_space<vmem>>
      %dma_wait3A_964 = tpu.memref_slice %arg10[%add3A_589] : memref<1605648xf32, #tpu.memory_space<vmem_shared>> -> memref<4096xf32, #tpu.memory_space<vmem_shared>>
      %dma_wait3A_965 = arith.constant 4096 : i32
      %dma_wait3A_966 = tpu.memref_slice %arg9[%dma_wait3A_965] : memref<8192xf32, #tpu.memory_space<vmem>> -> memref<4096xf32, #tpu.memory_space<vmem>>
      %dma_wait3A_967 = tpu.memref_slice %arg10[%add3A_589] : memref<1605648xf32, #tpu.memory_space<vmem_shared>> -> memref<4096xf32, #tpu.memory_space<vmem_shared>>
      tpu.wait_dma2 semaphore(%run_scoped3A : memref<!tpu.dma_semaphore, #tpu.memory_space<semaphore_mem>>) src(%dma_wait3A_967 : memref<4096xf32, #tpu.memory_space<vmem_shared>>) dst(%dma_wait3A_966 : memref<4096xf32, #tpu.memory_space<vmem>>)
      tpu.yield
    }) : () -> ()
    %add3A_590 = arith.constant 20480 : i32
    %add3A_591 = arith.addi %mul3A_505, %add3A_590 : i32
    %dma_start3A_592 = arith.constant 4096 : i32
    %dma_start3A_593 = tpu.memref_slice %arg9[%dma_start3A_592] : memref<8192xf32, #tpu.memory_space<vmem>> -> memref<4096xf32, #tpu.memory_space<vmem>>
    %dma_start3A_594 = tpu.memref_slice %arg4[%add3A_591] : memref<3211264xf32, #tpu.memory_space<hbm>> -> memref<4096xf32, #tpu.memory_space<hbm>>
    %dma_start3A_595 = tpu.memref_slice %arg4[%add3A_591] : memref<3211264xf32, #tpu.memory_space<hbm>> -> memref<4096xf32, #tpu.memory_space<hbm>>
    %dma_start3A_596 = arith.constant 4096 : i32
    %dma_start3A_597 = tpu.memref_slice %arg9[%dma_start3A_596] : memref<8192xf32, #tpu.memory_space<vmem>> -> memref<4096xf32, #tpu.memory_space<vmem>>
    tpu.enqueue_dma source(%dma_start3A_597 : memref<4096xf32, #tpu.memory_space<vmem>>) target(%dma_start3A_595 : memref<4096xf32, #tpu.memory_space<hbm>>) target_semaphore(%arg12 : memref<!tpu.dma_semaphore, #tpu.memory_space<semaphore_mem>>)
    %dma_wait3A_598 = arith.constant 0 : i32
    %dma_wait3A_599 = tpu.memref_slice %arg9[%dma_wait3A_598] : memref<8192xf32, #tpu.memory_space<vmem>> -> memref<4096xf32, #tpu.memory_space<vmem>>
    %dma_wait3A_600 = arith.constant 0 : i32
    %dma_wait3A_601 = tpu.memref_slice %arg4[%dma_wait3A_600] : memref<3211264xf32, #tpu.memory_space<hbm>> -> memref<4096xf32, #tpu.memory_space<hbm>>
    %dma_wait3A_602 = arith.constant 0 : i32
    %dma_wait3A_603 = tpu.memref_slice %arg4[%dma_wait3A_602] : memref<3211264xf32, #tpu.memory_space<hbm>> -> memref<4096xf32, #tpu.memory_space<hbm>>
    %dma_wait3A_604 = arith.constant 0 : i32
    %dma_wait3A_605 = tpu.memref_slice %arg9[%dma_wait3A_604] : memref<8192xf32, #tpu.memory_space<vmem>> -> memref<4096xf32, #tpu.memory_space<vmem>>
    tpu.wait_dma2 semaphore(%arg12 : memref<!tpu.dma_semaphore, #tpu.memory_space<semaphore_mem>>) src(%dma_wait3A_605 : memref<4096xf32, #tpu.memory_space<vmem>>) dst(%dma_wait3A_603 : memref<4096xf32, #tpu.memory_space<hbm>>)
    %add3A_606 = arith.constant 24576 : i32
    %add3A_607 = arith.addi %mul3A_234, %add3A_606 : i32
    "tpu.region"() ({
      %run_scoped3A = tpu.sem_alloc : memref<!tpu.dma_semaphore, #tpu.memory_space<semaphore_mem>>
      %dma_start3A_956 = arith.constant 0 : i32
      %dma_start3A_957 = tpu.memref_slice %arg9[%dma_start3A_956] : memref<8192xf32, #tpu.memory_space<vmem>> -> memref<4096xf32, #tpu.memory_space<vmem>>
      %dma_start3A_958 = tpu.memref_slice %arg10[%add3A_607] : memref<1605648xf32, #tpu.memory_space<vmem_shared>> -> memref<4096xf32, #tpu.memory_space<vmem_shared>>
      %dma_start3A_959 = arith.constant 0 : i32
      %dma_start3A_960 = tpu.memref_slice %arg9[%dma_start3A_959] : memref<8192xf32, #tpu.memory_space<vmem>> -> memref<4096xf32, #tpu.memory_space<vmem>>
      %dma_start3A_961 = tpu.memref_slice %arg10[%add3A_607] : memref<1605648xf32, #tpu.memory_space<vmem_shared>> -> memref<4096xf32, #tpu.memory_space<vmem_shared>>
      tpu.enqueue_dma source(%dma_start3A_961 : memref<4096xf32, #tpu.memory_space<vmem_shared>>) target(%dma_start3A_960 : memref<4096xf32, #tpu.memory_space<vmem>>) target_semaphore(%run_scoped3A : memref<!tpu.dma_semaphore, #tpu.memory_space<semaphore_mem>>)
      %dma_wait3A_962 = arith.constant 0 : i32
      %dma_wait3A_963 = tpu.memref_slice %arg9[%dma_wait3A_962] : memref<8192xf32, #tpu.memory_space<vmem>> -> memref<4096xf32, #tpu.memory_space<vmem>>
      %dma_wait3A_964 = tpu.memref_slice %arg10[%add3A_607] : memref<1605648xf32, #tpu.memory_space<vmem_shared>> -> memref<4096xf32, #tpu.memory_space<vmem_shared>>
      %dma_wait3A_965 = arith.constant 0 : i32
      %dma_wait3A_966 = tpu.memref_slice %arg9[%dma_wait3A_965] : memref<8192xf32, #tpu.memory_space<vmem>> -> memref<4096xf32, #tpu.memory_space<vmem>>
      %dma_wait3A_967 = tpu.memref_slice %arg10[%add3A_607] : memref<1605648xf32, #tpu.memory_space<vmem_shared>> -> memref<4096xf32, #tpu.memory_space<vmem_shared>>
      tpu.wait_dma2 semaphore(%run_scoped3A : memref<!tpu.dma_semaphore, #tpu.memory_space<semaphore_mem>>) src(%dma_wait3A_967 : memref<4096xf32, #tpu.memory_space<vmem_shared>>) dst(%dma_wait3A_966 : memref<4096xf32, #tpu.memory_space<vmem>>)
      tpu.yield
    }) : () -> ()
    %add3A_608 = arith.constant 24576 : i32
    %add3A_609 = arith.addi %mul3A_505, %add3A_608 : i32
    %dma_start3A_610 = arith.constant 0 : i32
    %dma_start3A_611 = tpu.memref_slice %arg9[%dma_start3A_610] : memref<8192xf32, #tpu.memory_space<vmem>> -> memref<4096xf32, #tpu.memory_space<vmem>>
    %dma_start3A_612 = tpu.memref_slice %arg4[%add3A_609] : memref<3211264xf32, #tpu.memory_space<hbm>> -> memref<4096xf32, #tpu.memory_space<hbm>>
    %dma_start3A_613 = tpu.memref_slice %arg4[%add3A_609] : memref<3211264xf32, #tpu.memory_space<hbm>> -> memref<4096xf32, #tpu.memory_space<hbm>>
    %dma_start3A_614 = arith.constant 0 : i32
    %dma_start3A_615 = tpu.memref_slice %arg9[%dma_start3A_614] : memref<8192xf32, #tpu.memory_space<vmem>> -> memref<4096xf32, #tpu.memory_space<vmem>>
    tpu.enqueue_dma source(%dma_start3A_615 : memref<4096xf32, #tpu.memory_space<vmem>>) target(%dma_start3A_613 : memref<4096xf32, #tpu.memory_space<hbm>>) target_semaphore(%arg12 : memref<!tpu.dma_semaphore, #tpu.memory_space<semaphore_mem>>)
    %dma_wait3A_616 = arith.constant 0 : i32
    %dma_wait3A_617 = tpu.memref_slice %arg9[%dma_wait3A_616] : memref<8192xf32, #tpu.memory_space<vmem>> -> memref<4096xf32, #tpu.memory_space<vmem>>
    %dma_wait3A_618 = arith.constant 0 : i32
    %dma_wait3A_619 = tpu.memref_slice %arg4[%dma_wait3A_618] : memref<3211264xf32, #tpu.memory_space<hbm>> -> memref<4096xf32, #tpu.memory_space<hbm>>
    %dma_wait3A_620 = arith.constant 0 : i32
    %dma_wait3A_621 = tpu.memref_slice %arg4[%dma_wait3A_620] : memref<3211264xf32, #tpu.memory_space<hbm>> -> memref<4096xf32, #tpu.memory_space<hbm>>
    %dma_wait3A_622 = arith.constant 0 : i32
    %dma_wait3A_623 = tpu.memref_slice %arg9[%dma_wait3A_622] : memref<8192xf32, #tpu.memory_space<vmem>> -> memref<4096xf32, #tpu.memory_space<vmem>>
    tpu.wait_dma2 semaphore(%arg12 : memref<!tpu.dma_semaphore, #tpu.memory_space<semaphore_mem>>) src(%dma_wait3A_623 : memref<4096xf32, #tpu.memory_space<vmem>>) dst(%dma_wait3A_621 : memref<4096xf32, #tpu.memory_space<hbm>>)
    %add3A_624 = arith.constant 28672 : i32
    %add3A_625 = arith.addi %mul3A_234, %add3A_624 : i32
    "tpu.region"() ({
      %run_scoped3A = tpu.sem_alloc : memref<!tpu.dma_semaphore, #tpu.memory_space<semaphore_mem>>
      %dma_start3A_956 = arith.constant 4096 : i32
      %dma_start3A_957 = tpu.memref_slice %arg9[%dma_start3A_956] : memref<8192xf32, #tpu.memory_space<vmem>> -> memref<4096xf32, #tpu.memory_space<vmem>>
      %dma_start3A_958 = tpu.memref_slice %arg10[%add3A_625] : memref<1605648xf32, #tpu.memory_space<vmem_shared>> -> memref<4096xf32, #tpu.memory_space<vmem_shared>>
      %dma_start3A_959 = arith.constant 4096 : i32
      %dma_start3A_960 = tpu.memref_slice %arg9[%dma_start3A_959] : memref<8192xf32, #tpu.memory_space<vmem>> -> memref<4096xf32, #tpu.memory_space<vmem>>
      %dma_start3A_961 = tpu.memref_slice %arg10[%add3A_625] : memref<1605648xf32, #tpu.memory_space<vmem_shared>> -> memref<4096xf32, #tpu.memory_space<vmem_shared>>
      tpu.enqueue_dma source(%dma_start3A_961 : memref<4096xf32, #tpu.memory_space<vmem_shared>>) target(%dma_start3A_960 : memref<4096xf32, #tpu.memory_space<vmem>>) target_semaphore(%run_scoped3A : memref<!tpu.dma_semaphore, #tpu.memory_space<semaphore_mem>>)
      %dma_wait3A_962 = arith.constant 4096 : i32
      %dma_wait3A_963 = tpu.memref_slice %arg9[%dma_wait3A_962] : memref<8192xf32, #tpu.memory_space<vmem>> -> memref<4096xf32, #tpu.memory_space<vmem>>
      %dma_wait3A_964 = tpu.memref_slice %arg10[%add3A_625] : memref<1605648xf32, #tpu.memory_space<vmem_shared>> -> memref<4096xf32, #tpu.memory_space<vmem_shared>>
      %dma_wait3A_965 = arith.constant 4096 : i32
      %dma_wait3A_966 = tpu.memref_slice %arg9[%dma_wait3A_965] : memref<8192xf32, #tpu.memory_space<vmem>> -> memref<4096xf32, #tpu.memory_space<vmem>>
      %dma_wait3A_967 = tpu.memref_slice %arg10[%add3A_625] : memref<1605648xf32, #tpu.memory_space<vmem_shared>> -> memref<4096xf32, #tpu.memory_space<vmem_shared>>
      tpu.wait_dma2 semaphore(%run_scoped3A : memref<!tpu.dma_semaphore, #tpu.memory_space<semaphore_mem>>) src(%dma_wait3A_967 : memref<4096xf32, #tpu.memory_space<vmem_shared>>) dst(%dma_wait3A_966 : memref<4096xf32, #tpu.memory_space<vmem>>)
      tpu.yield
    }) : () -> ()
    %add3A_626 = arith.constant 28672 : i32
    %add3A_627 = arith.addi %mul3A_505, %add3A_626 : i32
    %dma_start3A_628 = arith.constant 4096 : i32
    %dma_start3A_629 = tpu.memref_slice %arg9[%dma_start3A_628] : memref<8192xf32, #tpu.memory_space<vmem>> -> memref<4096xf32, #tpu.memory_space<vmem>>
    %dma_start3A_630 = tpu.memref_slice %arg4[%add3A_627] : memref<3211264xf32, #tpu.memory_space<hbm>> -> memref<4096xf32, #tpu.memory_space<hbm>>
    %dma_start3A_631 = tpu.memref_slice %arg4[%add3A_627] : memref<3211264xf32, #tpu.memory_space<hbm>> -> memref<4096xf32, #tpu.memory_space<hbm>>
    %dma_start3A_632 = arith.constant 4096 : i32
    %dma_start3A_633 = tpu.memref_slice %arg9[%dma_start3A_632] : memref<8192xf32, #tpu.memory_space<vmem>> -> memref<4096xf32, #tpu.memory_space<vmem>>
    tpu.enqueue_dma source(%dma_start3A_633 : memref<4096xf32, #tpu.memory_space<vmem>>) target(%dma_start3A_631 : memref<4096xf32, #tpu.memory_space<hbm>>) target_semaphore(%arg12 : memref<!tpu.dma_semaphore, #tpu.memory_space<semaphore_mem>>)
    %dma_wait3A_634 = arith.constant 0 : i32
    %dma_wait3A_635 = tpu.memref_slice %arg9[%dma_wait3A_634] : memref<8192xf32, #tpu.memory_space<vmem>> -> memref<4096xf32, #tpu.memory_space<vmem>>
    %dma_wait3A_636 = arith.constant 0 : i32
    %dma_wait3A_637 = tpu.memref_slice %arg4[%dma_wait3A_636] : memref<3211264xf32, #tpu.memory_space<hbm>> -> memref<4096xf32, #tpu.memory_space<hbm>>
    %dma_wait3A_638 = arith.constant 0 : i32
    %dma_wait3A_639 = tpu.memref_slice %arg4[%dma_wait3A_638] : memref<3211264xf32, #tpu.memory_space<hbm>> -> memref<4096xf32, #tpu.memory_space<hbm>>
    %dma_wait3A_640 = arith.constant 0 : i32
    %dma_wait3A_641 = tpu.memref_slice %arg9[%dma_wait3A_640] : memref<8192xf32, #tpu.memory_space<vmem>> -> memref<4096xf32, #tpu.memory_space<vmem>>
    tpu.wait_dma2 semaphore(%arg12 : memref<!tpu.dma_semaphore, #tpu.memory_space<semaphore_mem>>) src(%dma_wait3A_641 : memref<4096xf32, #tpu.memory_space<vmem>>) dst(%dma_wait3A_639 : memref<4096xf32, #tpu.memory_space<hbm>>)
    %add3A_642 = arith.constant 32768 : i32
    %add3A_643 = arith.addi %mul3A_234, %add3A_642 : i32
    "tpu.region"() ({
      %run_scoped3A = tpu.sem_alloc : memref<!tpu.dma_semaphore, #tpu.memory_space<semaphore_mem>>
      %dma_start3A_956 = arith.constant 0 : i32
      %dma_start3A_957 = tpu.memref_slice %arg9[%dma_start3A_956] : memref<8192xf32, #tpu.memory_space<vmem>> -> memref<4096xf32, #tpu.memory_space<vmem>>
      %dma_start3A_958 = tpu.memref_slice %arg10[%add3A_643] : memref<1605648xf32, #tpu.memory_space<vmem_shared>> -> memref<4096xf32, #tpu.memory_space<vmem_shared>>
      %dma_start3A_959 = arith.constant 0 : i32
      %dma_start3A_960 = tpu.memref_slice %arg9[%dma_start3A_959] : memref<8192xf32, #tpu.memory_space<vmem>> -> memref<4096xf32, #tpu.memory_space<vmem>>
      %dma_start3A_961 = tpu.memref_slice %arg10[%add3A_643] : memref<1605648xf32, #tpu.memory_space<vmem_shared>> -> memref<4096xf32, #tpu.memory_space<vmem_shared>>
      tpu.enqueue_dma source(%dma_start3A_961 : memref<4096xf32, #tpu.memory_space<vmem_shared>>) target(%dma_start3A_960 : memref<4096xf32, #tpu.memory_space<vmem>>) target_semaphore(%run_scoped3A : memref<!tpu.dma_semaphore, #tpu.memory_space<semaphore_mem>>)
      %dma_wait3A_962 = arith.constant 0 : i32
      %dma_wait3A_963 = tpu.memref_slice %arg9[%dma_wait3A_962] : memref<8192xf32, #tpu.memory_space<vmem>> -> memref<4096xf32, #tpu.memory_space<vmem>>
      %dma_wait3A_964 = tpu.memref_slice %arg10[%add3A_643] : memref<1605648xf32, #tpu.memory_space<vmem_shared>> -> memref<4096xf32, #tpu.memory_space<vmem_shared>>
      %dma_wait3A_965 = arith.constant 0 : i32
      %dma_wait3A_966 = tpu.memref_slice %arg9[%dma_wait3A_965] : memref<8192xf32, #tpu.memory_space<vmem>> -> memref<4096xf32, #tpu.memory_space<vmem>>
      %dma_wait3A_967 = tpu.memref_slice %arg10[%add3A_643] : memref<1605648xf32, #tpu.memory_space<vmem_shared>> -> memref<4096xf32, #tpu.memory_space<vmem_shared>>
      tpu.wait_dma2 semaphore(%run_scoped3A : memref<!tpu.dma_semaphore, #tpu.memory_space<semaphore_mem>>) src(%dma_wait3A_967 : memref<4096xf32, #tpu.memory_space<vmem_shared>>) dst(%dma_wait3A_966 : memref<4096xf32, #tpu.memory_space<vmem>>)
      tpu.yield
    }) : () -> ()
    %add3A_644 = arith.constant 32768 : i32
    %add3A_645 = arith.addi %mul3A_505, %add3A_644 : i32
    %dma_start3A_646 = arith.constant 0 : i32
    %dma_start3A_647 = tpu.memref_slice %arg9[%dma_start3A_646] : memref<8192xf32, #tpu.memory_space<vmem>> -> memref<4096xf32, #tpu.memory_space<vmem>>
    %dma_start3A_648 = tpu.memref_slice %arg4[%add3A_645] : memref<3211264xf32, #tpu.memory_space<hbm>> -> memref<4096xf32, #tpu.memory_space<hbm>>
    %dma_start3A_649 = tpu.memref_slice %arg4[%add3A_645] : memref<3211264xf32, #tpu.memory_space<hbm>> -> memref<4096xf32, #tpu.memory_space<hbm>>
    %dma_start3A_650 = arith.constant 0 : i32
    %dma_start3A_651 = tpu.memref_slice %arg9[%dma_start3A_650] : memref<8192xf32, #tpu.memory_space<vmem>> -> memref<4096xf32, #tpu.memory_space<vmem>>
    tpu.enqueue_dma source(%dma_start3A_651 : memref<4096xf32, #tpu.memory_space<vmem>>) target(%dma_start3A_649 : memref<4096xf32, #tpu.memory_space<hbm>>) target_semaphore(%arg12 : memref<!tpu.dma_semaphore, #tpu.memory_space<semaphore_mem>>)
    %dma_wait3A_652 = arith.constant 0 : i32
    %dma_wait3A_653 = tpu.memref_slice %arg9[%dma_wait3A_652] : memref<8192xf32, #tpu.memory_space<vmem>> -> memref<4096xf32, #tpu.memory_space<vmem>>
    %dma_wait3A_654 = arith.constant 0 : i32
    %dma_wait3A_655 = tpu.memref_slice %arg4[%dma_wait3A_654] : memref<3211264xf32, #tpu.memory_space<hbm>> -> memref<4096xf32, #tpu.memory_space<hbm>>
    %dma_wait3A_656 = arith.constant 0 : i32
    %dma_wait3A_657 = tpu.memref_slice %arg4[%dma_wait3A_656] : memref<3211264xf32, #tpu.memory_space<hbm>> -> memref<4096xf32, #tpu.memory_space<hbm>>
    %dma_wait3A_658 = arith.constant 0 : i32
    %dma_wait3A_659 = tpu.memref_slice %arg9[%dma_wait3A_658] : memref<8192xf32, #tpu.memory_space<vmem>> -> memref<4096xf32, #tpu.memory_space<vmem>>
    tpu.wait_dma2 semaphore(%arg12 : memref<!tpu.dma_semaphore, #tpu.memory_space<semaphore_mem>>) src(%dma_wait3A_659 : memref<4096xf32, #tpu.memory_space<vmem>>) dst(%dma_wait3A_657 : memref<4096xf32, #tpu.memory_space<hbm>>)
    %add3A_660 = arith.constant 36864 : i32
    %add3A_661 = arith.addi %mul3A_234, %add3A_660 : i32
    "tpu.region"() ({
      %run_scoped3A = tpu.sem_alloc : memref<!tpu.dma_semaphore, #tpu.memory_space<semaphore_mem>>
      %dma_start3A_956 = arith.constant 4096 : i32
      %dma_start3A_957 = tpu.memref_slice %arg9[%dma_start3A_956] : memref<8192xf32, #tpu.memory_space<vmem>> -> memref<4096xf32, #tpu.memory_space<vmem>>
      %dma_start3A_958 = tpu.memref_slice %arg10[%add3A_661] : memref<1605648xf32, #tpu.memory_space<vmem_shared>> -> memref<4096xf32, #tpu.memory_space<vmem_shared>>
      %dma_start3A_959 = arith.constant 4096 : i32
      %dma_start3A_960 = tpu.memref_slice %arg9[%dma_start3A_959] : memref<8192xf32, #tpu.memory_space<vmem>> -> memref<4096xf32, #tpu.memory_space<vmem>>
      %dma_start3A_961 = tpu.memref_slice %arg10[%add3A_661] : memref<1605648xf32, #tpu.memory_space<vmem_shared>> -> memref<4096xf32, #tpu.memory_space<vmem_shared>>
      tpu.enqueue_dma source(%dma_start3A_961 : memref<4096xf32, #tpu.memory_space<vmem_shared>>) target(%dma_start3A_960 : memref<4096xf32, #tpu.memory_space<vmem>>) target_semaphore(%run_scoped3A : memref<!tpu.dma_semaphore, #tpu.memory_space<semaphore_mem>>)
      %dma_wait3A_962 = arith.constant 4096 : i32
      %dma_wait3A_963 = tpu.memref_slice %arg9[%dma_wait3A_962] : memref<8192xf32, #tpu.memory_space<vmem>> -> memref<4096xf32, #tpu.memory_space<vmem>>
      %dma_wait3A_964 = tpu.memref_slice %arg10[%add3A_661] : memref<1605648xf32, #tpu.memory_space<vmem_shared>> -> memref<4096xf32, #tpu.memory_space<vmem_shared>>
      %dma_wait3A_965 = arith.constant 4096 : i32
      %dma_wait3A_966 = tpu.memref_slice %arg9[%dma_wait3A_965] : memref<8192xf32, #tpu.memory_space<vmem>> -> memref<4096xf32, #tpu.memory_space<vmem>>
      %dma_wait3A_967 = tpu.memref_slice %arg10[%add3A_661] : memref<1605648xf32, #tpu.memory_space<vmem_shared>> -> memref<4096xf32, #tpu.memory_space<vmem_shared>>
      tpu.wait_dma2 semaphore(%run_scoped3A : memref<!tpu.dma_semaphore, #tpu.memory_space<semaphore_mem>>) src(%dma_wait3A_967 : memref<4096xf32, #tpu.memory_space<vmem_shared>>) dst(%dma_wait3A_966 : memref<4096xf32, #tpu.memory_space<vmem>>)
      tpu.yield
    }) : () -> ()
    %add3A_662 = arith.constant 36864 : i32
    %add3A_663 = arith.addi %mul3A_505, %add3A_662 : i32
    %dma_start3A_664 = arith.constant 4096 : i32
    %dma_start3A_665 = tpu.memref_slice %arg9[%dma_start3A_664] : memref<8192xf32, #tpu.memory_space<vmem>> -> memref<4096xf32, #tpu.memory_space<vmem>>
    %dma_start3A_666 = tpu.memref_slice %arg4[%add3A_663] : memref<3211264xf32, #tpu.memory_space<hbm>> -> memref<4096xf32, #tpu.memory_space<hbm>>
    %dma_start3A_667 = tpu.memref_slice %arg4[%add3A_663] : memref<3211264xf32, #tpu.memory_space<hbm>> -> memref<4096xf32, #tpu.memory_space<hbm>>
    %dma_start3A_668 = arith.constant 4096 : i32
    %dma_start3A_669 = tpu.memref_slice %arg9[%dma_start3A_668] : memref<8192xf32, #tpu.memory_space<vmem>> -> memref<4096xf32, #tpu.memory_space<vmem>>
    tpu.enqueue_dma source(%dma_start3A_669 : memref<4096xf32, #tpu.memory_space<vmem>>) target(%dma_start3A_667 : memref<4096xf32, #tpu.memory_space<hbm>>) target_semaphore(%arg12 : memref<!tpu.dma_semaphore, #tpu.memory_space<semaphore_mem>>)
    %dma_wait3A_670 = arith.constant 0 : i32
    %dma_wait3A_671 = tpu.memref_slice %arg9[%dma_wait3A_670] : memref<8192xf32, #tpu.memory_space<vmem>> -> memref<4096xf32, #tpu.memory_space<vmem>>
    %dma_wait3A_672 = arith.constant 0 : i32
    %dma_wait3A_673 = tpu.memref_slice %arg4[%dma_wait3A_672] : memref<3211264xf32, #tpu.memory_space<hbm>> -> memref<4096xf32, #tpu.memory_space<hbm>>
    %dma_wait3A_674 = arith.constant 0 : i32
    %dma_wait3A_675 = tpu.memref_slice %arg4[%dma_wait3A_674] : memref<3211264xf32, #tpu.memory_space<hbm>> -> memref<4096xf32, #tpu.memory_space<hbm>>
    %dma_wait3A_676 = arith.constant 0 : i32
    %dma_wait3A_677 = tpu.memref_slice %arg9[%dma_wait3A_676] : memref<8192xf32, #tpu.memory_space<vmem>> -> memref<4096xf32, #tpu.memory_space<vmem>>
    tpu.wait_dma2 semaphore(%arg12 : memref<!tpu.dma_semaphore, #tpu.memory_space<semaphore_mem>>) src(%dma_wait3A_677 : memref<4096xf32, #tpu.memory_space<vmem>>) dst(%dma_wait3A_675 : memref<4096xf32, #tpu.memory_space<hbm>>)
    %add3A_678 = arith.constant 40960 : i32
    %add3A_679 = arith.addi %mul3A_234, %add3A_678 : i32
    "tpu.region"() ({
      %run_scoped3A = tpu.sem_alloc : memref<!tpu.dma_semaphore, #tpu.memory_space<semaphore_mem>>
      %dma_start3A_956 = arith.constant 0 : i32
      %dma_start3A_957 = tpu.memref_slice %arg9[%dma_start3A_956] : memref<8192xf32, #tpu.memory_space<vmem>> -> memref<4096xf32, #tpu.memory_space<vmem>>
      %dma_start3A_958 = tpu.memref_slice %arg10[%add3A_679] : memref<1605648xf32, #tpu.memory_space<vmem_shared>> -> memref<4096xf32, #tpu.memory_space<vmem_shared>>
      %dma_start3A_959 = arith.constant 0 : i32
      %dma_start3A_960 = tpu.memref_slice %arg9[%dma_start3A_959] : memref<8192xf32, #tpu.memory_space<vmem>> -> memref<4096xf32, #tpu.memory_space<vmem>>
      %dma_start3A_961 = tpu.memref_slice %arg10[%add3A_679] : memref<1605648xf32, #tpu.memory_space<vmem_shared>> -> memref<4096xf32, #tpu.memory_space<vmem_shared>>
      tpu.enqueue_dma source(%dma_start3A_961 : memref<4096xf32, #tpu.memory_space<vmem_shared>>) target(%dma_start3A_960 : memref<4096xf32, #tpu.memory_space<vmem>>) target_semaphore(%run_scoped3A : memref<!tpu.dma_semaphore, #tpu.memory_space<semaphore_mem>>)
      %dma_wait3A_962 = arith.constant 0 : i32
      %dma_wait3A_963 = tpu.memref_slice %arg9[%dma_wait3A_962] : memref<8192xf32, #tpu.memory_space<vmem>> -> memref<4096xf32, #tpu.memory_space<vmem>>
      %dma_wait3A_964 = tpu.memref_slice %arg10[%add3A_679] : memref<1605648xf32, #tpu.memory_space<vmem_shared>> -> memref<4096xf32, #tpu.memory_space<vmem_shared>>
      %dma_wait3A_965 = arith.constant 0 : i32
      %dma_wait3A_966 = tpu.memref_slice %arg9[%dma_wait3A_965] : memref<8192xf32, #tpu.memory_space<vmem>> -> memref<4096xf32, #tpu.memory_space<vmem>>
      %dma_wait3A_967 = tpu.memref_slice %arg10[%add3A_679] : memref<1605648xf32, #tpu.memory_space<vmem_shared>> -> memref<4096xf32, #tpu.memory_space<vmem_shared>>
      tpu.wait_dma2 semaphore(%run_scoped3A : memref<!tpu.dma_semaphore, #tpu.memory_space<semaphore_mem>>) src(%dma_wait3A_967 : memref<4096xf32, #tpu.memory_space<vmem_shared>>) dst(%dma_wait3A_966 : memref<4096xf32, #tpu.memory_space<vmem>>)
      tpu.yield
    }) : () -> ()
    %add3A_680 = arith.constant 40960 : i32
    %add3A_681 = arith.addi %mul3A_505, %add3A_680 : i32
    %dma_start3A_682 = arith.constant 0 : i32
    %dma_start3A_683 = tpu.memref_slice %arg9[%dma_start3A_682] : memref<8192xf32, #tpu.memory_space<vmem>> -> memref<4096xf32, #tpu.memory_space<vmem>>
    %dma_start3A_684 = tpu.memref_slice %arg4[%add3A_681] : memref<3211264xf32, #tpu.memory_space<hbm>> -> memref<4096xf32, #tpu.memory_space<hbm>>
    %dma_start3A_685 = tpu.memref_slice %arg4[%add3A_681] : memref<3211264xf32, #tpu.memory_space<hbm>> -> memref<4096xf32, #tpu.memory_space<hbm>>
    %dma_start3A_686 = arith.constant 0 : i32
    %dma_start3A_687 = tpu.memref_slice %arg9[%dma_start3A_686] : memref<8192xf32, #tpu.memory_space<vmem>> -> memref<4096xf32, #tpu.memory_space<vmem>>
    tpu.enqueue_dma source(%dma_start3A_687 : memref<4096xf32, #tpu.memory_space<vmem>>) target(%dma_start3A_685 : memref<4096xf32, #tpu.memory_space<hbm>>) target_semaphore(%arg12 : memref<!tpu.dma_semaphore, #tpu.memory_space<semaphore_mem>>)
    %dma_wait3A_688 = arith.constant 0 : i32
    %dma_wait3A_689 = tpu.memref_slice %arg9[%dma_wait3A_688] : memref<8192xf32, #tpu.memory_space<vmem>> -> memref<4096xf32, #tpu.memory_space<vmem>>
    %dma_wait3A_690 = arith.constant 0 : i32
    %dma_wait3A_691 = tpu.memref_slice %arg4[%dma_wait3A_690] : memref<3211264xf32, #tpu.memory_space<hbm>> -> memref<4096xf32, #tpu.memory_space<hbm>>
    %dma_wait3A_692 = arith.constant 0 : i32
    %dma_wait3A_693 = tpu.memref_slice %arg4[%dma_wait3A_692] : memref<3211264xf32, #tpu.memory_space<hbm>> -> memref<4096xf32, #tpu.memory_space<hbm>>
    %dma_wait3A_694 = arith.constant 0 : i32
    %dma_wait3A_695 = tpu.memref_slice %arg9[%dma_wait3A_694] : memref<8192xf32, #tpu.memory_space<vmem>> -> memref<4096xf32, #tpu.memory_space<vmem>>
    tpu.wait_dma2 semaphore(%arg12 : memref<!tpu.dma_semaphore, #tpu.memory_space<semaphore_mem>>) src(%dma_wait3A_695 : memref<4096xf32, #tpu.memory_space<vmem>>) dst(%dma_wait3A_693 : memref<4096xf32, #tpu.memory_space<hbm>>)
    %add3A_696 = arith.constant 45056 : i32
    %add3A_697 = arith.addi %mul3A_234, %add3A_696 : i32
    "tpu.region"() ({
      %run_scoped3A = tpu.sem_alloc : memref<!tpu.dma_semaphore, #tpu.memory_space<semaphore_mem>>
      %dma_start3A_956 = arith.constant 4096 : i32
      %dma_start3A_957 = tpu.memref_slice %arg9[%dma_start3A_956] : memref<8192xf32, #tpu.memory_space<vmem>> -> memref<4096xf32, #tpu.memory_space<vmem>>
      %dma_start3A_958 = tpu.memref_slice %arg10[%add3A_697] : memref<1605648xf32, #tpu.memory_space<vmem_shared>> -> memref<4096xf32, #tpu.memory_space<vmem_shared>>
      %dma_start3A_959 = arith.constant 4096 : i32
      %dma_start3A_960 = tpu.memref_slice %arg9[%dma_start3A_959] : memref<8192xf32, #tpu.memory_space<vmem>> -> memref<4096xf32, #tpu.memory_space<vmem>>
      %dma_start3A_961 = tpu.memref_slice %arg10[%add3A_697] : memref<1605648xf32, #tpu.memory_space<vmem_shared>> -> memref<4096xf32, #tpu.memory_space<vmem_shared>>
      tpu.enqueue_dma source(%dma_start3A_961 : memref<4096xf32, #tpu.memory_space<vmem_shared>>) target(%dma_start3A_960 : memref<4096xf32, #tpu.memory_space<vmem>>) target_semaphore(%run_scoped3A : memref<!tpu.dma_semaphore, #tpu.memory_space<semaphore_mem>>)
      %dma_wait3A_962 = arith.constant 4096 : i32
      %dma_wait3A_963 = tpu.memref_slice %arg9[%dma_wait3A_962] : memref<8192xf32, #tpu.memory_space<vmem>> -> memref<4096xf32, #tpu.memory_space<vmem>>
      %dma_wait3A_964 = tpu.memref_slice %arg10[%add3A_697] : memref<1605648xf32, #tpu.memory_space<vmem_shared>> -> memref<4096xf32, #tpu.memory_space<vmem_shared>>
      %dma_wait3A_965 = arith.constant 4096 : i32
      %dma_wait3A_966 = tpu.memref_slice %arg9[%dma_wait3A_965] : memref<8192xf32, #tpu.memory_space<vmem>> -> memref<4096xf32, #tpu.memory_space<vmem>>
      %dma_wait3A_967 = tpu.memref_slice %arg10[%add3A_697] : memref<1605648xf32, #tpu.memory_space<vmem_shared>> -> memref<4096xf32, #tpu.memory_space<vmem_shared>>
      tpu.wait_dma2 semaphore(%run_scoped3A : memref<!tpu.dma_semaphore, #tpu.memory_space<semaphore_mem>>) src(%dma_wait3A_967 : memref<4096xf32, #tpu.memory_space<vmem_shared>>) dst(%dma_wait3A_966 : memref<4096xf32, #tpu.memory_space<vmem>>)
      tpu.yield
    }) : () -> ()
    %add3A_698 = arith.constant 45056 : i32
    %add3A_699 = arith.addi %mul3A_505, %add3A_698 : i32
    %dma_start3A_700 = arith.constant 4096 : i32
    %dma_start3A_701 = tpu.memref_slice %arg9[%dma_start3A_700] : memref<8192xf32, #tpu.memory_space<vmem>> -> memref<4096xf32, #tpu.memory_space<vmem>>
    %dma_start3A_702 = tpu.memref_slice %arg4[%add3A_699] : memref<3211264xf32, #tpu.memory_space<hbm>> -> memref<4096xf32, #tpu.memory_space<hbm>>
    %dma_start3A_703 = tpu.memref_slice %arg4[%add3A_699] : memref<3211264xf32, #tpu.memory_space<hbm>> -> memref<4096xf32, #tpu.memory_space<hbm>>
    %dma_start3A_704 = arith.constant 4096 : i32
    %dma_start3A_705 = tpu.memref_slice %arg9[%dma_start3A_704] : memref<8192xf32, #tpu.memory_space<vmem>> -> memref<4096xf32, #tpu.memory_space<vmem>>
    tpu.enqueue_dma source(%dma_start3A_705 : memref<4096xf32, #tpu.memory_space<vmem>>) target(%dma_start3A_703 : memref<4096xf32, #tpu.memory_space<hbm>>) target_semaphore(%arg12 : memref<!tpu.dma_semaphore, #tpu.memory_space<semaphore_mem>>)
    %dma_wait3A_706 = arith.constant 0 : i32
    %dma_wait3A_707 = tpu.memref_slice %arg9[%dma_wait3A_706] : memref<8192xf32, #tpu.memory_space<vmem>> -> memref<4096xf32, #tpu.memory_space<vmem>>
    %dma_wait3A_708 = arith.constant 0 : i32
    %dma_wait3A_709 = tpu.memref_slice %arg4[%dma_wait3A_708] : memref<3211264xf32, #tpu.memory_space<hbm>> -> memref<4096xf32, #tpu.memory_space<hbm>>
    %dma_wait3A_710 = arith.constant 0 : i32
    %dma_wait3A_711 = tpu.memref_slice %arg4[%dma_wait3A_710] : memref<3211264xf32, #tpu.memory_space<hbm>> -> memref<4096xf32, #tpu.memory_space<hbm>>
    %dma_wait3A_712 = arith.constant 0 : i32
    %dma_wait3A_713 = tpu.memref_slice %arg9[%dma_wait3A_712] : memref<8192xf32, #tpu.memory_space<vmem>> -> memref<4096xf32, #tpu.memory_space<vmem>>
    tpu.wait_dma2 semaphore(%arg12 : memref<!tpu.dma_semaphore, #tpu.memory_space<semaphore_mem>>) src(%dma_wait3A_713 : memref<4096xf32, #tpu.memory_space<vmem>>) dst(%dma_wait3A_711 : memref<4096xf32, #tpu.memory_space<hbm>>)
    %add3A_714 = arith.constant 49152 : i32
    %add3A_715 = arith.addi %mul3A_234, %add3A_714 : i32
    "tpu.region"() ({
      %run_scoped3A = tpu.sem_alloc : memref<!tpu.dma_semaphore, #tpu.memory_space<semaphore_mem>>
      %dma_start3A_956 = arith.constant 0 : i32
      %dma_start3A_957 = tpu.memref_slice %arg9[%dma_start3A_956] : memref<8192xf32, #tpu.memory_space<vmem>> -> memref<4096xf32, #tpu.memory_space<vmem>>
      %dma_start3A_958 = tpu.memref_slice %arg10[%add3A_715] : memref<1605648xf32, #tpu.memory_space<vmem_shared>> -> memref<4096xf32, #tpu.memory_space<vmem_shared>>
      %dma_start3A_959 = arith.constant 0 : i32
      %dma_start3A_960 = tpu.memref_slice %arg9[%dma_start3A_959] : memref<8192xf32, #tpu.memory_space<vmem>> -> memref<4096xf32, #tpu.memory_space<vmem>>
      %dma_start3A_961 = tpu.memref_slice %arg10[%add3A_715] : memref<1605648xf32, #tpu.memory_space<vmem_shared>> -> memref<4096xf32, #tpu.memory_space<vmem_shared>>
      tpu.enqueue_dma source(%dma_start3A_961 : memref<4096xf32, #tpu.memory_space<vmem_shared>>) target(%dma_start3A_960 : memref<4096xf32, #tpu.memory_space<vmem>>) target_semaphore(%run_scoped3A : memref<!tpu.dma_semaphore, #tpu.memory_space<semaphore_mem>>)
      %dma_wait3A_962 = arith.constant 0 : i32
      %dma_wait3A_963 = tpu.memref_slice %arg9[%dma_wait3A_962] : memref<8192xf32, #tpu.memory_space<vmem>> -> memref<4096xf32, #tpu.memory_space<vmem>>
      %dma_wait3A_964 = tpu.memref_slice %arg10[%add3A_715] : memref<1605648xf32, #tpu.memory_space<vmem_shared>> -> memref<4096xf32, #tpu.memory_space<vmem_shared>>
      %dma_wait3A_965 = arith.constant 0 : i32
      %dma_wait3A_966 = tpu.memref_slice %arg9[%dma_wait3A_965] : memref<8192xf32, #tpu.memory_space<vmem>> -> memref<4096xf32, #tpu.memory_space<vmem>>
      %dma_wait3A_967 = tpu.memref_slice %arg10[%add3A_715] : memref<1605648xf32, #tpu.memory_space<vmem_shared>> -> memref<4096xf32, #tpu.memory_space<vmem_shared>>
      tpu.wait_dma2 semaphore(%run_scoped3A : memref<!tpu.dma_semaphore, #tpu.memory_space<semaphore_mem>>) src(%dma_wait3A_967 : memref<4096xf32, #tpu.memory_space<vmem_shared>>) dst(%dma_wait3A_966 : memref<4096xf32, #tpu.memory_space<vmem>>)
      tpu.yield
    }) : () -> ()
    %add3A_716 = arith.constant 49152 : i32
    %add3A_717 = arith.addi %mul3A_505, %add3A_716 : i32
    %dma_start3A_718 = arith.constant 0 : i32
    %dma_start3A_719 = tpu.memref_slice %arg9[%dma_start3A_718] : memref<8192xf32, #tpu.memory_space<vmem>> -> memref<4096xf32, #tpu.memory_space<vmem>>
    %dma_start3A_720 = tpu.memref_slice %arg4[%add3A_717] : memref<3211264xf32, #tpu.memory_space<hbm>> -> memref<4096xf32, #tpu.memory_space<hbm>>
    %dma_start3A_721 = tpu.memref_slice %arg4[%add3A_717] : memref<3211264xf32, #tpu.memory_space<hbm>> -> memref<4096xf32, #tpu.memory_space<hbm>>
    %dma_start3A_722 = arith.constant 0 : i32
    %dma_start3A_723 = tpu.memref_slice %arg9[%dma_start3A_722] : memref<8192xf32, #tpu.memory_space<vmem>> -> memref<4096xf32, #tpu.memory_space<vmem>>
    tpu.enqueue_dma source(%dma_start3A_723 : memref<4096xf32, #tpu.memory_space<vmem>>) target(%dma_start3A_721 : memref<4096xf32, #tpu.memory_space<hbm>>) target_semaphore(%arg12 : memref<!tpu.dma_semaphore, #tpu.memory_space<semaphore_mem>>)
    %dma_wait3A_724 = arith.constant 0 : i32
    %dma_wait3A_725 = tpu.memref_slice %arg9[%dma_wait3A_724] : memref<8192xf32, #tpu.memory_space<vmem>> -> memref<4096xf32, #tpu.memory_space<vmem>>
    %dma_wait3A_726 = arith.constant 0 : i32
    %dma_wait3A_727 = tpu.memref_slice %arg4[%dma_wait3A_726] : memref<3211264xf32, #tpu.memory_space<hbm>> -> memref<4096xf32, #tpu.memory_space<hbm>>
    %dma_wait3A_728 = arith.constant 0 : i32
    %dma_wait3A_729 = tpu.memref_slice %arg4[%dma_wait3A_728] : memref<3211264xf32, #tpu.memory_space<hbm>> -> memref<4096xf32, #tpu.memory_space<hbm>>
    %dma_wait3A_730 = arith.constant 0 : i32
    %dma_wait3A_731 = tpu.memref_slice %arg9[%dma_wait3A_730] : memref<8192xf32, #tpu.memory_space<vmem>> -> memref<4096xf32, #tpu.memory_space<vmem>>
    tpu.wait_dma2 semaphore(%arg12 : memref<!tpu.dma_semaphore, #tpu.memory_space<semaphore_mem>>) src(%dma_wait3A_731 : memref<4096xf32, #tpu.memory_space<vmem>>) dst(%dma_wait3A_729 : memref<4096xf32, #tpu.memory_space<hbm>>)
    %add3A_732 = arith.constant 53248 : i32
    %add3A_733 = arith.addi %mul3A_234, %add3A_732 : i32
    "tpu.region"() ({
      %run_scoped3A = tpu.sem_alloc : memref<!tpu.dma_semaphore, #tpu.memory_space<semaphore_mem>>
      %dma_start3A_956 = arith.constant 4096 : i32
      %dma_start3A_957 = tpu.memref_slice %arg9[%dma_start3A_956] : memref<8192xf32, #tpu.memory_space<vmem>> -> memref<4096xf32, #tpu.memory_space<vmem>>
      %dma_start3A_958 = tpu.memref_slice %arg10[%add3A_733] : memref<1605648xf32, #tpu.memory_space<vmem_shared>> -> memref<4096xf32, #tpu.memory_space<vmem_shared>>
      %dma_start3A_959 = arith.constant 4096 : i32
      %dma_start3A_960 = tpu.memref_slice %arg9[%dma_start3A_959] : memref<8192xf32, #tpu.memory_space<vmem>> -> memref<4096xf32, #tpu.memory_space<vmem>>
      %dma_start3A_961 = tpu.memref_slice %arg10[%add3A_733] : memref<1605648xf32, #tpu.memory_space<vmem_shared>> -> memref<4096xf32, #tpu.memory_space<vmem_shared>>
      tpu.enqueue_dma source(%dma_start3A_961 : memref<4096xf32, #tpu.memory_space<vmem_shared>>) target(%dma_start3A_960 : memref<4096xf32, #tpu.memory_space<vmem>>) target_semaphore(%run_scoped3A : memref<!tpu.dma_semaphore, #tpu.memory_space<semaphore_mem>>)
      %dma_wait3A_962 = arith.constant 4096 : i32
      %dma_wait3A_963 = tpu.memref_slice %arg9[%dma_wait3A_962] : memref<8192xf32, #tpu.memory_space<vmem>> -> memref<4096xf32, #tpu.memory_space<vmem>>
      %dma_wait3A_964 = tpu.memref_slice %arg10[%add3A_733] : memref<1605648xf32, #tpu.memory_space<vmem_shared>> -> memref<4096xf32, #tpu.memory_space<vmem_shared>>
      %dma_wait3A_965 = arith.constant 4096 : i32
      %dma_wait3A_966 = tpu.memref_slice %arg9[%dma_wait3A_965] : memref<8192xf32, #tpu.memory_space<vmem>> -> memref<4096xf32, #tpu.memory_space<vmem>>
      %dma_wait3A_967 = tpu.memref_slice %arg10[%add3A_733] : memref<1605648xf32, #tpu.memory_space<vmem_shared>> -> memref<4096xf32, #tpu.memory_space<vmem_shared>>
      tpu.wait_dma2 semaphore(%run_scoped3A : memref<!tpu.dma_semaphore, #tpu.memory_space<semaphore_mem>>) src(%dma_wait3A_967 : memref<4096xf32, #tpu.memory_space<vmem_shared>>) dst(%dma_wait3A_966 : memref<4096xf32, #tpu.memory_space<vmem>>)
      tpu.yield
    }) : () -> ()
    %add3A_734 = arith.constant 53248 : i32
    %add3A_735 = arith.addi %mul3A_505, %add3A_734 : i32
    %dma_start3A_736 = arith.constant 4096 : i32
    %dma_start3A_737 = tpu.memref_slice %arg9[%dma_start3A_736] : memref<8192xf32, #tpu.memory_space<vmem>> -> memref<4096xf32, #tpu.memory_space<vmem>>
    %dma_start3A_738 = tpu.memref_slice %arg4[%add3A_735] : memref<3211264xf32, #tpu.memory_space<hbm>> -> memref<4096xf32, #tpu.memory_space<hbm>>
    %dma_start3A_739 = tpu.memref_slice %arg4[%add3A_735] : memref<3211264xf32, #tpu.memory_space<hbm>> -> memref<4096xf32, #tpu.memory_space<hbm>>
    %dma_start3A_740 = arith.constant 4096 : i32
    %dma_start3A_741 = tpu.memref_slice %arg9[%dma_start3A_740] : memref<8192xf32, #tpu.memory_space<vmem>> -> memref<4096xf32, #tpu.memory_space<vmem>>
    tpu.enqueue_dma source(%dma_start3A_741 : memref<4096xf32, #tpu.memory_space<vmem>>) target(%dma_start3A_739 : memref<4096xf32, #tpu.memory_space<hbm>>) target_semaphore(%arg12 : memref<!tpu.dma_semaphore, #tpu.memory_space<semaphore_mem>>)
    %dma_wait3A_742 = arith.constant 0 : i32
    %dma_wait3A_743 = tpu.memref_slice %arg9[%dma_wait3A_742] : memref<8192xf32, #tpu.memory_space<vmem>> -> memref<4096xf32, #tpu.memory_space<vmem>>
    %dma_wait3A_744 = arith.constant 0 : i32
    %dma_wait3A_745 = tpu.memref_slice %arg4[%dma_wait3A_744] : memref<3211264xf32, #tpu.memory_space<hbm>> -> memref<4096xf32, #tpu.memory_space<hbm>>
    %dma_wait3A_746 = arith.constant 0 : i32
    %dma_wait3A_747 = tpu.memref_slice %arg4[%dma_wait3A_746] : memref<3211264xf32, #tpu.memory_space<hbm>> -> memref<4096xf32, #tpu.memory_space<hbm>>
    %dma_wait3A_748 = arith.constant 0 : i32
    %dma_wait3A_749 = tpu.memref_slice %arg9[%dma_wait3A_748] : memref<8192xf32, #tpu.memory_space<vmem>> -> memref<4096xf32, #tpu.memory_space<vmem>>
    tpu.wait_dma2 semaphore(%arg12 : memref<!tpu.dma_semaphore, #tpu.memory_space<semaphore_mem>>) src(%dma_wait3A_749 : memref<4096xf32, #tpu.memory_space<vmem>>) dst(%dma_wait3A_747 : memref<4096xf32, #tpu.memory_space<hbm>>)
    %add3A_750 = arith.constant 57344 : i32
    %add3A_751 = arith.addi %mul3A_234, %add3A_750 : i32
    "tpu.region"() ({
      %run_scoped3A = tpu.sem_alloc : memref<!tpu.dma_semaphore, #tpu.memory_space<semaphore_mem>>
      %dma_start3A_956 = arith.constant 0 : i32
      %dma_start3A_957 = tpu.memref_slice %arg9[%dma_start3A_956] : memref<8192xf32, #tpu.memory_space<vmem>> -> memref<4096xf32, #tpu.memory_space<vmem>>
      %dma_start3A_958 = tpu.memref_slice %arg10[%add3A_751] : memref<1605648xf32, #tpu.memory_space<vmem_shared>> -> memref<4096xf32, #tpu.memory_space<vmem_shared>>
      %dma_start3A_959 = arith.constant 0 : i32
      %dma_start3A_960 = tpu.memref_slice %arg9[%dma_start3A_959] : memref<8192xf32, #tpu.memory_space<vmem>> -> memref<4096xf32, #tpu.memory_space<vmem>>
      %dma_start3A_961 = tpu.memref_slice %arg10[%add3A_751] : memref<1605648xf32, #tpu.memory_space<vmem_shared>> -> memref<4096xf32, #tpu.memory_space<vmem_shared>>
      tpu.enqueue_dma source(%dma_start3A_961 : memref<4096xf32, #tpu.memory_space<vmem_shared>>) target(%dma_start3A_960 : memref<4096xf32, #tpu.memory_space<vmem>>) target_semaphore(%run_scoped3A : memref<!tpu.dma_semaphore, #tpu.memory_space<semaphore_mem>>)
      %dma_wait3A_962 = arith.constant 0 : i32
      %dma_wait3A_963 = tpu.memref_slice %arg9[%dma_wait3A_962] : memref<8192xf32, #tpu.memory_space<vmem>> -> memref<4096xf32, #tpu.memory_space<vmem>>
      %dma_wait3A_964 = tpu.memref_slice %arg10[%add3A_751] : memref<1605648xf32, #tpu.memory_space<vmem_shared>> -> memref<4096xf32, #tpu.memory_space<vmem_shared>>
      %dma_wait3A_965 = arith.constant 0 : i32
      %dma_wait3A_966 = tpu.memref_slice %arg9[%dma_wait3A_965] : memref<8192xf32, #tpu.memory_space<vmem>> -> memref<4096xf32, #tpu.memory_space<vmem>>
      %dma_wait3A_967 = tpu.memref_slice %arg10[%add3A_751] : memref<1605648xf32, #tpu.memory_space<vmem_shared>> -> memref<4096xf32, #tpu.memory_space<vmem_shared>>
      tpu.wait_dma2 semaphore(%run_scoped3A : memref<!tpu.dma_semaphore, #tpu.memory_space<semaphore_mem>>) src(%dma_wait3A_967 : memref<4096xf32, #tpu.memory_space<vmem_shared>>) dst(%dma_wait3A_966 : memref<4096xf32, #tpu.memory_space<vmem>>)
      tpu.yield
    }) : () -> ()
    %add3A_752 = arith.constant 57344 : i32
    %add3A_753 = arith.addi %mul3A_505, %add3A_752 : i32
    %dma_start3A_754 = arith.constant 0 : i32
    %dma_start3A_755 = tpu.memref_slice %arg9[%dma_start3A_754] : memref<8192xf32, #tpu.memory_space<vmem>> -> memref<4096xf32, #tpu.memory_space<vmem>>
    %dma_start3A_756 = tpu.memref_slice %arg4[%add3A_753] : memref<3211264xf32, #tpu.memory_space<hbm>> -> memref<4096xf32, #tpu.memory_space<hbm>>
    %dma_start3A_757 = tpu.memref_slice %arg4[%add3A_753] : memref<3211264xf32, #tpu.memory_space<hbm>> -> memref<4096xf32, #tpu.memory_space<hbm>>
    %dma_start3A_758 = arith.constant 0 : i32
    %dma_start3A_759 = tpu.memref_slice %arg9[%dma_start3A_758] : memref<8192xf32, #tpu.memory_space<vmem>> -> memref<4096xf32, #tpu.memory_space<vmem>>
    tpu.enqueue_dma source(%dma_start3A_759 : memref<4096xf32, #tpu.memory_space<vmem>>) target(%dma_start3A_757 : memref<4096xf32, #tpu.memory_space<hbm>>) target_semaphore(%arg12 : memref<!tpu.dma_semaphore, #tpu.memory_space<semaphore_mem>>)
    %dma_wait3A_760 = arith.constant 0 : i32
    %dma_wait3A_761 = tpu.memref_slice %arg9[%dma_wait3A_760] : memref<8192xf32, #tpu.memory_space<vmem>> -> memref<4096xf32, #tpu.memory_space<vmem>>
    %dma_wait3A_762 = arith.constant 0 : i32
    %dma_wait3A_763 = tpu.memref_slice %arg4[%dma_wait3A_762] : memref<3211264xf32, #tpu.memory_space<hbm>> -> memref<4096xf32, #tpu.memory_space<hbm>>
    %dma_wait3A_764 = arith.constant 0 : i32
    %dma_wait3A_765 = tpu.memref_slice %arg4[%dma_wait3A_764] : memref<3211264xf32, #tpu.memory_space<hbm>> -> memref<4096xf32, #tpu.memory_space<hbm>>
    %dma_wait3A_766 = arith.constant 0 : i32
    %dma_wait3A_767 = tpu.memref_slice %arg9[%dma_wait3A_766] : memref<8192xf32, #tpu.memory_space<vmem>> -> memref<4096xf32, #tpu.memory_space<vmem>>
    tpu.wait_dma2 semaphore(%arg12 : memref<!tpu.dma_semaphore, #tpu.memory_space<semaphore_mem>>) src(%dma_wait3A_767 : memref<4096xf32, #tpu.memory_space<vmem>>) dst(%dma_wait3A_765 : memref<4096xf32, #tpu.memory_space<hbm>>)
    %add3A_768 = arith.constant 61440 : i32
    %add3A_769 = arith.addi %mul3A_234, %add3A_768 : i32
    "tpu.region"() ({
      %run_scoped3A = tpu.sem_alloc : memref<!tpu.dma_semaphore, #tpu.memory_space<semaphore_mem>>
      %dma_start3A_956 = arith.constant 4096 : i32
      %dma_start3A_957 = tpu.memref_slice %arg9[%dma_start3A_956] : memref<8192xf32, #tpu.memory_space<vmem>> -> memref<4096xf32, #tpu.memory_space<vmem>>
      %dma_start3A_958 = tpu.memref_slice %arg10[%add3A_769] : memref<1605648xf32, #tpu.memory_space<vmem_shared>> -> memref<4096xf32, #tpu.memory_space<vmem_shared>>
      %dma_start3A_959 = arith.constant 4096 : i32
      %dma_start3A_960 = tpu.memref_slice %arg9[%dma_start3A_959] : memref<8192xf32, #tpu.memory_space<vmem>> -> memref<4096xf32, #tpu.memory_space<vmem>>
      %dma_start3A_961 = tpu.memref_slice %arg10[%add3A_769] : memref<1605648xf32, #tpu.memory_space<vmem_shared>> -> memref<4096xf32, #tpu.memory_space<vmem_shared>>
      tpu.enqueue_dma source(%dma_start3A_961 : memref<4096xf32, #tpu.memory_space<vmem_shared>>) target(%dma_start3A_960 : memref<4096xf32, #tpu.memory_space<vmem>>) target_semaphore(%run_scoped3A : memref<!tpu.dma_semaphore, #tpu.memory_space<semaphore_mem>>)
      %dma_wait3A_962 = arith.constant 4096 : i32
      %dma_wait3A_963 = tpu.memref_slice %arg9[%dma_wait3A_962] : memref<8192xf32, #tpu.memory_space<vmem>> -> memref<4096xf32, #tpu.memory_space<vmem>>
      %dma_wait3A_964 = tpu.memref_slice %arg10[%add3A_769] : memref<1605648xf32, #tpu.memory_space<vmem_shared>> -> memref<4096xf32, #tpu.memory_space<vmem_shared>>
      %dma_wait3A_965 = arith.constant 4096 : i32
      %dma_wait3A_966 = tpu.memref_slice %arg9[%dma_wait3A_965] : memref<8192xf32, #tpu.memory_space<vmem>> -> memref<4096xf32, #tpu.memory_space<vmem>>
      %dma_wait3A_967 = tpu.memref_slice %arg10[%add3A_769] : memref<1605648xf32, #tpu.memory_space<vmem_shared>> -> memref<4096xf32, #tpu.memory_space<vmem_shared>>
      tpu.wait_dma2 semaphore(%run_scoped3A : memref<!tpu.dma_semaphore, #tpu.memory_space<semaphore_mem>>) src(%dma_wait3A_967 : memref<4096xf32, #tpu.memory_space<vmem_shared>>) dst(%dma_wait3A_966 : memref<4096xf32, #tpu.memory_space<vmem>>)
      tpu.yield
    }) : () -> ()
    %add3A_770 = arith.constant 61440 : i32
    %add3A_771 = arith.addi %mul3A_505, %add3A_770 : i32
    %dma_start3A_772 = arith.constant 4096 : i32
    %dma_start3A_773 = tpu.memref_slice %arg9[%dma_start3A_772] : memref<8192xf32, #tpu.memory_space<vmem>> -> memref<4096xf32, #tpu.memory_space<vmem>>
    %dma_start3A_774 = tpu.memref_slice %arg4[%add3A_771] : memref<3211264xf32, #tpu.memory_space<hbm>> -> memref<4096xf32, #tpu.memory_space<hbm>>
    %dma_start3A_775 = tpu.memref_slice %arg4[%add3A_771] : memref<3211264xf32, #tpu.memory_space<hbm>> -> memref<4096xf32, #tpu.memory_space<hbm>>
    %dma_start3A_776 = arith.constant 4096 : i32
    %dma_start3A_777 = tpu.memref_slice %arg9[%dma_start3A_776] : memref<8192xf32, #tpu.memory_space<vmem>> -> memref<4096xf32, #tpu.memory_space<vmem>>
    tpu.enqueue_dma source(%dma_start3A_777 : memref<4096xf32, #tpu.memory_space<vmem>>) target(%dma_start3A_775 : memref<4096xf32, #tpu.memory_space<hbm>>) target_semaphore(%arg12 : memref<!tpu.dma_semaphore, #tpu.memory_space<semaphore_mem>>)
    %dma_wait3A_778 = arith.constant 0 : i32
    %dma_wait3A_779 = tpu.memref_slice %arg9[%dma_wait3A_778] : memref<8192xf32, #tpu.memory_space<vmem>> -> memref<4096xf32, #tpu.memory_space<vmem>>
    %dma_wait3A_780 = arith.constant 0 : i32
    %dma_wait3A_781 = tpu.memref_slice %arg4[%dma_wait3A_780] : memref<3211264xf32, #tpu.memory_space<hbm>> -> memref<4096xf32, #tpu.memory_space<hbm>>
    %dma_wait3A_782 = arith.constant 0 : i32
    %dma_wait3A_783 = tpu.memref_slice %arg4[%dma_wait3A_782] : memref<3211264xf32, #tpu.memory_space<hbm>> -> memref<4096xf32, #tpu.memory_space<hbm>>
    %dma_wait3A_784 = arith.constant 0 : i32
    %dma_wait3A_785 = tpu.memref_slice %arg9[%dma_wait3A_784] : memref<8192xf32, #tpu.memory_space<vmem>> -> memref<4096xf32, #tpu.memory_space<vmem>>
    tpu.wait_dma2 semaphore(%arg12 : memref<!tpu.dma_semaphore, #tpu.memory_space<semaphore_mem>>) src(%dma_wait3A_785 : memref<4096xf32, #tpu.memory_space<vmem>>) dst(%dma_wait3A_783 : memref<4096xf32, #tpu.memory_space<hbm>>)
    %add3A_786 = arith.constant 65536 : i32
    %add3A_787 = arith.addi %mul3A_234, %add3A_786 : i32
    "tpu.region"() ({
      %run_scoped3A = tpu.sem_alloc : memref<!tpu.dma_semaphore, #tpu.memory_space<semaphore_mem>>
      %dma_start3A_956 = arith.constant 0 : i32
      %dma_start3A_957 = tpu.memref_slice %arg9[%dma_start3A_956] : memref<8192xf32, #tpu.memory_space<vmem>> -> memref<4096xf32, #tpu.memory_space<vmem>>
      %dma_start3A_958 = tpu.memref_slice %arg10[%add3A_787] : memref<1605648xf32, #tpu.memory_space<vmem_shared>> -> memref<4096xf32, #tpu.memory_space<vmem_shared>>
      %dma_start3A_959 = arith.constant 0 : i32
      %dma_start3A_960 = tpu.memref_slice %arg9[%dma_start3A_959] : memref<8192xf32, #tpu.memory_space<vmem>> -> memref<4096xf32, #tpu.memory_space<vmem>>
      %dma_start3A_961 = tpu.memref_slice %arg10[%add3A_787] : memref<1605648xf32, #tpu.memory_space<vmem_shared>> -> memref<4096xf32, #tpu.memory_space<vmem_shared>>
      tpu.enqueue_dma source(%dma_start3A_961 : memref<4096xf32, #tpu.memory_space<vmem_shared>>) target(%dma_start3A_960 : memref<4096xf32, #tpu.memory_space<vmem>>) target_semaphore(%run_scoped3A : memref<!tpu.dma_semaphore, #tpu.memory_space<semaphore_mem>>)
      %dma_wait3A_962 = arith.constant 0 : i32
      %dma_wait3A_963 = tpu.memref_slice %arg9[%dma_wait3A_962] : memref<8192xf32, #tpu.memory_space<vmem>> -> memref<4096xf32, #tpu.memory_space<vmem>>
      %dma_wait3A_964 = tpu.memref_slice %arg10[%add3A_787] : memref<1605648xf32, #tpu.memory_space<vmem_shared>> -> memref<4096xf32, #tpu.memory_space<vmem_shared>>
      %dma_wait3A_965 = arith.constant 0 : i32
      %dma_wait3A_966 = tpu.memref_slice %arg9[%dma_wait3A_965] : memref<8192xf32, #tpu.memory_space<vmem>> -> memref<4096xf32, #tpu.memory_space<vmem>>
      %dma_wait3A_967 = tpu.memref_slice %arg10[%add3A_787] : memref<1605648xf32, #tpu.memory_space<vmem_shared>> -> memref<4096xf32, #tpu.memory_space<vmem_shared>>
      tpu.wait_dma2 semaphore(%run_scoped3A : memref<!tpu.dma_semaphore, #tpu.memory_space<semaphore_mem>>) src(%dma_wait3A_967 : memref<4096xf32, #tpu.memory_space<vmem_shared>>) dst(%dma_wait3A_966 : memref<4096xf32, #tpu.memory_space<vmem>>)
      tpu.yield
    }) : () -> ()
    %add3A_788 = arith.constant 65536 : i32
    %add3A_789 = arith.addi %mul3A_505, %add3A_788 : i32
    %dma_start3A_790 = arith.constant 0 : i32
    %dma_start3A_791 = tpu.memref_slice %arg9[%dma_start3A_790] : memref<8192xf32, #tpu.memory_space<vmem>> -> memref<4096xf32, #tpu.memory_space<vmem>>
    %dma_start3A_792 = tpu.memref_slice %arg4[%add3A_789] : memref<3211264xf32, #tpu.memory_space<hbm>> -> memref<4096xf32, #tpu.memory_space<hbm>>
    %dma_start3A_793 = tpu.memref_slice %arg4[%add3A_789] : memref<3211264xf32, #tpu.memory_space<hbm>> -> memref<4096xf32, #tpu.memory_space<hbm>>
    %dma_start3A_794 = arith.constant 0 : i32
    %dma_start3A_795 = tpu.memref_slice %arg9[%dma_start3A_794] : memref<8192xf32, #tpu.memory_space<vmem>> -> memref<4096xf32, #tpu.memory_space<vmem>>
    tpu.enqueue_dma source(%dma_start3A_795 : memref<4096xf32, #tpu.memory_space<vmem>>) target(%dma_start3A_793 : memref<4096xf32, #tpu.memory_space<hbm>>) target_semaphore(%arg12 : memref<!tpu.dma_semaphore, #tpu.memory_space<semaphore_mem>>)
    %dma_wait3A_796 = arith.constant 0 : i32
    %dma_wait3A_797 = tpu.memref_slice %arg9[%dma_wait3A_796] : memref<8192xf32, #tpu.memory_space<vmem>> -> memref<4096xf32, #tpu.memory_space<vmem>>
    %dma_wait3A_798 = arith.constant 0 : i32
    %dma_wait3A_799 = tpu.memref_slice %arg4[%dma_wait3A_798] : memref<3211264xf32, #tpu.memory_space<hbm>> -> memref<4096xf32, #tpu.memory_space<hbm>>
    %dma_wait3A_800 = arith.constant 0 : i32
    %dma_wait3A_801 = tpu.memref_slice %arg4[%dma_wait3A_800] : memref<3211264xf32, #tpu.memory_space<hbm>> -> memref<4096xf32, #tpu.memory_space<hbm>>
    %dma_wait3A_802 = arith.constant 0 : i32
    %dma_wait3A_803 = tpu.memref_slice %arg9[%dma_wait3A_802] : memref<8192xf32, #tpu.memory_space<vmem>> -> memref<4096xf32, #tpu.memory_space<vmem>>
    tpu.wait_dma2 semaphore(%arg12 : memref<!tpu.dma_semaphore, #tpu.memory_space<semaphore_mem>>) src(%dma_wait3A_803 : memref<4096xf32, #tpu.memory_space<vmem>>) dst(%dma_wait3A_801 : memref<4096xf32, #tpu.memory_space<hbm>>)
    %add3A_804 = arith.constant 69632 : i32
    %add3A_805 = arith.addi %mul3A_234, %add3A_804 : i32
    "tpu.region"() ({
      %run_scoped3A = tpu.sem_alloc : memref<!tpu.dma_semaphore, #tpu.memory_space<semaphore_mem>>
      %dma_start3A_956 = arith.constant 4096 : i32
      %dma_start3A_957 = tpu.memref_slice %arg9[%dma_start3A_956] : memref<8192xf32, #tpu.memory_space<vmem>> -> memref<4096xf32, #tpu.memory_space<vmem>>
      %dma_start3A_958 = tpu.memref_slice %arg10[%add3A_805] : memref<1605648xf32, #tpu.memory_space<vmem_shared>> -> memref<4096xf32, #tpu.memory_space<vmem_shared>>
      %dma_start3A_959 = arith.constant 4096 : i32
      %dma_start3A_960 = tpu.memref_slice %arg9[%dma_start3A_959] : memref<8192xf32, #tpu.memory_space<vmem>> -> memref<4096xf32, #tpu.memory_space<vmem>>
      %dma_start3A_961 = tpu.memref_slice %arg10[%add3A_805] : memref<1605648xf32, #tpu.memory_space<vmem_shared>> -> memref<4096xf32, #tpu.memory_space<vmem_shared>>
      tpu.enqueue_dma source(%dma_start3A_961 : memref<4096xf32, #tpu.memory_space<vmem_shared>>) target(%dma_start3A_960 : memref<4096xf32, #tpu.memory_space<vmem>>) target_semaphore(%run_scoped3A : memref<!tpu.dma_semaphore, #tpu.memory_space<semaphore_mem>>)
      %dma_wait3A_962 = arith.constant 4096 : i32
      %dma_wait3A_963 = tpu.memref_slice %arg9[%dma_wait3A_962] : memref<8192xf32, #tpu.memory_space<vmem>> -> memref<4096xf32, #tpu.memory_space<vmem>>
      %dma_wait3A_964 = tpu.memref_slice %arg10[%add3A_805] : memref<1605648xf32, #tpu.memory_space<vmem_shared>> -> memref<4096xf32, #tpu.memory_space<vmem_shared>>
      %dma_wait3A_965 = arith.constant 4096 : i32
      %dma_wait3A_966 = tpu.memref_slice %arg9[%dma_wait3A_965] : memref<8192xf32, #tpu.memory_space<vmem>> -> memref<4096xf32, #tpu.memory_space<vmem>>
      %dma_wait3A_967 = tpu.memref_slice %arg10[%add3A_805] : memref<1605648xf32, #tpu.memory_space<vmem_shared>> -> memref<4096xf32, #tpu.memory_space<vmem_shared>>
      tpu.wait_dma2 semaphore(%run_scoped3A : memref<!tpu.dma_semaphore, #tpu.memory_space<semaphore_mem>>) src(%dma_wait3A_967 : memref<4096xf32, #tpu.memory_space<vmem_shared>>) dst(%dma_wait3A_966 : memref<4096xf32, #tpu.memory_space<vmem>>)
      tpu.yield
    }) : () -> ()
    %add3A_806 = arith.constant 69632 : i32
    %add3A_807 = arith.addi %mul3A_505, %add3A_806 : i32
    %dma_start3A_808 = arith.constant 4096 : i32
    %dma_start3A_809 = tpu.memref_slice %arg9[%dma_start3A_808] : memref<8192xf32, #tpu.memory_space<vmem>> -> memref<4096xf32, #tpu.memory_space<vmem>>
    %dma_start3A_810 = tpu.memref_slice %arg4[%add3A_807] : memref<3211264xf32, #tpu.memory_space<hbm>> -> memref<4096xf32, #tpu.memory_space<hbm>>
    %dma_start3A_811 = tpu.memref_slice %arg4[%add3A_807] : memref<3211264xf32, #tpu.memory_space<hbm>> -> memref<4096xf32, #tpu.memory_space<hbm>>
    %dma_start3A_812 = arith.constant 4096 : i32
    %dma_start3A_813 = tpu.memref_slice %arg9[%dma_start3A_812] : memref<8192xf32, #tpu.memory_space<vmem>> -> memref<4096xf32, #tpu.memory_space<vmem>>
    tpu.enqueue_dma source(%dma_start3A_813 : memref<4096xf32, #tpu.memory_space<vmem>>) target(%dma_start3A_811 : memref<4096xf32, #tpu.memory_space<hbm>>) target_semaphore(%arg12 : memref<!tpu.dma_semaphore, #tpu.memory_space<semaphore_mem>>)
    %dma_wait3A_814 = arith.constant 0 : i32
    %dma_wait3A_815 = tpu.memref_slice %arg9[%dma_wait3A_814] : memref<8192xf32, #tpu.memory_space<vmem>> -> memref<4096xf32, #tpu.memory_space<vmem>>
    %dma_wait3A_816 = arith.constant 0 : i32
    %dma_wait3A_817 = tpu.memref_slice %arg4[%dma_wait3A_816] : memref<3211264xf32, #tpu.memory_space<hbm>> -> memref<4096xf32, #tpu.memory_space<hbm>>
    %dma_wait3A_818 = arith.constant 0 : i32
    %dma_wait3A_819 = tpu.memref_slice %arg4[%dma_wait3A_818] : memref<3211264xf32, #tpu.memory_space<hbm>> -> memref<4096xf32, #tpu.memory_space<hbm>>
    %dma_wait3A_820 = arith.constant 0 : i32
    %dma_wait3A_821 = tpu.memref_slice %arg9[%dma_wait3A_820] : memref<8192xf32, #tpu.memory_space<vmem>> -> memref<4096xf32, #tpu.memory_space<vmem>>
    tpu.wait_dma2 semaphore(%arg12 : memref<!tpu.dma_semaphore, #tpu.memory_space<semaphore_mem>>) src(%dma_wait3A_821 : memref<4096xf32, #tpu.memory_space<vmem>>) dst(%dma_wait3A_819 : memref<4096xf32, #tpu.memory_space<hbm>>)
    %add3A_822 = arith.constant 73728 : i32
    %add3A_823 = arith.addi %mul3A_234, %add3A_822 : i32
    "tpu.region"() ({
      %run_scoped3A = tpu.sem_alloc : memref<!tpu.dma_semaphore, #tpu.memory_space<semaphore_mem>>
      %dma_start3A_956 = arith.constant 0 : i32
      %dma_start3A_957 = tpu.memref_slice %arg9[%dma_start3A_956] : memref<8192xf32, #tpu.memory_space<vmem>> -> memref<4096xf32, #tpu.memory_space<vmem>>
      %dma_start3A_958 = tpu.memref_slice %arg10[%add3A_823] : memref<1605648xf32, #tpu.memory_space<vmem_shared>> -> memref<4096xf32, #tpu.memory_space<vmem_shared>>
      %dma_start3A_959 = arith.constant 0 : i32
      %dma_start3A_960 = tpu.memref_slice %arg9[%dma_start3A_959] : memref<8192xf32, #tpu.memory_space<vmem>> -> memref<4096xf32, #tpu.memory_space<vmem>>
      %dma_start3A_961 = tpu.memref_slice %arg10[%add3A_823] : memref<1605648xf32, #tpu.memory_space<vmem_shared>> -> memref<4096xf32, #tpu.memory_space<vmem_shared>>
      tpu.enqueue_dma source(%dma_start3A_961 : memref<4096xf32, #tpu.memory_space<vmem_shared>>) target(%dma_start3A_960 : memref<4096xf32, #tpu.memory_space<vmem>>) target_semaphore(%run_scoped3A : memref<!tpu.dma_semaphore, #tpu.memory_space<semaphore_mem>>)
      %dma_wait3A_962 = arith.constant 0 : i32
      %dma_wait3A_963 = tpu.memref_slice %arg9[%dma_wait3A_962] : memref<8192xf32, #tpu.memory_space<vmem>> -> memref<4096xf32, #tpu.memory_space<vmem>>
      %dma_wait3A_964 = tpu.memref_slice %arg10[%add3A_823] : memref<1605648xf32, #tpu.memory_space<vmem_shared>> -> memref<4096xf32, #tpu.memory_space<vmem_shared>>
      %dma_wait3A_965 = arith.constant 0 : i32
      %dma_wait3A_966 = tpu.memref_slice %arg9[%dma_wait3A_965] : memref<8192xf32, #tpu.memory_space<vmem>> -> memref<4096xf32, #tpu.memory_space<vmem>>
      %dma_wait3A_967 = tpu.memref_slice %arg10[%add3A_823] : memref<1605648xf32, #tpu.memory_space<vmem_shared>> -> memref<4096xf32, #tpu.memory_space<vmem_shared>>
      tpu.wait_dma2 semaphore(%run_scoped3A : memref<!tpu.dma_semaphore, #tpu.memory_space<semaphore_mem>>) src(%dma_wait3A_967 : memref<4096xf32, #tpu.memory_space<vmem_shared>>) dst(%dma_wait3A_966 : memref<4096xf32, #tpu.memory_space<vmem>>)
      tpu.yield
    }) : () -> ()
    %add3A_824 = arith.constant 73728 : i32
    %add3A_825 = arith.addi %mul3A_505, %add3A_824 : i32
    %dma_start3A_826 = arith.constant 0 : i32
    %dma_start3A_827 = tpu.memref_slice %arg9[%dma_start3A_826] : memref<8192xf32, #tpu.memory_space<vmem>> -> memref<4096xf32, #tpu.memory_space<vmem>>
    %dma_start3A_828 = tpu.memref_slice %arg4[%add3A_825] : memref<3211264xf32, #tpu.memory_space<hbm>> -> memref<4096xf32, #tpu.memory_space<hbm>>
    %dma_start3A_829 = tpu.memref_slice %arg4[%add3A_825] : memref<3211264xf32, #tpu.memory_space<hbm>> -> memref<4096xf32, #tpu.memory_space<hbm>>
    %dma_start3A_830 = arith.constant 0 : i32
    %dma_start3A_831 = tpu.memref_slice %arg9[%dma_start3A_830] : memref<8192xf32, #tpu.memory_space<vmem>> -> memref<4096xf32, #tpu.memory_space<vmem>>
    tpu.enqueue_dma source(%dma_start3A_831 : memref<4096xf32, #tpu.memory_space<vmem>>) target(%dma_start3A_829 : memref<4096xf32, #tpu.memory_space<hbm>>) target_semaphore(%arg12 : memref<!tpu.dma_semaphore, #tpu.memory_space<semaphore_mem>>)
    %dma_wait3A_832 = arith.constant 0 : i32
    %dma_wait3A_833 = tpu.memref_slice %arg9[%dma_wait3A_832] : memref<8192xf32, #tpu.memory_space<vmem>> -> memref<4096xf32, #tpu.memory_space<vmem>>
    %dma_wait3A_834 = arith.constant 0 : i32
    %dma_wait3A_835 = tpu.memref_slice %arg4[%dma_wait3A_834] : memref<3211264xf32, #tpu.memory_space<hbm>> -> memref<4096xf32, #tpu.memory_space<hbm>>
    %dma_wait3A_836 = arith.constant 0 : i32
    %dma_wait3A_837 = tpu.memref_slice %arg4[%dma_wait3A_836] : memref<3211264xf32, #tpu.memory_space<hbm>> -> memref<4096xf32, #tpu.memory_space<hbm>>
    %dma_wait3A_838 = arith.constant 0 : i32
    %dma_wait3A_839 = tpu.memref_slice %arg9[%dma_wait3A_838] : memref<8192xf32, #tpu.memory_space<vmem>> -> memref<4096xf32, #tpu.memory_space<vmem>>
    tpu.wait_dma2 semaphore(%arg12 : memref<!tpu.dma_semaphore, #tpu.memory_space<semaphore_mem>>) src(%dma_wait3A_839 : memref<4096xf32, #tpu.memory_space<vmem>>) dst(%dma_wait3A_837 : memref<4096xf32, #tpu.memory_space<hbm>>)
    %add3A_840 = arith.constant 77824 : i32
    %add3A_841 = arith.addi %mul3A_234, %add3A_840 : i32
    "tpu.region"() ({
      %run_scoped3A = tpu.sem_alloc : memref<!tpu.dma_semaphore, #tpu.memory_space<semaphore_mem>>
      %dma_start3A_956 = arith.constant 4096 : i32
      %dma_start3A_957 = tpu.memref_slice %arg9[%dma_start3A_956] : memref<8192xf32, #tpu.memory_space<vmem>> -> memref<4096xf32, #tpu.memory_space<vmem>>
      %dma_start3A_958 = tpu.memref_slice %arg10[%add3A_841] : memref<1605648xf32, #tpu.memory_space<vmem_shared>> -> memref<4096xf32, #tpu.memory_space<vmem_shared>>
      %dma_start3A_959 = arith.constant 4096 : i32
      %dma_start3A_960 = tpu.memref_slice %arg9[%dma_start3A_959] : memref<8192xf32, #tpu.memory_space<vmem>> -> memref<4096xf32, #tpu.memory_space<vmem>>
      %dma_start3A_961 = tpu.memref_slice %arg10[%add3A_841] : memref<1605648xf32, #tpu.memory_space<vmem_shared>> -> memref<4096xf32, #tpu.memory_space<vmem_shared>>
      tpu.enqueue_dma source(%dma_start3A_961 : memref<4096xf32, #tpu.memory_space<vmem_shared>>) target(%dma_start3A_960 : memref<4096xf32, #tpu.memory_space<vmem>>) target_semaphore(%run_scoped3A : memref<!tpu.dma_semaphore, #tpu.memory_space<semaphore_mem>>)
      %dma_wait3A_962 = arith.constant 4096 : i32
      %dma_wait3A_963 = tpu.memref_slice %arg9[%dma_wait3A_962] : memref<8192xf32, #tpu.memory_space<vmem>> -> memref<4096xf32, #tpu.memory_space<vmem>>
      %dma_wait3A_964 = tpu.memref_slice %arg10[%add3A_841] : memref<1605648xf32, #tpu.memory_space<vmem_shared>> -> memref<4096xf32, #tpu.memory_space<vmem_shared>>
      %dma_wait3A_965 = arith.constant 4096 : i32
      %dma_wait3A_966 = tpu.memref_slice %arg9[%dma_wait3A_965] : memref<8192xf32, #tpu.memory_space<vmem>> -> memref<4096xf32, #tpu.memory_space<vmem>>
      %dma_wait3A_967 = tpu.memref_slice %arg10[%add3A_841] : memref<1605648xf32, #tpu.memory_space<vmem_shared>> -> memref<4096xf32, #tpu.memory_space<vmem_shared>>
      tpu.wait_dma2 semaphore(%run_scoped3A : memref<!tpu.dma_semaphore, #tpu.memory_space<semaphore_mem>>) src(%dma_wait3A_967 : memref<4096xf32, #tpu.memory_space<vmem_shared>>) dst(%dma_wait3A_966 : memref<4096xf32, #tpu.memory_space<vmem>>)
      tpu.yield
    }) : () -> ()
    %add3A_842 = arith.constant 77824 : i32
    %add3A_843 = arith.addi %mul3A_505, %add3A_842 : i32
    %dma_start3A_844 = arith.constant 4096 : i32
    %dma_start3A_845 = tpu.memref_slice %arg9[%dma_start3A_844] : memref<8192xf32, #tpu.memory_space<vmem>> -> memref<4096xf32, #tpu.memory_space<vmem>>
    %dma_start3A_846 = tpu.memref_slice %arg4[%add3A_843] : memref<3211264xf32, #tpu.memory_space<hbm>> -> memref<4096xf32, #tpu.memory_space<hbm>>
    %dma_start3A_847 = tpu.memref_slice %arg4[%add3A_843] : memref<3211264xf32, #tpu.memory_space<hbm>> -> memref<4096xf32, #tpu.memory_space<hbm>>
    %dma_start3A_848 = arith.constant 4096 : i32
    %dma_start3A_849 = tpu.memref_slice %arg9[%dma_start3A_848] : memref<8192xf32, #tpu.memory_space<vmem>> -> memref<4096xf32, #tpu.memory_space<vmem>>
    tpu.enqueue_dma source(%dma_start3A_849 : memref<4096xf32, #tpu.memory_space<vmem>>) target(%dma_start3A_847 : memref<4096xf32, #tpu.memory_space<hbm>>) target_semaphore(%arg12 : memref<!tpu.dma_semaphore, #tpu.memory_space<semaphore_mem>>)
    %dma_wait3A_850 = arith.constant 0 : i32
    %dma_wait3A_851 = tpu.memref_slice %arg9[%dma_wait3A_850] : memref<8192xf32, #tpu.memory_space<vmem>> -> memref<4096xf32, #tpu.memory_space<vmem>>
    %dma_wait3A_852 = arith.constant 0 : i32
    %dma_wait3A_853 = tpu.memref_slice %arg4[%dma_wait3A_852] : memref<3211264xf32, #tpu.memory_space<hbm>> -> memref<4096xf32, #tpu.memory_space<hbm>>
    %dma_wait3A_854 = arith.constant 0 : i32
    %dma_wait3A_855 = tpu.memref_slice %arg4[%dma_wait3A_854] : memref<3211264xf32, #tpu.memory_space<hbm>> -> memref<4096xf32, #tpu.memory_space<hbm>>
    %dma_wait3A_856 = arith.constant 0 : i32
    %dma_wait3A_857 = tpu.memref_slice %arg9[%dma_wait3A_856] : memref<8192xf32, #tpu.memory_space<vmem>> -> memref<4096xf32, #tpu.memory_space<vmem>>
    tpu.wait_dma2 semaphore(%arg12 : memref<!tpu.dma_semaphore, #tpu.memory_space<semaphore_mem>>) src(%dma_wait3A_857 : memref<4096xf32, #tpu.memory_space<vmem>>) dst(%dma_wait3A_855 : memref<4096xf32, #tpu.memory_space<hbm>>)
    %add3A_858 = arith.constant 81920 : i32
    %add3A_859 = arith.addi %mul3A_234, %add3A_858 : i32
    "tpu.region"() ({
      %run_scoped3A = tpu.sem_alloc : memref<!tpu.dma_semaphore, #tpu.memory_space<semaphore_mem>>
      %dma_start3A_956 = arith.constant 0 : i32
      %dma_start3A_957 = tpu.memref_slice %arg9[%dma_start3A_956] : memref<8192xf32, #tpu.memory_space<vmem>> -> memref<4096xf32, #tpu.memory_space<vmem>>
      %dma_start3A_958 = tpu.memref_slice %arg10[%add3A_859] : memref<1605648xf32, #tpu.memory_space<vmem_shared>> -> memref<4096xf32, #tpu.memory_space<vmem_shared>>
      %dma_start3A_959 = arith.constant 0 : i32
      %dma_start3A_960 = tpu.memref_slice %arg9[%dma_start3A_959] : memref<8192xf32, #tpu.memory_space<vmem>> -> memref<4096xf32, #tpu.memory_space<vmem>>
      %dma_start3A_961 = tpu.memref_slice %arg10[%add3A_859] : memref<1605648xf32, #tpu.memory_space<vmem_shared>> -> memref<4096xf32, #tpu.memory_space<vmem_shared>>
      tpu.enqueue_dma source(%dma_start3A_961 : memref<4096xf32, #tpu.memory_space<vmem_shared>>) target(%dma_start3A_960 : memref<4096xf32, #tpu.memory_space<vmem>>) target_semaphore(%run_scoped3A : memref<!tpu.dma_semaphore, #tpu.memory_space<semaphore_mem>>)
      %dma_wait3A_962 = arith.constant 0 : i32
      %dma_wait3A_963 = tpu.memref_slice %arg9[%dma_wait3A_962] : memref<8192xf32, #tpu.memory_space<vmem>> -> memref<4096xf32, #tpu.memory_space<vmem>>
      %dma_wait3A_964 = tpu.memref_slice %arg10[%add3A_859] : memref<1605648xf32, #tpu.memory_space<vmem_shared>> -> memref<4096xf32, #tpu.memory_space<vmem_shared>>
      %dma_wait3A_965 = arith.constant 0 : i32
      %dma_wait3A_966 = tpu.memref_slice %arg9[%dma_wait3A_965] : memref<8192xf32, #tpu.memory_space<vmem>> -> memref<4096xf32, #tpu.memory_space<vmem>>
      %dma_wait3A_967 = tpu.memref_slice %arg10[%add3A_859] : memref<1605648xf32, #tpu.memory_space<vmem_shared>> -> memref<4096xf32, #tpu.memory_space<vmem_shared>>
      tpu.wait_dma2 semaphore(%run_scoped3A : memref<!tpu.dma_semaphore, #tpu.memory_space<semaphore_mem>>) src(%dma_wait3A_967 : memref<4096xf32, #tpu.memory_space<vmem_shared>>) dst(%dma_wait3A_966 : memref<4096xf32, #tpu.memory_space<vmem>>)
      tpu.yield
    }) : () -> ()
    %add3A_860 = arith.constant 81920 : i32
    %add3A_861 = arith.addi %mul3A_505, %add3A_860 : i32
    %dma_start3A_862 = arith.constant 0 : i32
    %dma_start3A_863 = tpu.memref_slice %arg9[%dma_start3A_862] : memref<8192xf32, #tpu.memory_space<vmem>> -> memref<4096xf32, #tpu.memory_space<vmem>>
    %dma_start3A_864 = tpu.memref_slice %arg4[%add3A_861] : memref<3211264xf32, #tpu.memory_space<hbm>> -> memref<4096xf32, #tpu.memory_space<hbm>>
    %dma_start3A_865 = tpu.memref_slice %arg4[%add3A_861] : memref<3211264xf32, #tpu.memory_space<hbm>> -> memref<4096xf32, #tpu.memory_space<hbm>>
    %dma_start3A_866 = arith.constant 0 : i32
    %dma_start3A_867 = tpu.memref_slice %arg9[%dma_start3A_866] : memref<8192xf32, #tpu.memory_space<vmem>> -> memref<4096xf32, #tpu.memory_space<vmem>>
    tpu.enqueue_dma source(%dma_start3A_867 : memref<4096xf32, #tpu.memory_space<vmem>>) target(%dma_start3A_865 : memref<4096xf32, #tpu.memory_space<hbm>>) target_semaphore(%arg12 : memref<!tpu.dma_semaphore, #tpu.memory_space<semaphore_mem>>)
    %dma_wait3A_868 = arith.constant 0 : i32
    %dma_wait3A_869 = tpu.memref_slice %arg9[%dma_wait3A_868] : memref<8192xf32, #tpu.memory_space<vmem>> -> memref<4096xf32, #tpu.memory_space<vmem>>
    %dma_wait3A_870 = arith.constant 0 : i32
    %dma_wait3A_871 = tpu.memref_slice %arg4[%dma_wait3A_870] : memref<3211264xf32, #tpu.memory_space<hbm>> -> memref<4096xf32, #tpu.memory_space<hbm>>
    %dma_wait3A_872 = arith.constant 0 : i32
    %dma_wait3A_873 = tpu.memref_slice %arg4[%dma_wait3A_872] : memref<3211264xf32, #tpu.memory_space<hbm>> -> memref<4096xf32, #tpu.memory_space<hbm>>
    %dma_wait3A_874 = arith.constant 0 : i32
    %dma_wait3A_875 = tpu.memref_slice %arg9[%dma_wait3A_874] : memref<8192xf32, #tpu.memory_space<vmem>> -> memref<4096xf32, #tpu.memory_space<vmem>>
    tpu.wait_dma2 semaphore(%arg12 : memref<!tpu.dma_semaphore, #tpu.memory_space<semaphore_mem>>) src(%dma_wait3A_875 : memref<4096xf32, #tpu.memory_space<vmem>>) dst(%dma_wait3A_873 : memref<4096xf32, #tpu.memory_space<hbm>>)
    %add3A_876 = arith.constant 86016 : i32
    %add3A_877 = arith.addi %mul3A_234, %add3A_876 : i32
    "tpu.region"() ({
      %run_scoped3A = tpu.sem_alloc : memref<!tpu.dma_semaphore, #tpu.memory_space<semaphore_mem>>
      %dma_start3A_956 = arith.constant 4096 : i32
      %dma_start3A_957 = tpu.memref_slice %arg9[%dma_start3A_956] : memref<8192xf32, #tpu.memory_space<vmem>> -> memref<4096xf32, #tpu.memory_space<vmem>>
      %dma_start3A_958 = tpu.memref_slice %arg10[%add3A_877] : memref<1605648xf32, #tpu.memory_space<vmem_shared>> -> memref<4096xf32, #tpu.memory_space<vmem_shared>>
      %dma_start3A_959 = arith.constant 4096 : i32
      %dma_start3A_960 = tpu.memref_slice %arg9[%dma_start3A_959] : memref<8192xf32, #tpu.memory_space<vmem>> -> memref<4096xf32, #tpu.memory_space<vmem>>
      %dma_start3A_961 = tpu.memref_slice %arg10[%add3A_877] : memref<1605648xf32, #tpu.memory_space<vmem_shared>> -> memref<4096xf32, #tpu.memory_space<vmem_shared>>
      tpu.enqueue_dma source(%dma_start3A_961 : memref<4096xf32, #tpu.memory_space<vmem_shared>>) target(%dma_start3A_960 : memref<4096xf32, #tpu.memory_space<vmem>>) target_semaphore(%run_scoped3A : memref<!tpu.dma_semaphore, #tpu.memory_space<semaphore_mem>>)
      %dma_wait3A_962 = arith.constant 4096 : i32
      %dma_wait3A_963 = tpu.memref_slice %arg9[%dma_wait3A_962] : memref<8192xf32, #tpu.memory_space<vmem>> -> memref<4096xf32, #tpu.memory_space<vmem>>
      %dma_wait3A_964 = tpu.memref_slice %arg10[%add3A_877] : memref<1605648xf32, #tpu.memory_space<vmem_shared>> -> memref<4096xf32, #tpu.memory_space<vmem_shared>>
      %dma_wait3A_965 = arith.constant 4096 : i32
      %dma_wait3A_966 = tpu.memref_slice %arg9[%dma_wait3A_965] : memref<8192xf32, #tpu.memory_space<vmem>> -> memref<4096xf32, #tpu.memory_space<vmem>>
      %dma_wait3A_967 = tpu.memref_slice %arg10[%add3A_877] : memref<1605648xf32, #tpu.memory_space<vmem_shared>> -> memref<4096xf32, #tpu.memory_space<vmem_shared>>
      tpu.wait_dma2 semaphore(%run_scoped3A : memref<!tpu.dma_semaphore, #tpu.memory_space<semaphore_mem>>) src(%dma_wait3A_967 : memref<4096xf32, #tpu.memory_space<vmem_shared>>) dst(%dma_wait3A_966 : memref<4096xf32, #tpu.memory_space<vmem>>)
      tpu.yield
    }) : () -> ()
    %add3A_878 = arith.constant 86016 : i32
    %add3A_879 = arith.addi %mul3A_505, %add3A_878 : i32
    %dma_start3A_880 = arith.constant 4096 : i32
    %dma_start3A_881 = tpu.memref_slice %arg9[%dma_start3A_880] : memref<8192xf32, #tpu.memory_space<vmem>> -> memref<4096xf32, #tpu.memory_space<vmem>>
    %dma_start3A_882 = tpu.memref_slice %arg4[%add3A_879] : memref<3211264xf32, #tpu.memory_space<hbm>> -> memref<4096xf32, #tpu.memory_space<hbm>>
    %dma_start3A_883 = tpu.memref_slice %arg4[%add3A_879] : memref<3211264xf32, #tpu.memory_space<hbm>> -> memref<4096xf32, #tpu.memory_space<hbm>>
    %dma_start3A_884 = arith.constant 4096 : i32
    %dma_start3A_885 = tpu.memref_slice %arg9[%dma_start3A_884] : memref<8192xf32, #tpu.memory_space<vmem>> -> memref<4096xf32, #tpu.memory_space<vmem>>
    tpu.enqueue_dma source(%dma_start3A_885 : memref<4096xf32, #tpu.memory_space<vmem>>) target(%dma_start3A_883 : memref<4096xf32, #tpu.memory_space<hbm>>) target_semaphore(%arg12 : memref<!tpu.dma_semaphore, #tpu.memory_space<semaphore_mem>>)
    %dma_wait3A_886 = arith.constant 0 : i32
    %dma_wait3A_887 = tpu.memref_slice %arg9[%dma_wait3A_886] : memref<8192xf32, #tpu.memory_space<vmem>> -> memref<4096xf32, #tpu.memory_space<vmem>>
    %dma_wait3A_888 = arith.constant 0 : i32
    %dma_wait3A_889 = tpu.memref_slice %arg4[%dma_wait3A_888] : memref<3211264xf32, #tpu.memory_space<hbm>> -> memref<4096xf32, #tpu.memory_space<hbm>>
    %dma_wait3A_890 = arith.constant 0 : i32
    %dma_wait3A_891 = tpu.memref_slice %arg4[%dma_wait3A_890] : memref<3211264xf32, #tpu.memory_space<hbm>> -> memref<4096xf32, #tpu.memory_space<hbm>>
    %dma_wait3A_892 = arith.constant 0 : i32
    %dma_wait3A_893 = tpu.memref_slice %arg9[%dma_wait3A_892] : memref<8192xf32, #tpu.memory_space<vmem>> -> memref<4096xf32, #tpu.memory_space<vmem>>
    tpu.wait_dma2 semaphore(%arg12 : memref<!tpu.dma_semaphore, #tpu.memory_space<semaphore_mem>>) src(%dma_wait3A_893 : memref<4096xf32, #tpu.memory_space<vmem>>) dst(%dma_wait3A_891 : memref<4096xf32, #tpu.memory_space<hbm>>)
    %add3A_894 = arith.constant 90112 : i32
    %add3A_895 = arith.addi %mul3A_234, %add3A_894 : i32
    "tpu.region"() ({
      %run_scoped3A = tpu.sem_alloc : memref<!tpu.dma_semaphore, #tpu.memory_space<semaphore_mem>>
      %dma_start3A_956 = arith.constant 0 : i32
      %dma_start3A_957 = tpu.memref_slice %arg9[%dma_start3A_956] : memref<8192xf32, #tpu.memory_space<vmem>> -> memref<4096xf32, #tpu.memory_space<vmem>>
      %dma_start3A_958 = tpu.memref_slice %arg10[%add3A_895] : memref<1605648xf32, #tpu.memory_space<vmem_shared>> -> memref<4096xf32, #tpu.memory_space<vmem_shared>>
      %dma_start3A_959 = arith.constant 0 : i32
      %dma_start3A_960 = tpu.memref_slice %arg9[%dma_start3A_959] : memref<8192xf32, #tpu.memory_space<vmem>> -> memref<4096xf32, #tpu.memory_space<vmem>>
      %dma_start3A_961 = tpu.memref_slice %arg10[%add3A_895] : memref<1605648xf32, #tpu.memory_space<vmem_shared>> -> memref<4096xf32, #tpu.memory_space<vmem_shared>>
      tpu.enqueue_dma source(%dma_start3A_961 : memref<4096xf32, #tpu.memory_space<vmem_shared>>) target(%dma_start3A_960 : memref<4096xf32, #tpu.memory_space<vmem>>) target_semaphore(%run_scoped3A : memref<!tpu.dma_semaphore, #tpu.memory_space<semaphore_mem>>)
      %dma_wait3A_962 = arith.constant 0 : i32
      %dma_wait3A_963 = tpu.memref_slice %arg9[%dma_wait3A_962] : memref<8192xf32, #tpu.memory_space<vmem>> -> memref<4096xf32, #tpu.memory_space<vmem>>
      %dma_wait3A_964 = tpu.memref_slice %arg10[%add3A_895] : memref<1605648xf32, #tpu.memory_space<vmem_shared>> -> memref<4096xf32, #tpu.memory_space<vmem_shared>>
      %dma_wait3A_965 = arith.constant 0 : i32
      %dma_wait3A_966 = tpu.memref_slice %arg9[%dma_wait3A_965] : memref<8192xf32, #tpu.memory_space<vmem>> -> memref<4096xf32, #tpu.memory_space<vmem>>
      %dma_wait3A_967 = tpu.memref_slice %arg10[%add3A_895] : memref<1605648xf32, #tpu.memory_space<vmem_shared>> -> memref<4096xf32, #tpu.memory_space<vmem_shared>>
      tpu.wait_dma2 semaphore(%run_scoped3A : memref<!tpu.dma_semaphore, #tpu.memory_space<semaphore_mem>>) src(%dma_wait3A_967 : memref<4096xf32, #tpu.memory_space<vmem_shared>>) dst(%dma_wait3A_966 : memref<4096xf32, #tpu.memory_space<vmem>>)
      tpu.yield
    }) : () -> ()
    %add3A_896 = arith.constant 90112 : i32
    %add3A_897 = arith.addi %mul3A_505, %add3A_896 : i32
    %dma_start3A_898 = arith.constant 0 : i32
    %dma_start3A_899 = tpu.memref_slice %arg9[%dma_start3A_898] : memref<8192xf32, #tpu.memory_space<vmem>> -> memref<4096xf32, #tpu.memory_space<vmem>>
    %dma_start3A_900 = tpu.memref_slice %arg4[%add3A_897] : memref<3211264xf32, #tpu.memory_space<hbm>> -> memref<4096xf32, #tpu.memory_space<hbm>>
    %dma_start3A_901 = tpu.memref_slice %arg4[%add3A_897] : memref<3211264xf32, #tpu.memory_space<hbm>> -> memref<4096xf32, #tpu.memory_space<hbm>>
    %dma_start3A_902 = arith.constant 0 : i32
    %dma_start3A_903 = tpu.memref_slice %arg9[%dma_start3A_902] : memref<8192xf32, #tpu.memory_space<vmem>> -> memref<4096xf32, #tpu.memory_space<vmem>>
    tpu.enqueue_dma source(%dma_start3A_903 : memref<4096xf32, #tpu.memory_space<vmem>>) target(%dma_start3A_901 : memref<4096xf32, #tpu.memory_space<hbm>>) target_semaphore(%arg12 : memref<!tpu.dma_semaphore, #tpu.memory_space<semaphore_mem>>)
    %dma_wait3A_904 = arith.constant 0 : i32
    %dma_wait3A_905 = tpu.memref_slice %arg9[%dma_wait3A_904] : memref<8192xf32, #tpu.memory_space<vmem>> -> memref<4096xf32, #tpu.memory_space<vmem>>
    %dma_wait3A_906 = arith.constant 0 : i32
    %dma_wait3A_907 = tpu.memref_slice %arg4[%dma_wait3A_906] : memref<3211264xf32, #tpu.memory_space<hbm>> -> memref<4096xf32, #tpu.memory_space<hbm>>
    %dma_wait3A_908 = arith.constant 0 : i32
    %dma_wait3A_909 = tpu.memref_slice %arg4[%dma_wait3A_908] : memref<3211264xf32, #tpu.memory_space<hbm>> -> memref<4096xf32, #tpu.memory_space<hbm>>
    %dma_wait3A_910 = arith.constant 0 : i32
    %dma_wait3A_911 = tpu.memref_slice %arg9[%dma_wait3A_910] : memref<8192xf32, #tpu.memory_space<vmem>> -> memref<4096xf32, #tpu.memory_space<vmem>>
    tpu.wait_dma2 semaphore(%arg12 : memref<!tpu.dma_semaphore, #tpu.memory_space<semaphore_mem>>) src(%dma_wait3A_911 : memref<4096xf32, #tpu.memory_space<vmem>>) dst(%dma_wait3A_909 : memref<4096xf32, #tpu.memory_space<hbm>>)
    %add3A_912 = arith.constant 94208 : i32
    %add3A_913 = arith.addi %mul3A_234, %add3A_912 : i32
    "tpu.region"() ({
      %run_scoped3A = tpu.sem_alloc : memref<!tpu.dma_semaphore, #tpu.memory_space<semaphore_mem>>
      %dma_start3A_956 = arith.constant 4096 : i32
      %dma_start3A_957 = tpu.memref_slice %arg9[%dma_start3A_956] : memref<8192xf32, #tpu.memory_space<vmem>> -> memref<4096xf32, #tpu.memory_space<vmem>>
      %dma_start3A_958 = tpu.memref_slice %arg10[%add3A_913] : memref<1605648xf32, #tpu.memory_space<vmem_shared>> -> memref<4096xf32, #tpu.memory_space<vmem_shared>>
      %dma_start3A_959 = arith.constant 4096 : i32
      %dma_start3A_960 = tpu.memref_slice %arg9[%dma_start3A_959] : memref<8192xf32, #tpu.memory_space<vmem>> -> memref<4096xf32, #tpu.memory_space<vmem>>
      %dma_start3A_961 = tpu.memref_slice %arg10[%add3A_913] : memref<1605648xf32, #tpu.memory_space<vmem_shared>> -> memref<4096xf32, #tpu.memory_space<vmem_shared>>
      tpu.enqueue_dma source(%dma_start3A_961 : memref<4096xf32, #tpu.memory_space<vmem_shared>>) target(%dma_start3A_960 : memref<4096xf32, #tpu.memory_space<vmem>>) target_semaphore(%run_scoped3A : memref<!tpu.dma_semaphore, #tpu.memory_space<semaphore_mem>>)
      %dma_wait3A_962 = arith.constant 4096 : i32
      %dma_wait3A_963 = tpu.memref_slice %arg9[%dma_wait3A_962] : memref<8192xf32, #tpu.memory_space<vmem>> -> memref<4096xf32, #tpu.memory_space<vmem>>
      %dma_wait3A_964 = tpu.memref_slice %arg10[%add3A_913] : memref<1605648xf32, #tpu.memory_space<vmem_shared>> -> memref<4096xf32, #tpu.memory_space<vmem_shared>>
      %dma_wait3A_965 = arith.constant 4096 : i32
      %dma_wait3A_966 = tpu.memref_slice %arg9[%dma_wait3A_965] : memref<8192xf32, #tpu.memory_space<vmem>> -> memref<4096xf32, #tpu.memory_space<vmem>>
      %dma_wait3A_967 = tpu.memref_slice %arg10[%add3A_913] : memref<1605648xf32, #tpu.memory_space<vmem_shared>> -> memref<4096xf32, #tpu.memory_space<vmem_shared>>
      tpu.wait_dma2 semaphore(%run_scoped3A : memref<!tpu.dma_semaphore, #tpu.memory_space<semaphore_mem>>) src(%dma_wait3A_967 : memref<4096xf32, #tpu.memory_space<vmem_shared>>) dst(%dma_wait3A_966 : memref<4096xf32, #tpu.memory_space<vmem>>)
      tpu.yield
    }) : () -> ()
    %add3A_914 = arith.constant 94208 : i32
    %add3A_915 = arith.addi %mul3A_505, %add3A_914 : i32
    %dma_start3A_916 = arith.constant 4096 : i32
    %dma_start3A_917 = tpu.memref_slice %arg9[%dma_start3A_916] : memref<8192xf32, #tpu.memory_space<vmem>> -> memref<4096xf32, #tpu.memory_space<vmem>>
    %dma_start3A_918 = tpu.memref_slice %arg4[%add3A_915] : memref<3211264xf32, #tpu.memory_space<hbm>> -> memref<4096xf32, #tpu.memory_space<hbm>>
    %dma_start3A_919 = tpu.memref_slice %arg4[%add3A_915] : memref<3211264xf32, #tpu.memory_space<hbm>> -> memref<4096xf32, #tpu.memory_space<hbm>>
    %dma_start3A_920 = arith.constant 4096 : i32
    %dma_start3A_921 = tpu.memref_slice %arg9[%dma_start3A_920] : memref<8192xf32, #tpu.memory_space<vmem>> -> memref<4096xf32, #tpu.memory_space<vmem>>
    tpu.enqueue_dma source(%dma_start3A_921 : memref<4096xf32, #tpu.memory_space<vmem>>) target(%dma_start3A_919 : memref<4096xf32, #tpu.memory_space<hbm>>) target_semaphore(%arg12 : memref<!tpu.dma_semaphore, #tpu.memory_space<semaphore_mem>>)
    %dma_wait3A_922 = arith.constant 0 : i32
    %dma_wait3A_923 = tpu.memref_slice %arg9[%dma_wait3A_922] : memref<8192xf32, #tpu.memory_space<vmem>> -> memref<4096xf32, #tpu.memory_space<vmem>>
    %dma_wait3A_924 = arith.constant 0 : i32
    %dma_wait3A_925 = tpu.memref_slice %arg4[%dma_wait3A_924] : memref<3211264xf32, #tpu.memory_space<hbm>> -> memref<4096xf32, #tpu.memory_space<hbm>>
    %dma_wait3A_926 = arith.constant 0 : i32
    %dma_wait3A_927 = tpu.memref_slice %arg4[%dma_wait3A_926] : memref<3211264xf32, #tpu.memory_space<hbm>> -> memref<4096xf32, #tpu.memory_space<hbm>>
    %dma_wait3A_928 = arith.constant 0 : i32
    %dma_wait3A_929 = tpu.memref_slice %arg9[%dma_wait3A_928] : memref<8192xf32, #tpu.memory_space<vmem>> -> memref<4096xf32, #tpu.memory_space<vmem>>
    tpu.wait_dma2 semaphore(%arg12 : memref<!tpu.dma_semaphore, #tpu.memory_space<semaphore_mem>>) src(%dma_wait3A_929 : memref<4096xf32, #tpu.memory_space<vmem>>) dst(%dma_wait3A_927 : memref<4096xf32, #tpu.memory_space<hbm>>)
    %add3A_930 = arith.constant 98304 : i32
    %add3A_931 = arith.addi %mul3A_234, %add3A_930 : i32
    "tpu.region"() ({
      %run_scoped3A = tpu.sem_alloc : memref<!tpu.dma_semaphore, #tpu.memory_space<semaphore_mem>>
      %dma_start3A_956 = arith.constant 0 : i32
      %dma_start3A_957 = tpu.memref_slice %arg9[%dma_start3A_956] : memref<8192xf32, #tpu.memory_space<vmem>> -> memref<2048xf32, #tpu.memory_space<vmem>>
      %dma_start3A_958 = tpu.memref_slice %arg10[%add3A_931] : memref<1605648xf32, #tpu.memory_space<vmem_shared>> -> memref<2048xf32, #tpu.memory_space<vmem_shared>>
      %dma_start3A_959 = arith.constant 0 : i32
      %dma_start3A_960 = tpu.memref_slice %arg9[%dma_start3A_959] : memref<8192xf32, #tpu.memory_space<vmem>> -> memref<2048xf32, #tpu.memory_space<vmem>>
      %dma_start3A_961 = tpu.memref_slice %arg10[%add3A_931] : memref<1605648xf32, #tpu.memory_space<vmem_shared>> -> memref<2048xf32, #tpu.memory_space<vmem_shared>>
      tpu.enqueue_dma source(%dma_start3A_961 : memref<2048xf32, #tpu.memory_space<vmem_shared>>) target(%dma_start3A_960 : memref<2048xf32, #tpu.memory_space<vmem>>) target_semaphore(%run_scoped3A : memref<!tpu.dma_semaphore, #tpu.memory_space<semaphore_mem>>)
      %dma_wait3A_962 = arith.constant 0 : i32
      %dma_wait3A_963 = tpu.memref_slice %arg9[%dma_wait3A_962] : memref<8192xf32, #tpu.memory_space<vmem>> -> memref<2048xf32, #tpu.memory_space<vmem>>
      %dma_wait3A_964 = tpu.memref_slice %arg10[%add3A_931] : memref<1605648xf32, #tpu.memory_space<vmem_shared>> -> memref<2048xf32, #tpu.memory_space<vmem_shared>>
      %dma_wait3A_965 = arith.constant 0 : i32
      %dma_wait3A_966 = tpu.memref_slice %arg9[%dma_wait3A_965] : memref<8192xf32, #tpu.memory_space<vmem>> -> memref<2048xf32, #tpu.memory_space<vmem>>
      %dma_wait3A_967 = tpu.memref_slice %arg10[%add3A_931] : memref<1605648xf32, #tpu.memory_space<vmem_shared>> -> memref<2048xf32, #tpu.memory_space<vmem_shared>>
      tpu.wait_dma2 semaphore(%run_scoped3A : memref<!tpu.dma_semaphore, #tpu.memory_space<semaphore_mem>>) src(%dma_wait3A_967 : memref<2048xf32, #tpu.memory_space<vmem_shared>>) dst(%dma_wait3A_966 : memref<2048xf32, #tpu.memory_space<vmem>>)
      tpu.yield
    }) : () -> ()
    %add3A_932 = arith.constant 98304 : i32
    %add3A_933 = arith.addi %mul3A_505, %add3A_932 : i32
    %dma_start3A_934 = arith.constant 0 : i32
    %dma_start3A_935 = tpu.memref_slice %arg9[%dma_start3A_934] : memref<8192xf32, #tpu.memory_space<vmem>> -> memref<2048xf32, #tpu.memory_space<vmem>>
    %dma_start3A_936 = tpu.memref_slice %arg4[%add3A_933] : memref<3211264xf32, #tpu.memory_space<hbm>> -> memref<2048xf32, #tpu.memory_space<hbm>>
    %dma_start3A_937 = tpu.memref_slice %arg4[%add3A_933] : memref<3211264xf32, #tpu.memory_space<hbm>> -> memref<2048xf32, #tpu.memory_space<hbm>>
    %dma_start3A_938 = arith.constant 0 : i32
    %dma_start3A_939 = tpu.memref_slice %arg9[%dma_start3A_938] : memref<8192xf32, #tpu.memory_space<vmem>> -> memref<2048xf32, #tpu.memory_space<vmem>>
    tpu.enqueue_dma source(%dma_start3A_939 : memref<2048xf32, #tpu.memory_space<vmem>>) target(%dma_start3A_937 : memref<2048xf32, #tpu.memory_space<hbm>>) target_semaphore(%arg12 : memref<!tpu.dma_semaphore, #tpu.memory_space<semaphore_mem>>)
    %dma_wait3A_940 = arith.constant 0 : i32
    %dma_wait3A_941 = tpu.memref_slice %arg9[%dma_wait3A_940] : memref<8192xf32, #tpu.memory_space<vmem>> -> memref<4096xf32, #tpu.memory_space<vmem>>
    %dma_wait3A_942 = arith.constant 0 : i32
    %dma_wait3A_943 = tpu.memref_slice %arg4[%dma_wait3A_942] : memref<3211264xf32, #tpu.memory_space<hbm>> -> memref<4096xf32, #tpu.memory_space<hbm>>
    %dma_wait3A_944 = arith.constant 0 : i32
    %dma_wait3A_945 = tpu.memref_slice %arg4[%dma_wait3A_944] : memref<3211264xf32, #tpu.memory_space<hbm>> -> memref<4096xf32, #tpu.memory_space<hbm>>
    %dma_wait3A_946 = arith.constant 0 : i32
    %dma_wait3A_947 = tpu.memref_slice %arg9[%dma_wait3A_946] : memref<8192xf32, #tpu.memory_space<vmem>> -> memref<4096xf32, #tpu.memory_space<vmem>>
    tpu.wait_dma2 semaphore(%arg12 : memref<!tpu.dma_semaphore, #tpu.memory_space<semaphore_mem>>) src(%dma_wait3A_947 : memref<4096xf32, #tpu.memory_space<vmem>>) dst(%dma_wait3A_945 : memref<4096xf32, #tpu.memory_space<hbm>>)
    %dma_wait3A_948 = arith.constant 0 : i32
    %dma_wait3A_949 = tpu.memref_slice %arg9[%dma_wait3A_948] : memref<8192xf32, #tpu.memory_space<vmem>> -> memref<2048xf32, #tpu.memory_space<vmem>>
    %dma_wait3A_950 = arith.constant 0 : i32
    %dma_wait3A_951 = tpu.memref_slice %arg4[%dma_wait3A_950] : memref<3211264xf32, #tpu.memory_space<hbm>> -> memref<2048xf32, #tpu.memory_space<hbm>>
    %dma_wait3A_952 = arith.constant 0 : i32
    %dma_wait3A_953 = tpu.memref_slice %arg4[%dma_wait3A_952] : memref<3211264xf32, #tpu.memory_space<hbm>> -> memref<2048xf32, #tpu.memory_space<hbm>>
    %dma_wait3A_954 = arith.constant 0 : i32
    %dma_wait3A_955 = tpu.memref_slice %arg9[%dma_wait3A_954] : memref<8192xf32, #tpu.memory_space<vmem>> -> memref<2048xf32, #tpu.memory_space<vmem>>
    tpu.wait_dma2 semaphore(%arg12 : memref<!tpu.dma_semaphore, #tpu.memory_space<semaphore_mem>>) src(%dma_wait3A_955 : memref<2048xf32, #tpu.memory_space<vmem>>) dst(%dma_wait3A_953 : memref<2048xf32, #tpu.memory_space<hbm>>)
    return
  }
}

module attributes {stable_mosaic.version = 14 : i64} {
  func.func @_tail_body(%arg0: memref<16x1000xf32, #tpu.memory_space<vmem>>, %arg1: memref<16x339xf32, #tpu.memory_space<vmem>>, %arg2: memref<1000x339xf32, #tpu.memory_space<vmem>>, %arg3: memref<16x1xi32, #tpu.memory_space<vmem>>, %arg4: memref<1x1000xf32, #tpu.memory_space<vmem>>, %arg5: memref<1x1000xf32, #tpu.memory_space<vmem>>, %arg6: memref<1x1000xf32, #tpu.memory_space<vmem>>, %arg7: memref<1x1xf32, #tpu.memory_space<vmem>>, %arg8: memref<16x1xf32, #tpu.memory_space<vmem>>) attributes {dimension_semantics = [], scalar_prefetch = 0 : i64, scratch_operands = 0 : i64, tpu.core_type = #tpu.core_type<tc>} {
    %get3A = arith.constant 0 : index
    %get3A_0 = arith.constant 0 : index
    %get3A_1 = vector.load %arg0[%get3A, %get3A_0] : memref<16x1000xf32, #tpu.memory_space<vmem>>, vector<16x1000xf32>
    %get3A_2 = arith.constant 0 : index
    %get3A_3 = arith.constant 0 : index
    %get3A_4 = vector.load %arg1[%get3A_2, %get3A_3] : memref<16x339xf32, #tpu.memory_space<vmem>>, vector<16x339xf32>
    %get3A_5 = arith.constant 0 : index
    %get3A_6 = arith.constant 0 : index
    %get3A_7 = vector.load %arg2[%get3A_5, %get3A_6] : memref<1000x339xf32, #tpu.memory_space<vmem>>, vector<1000x339xf32>
    %dot_general3A = arith.constant dense<0.000000e+00> : vector<16x1000xf32>
    %dot_general3A_8 = tpu.matmul %get3A_4, %get3A_7, %dot_general3A {dimension_numbers = #tpu.dot_dimension_numbers<[1], [1], [0], [0], [0, 0, 1, 0], [], []>, transpose_lhs_hint = false} : vector<16x339xf32>, vector<1000x339xf32>, vector<16x1000xf32> -> vector<16x1000xf32>
    %add3A = arith.addf %get3A_1, %dot_general3A_8 : vector<16x1000xf32>
    %get3A_9 = arith.constant 0 : index
    %get3A_10 = arith.constant 0 : index
    %get3A_11 = vector.load %arg3[%get3A_9, %get3A_10] : memref<16x1xi32, #tpu.memory_space<vmem>>, vector<16x1xi32>
    %convert_element_type3A = arith.sitofp %get3A_11 : vector<16x1xi32> to vector<16x1xf32>
    %div3A = vector.broadcast %convert_element_type3A : vector<16x1xf32> to vector<16x1000xf32>
    %div3A_12 = arith.divf %add3A, %div3A : vector<16x1000xf32>
    %reduce_sum3A = arith.constant dense<0.000000e+00> : vector<16xf32>
    %reduce_sum3A_13 = vector.multi_reduction <add>, %div3A_12, %reduce_sum3A [1] : vector<16x1000xf32> to vector<16xf32>
    %broadcast_in_dim3A = vector.shape_cast %reduce_sum3A_13 : vector<16xf32> to vector<16x1xf32>
    %div3A_14 = arith.constant 1.000000e+03 : f32
    %div3A_15 = vector.broadcast %div3A_14 : f32 to vector<16x1xf32>
    %div3A_16 = arith.divf %broadcast_in_dim3A, %div3A_15 : vector<16x1xf32>
    %sub3A = vector.broadcast %div3A_16 : vector<16x1xf32> to vector<16x1000xf32>
    %sub3A_17 = arith.subf %div3A_12, %sub3A : vector<16x1000xf32>
    %mul3A = arith.mulf %sub3A_17, %sub3A_17 : vector<16x1000xf32>
    %reduce_sum3A_18 = arith.constant dense<0.000000e+00> : vector<16xf32>
    %reduce_sum3A_19 = vector.multi_reduction <add>, %mul3A, %reduce_sum3A_18 [1] : vector<16x1000xf32> to vector<16xf32>
    %broadcast_in_dim3A_20 = vector.shape_cast %reduce_sum3A_19 : vector<16xf32> to vector<16x1xf32>
    %div3A_21 = arith.constant 1.000000e+03 : f32
    %div3A_22 = vector.broadcast %div3A_21 : f32 to vector<16x1xf32>
    %div3A_23 = arith.divf %broadcast_in_dim3A_20, %div3A_22 : vector<16x1xf32>
    %add3A_24 = arith.constant 9.99999974E-6 : f32
    %add3A_25 = vector.broadcast %add3A_24 : f32 to vector<16x1xf32>
    %add3A_26 = arith.addf %div3A_23, %add3A_25 : vector<16x1xf32>
    %rsqrt3A = math.rsqrt %add3A_26 : vector<16x1xf32>
    %mul3A_27 = vector.broadcast %rsqrt3A : vector<16x1xf32> to vector<16x1000xf32>
    %mul3A_28 = arith.mulf %sub3A_17, %mul3A_27 : vector<16x1000xf32>
    %get3A_29 = arith.constant 0 : index
    %get3A_30 = arith.constant 0 : index
    %get3A_31 = vector.load %arg4[%get3A_29, %get3A_30] : memref<1x1000xf32, #tpu.memory_space<vmem>>, vector<1x1000xf32>
    %mul3A_32 = vector.broadcast %get3A_31 : vector<1x1000xf32> to vector<16x1000xf32>
    %mul3A_33 = arith.mulf %mul3A_28, %mul3A_32 : vector<16x1000xf32>
    %get3A_34 = arith.constant 0 : index
    %get3A_35 = arith.constant 0 : index
    %get3A_36 = vector.load %arg5[%get3A_34, %get3A_35] : memref<1x1000xf32, #tpu.memory_space<vmem>>, vector<1x1000xf32>
    %add3A_37 = vector.broadcast %get3A_36 : vector<1x1000xf32> to vector<16x1000xf32>
    %add3A_38 = arith.addf %mul3A_33, %add3A_37 : vector<16x1000xf32>
    %get3A_39 = arith.constant 0 : index
    %get3A_40 = arith.constant 0 : index
    %get3A_41 = vector.load %arg6[%get3A_39, %get3A_40] : memref<1x1000xf32, #tpu.memory_space<vmem>>, vector<1x1000xf32>
    %mul3A_42 = vector.broadcast %get3A_41 : vector<1x1000xf32> to vector<16x1000xf32>
    %mul3A_43 = arith.mulf %add3A_38, %mul3A_42 : vector<16x1000xf32>
    %reduce_sum3A_44 = arith.constant dense<0.000000e+00> : vector<16xf32>
    %reduce_sum3A_45 = vector.multi_reduction <add>, %mul3A_43, %reduce_sum3A_44 [1] : vector<16x1000xf32> to vector<16xf32>
    %broadcast_in_dim3A_46 = vector.shape_cast %reduce_sum3A_45 : vector<16xf32> to vector<16x1xf32>
    %get3A_47 = arith.constant 0 : index
    %get3A_48 = arith.constant 0 : index
    %get3A_49 = vector.load %arg7[%get3A_47, %get3A_48] : memref<1x1xf32, #tpu.memory_space<vmem>>, vector<1x1xf32>
    %add3A_50 = vector.broadcast %get3A_49 : vector<1x1xf32> to vector<16x1xf32>
    %add3A_51 = arith.addf %broadcast_in_dim3A_46, %add3A_50 : vector<16x1xf32>
    %logistic3A = arith.negf %add3A_51 : vector<16x1xf32>
    %logistic3A_52 = math.exp %logistic3A : vector<16x1xf32>
    %logistic3A_53 = arith.constant 1.000000e+00 : f32
    %logistic3A_54 = vector.broadcast %logistic3A_53 : f32 to vector<16x1xf32>
    %logistic3A_55 = arith.addf %logistic3A_54, %logistic3A_52 : vector<16x1xf32>
    %logistic3A_56 = arith.divf %logistic3A_54, %logistic3A_55 : vector<16x1xf32>
    %swap3A = arith.constant 0 : index
    %swap3A_57 = arith.constant 0 : index
    %swap3A_58 = vector.load %arg8[%swap3A, %swap3A_57] : memref<16x1xf32, #tpu.memory_space<vmem>>, vector<16x1xf32>
    tpu.vector_store %arg8[%swap3A, %swap3A_57], %logistic3A_56 {strides = array<i32>} : memref<16x1xf32, #tpu.memory_space<vmem>>, vector<16x1xf32>,
    return
  }
}

module attributes {stable_mosaic.version = 14 : i64} {
  func.func @_mm_body(%arg0: i32, %arg1: memref<16x1024xf32, #tpu.memory_space<vmem>>, %arg2: memref<1000x1024xf32, #tpu.memory_space<vmem>>, %arg3: memref<16x1000xf32, #tpu.memory_space<vmem>>) attributes {dimension_semantics = [#tpu.dimension_semantics<arbitrary>], iteration_bounds = array<i64: 195>, scalar_prefetch = 0 : i64, scratch_operands = 0 : i64, tpu.core_type = #tpu.core_type<tc>, window_params = [{transform_indices = @transform_0, window_bounds = array<i64: 16, 1024>}, {transform_indices = @transform_1, window_bounds = array<i64: 1000, 1024>}, {pipeline_mode = #tpu.pipeline_mode<synchronous>, transform_indices = @transform_2, window_bounds = array<i64: 16, 1000>}]} {
    %eq3A = arith.constant 0 : i32
    %eq3A_0 = arith.cmpi eq, %arg0, %eq3A : i32
    %convert_element_type3A = arith.extui %eq3A_0 : i1 to i32
    %cond3A = arith.constant 0 : i32
    %cond3A_1 = arith.cmpi ne, %convert_element_type3A, %cond3A : i32
    scf.if %cond3A_1 {
      %broadcast_in_dim3A = arith.constant 0.000000e+00 : f32
      %broadcast_in_dim3A_13 = vector.broadcast %broadcast_in_dim3A : f32 to vector<16x1000xf32>
      %swap3A_14 = arith.constant 0 : index
      %swap3A_15 = arith.constant 0 : index
      %swap3A_16 = vector.load %arg3[%swap3A_14, %swap3A_15] : memref<16x1000xf32, #tpu.memory_space<vmem>>, vector<16x1000xf32>
      tpu.vector_store %arg3[%swap3A_14, %swap3A_15], %broadcast_in_dim3A_13 {strides = array<i32>} : memref<16x1000xf32, #tpu.memory_space<vmem>>, vector<16x1000xf32>,
    } else {
    }
    %get3A = arith.constant 0 : index
    %get3A_2 = arith.constant 0 : index
    %get3A_3 = vector.load %arg3[%get3A, %get3A_2] : memref<16x1000xf32, #tpu.memory_space<vmem>>, vector<16x1000xf32>
    %get3A_4 = arith.constant 0 : index
    %get3A_5 = arith.constant 0 : index
    %get3A_6 = vector.load %arg1[%get3A_4, %get3A_5] : memref<16x1024xf32, #tpu.memory_space<vmem>>, vector<16x1024xf32>
    %get3A_7 = arith.constant 0 : index
    %get3A_8 = arith.constant 0 : index
    %get3A_9 = vector.load %arg2[%get3A_7, %get3A_8] : memref<1000x1024xf32, #tpu.memory_space<vmem>>, vector<1000x1024xf32>
    %dot_general3A = arith.constant dense<0.000000e+00> : vector<16x1000xf32>
    %dot_general3A_10 = tpu.matmul %get3A_6, %get3A_9, %dot_general3A {dimension_numbers = #tpu.dot_dimension_numbers<[1], [1], [0], [0], [0, 0, 1, 0], [], []>, transpose_lhs_hint = false} : vector<16x1024xf32>, vector<1000x1024xf32>, vector<16x1000xf32> -> vector<16x1000xf32>
    %add3A = arith.addf %get3A_3, %dot_general3A_10 : vector<16x1000xf32>
    %swap3A = arith.constant 0 : index
    %swap3A_11 = arith.constant 0 : index
    %swap3A_12 = vector.load %arg3[%swap3A, %swap3A_11] : memref<16x1000xf32, #tpu.memory_space<vmem>>, vector<16x1000xf32>
    tpu.vector_store %arg3[%swap3A, %swap3A_11], %add3A {strides = array<i32>} : memref<16x1000xf32, #tpu.memory_space<vmem>>, vector<16x1000xf32>,
    return
  }
  func.func @transform_0(%arg0: i32) -> (i32, i32) {
    %jit3A = arith.constant 98 : i32
    %div3A = arith.divsi %arg0, %jit3A : i32
    %sign3A = arith.constant 0 : i32
    %sign3A_0 = arith.cmpi sgt, %arg0, %sign3A : i32
    %sign3A_1 = arith.extui %sign3A_0 : i1 to i32
    %sign3A_2 = arith.constant 0 : i32
    %sign3A_3 = arith.cmpi slt, %arg0, %sign3A_2 : i32
    %sign3A_4 = arith.extui %sign3A_3 : i1 to i32
    %sign3A_5 = arith.subi %sign3A_1, %sign3A_4 : i32
    %sign3A_6 = arith.constant 0 : i32
    %sign3A_7 = arith.cmpi sgt, %jit3A, %sign3A_6 : i32
    %sign3A_8 = arith.extui %sign3A_7 : i1 to i32
    %sign3A_9 = arith.constant 0 : i32
    %sign3A_10 = arith.cmpi slt, %jit3A, %sign3A_9 : i32
    %sign3A_11 = arith.extui %sign3A_10 : i1 to i32
    %sign3A_12 = arith.subi %sign3A_8, %sign3A_11 : i32
    %ne3A = arith.cmpi ne, %sign3A_5, %sign3A_12 : i32
    %rem3A = arith.remsi %arg0, %jit3A : i32
    %ne3A_13 = arith.constant 0 : i32
    %ne3A_14 = arith.cmpi ne, %rem3A, %ne3A_13 : i32
    %and3A = arith.andi %ne3A, %ne3A_14 : i1
    %sub3A = arith.constant 1 : i32
    %sub3A_15 = arith.subi %div3A, %sub3A : i32
    %select_n3A = arith.select %and3A, %sub3A_15, %div3A : i32
    %jit3A_16 = arith.constant 98 : i32
    %eq3A = arith.constant 0 : i32
    %eq3A_17 = arith.cmpi eq, %jit3A_16, %eq3A : i32
    %jit3A_18 = arith.constant 1 : i32
    %select_n3A_19 = arith.select %eq3A_17, %jit3A_18, %jit3A_16 : i32
    %rem3A_20 = arith.remsi %arg0, %select_n3A_19 : i32
    %ne3A_21 = arith.constant 0 : i32
    %ne3A_22 = arith.cmpi ne, %rem3A_20, %ne3A_21 : i32
    %lt3A = arith.constant 0 : i32
    %lt3A_23 = arith.cmpi slt, %rem3A_20, %lt3A : i32
    %lt3A_24 = arith.constant 0 : i32
    %lt3A_25 = arith.cmpi slt, %select_n3A_19, %lt3A_24 : i32
    %ne3A_26 = arith.xori %lt3A_23, %lt3A_25 : i1
    %and3A_27 = arith.andi %ne3A_26, %ne3A_22 : i1
    %add3A = arith.addi %rem3A_20, %select_n3A_19 : i32
    %select_n3A_28 = arith.select %and3A_27, %add3A, %rem3A_20 : i32
    %c0_i32 = arith.constant 0 : i32
    return %select_n3A, %select_n3A_28 : i32, i32
  }
  func.func @transform_1(%arg0: i32) -> (i32, i32) {
    %c0_i32 = arith.constant 0 : i32
    %c0_i32_0 = arith.constant 0 : i32
    return %c0_i32, %arg0 : i32, i32
  }
  func.func @transform_2(%arg0: i32) -> (i32, i32) {
    %c0_i32 = arith.constant 0 : i32
    %c0_i32_0 = arith.constant 0 : i32
    %c0_i32_1 = arith.constant 0 : i32
    return %c0_i32, %c0_i32_0 : i32, i32
  }
}

</mosaic_0001>

<sc_bundles>
// kernel: kernel.5.cloned.1.call-start
scs
__scs_entry_jumppad:
0x0: {  	(pc) =	sbr.rel $0x88, $3  }
0x1: {  	(tag) =	ssettag $0x0;
	lr =	simm.s32 $0x1  }
0x2: {  	[smem:$0x3F9A] =	sst lr;
	_ =	strace $0xD0000000  }
0x3: {  	_ = 	snop  }
0x4: {  	_ = 	snop  }
0x5: {  	_ = 	snop  }
0x6: {  	_ = 	snop  }
0x7: {  	_ = 	snop  }
__scs_overlays_trampoline_lowered:
0x8: {  	[smem:$0x3FA9] =	sst s0  }
0x9: {  	[smem:$0x3FAA] =	sst s1  }
0xa: {  	[smem:$0x3FAB] =	sst s2  }
0xb: {  	[smem:$0x3FAC] =	sst s3  }
0xc: {  	[smem:$0x3FAD] =	sst s4  }
0xd: {  	[smem:$0x3FAE] =	sst s5  }
0xe: {  	[smem:$0x3FAF] =	sst s6  }
0xf: {  	[smem:$0x3FB0] =	sst s7  }
0x10: {  	[smem:$0x3FB1] =	sst s8  }
0x11: {  	[smem:$0x3FB2] =	sst s9;
	s0 =	simm.s32 @!p0 $0x0  }
0x12: {  	s1 =	sld [smem:$0x3F98];
	s0 =	simm.s32 @p0 $0x1  }
0x13: {  	[smem:$0x3FB3] =	sst s0;
	s0 =	simm.s32 @!p1 $0x0  }
0x14: {  	s2 =	sld [smem:$0x3F97];
	s0 =	simm.s32 @p1 $0x1  }
0x15: {  	[smem:$0x3FB4] =	sst s0;
	s0 =	simm.s32 @!p2 $0x0  }
0x16: {  	s3 =	sld [smem:$0x3FDB];
	s0 =	simm.s32 @p2 $0x1  }
0x17: {  	s4 =	simm.s32 $0x1BF5;
	[smem:$0x3FB6] =	sst s0  }
0x18: {  	s0 =	sld [smem:$0x3F99];
	_ =	swait.ge [sflag:s4], $0x0  }
0x19: {  	s7 =	sld [smem:$0x3F9A]  }
0x1a: {  	s8 =	sadd.s32 $0xFFFFE003, lr  }
0x1b: {  	s9 =	sadd.s32 $0xFFFFFEF7, lr;
	s5 =	simm.s32 $0xFFFFFFFF;
	p2 =	slt.u32 s8, $0xFFFFF086  }
0x1c: {  	p1 =	slt.u32 s9, $0xF7A;
	s5 =	simm.s32 @!p2 $0x0  }
0x1d: {  	s5 =	simm.s32 @p1 $0x1;
	p0 =	seq.s32 s7, s2  }
0x1e: {  	s7 =	smul.u32 @!p0 $0xF7A, s2;
	p2 =	seq.s32 @!p0 s5, $0x0  }
0x1f: {  	s9 =	smul.u32 $0xF7A, s1;
	s8 =	simm.s32 @!p0 $0x1BF5;
	p2 =	por !p2, p0  }
0x20: {  	[sflag:s8] =	ssyncset.s32 @!p0 $0xFFFFF086;
	s6 =	sadd.s32 @!p0 s3, s7;
	s7 =	simm.s32 @!p0 $0x108  }
0x21: {  	s3 =	sadd.s32 s3, s9;
	s6 =	sadd.s32 @!p0 $0x88, s6;
	s7 =	simm.s32 @p2 $0x1082  }
0x22: {  	[simem:s7], [sflag:s8] =	dma.local @!p0 [hbm:s6], $0xF7A  }
0x23: {  	s9 =	sor.u32 $0xD0000000, s2;
	s6 =	simm.s32 $0x108;
	_ =	swait.ge @!p0 [sflag:s8], $0x0  }
0x24: {  	s3 =	sadd.s32 $0x88, s3;
	s6 =	simm.s32 @!p1 $0x1082;
	[sflag:s4] =	ssyncset.s32 $0xFFFFF086  }
0x25: {  	[simem:s6], [sflag:s4] =	dma.local [hbm:s3], $0xF7A  }
0x26: {  	[smem:$0x3F9A] =	sst s1;
	(tag) =	ssettag s2;
	_ =	strace s9  }
0x27: {  	s1 =	sld [smem:$0x3FAA]  }
0x28: {  	s2 =	sld [smem:$0x3FAB]  }
0x29: {  	s4 =	sld [smem:$0x3FAD]  }
0x2a: {  	p0 =	seq.s32 s5, $0x0;
	s5 =	sld [smem:$0x3FAE]  }
0x2b: {  	s6 =	sld [smem:$0x3FAF]  }
0x2c: {  	s7 =	sld [smem:$0x3FB0]  }
0x2d: {  	s3 =	simm.s32 $0x108;
	s8 =	sld [smem:$0x3FB1]  }
0x2e: {  	s3 =	simm.s32 @!p0 $0x1082;
	s9 =	sld [smem:$0x3FB2]  }
0x2f: {  	lr =	sadd.s32 s0, s3;
	s0 =	sld [smem:$0x3FA9]  }
0x30: {  	s3 =	sld [smem:$0x3FAC]  }
0x31: {  	[smem:$0x3FB5] =	sst s10  }
0x32: {  	s10 =	sld [smem:$0x3FB3];
	_ =	sdelay $0x3  }
0x33: {  	p0 =	seq.s32 s10, $0x1;
	s10 =	sld [smem:$0x3FB5];
	_ =	sdelay $0x3  }
0x34: {  	[smem:$0x3FB5] =	sst s10  }
0x35: {  	s10 =	sld [smem:$0x3FB4];
	_ =	sdelay $0x3  }
0x36: {  	p1 =	seq.s32 s10, $0x1;
	s10 =	sld [smem:$0x3FB5];
	_ =	sdelay $0x3  }
0x37: {  	[smem:$0x3FB5] =	sst s10  }
0x38: {  	s10 =	sld [smem:$0x3FB6]  }
0x39: {  	_ = 	snop;
	(pc) =	sbr.ind lr, $3  }
0x3a: {  	_ = 	snop  }
0x3b: {  	_ = 	snop  }
0x3c: {  	p2 =	seq.s32 s10, $0x1;
	s10 =	sld [smem:$0x3FB5]  }
0x3d: {  	_ =	shalt  }
0x3e: {  	_ =	shalt  }
0x3f: {  	_ =	shalt  }
0x40: {  	_ =	shalt  }
0x41: {  	_ =	shalt  }
0x42: {  	_ =	shalt  }
0x43: {  	_ =	shalt  }
0x44: {  	_ =	shalt  }
0x45: {  	_ =	shalt  }
0x46: {  	_ =	shalt  }
0x47: {  	_ =	shalt  }
0x48: {  	_ =	shalt  }
0x49: {  	_ =	shalt  }
0x4a: {  	_ =	shalt  }
0x4b: {  	_ =	shalt  }
0x4c: {  	_ =	shalt  }
0x4d: {  	_ =	shalt  }
0x4e: {  	_ =	shalt  }
0x4f: {  	_ =	shalt  }
0x50: {  	_ =	shalt  }
0x51: {  	_ =	shalt  }
0x52: {  	_ =	shalt  }
0x53: {  	_ =	shalt  }
0x54: {  	_ =	shalt  }
0x55: {  	_ =	shalt  }
0x56: {  	_ =	shalt  }
0x57: {  	_ =	shalt  }
0x58: {  	_ =	shalt  }
0x59: {  	_ =	shalt  }
0x5a: {  	_ =	shalt  }
0x5b: {  	_ =	shalt  }
0x5c: {  	_ =	shalt  }
0x5d: {  	_ =	shalt  }
0x5e: {  	_ =	shalt  }
0x5f: {  	_ =	shalt  }
0x60: {  	_ =	shalt  }
0x61: {  	_ =	shalt  }
0x62: {  	_ =	shalt  }
0x63: {  	_ =	shalt  }
0x64: {  	_ =	shalt  }
0x65: {  	_ =	shalt  }
0x66: {  	_ =	shalt  }
0x67: {  	_ =	shalt  }
0x68: {  	_ =	shalt  }
0x69: {  	_ =	shalt  }
0x6a: {  	_ =	shalt  }
0x6b: {  	_ =	shalt  }
0x6c: {  	_ =	shalt  }
0x6d: {  	_ =	shalt  }
0x6e: {  	_ =	shalt  }
0x6f: {  	_ =	shalt  }
0x70: {  	_ =	shalt  }
0x71: {  	_ =	shalt  }
0x72: {  	_ =	shalt  }
0x73: {  	_ =	shalt  }
0x74: {  	_ =	shalt  }
0x75: {  	_ =	shalt  }
0x76: {  	_ =	shalt  }
0x77: {  	_ =	shalt  }
0x78: {  	_ =	shalt  }
0x79: {  	_ =	shalt  }
0x7a: {  	_ =	shalt  }
0x7b: {  	_ =	shalt  }
0x7c: {  	_ =	shalt  }
0x7d: {  	_ =	shalt  }
0x7e: {  	_ =	shalt  }
0x7f: {  	_ =	shalt  }
0x80: {  	_ =	shalt  }
0x81: {  	_ =	shalt  }
0x82: {  	_ =	shalt  }
0x83: {  	_ =	shalt  }
0x84: {  	_ =	shalt  }
0x85: {  	_ =	shalt  }
0x86: {  	_ =	shalt  }
0x87: {  	_ =	shalt  }
.Lfunc_end0:
.L_simem_size_0:
called_computation_lowered:
.L_overlay_start_0:
0x88: {  	s2 =	sld [smem:$0x3FD9]  }
0x89: {  	s3 =	sld [smem:$0x3FFE];
	_ =	sdelay $0x1  }
0x8a: {  	s1 =	srdreg.scid  }
0x8b: {  	s0 =	sand.u32 $0x1, s1  }
0x8c: {  	s17 =	sshll.u32 s0, $0xA;
	s2 =	sadd.s32 s3, s2  }
0x8d: {  	s2 =	sadd.s32 s2, s17  }
0x8e: {  	[smem:$0x3FC1] =	sst s2  }
0x8f: {  	_ = 	snop  }
0x90: {  	s2 =	sld [smem:$0x3FC9]  }
0x91: {  	s18 =	sld [smem:$0x3FC8];
	(tm) =	ssettm $0x1  }
0x92: {  	s4 =	sld [smem:$0x3FFB];
	_ =	sdelay $0x3  }
0x93: {  	_ =	strace s4  }
0x94: {  	s4 =	sld [smem:$0x3FFC];
	_ =	sdelay $0x3  }
0x95: {  	_ =	strace s4  }
0x96: {  	s4 =	sld [smem:$0x3FFD];
	_ =	sdelay $0x3  }
0x97: {  	_ =	strace s4  }
0x98: {  	_ =	strace $0x8FFFFFFF  }
0x99: {  	s19 =	sld [smem:$0x3FDB];
	_ =	sdelay $0x1  }
0x9a: {  	s5 =	simm.s32 $_scs_section_size  }
0x9b: {  	s6 =	simm.s32 $_size__tile_overlayer_lowered;
	s7 =	simm.s32 $_tile_overlayer_lowered  }
0x9c: {  	s22 =	simm.s32 $0x1BFF;
	s21 =	sshll.u32 s7, $0x1;
	s4 =	sadd.s32 s5, s19  }
0x9d: {  	s8 =	simm.s32 $0x0;
	s20 =	sshll.u32 s6, $0x1;
	s6 =	sadd.s32 s21, s4  }
0x9e: {  	[timem:s8], [sflag:s22] =	dma.local [hbm:s6], s20  }
0x9f: {  	_ =	swait.ge [sflag:s22], s20  }
0xa0: {  	s5 =	ssub.s32 $0x0, s20;
	[sflag:s22] =	ssyncset.done $0x0  }
0xa1: {  	[sflag:s22] =	ssyncadd.s32 s5;
	_ =	sdelay $0x1  }
0xa2: {  	s23 =	simm.s32 $0x1B8B  }
0xa3: {  	_ =	swait.ge [sflag:s23], $0x1  }
0xa4: {  	[sflag:s23] =	ssyncset.done $0x0  }
0xa5: {  	s25 =	simm.s32 $0x1B8E;
	s24 =	sld [smem:$0x3FFE];
	[sflag:s23] =	ssyncadd.s32 $0xFFFFFFFF  }
0xa6: {  	s26 =	simm.s32 $execute0_lowered;
	[smem:$0x3FD2] =	sst s25  }
0xa7: {  	s6 =	sshll.u32 s26, $0x1;
	_ =	strace $0x80000046;
	[dreg:$0x1] =	wrdreg $0xFFFFFFFF  }
0xa8: {  	s28 =	simm.s32 $_size_execute0_lowered;
	s4 =	sadd.s32 s4, s6;
	[dreg:$0x0] =	wrdreg $0x0  }
0xa9: {  	s6 =	sshll.u32 s28, $0x1;
	[dreg:$0x2] =	wrdreg s4  }
0xaa: {  	[dreg:$0x3] =	wrdreg s6  }
0xab: {  	[dreg:$0x4] =	wrdreg $0xC0  }
0xac: {  	_ =	task [dreg:s8], $0x5FFFF  }
0xad: {  	[dreg:$0x1] =	wrdreg $0xFFFFFFFF  }
0xae: {  	[dreg:$0x0] =	wrdreg $0x60  }
0xaf: {  	[dreg:$0x2] =	wrdreg s2  }
0xb0: {  	[dreg:$0x3] =	wrdreg s18  }
0xb1: {  	[dreg:$0x4] =	wrdreg s24  }
0xb2: {  	[dreg:$0x5] =	wrdreg $0x71000  }
0xb3: {  	[dreg:$0x6] =	wrdreg $0x9  }
0xb4: {  	_ =	task.clear_ibuf [dreg:s8], $0x7FFFF;
	_ =	strace $0x90000046  }
0xb5: {  	s29 =	simm.s32 $0x9;
	_ =	strace $0x80000048  }
0xb6: {  	_ =	swait.ge [sflag:s29], $0x1  }
0xb7: {  	[sflag:s29] =	ssyncadd.s32 $0xFFFFFFFF  }
0xb8: {  	_ =	strace $0x90000048  }
0xb9: {  	_ =	sfence  }
0xba: {  	s30 =	sld [smem:$0x0];
	_ =	sdelay $0x2  }
0xbb: {  	s31 =	sshll.u32 s1, $0xD;
	s1 =	sshrl.u32 s1, $0x2  }
0xbc: {  	s3 =	sand.u32 $0x4000, s31;
	s1 =	sadd.s32 s1, s30  }
0xbd: {  	s0 =	sor.u32 s3, s0;
	s1 =	sshll.u32 s1, $0x11  }
0xbe: {  	s0 =	sor.u32 s1, s0  }
0xbf: {  	s0 =	sadd.s32 $0x8F2B, s0  }
0xc0: {  	[sflag:s0] =	ssyncadd.remote.s32 $0x1  }
0xc1: {  	_ =	sfence.sel $0xFFFF  }
0xc2: {  	[dreg:$0x0] =	wrdreg $0xFFFFFFFF;
	(pc) =	sbr.abs _section_cstart, $3  }
0xc3: {  	[dreg:$0x1] =	wrdreg $0xFFFFFFFF  }
0xc4: {  	_ =	task.clear_ibuf [dreg:s8], $0x2FFFF;
	_ =	strace $0x9FFFFFFF  }
0xc5: {  	(tm) =	ssettm $0x7FFFFFFF  }
tec
execute0_lowered:
.L_overlay_start_1:
0x0: {  	(tag) =	ssettag $0x1  }
0x1: {  	s0 =	rddreg [dreg:$0x0];
	s18 =	srdreg.scid  }
0x2: {  	s15 =	stileid.u32;
	[dreg:$0x5] =	wrdreg s0;
	s0 =	sand.u32 $0x1, s18  }
0x3: {  	s4 =	smul.u32 $0x62000, s15;
	s2 =	sshll.u32 s0, $0x4  }
0x4: {  	s16 =	rddreg [dreg:$0x3];
	s17 =	simm.s32 $0x0;
	s2 =	sor.u32 s15, s2  }
0x5: {  	[smem:$0x7FF] =	sst s17;
	s20 =	sshrl.u32 s4, $0x2;
	s2 =	smul.u32 $0x18800, s2  }
0x6: {  	s1 =	rddreg [dreg:$0x2];
	_ =	strace $0x80000047;
	s20 =	sadd.s32 s20, s16  }
0x7: {  	s31 =	sadd.s32 $0x2000, s20;
	[smem:$0x7F8] =	sst s20;
	s2 =	sshrl.u32 s2, $0x3  }
0x8: {  	s30 =	sadd.s32 $0x8000, s20;
	[smem:$0x7F9] =	sst s31;
	s1 =	sadd.s32 s2, s1  }
0x9: {  	[smem:$0x7FC] =	sst s30;
	s21 =	sadd.s32 $0xC00, s1  }
0xa: {  	s22 =	sadd.s32 $0xE00, s1;
	[smem:$0x7C8] =	sst s21  }
0xb: {  	s23 =	sadd.s32 $0x1000, s1;
	[smem:$0x7C9] =	sst s22  }
0xc: {  	s24 =	sadd.s32 $0x1200, s1;
	[smem:$0x7CA] =	sst s23  }
0xd: {  	s25 =	sadd.s32 $0x1400, s1;
	[smem:$0x7CB] =	sst s24  }
0xe: {  	s26 =	sadd.s32 $0x1600, s1;
	[smem:$0x7CC] =	sst s25  }
0xf: {  	s3 =	ssub.s32 $0x2, s0;
	s28 =	sadd.s32 $0x1800, s1;
	[smem:$0x7CD] =	sst s26  }
0x10: {  	s19 =	sshrl.u32 s3, $0x1;
	s29 =	sadd.s32 $0x1A00, s1;
	[smem:$0x7CE] =	sst s28  }
0x11: {  	s2 =	ssub.s32 s3, s19;
	s3 =	sadd.s32 $0x1C00, s1;
	[smem:$0x7CF] =	sst s29  }
0x12: {  	s4 =	sadd.s32 $0x1E00, s1;
	[smem:$0x7D0] =	sst s3  }
0x13: {  	s5 =	sadd.s32 $0x2000, s1;
	[smem:$0x7D1] =	sst s4  }
0x14: {  	s6 =	sadd.s32 $0x2200, s1;
	[smem:$0x7D2] =	sst s5  }
0x15: {  	s7 =	sadd.s32 $0x2400, s1;
	[smem:$0x7D3] =	sst s6  }
0x16: {  	s8 =	sadd.s32 $0x2600, s1;
	[smem:$0x7D4] =	sst s7  }
0x17: {  	s9 =	sadd.s32 $0x2800, s1;
	[smem:$0x7D5] =	sst s8  }
0x18: {  	s10 =	sadd.s32 $0x2A00, s1;
	[smem:$0x7D6] =	sst s9  }
0x19: {  	s11 =	sadd.s32 $0x2C00, s1;
	[smem:$0x7D7] =	sst s10  }
0x1a: {  	s12 =	sadd.s32 $0x2E00, s1;
	[smem:$0x7D8] =	sst s11  }
0x1b: {  	s13 =	sadd.s32 $0x3000, s1;
	[smem:$0x7D9] =	sst s12  }
0x1c: {  	s14 =	sadd.s32 $0x3200, s1;
	[smem:$0x7DA] =	sst s13  }
0x1d: {  	s19 =	sadd.s32 $0x3400, s1;
	[smem:$0x7DB] =	sst s14  }
0x1e: {  	[smem:$0x7DC] =	sst s19;
	s21 =	sadd.s32 $0x3600, s1  }
0x1f: {  	s22 =	sadd.s32 $0x3800, s1;
	[smem:$0x7DD] =	sst s21  }
0x20: {  	s23 =	sadd.s32 $0x3A00, s1;
	[smem:$0x7DE] =	sst s22  }
0x21: {  	s24 =	sadd.s32 $0x3C00, s1;
	[smem:$0x7DF] =	sst s23  }
0x22: {  	s25 =	smax.u32 s2, $0x1;
	[smem:$0x7E0] =	sst s24  }
0x23: {  	s26 =	sadd.s32 $0xC000, s20;
	[smem:$0x7E1] =	sst s25  }
0x24: {  	s28 =	sadd.s32 $0xE000, s20;
	[smem:$0x7E2] =	sst s26  }
0x25: {  	s29 =	sadd.s32 $0x10000, s20;
	[smem:$0x7E3] =	sst s28  }
0x26: {  	s1 =	sadd.s32 $0x12000, s20;
	[smem:$0x7E4] =	sst s29  }
0x27: {  	s2 =	sadd.s32 $0x14000, s20;
	[smem:$0x7E5] =	sst s1  }
0x28: {  	s3 =	sadd.s32 $0x16000, s20;
	[smem:$0x7E6] =	sst s2  }
0x29: {  	s4 =	sadd.s32 $0x18000, s20;
	[smem:$0x7E7] =	sst s3  }
0x2a: {  	s6 =	sadd.s32 $0x1000, s20;
	[smem:$0x7E8] =	sst s4  }
0x2b: {  	s7 =	sadd.s32 $0x3000, s20;
	[smem:$0x7E9] =	sst s6  }
0x2c: {  	s9 =	sadd.s32 $0x5000, s20;
	[smem:$0x7EA] =	sst s7  }
0x2d: {  	s10 =	sadd.s32 $0x7000, s20;
	[smem:$0x7EB] =	sst s9  }
0x2e: {  	s11 =	sadd.s32 $0x9000, s20;
	[smem:$0x7EC] =	sst s10  }
0x2f: {  	s13 =	sadd.s32 $0xB000, s20;
	[smem:$0x7ED] =	sst s11  }
0x30: {  	s14 =	sadd.s32 $0xD000, s20;
	[smem:$0x7EE] =	sst s13  }
0x31: {  	s19 =	sadd.s32 $0xF000, s20;
	[smem:$0x7EF] =	sst s14  }
0x32: {  	s12 =	sadd.s32 $0x4000, s20;
	[smem:$0x7F0] =	sst s19  }
0x33: {  	s8 =	sadd.s32 $0xA000, s20;
	[smem:$0x7FA] =	sst s12  }
0x34: {  	s21 =	sadd.s32 $0x11000, s20;
	[smem:$0x7FD] =	sst s8  }
0x35: {  	s22 =	sadd.s32 $0x13000, s20;
	[smem:$0x7F1] =	sst s21  }
0x36: {  	s23 =	sadd.s32 $0x15000, s20;
	[smem:$0x7F2] =	sst s22  }
0x37: {  	s18 =	smul.u32 $0x18800, s0;
	s24 =	sadd.s32 $0x17000, s20;
	[smem:$0x7F3] =	sst s23  }
.Ltmp0:
0x38: {  	s26 =	sshll.u32 s15, $0x5;
	[smem:$0x7F4] =	sst s24;
	(pc) =	sbr.rel .LBB2_1-.Ltmp0, $4  }
0x39: {  	s28 =	sshll.u32 s15, $0x8;
	[smem:$0x7F5] =	sst s26  }
0x3a: {  	v2 =	vimm.f32 $0.0e+00;
	s5 =	sadd.s32 $0x18800, s18;
	s29 =	ssub.s32 $0x0, s15;
	[smem:$0x7F6] =	sst s28  }
0x3b: {  	v3 =	vlaneseq.u32;
	v4 =	vimm.f32 $1.000000000e+00;
	v5 =	vimm.s32 $0x188000;
	s25 =	sadd.s32 $0x6000, s20;
	s1 =	simm.s32 $0x3;
	[smem:$0x7F7] =	sst s29  }
0x3c: {  	v6 =	vor.u32 $0x10, v3;
	v1 =	vmov s18;
	v0 =	vmov s5;
	s19 =	simm.s32 $0x2;
	s4 =	simm.s32 $0x0;
	[smem:$0x7FB] =	sst s25  }
.LBB2_35:
0x3d: {  	[sflag:s19] =	ssyncadd.s32 $0xFFFFFF80;
	s4 =	sld [smem:$0x7C6]  }
.LBB2_36:
0x3e: {  	[bflag:$0x0] =	sbarrier.arrive $0xFFFF;
	s2 =	simm.s32 $0x5100;
	s1 =	simm.s32 $0x3  }
0x3f: {  	[tilespmem:s2], [sflag:$0x3] =	stream.linear.gather [spmem:s20], $0x1000, $0x38;
	[tilespmem:$0x1F908] =	vst v63  }
0x40: {  	_ =	swait.ge [sflag:s1], $0x1000  }
0x41: {  	s0 =	sld [smem:$0x7C8]  }
0x42: {  	[sflag:s1] =	ssyncset.done $0x0  }
0x43: {  	s13 =	sld [smem:$0x7E9];
	[sflag:s1] =	ssyncadd.s32 $0xFFFFF000  }
0x44: {  	[hbm4b:s0+s17] =	stream.linear.scatter [tilespmem:s2], [sflag:$0x2], $0x1000, $0x38;
	[tilespmem:$0x1F908] =	vst v63  }
0x45: {  	s3 =	simm.s32 $0x6100  }
0x46: {  	[tilespmem:s3], [sflag:$0x3] =	stream.linear.gather [spmem:s13], $0x1000, $0x38;
	[tilespmem:$0x1F908] =	vst v63  }
0x47: {  	_ =	swait.ge [sflag:s1], $0x1000  }
0x48: {  	s14 =	sld [smem:$0x7C9]  }
0x49: {  	[sflag:s1] =	ssyncset.done $0x0  }
0x4a: {  	[sflag:s1] =	ssyncadd.s32 $0xFFFFF000  }
0x4b: {  	[hbm4b:s14+s17] =	stream.linear.scatter [tilespmem:s3], [sflag:$0x2], $0x1000, $0x38;
	[tilespmem:$0x1F908] =	vst v63  }
0x4c: {  	_ =	swait.ge [sflag:s19], $0x1000  }
0x4d: {  	[sflag:s19] =	ssyncset.done $0x0  }
0x4e: {  	[sflag:s19] =	ssyncadd.s32 $0xFFFFF000  }
0x4f: {  	[tilespmem:s2], [sflag:$0x3] =	stream.linear.gather [spmem:s31], $0x1000, $0x38;
	[tilespmem:$0x1F908] =	vst v63  }
0x50: {  	_ =	swait.ge [sflag:s1], $0x1000  }
0x51: {  	s21 =	sld [smem:$0x7CA]  }
0x52: {  	[sflag:s1] =	ssyncset.done $0x0  }
0x53: {  	[sflag:s1] =	ssyncadd.s32 $0xFFFFF000  }
0x54: {  	[hbm4b:s21+s17] =	stream.linear.scatter [tilespmem:s2], [sflag:$0x2], $0x1000, $0x38;
	[tilespmem:$0x1F908] =	vst v63  }
0x55: {  	_ =	swait.ge [sflag:s19], $0x1000  }
0x56: {  	s22 =	sld [smem:$0x7EA]  }
0x57: {  	[sflag:s19] =	ssyncset.done $0x0  }
0x58: {  	[sflag:s19] =	ssyncadd.s32 $0xFFFFF000  }
0x59: {  	[tilespmem:s3], [sflag:$0x3] =	stream.linear.gather [spmem:s22], $0x1000, $0x38;
	[tilespmem:$0x1F908] =	vst v63  }
0x5a: {  	_ =	swait.ge [sflag:s1], $0x1000  }
0x5b: {  	s23 =	sld [smem:$0x7CB]  }
0x5c: {  	[sflag:s1] =	ssyncset.done $0x0  }
0x5d: {  	[sflag:s1] =	ssyncadd.s32 $0xFFFFF000  }
0x5e: {  	[hbm4b:s23+s17] =	stream.linear.scatter [tilespmem:s3], [sflag:$0x2], $0x1000, $0x38;
	[tilespmem:$0x1F908] =	vst v63  }
0x5f: {  	_ =	swait.ge [sflag:s19], $0x1000  }
0x60: {  	[sflag:s19] =	ssyncset.done $0x0  }
0x61: {  	[sflag:s19] =	ssyncadd.s32 $0xFFFFF000  }
0x62: {  	[tilespmem:s2], [sflag:$0x3] =	stream.linear.gather [spmem:s12], $0x1000, $0x38;
	[tilespmem:$0x1F908] =	vst v63  }
0x63: {  	_ =	swait.ge [sflag:s1], $0x1000  }
0x64: {  	s24 =	sld [smem:$0x7CC]  }
0x65: {  	[sflag:s1] =	ssyncset.done $0x0  }
0x66: {  	[sflag:s1] =	ssyncadd.s32 $0xFFFFF000  }
0x67: {  	[hbm4b:s24+s17] =	stream.linear.scatter [tilespmem:s2], [sflag:$0x2], $0x1000, $0x38;
	[tilespmem:$0x1F908] =	vst v63  }
0x68: {  	_ =	swait.ge [sflag:s19], $0x1000  }
0x69: {  	s26 =	sld [smem:$0x7EB]  }
0x6a: {  	[sflag:s19] =	ssyncset.done $0x0  }
0x6b: {  	[sflag:s19] =	ssyncadd.s32 $0xFFFFF000  }
0x6c: {  	[tilespmem:s3], [sflag:$0x3] =	stream.linear.gather [spmem:s26], $0x1000, $0x38;
	[tilespmem:$0x1F908] =	vst v63  }
0x6d: {  	_ =	swait.ge [sflag:s1], $0x1000  }
0x6e: {  	s28 =	sld [smem:$0x7CD]  }
0x6f: {  	[sflag:s1] =	ssyncset.done $0x0  }
0x70: {  	[sflag:s1] =	ssyncadd.s32 $0xFFFFF000  }
0x71: {  	[hbm4b:s28+s17] =	stream.linear.scatter [tilespmem:s3], [sflag:$0x2], $0x1000, $0x38;
	[tilespmem:$0x1F908] =	vst v63  }
0x72: {  	_ =	swait.ge [sflag:s19], $0x1000  }
0x73: {  	[sflag:s19] =	ssyncset.done $0x0  }
0x74: {  	[sflag:s19] =	ssyncadd.s32 $0xFFFFF000  }
0x75: {  	[tilespmem:s2], [sflag:$0x3] =	stream.linear.gather [spmem:s25], $0x1000, $0x38;
	[tilespmem:$0x1F908] =	vst v63  }
0x76: {  	_ =	swait.ge [sflag:s1], $0x1000  }
0x77: {  	s29 =	sld [smem:$0x7CE]  }
0x78: {  	[sflag:s1] =	ssyncset.done $0x0  }
0x79: {  	[sflag:s1] =	ssyncadd.s32 $0xFFFFF000  }
0x7a: {  	[hbm4b:s29+s17] =	stream.linear.scatter [tilespmem:s2], [sflag:$0x2], $0x1000, $0x38;
	[tilespmem:$0x1F908] =	vst v63  }
0x7b: {  	_ =	swait.ge [sflag:s19], $0x1000  }
0x7c: {  	s5 =	sld [smem:$0x7EC]  }
0x7d: {  	[sflag:s19] =	ssyncset.done $0x0  }
0x7e: {  	[sflag:s19] =	ssyncadd.s32 $0xFFFFF000  }
0x7f: {  	[tilespmem:s3], [sflag:$0x3] =	stream.linear.gather [spmem:s5], $0x1000, $0x38;
	[tilespmem:$0x1F908] =	vst v63  }
0x80: {  	_ =	swait.ge [sflag:s1], $0x1000  }
0x81: {  	s6 =	sld [smem:$0x7CF]  }
0x82: {  	[sflag:s1] =	ssyncset.done $0x0  }
0x83: {  	[sflag:s1] =	ssyncadd.s32 $0xFFFFF000  }
0x84: {  	[hbm4b:s6+s17] =	stream.linear.scatter [tilespmem:s3], [sflag:$0x2], $0x1000, $0x38;
	[tilespmem:$0x1F908] =	vst v63  }
0x85: {  	_ =	swait.ge [sflag:s19], $0x1000  }
0x86: {  	[sflag:s19] =	ssyncset.done $0x0  }
0x87: {  	[sflag:s19] =	ssyncadd.s32 $0xFFFFF000  }
0x88: {  	[tilespmem:s2], [sflag:$0x3] =	stream.linear.gather [spmem:s30], $0x1000, $0x38;
	[tilespmem:$0x1F908] =	vst v63  }
0x89: {  	_ =	swait.ge [sflag:s1], $0x1000  }
0x8a: {  	s7 =	sld [smem:$0x7D0]  }
0x8b: {  	[sflag:s1] =	ssyncset.done $0x0  }
0x8c: {  	[sflag:s1] =	ssyncadd.s32 $0xFFFFF000  }
0x8d: {  	[hbm4b:s7+s17] =	stream.linear.scatter [tilespmem:s2], [sflag:$0x2], $0x1000, $0x38;
	[tilespmem:$0x1F908] =	vst v63  }
0x8e: {  	_ =	swait.ge [sflag:s19], $0x1000  }
0x8f: {  	s9 =	sld [smem:$0x7ED]  }
0x90: {  	[sflag:s19] =	ssyncset.done $0x0  }
0x91: {  	[sflag:s19] =	ssyncadd.s32 $0xFFFFF000  }
0x92: {  	[tilespmem:s3], [sflag:$0x3] =	stream.linear.gather [spmem:s9], $0x1000, $0x38;
	[tilespmem:$0x1F908] =	vst v63  }
0x93: {  	_ =	swait.ge [sflag:s1], $0x1000  }
0x94: {  	s10 =	sld [smem:$0x7D1]  }
0x95: {  	[sflag:s1] =	ssyncset.done $0x0  }
0x96: {  	[sflag:s1] =	ssyncadd.s32 $0xFFFFF000  }
0x97: {  	[hbm4b:s10+s17] =	stream.linear.scatter [tilespmem:s3], [sflag:$0x2], $0x1000, $0x38;
	[tilespmem:$0x1F908] =	vst v63  }
0x98: {  	_ =	swait.ge [sflag:s19], $0x1000  }
0x99: {  	[sflag:s19] =	ssyncset.done $0x0  }
0x9a: {  	[sflag:s19] =	ssyncadd.s32 $0xFFFFF000  }
0x9b: {  	[tilespmem:s2], [sflag:$0x3] =	stream.linear.gather [spmem:s8], $0x1000, $0x38;
	[tilespmem:$0x1F908] =	vst v63  }
0x9c: {  	_ =	swait.ge [sflag:s1], $0x1000  }
0x9d: {  	s11 =	sld [smem:$0x7D2]  }
0x9e: {  	[sflag:s1] =	ssyncset.done $0x0  }
0x9f: {  	[sflag:s1] =	ssyncadd.s32 $0xFFFFF000  }
0xa0: {  	[hbm4b:s11+s17] =	stream.linear.scatter [tilespmem:s2], [sflag:$0x2], $0x1000, $0x38;
	[tilespmem:$0x1F908] =	vst v63  }
0xa1: {  	_ =	swait.ge [sflag:s19], $0x1000  }
0xa2: {  	s12 =	sld [smem:$0x7EE]  }
0xa3: {  	[sflag:s19] =	ssyncset.done $0x0  }
0xa4: {  	[sflag:s19] =	ssyncadd.s32 $0xFFFFF000  }
0xa5: {  	[tilespmem:s3], [sflag:$0x3] =	stream.linear.gather [spmem:s12], $0x1000, $0x38;
	[tilespmem:$0x1F908] =	vst v63  }
0xa6: {  	_ =	swait.ge [sflag:s1], $0x1000  }
0xa7: {  	s13 =	sld [smem:$0x7D3]  }
0xa8: {  	[sflag:s1] =	ssyncset.done $0x0  }
0xa9: {  	[sflag:s1] =	ssyncadd.s32 $0xFFFFF000  }
0xaa: {  	[hbm4b:s13+s17] =	stream.linear.scatter [tilespmem:s3], [sflag:$0x2], $0x1000, $0x38;
	[tilespmem:$0x1F908] =	vst v63  }
0xab: {  	_ =	swait.ge [sflag:s19], $0x1000  }
0xac: {  	s14 =	sld [smem:$0x7E2]  }
0xad: {  	[sflag:s19] =	ssyncset.done $0x0  }
0xae: {  	[sflag:s19] =	ssyncadd.s32 $0xFFFFF000  }
0xaf: {  	[tilespmem:s2], [sflag:$0x3] =	stream.linear.gather [spmem:s14], $0x1000, $0x38;
	[tilespmem:$0x1F908] =	vst v63  }
0xb0: {  	_ =	swait.ge [sflag:s1], $0x1000  }
0xb1: {  	s21 =	sld [smem:$0x7D4]  }
0xb2: {  	[sflag:s1] =	ssyncset.done $0x0  }
0xb3: {  	[sflag:s1] =	ssyncadd.s32 $0xFFFFF000  }
0xb4: {  	[hbm4b:s21+s17] =	stream.linear.scatter [tilespmem:s2], [sflag:$0x2], $0x1000, $0x38;
	[tilespmem:$0x1F908] =	vst v63  }
0xb5: {  	_ =	swait.ge [sflag:s19], $0x1000  }
0xb6: {  	s22 =	sld [smem:$0x7EF]  }
0xb7: {  	[sflag:s19] =	ssyncset.done $0x0  }
0xb8: {  	[sflag:s19] =	ssyncadd.s32 $0xFFFFF000  }
0xb9: {  	[tilespmem:s3], [sflag:$0x3] =	stream.linear.gather [spmem:s22], $0x1000, $0x38;
	[tilespmem:$0x1F908] =	vst v63  }
0xba: {  	_ =	swait.ge [sflag:s1], $0x1000  }
0xbb: {  	s23 =	sld [smem:$0x7D5]  }
0xbc: {  	[sflag:s1] =	ssyncset.done $0x0  }
0xbd: {  	[sflag:s1] =	ssyncadd.s32 $0xFFFFF000  }
0xbe: {  	[hbm4b:s23+s17] =	stream.linear.scatter [tilespmem:s3], [sflag:$0x2], $0x1000, $0x38;
	[tilespmem:$0x1F908] =	vst v63  }
0xbf: {  	_ =	swait.ge [sflag:s19], $0x1000  }
0xc0: {  	s24 =	sld [smem:$0x7E3]  }
0xc1: {  	[sflag:s19] =	ssyncset.done $0x0  }
0xc2: {  	[sflag:s19] =	ssyncadd.s32 $0xFFFFF000  }
0xc3: {  	[tilespmem:s2], [sflag:$0x3] =	stream.linear.gather [spmem:s24], $0x1000, $0x38;
	[tilespmem:$0x1F908] =	vst v63  }
0xc4: {  	_ =	swait.ge [sflag:s1], $0x1000  }
0xc5: {  	s25 =	sld [smem:$0x7D6]  }
0xc6: {  	[sflag:s1] =	ssyncset.done $0x0  }
0xc7: {  	[sflag:s1] =	ssyncadd.s32 $0xFFFFF000  }
0xc8: {  	[hbm4b:s25+s17] =	stream.linear.scatter [tilespmem:s2], [sflag:$0x2], $0x1000, $0x38;
	[tilespmem:$0x1F908] =	vst v63  }
0xc9: {  	_ =	swait.ge [sflag:s19], $0x1000  }
0xca: {  	s26 =	sld [smem:$0x7F0]  }
0xcb: {  	[sflag:s19] =	ssyncset.done $0x0  }
0xcc: {  	[sflag:s19] =	ssyncadd.s32 $0xFFFFF000  }
0xcd: {  	[tilespmem:s3], [sflag:$0x3] =	stream.linear.gather [spmem:s26], $0x1000, $0x38;
	[tilespmem:$0x1F908] =	vst v63  }
0xce: {  	_ =	swait.ge [sflag:s1], $0x1000  }
0xcf: {  	s28 =	sld [smem:$0x7D7]  }
0xd0: {  	[sflag:s1] =	ssyncset.done $0x0  }
0xd1: {  	[sflag:s1] =	ssyncadd.s32 $0xFFFFF000  }
0xd2: {  	[hbm4b:s28+s17] =	stream.linear.scatter [tilespmem:s3], [sflag:$0x2], $0x1000, $0x38;
	[tilespmem:$0x1F908] =	vst v63  }
0xd3: {  	_ =	swait.ge [sflag:s19], $0x1000  }
0xd4: {  	s29 =	sld [smem:$0x7E4]  }
0xd5: {  	[sflag:s19] =	ssyncset.done $0x0  }
0xd6: {  	[sflag:s19] =	ssyncadd.s32 $0xFFFFF000  }
0xd7: {  	[tilespmem:s2], [sflag:$0x3] =	stream.linear.gather [spmem:s29], $0x1000, $0x38;
	[tilespmem:$0x1F908] =	vst v63  }
0xd8: {  	_ =	swait.ge [sflag:s1], $0x1000  }
0xd9: {  	s5 =	sld [smem:$0x7D8]  }
0xda: {  	[sflag:s1] =	ssyncset.done $0x0  }
0xdb: {  	[sflag:s1] =	ssyncadd.s32 $0xFFFFF000  }
0xdc: {  	[hbm4b:s5+s17] =	stream.linear.scatter [tilespmem:s2], [sflag:$0x2], $0x1000, $0x38;
	[tilespmem:$0x1F908] =	vst v63  }
0xdd: {  	_ =	swait.ge [sflag:s19], $0x1000  }
0xde: {  	s6 =	sld [smem:$0x7F1]  }
0xdf: {  	[sflag:s19] =	ssyncset.done $0x0  }
0xe0: {  	[sflag:s19] =	ssyncadd.s32 $0xFFFFF000  }
0xe1: {  	[tilespmem:s3], [sflag:$0x3] =	stream.linear.gather [spmem:s6], $0x1000, $0x38;
	[tilespmem:$0x1F908] =	vst v63  }
0xe2: {  	_ =	swait.ge [sflag:s1], $0x1000  }
0xe3: {  	s7 =	sld [smem:$0x7D9]  }
0xe4: {  	[sflag:s1] =	ssyncset.done $0x0  }
0xe5: {  	[sflag:s1] =	ssyncadd.s32 $0xFFFFF000  }
0xe6: {  	[hbm4b:s7+s17] =	stream.linear.scatter [tilespmem:s3], [sflag:$0x2], $0x1000, $0x38;
	[tilespmem:$0x1F908] =	vst v63  }
0xe7: {  	_ =	swait.ge [sflag:s19], $0x1000  }
0xe8: {  	s8 =	sld [smem:$0x7E5]  }
0xe9: {  	[sflag:s19] =	ssyncset.done $0x0  }
0xea: {  	[sflag:s19] =	ssyncadd.s32 $0xFFFFF000  }
0xeb: {  	[tilespmem:s2], [sflag:$0x3] =	stream.linear.gather [spmem:s8], $0x1000, $0x38;
	[tilespmem:$0x1F908] =	vst v63  }
0xec: {  	_ =	swait.ge [sflag:s1], $0x1000  }
0xed: {  	s9 =	sld [smem:$0x7DA]  }
0xee: {  	[sflag:s1] =	ssyncset.done $0x0  }
0xef: {  	[sflag:s1] =	ssyncadd.s32 $0xFFFFF000  }
0xf0: {  	[hbm4b:s9+s17] =	stream.linear.scatter [tilespmem:s2], [sflag:$0x2], $0x1000, $0x38;
	[tilespmem:$0x1F908] =	vst v63  }
0xf1: {  	_ =	swait.ge [sflag:s19], $0x1000  }
0xf2: {  	s10 =	sld [smem:$0x7F2]  }
0xf3: {  	[sflag:s19] =	ssyncset.done $0x0  }
0xf4: {  	[sflag:s19] =	ssyncadd.s32 $0xFFFFF000  }
0xf5: {  	[tilespmem:s3], [sflag:$0x3] =	stream.linear.gather [spmem:s10], $0x1000, $0x38;
	[tilespmem:$0x1F908] =	vst v63  }
0xf6: {  	_ =	swait.ge [sflag:s1], $0x1000  }
0xf7: {  	s11 =	sld [smem:$0x7DB]  }
0xf8: {  	[sflag:s1] =	ssyncset.done $0x0  }
0xf9: {  	[sflag:s1] =	ssyncadd.s32 $0xFFFFF000  }
0xfa: {  	[hbm4b:s11+s17] =	stream.linear.scatter [tilespmem:s3], [sflag:$0x2], $0x1000, $0x38;
	[tilespmem:$0x1F908] =	vst v63  }
0xfb: {  	_ =	swait.ge [sflag:s19], $0x1000  }
0xfc: {  	s12 =	sld [smem:$0x7E6]  }
0xfd: {  	[sflag:s19] =	ssyncset.done $0x0  }
0xfe: {  	[sflag:s19] =	ssyncadd.s32 $0xFFFFF000  }
0xff: {  	[tilespmem:s2], [sflag:$0x3] =	stream.linear.gather [spmem:s12], $0x1000, $0x38;
	[tilespmem:$0x1F908] =	vst v63  }
0x100: {  	_ =	swait.ge [sflag:s1], $0x1000  }
0x101: {  	s13 =	sld [smem:$0x7DC]  }
0x102: {  	[sflag:s1] =	ssyncset.done $0x0  }
0x103: {  	[sflag:s1] =	ssyncadd.s32 $0xFFFFF000  }
0x104: {  	[hbm4b:s13+s17] =	stream.linear.scatter [tilespmem:s2], [sflag:$0x2], $0x1000, $0x38;
	[tilespmem:$0x1F908] =	vst v63  }
0x105: {  	_ =	swait.ge [sflag:s19], $0x1000  }
0x106: {  	s14 =	sld [smem:$0x7F3]  }
0x107: {  	[sflag:s19] =	ssyncset.done $0x0  }
0x108: {  	[sflag:s19] =	ssyncadd.s32 $0xFFFFF000  }
0x109: {  	[tilespmem:s3], [sflag:$0x3] =	stream.linear.gather [spmem:s14], $0x1000, $0x38;
	[tilespmem:$0x1F908] =	vst v63  }
0x10a: {  	_ =	swait.ge [sflag:s1], $0x1000  }
0x10b: {  	s21 =	sld [smem:$0x7DD]  }
0x10c: {  	[sflag:s1] =	ssyncset.done $0x0  }
0x10d: {  	[sflag:s1] =	ssyncadd.s32 $0xFFFFF000  }
0x10e: {  	[hbm4b:s21+s17] =	stream.linear.scatter [tilespmem:s3], [sflag:$0x2], $0x1000, $0x38;
	[tilespmem:$0x1F908] =	vst v63  }
0x10f: {  	_ =	swait.ge [sflag:s19], $0x1000  }
0x110: {  	s22 =	sld [smem:$0x7E7]  }
0x111: {  	[sflag:s19] =	ssyncset.done $0x0  }
0x112: {  	[sflag:s19] =	ssyncadd.s32 $0xFFFFF000  }
0x113: {  	[tilespmem:s2], [sflag:$0x3] =	stream.linear.gather [spmem:s22], $0x1000, $0x38;
	[tilespmem:$0x1F908] =	vst v63  }
0x114: {  	_ =	swait.ge [sflag:s1], $0x1000  }
0x115: {  	s23 =	sld [smem:$0x7DE]  }
0x116: {  	[sflag:s1] =	ssyncset.done $0x0  }
0x117: {  	[sflag:s1] =	ssyncadd.s32 $0xFFFFF000  }
0x118: {  	[hbm4b:s23+s17] =	stream.linear.scatter [tilespmem:s2], [sflag:$0x2], $0x1000, $0x38;
	[tilespmem:$0x1F908] =	vst v63  }
0x119: {  	_ =	swait.ge [sflag:s19], $0x1000  }
0x11a: {  	s24 =	sld [smem:$0x7F4]  }
0x11b: {  	[sflag:s19] =	ssyncset.done $0x0  }
0x11c: {  	[sflag:s19] =	ssyncadd.s32 $0xFFFFF000  }
0x11d: {  	[tilespmem:s3], [sflag:$0x3] =	stream.linear.gather [spmem:s24], $0x1000, $0x38;
	[tilespmem:$0x1F908] =	vst v63  }
0x11e: {  	_ =	swait.ge [sflag:s1], $0x1000  }
0x11f: {  	s25 =	sld [smem:$0x7DF]  }
0x120: {  	[sflag:s1] =	ssyncset.done $0x0  }
0x121: {  	[sflag:s1] =	ssyncadd.s32 $0xFFFFF000  }
0x122: {  	[hbm4b:s25+s17] =	stream.linear.scatter [tilespmem:s3], [sflag:$0x2], $0x1000, $0x38;
	[tilespmem:$0x1F908] =	vst v63  }
0x123: {  	_ =	swait.ge [sflag:s19], $0x1000  }
0x124: {  	s26 =	sld [smem:$0x7E8]  }
0x125: {  	[sflag:s19] =	ssyncset.done $0x0  }
0x126: {  	[sflag:s19] =	ssyncadd.s32 $0xFFFFF000  }
0x127: {  	[tilespmem:s2], [sflag:$0x3] =	stream.linear.gather [spmem:s26], $0x800, $0x38;
	[tilespmem:$0x1F908] =	vst v63  }
0x128: {  	_ =	swait.ge [sflag:s1], $0x800  }
0x129: {  	s28 =	sld [smem:$0x7E0]  }
0x12a: {  	[sflag:s1] =	ssyncset.done $0x0  }
0x12b: {  	[sflag:s1] =	ssyncadd.s32 $0xFFFFF800  }
0x12c: {  	[hbm4b:s28+s17] =	stream.linear.scatter [tilespmem:s2], [sflag:$0x2], $0x800, $0x38;
	[tilespmem:$0x1F908] =	vst v63  }
0x12d: {  	_ =	swait.ge [sflag:s19], $0x1000  }
0x12e: {  	[sflag:s19] =	ssyncset.done $0x0  }
0x12f: {  	[sflag:s19] =	ssyncadd.s32 $0xFFFFF000  }
0x130: {  	_ =	swait.ge [sflag:s19], $0x800  }
0x131: {  	s29 =	sld [smem:$0x7E1];
	_ =	sdelay $0x1  }
0x132: {  	s4 =	sadd.s32 $0x1, s4  }
0x133: {  	p0 =	sne.s32 s4, s29  }
.Ltmp1:
0x134: {  	_ = 	snop;
	(pc) =	sbr.rel @!p0 .LBB2_37-.Ltmp1, $3  }
0x135: {  	_ =	sdelay $0x1  }
0x136: {  	[sflag:s19] =	ssyncset.done $0x0  }
0x137: {  	[sflag:s19] =	ssyncadd.s32 $0xFFFFF800  }
.LBB2_1:
0x138: {  	[smem:$0x7C6] =	sst s4  }
0x139: {  	s0 =	rddreg [dreg:$0x1]  }
0x13a: {  	[tilespmem:s17], [sflag:$0x3] =	stream.linear.gather [hbm4b:s0+s17], $0x10, $0x38;
	[tilespmem:$0x1F908] =	vst v63  }
0x13b: {  	_ =	swait.ge [sflag:s1], $0x10  }
0x13c: {  	[sflag:s1] =	ssyncset.done $0x0  }
0x13d: {  	[sflag:s1] =	ssyncadd.s32 $0xFFFFFFF0  }
0x13e: {  	v7 =	vld [tilespmem:$0x0]  }
0x13f: {  	v8 =	vld [tilespmem:$0x1]  }
0x140: {  	v9 =	vld [tilespmem:$0x2]  }
0x141: {  	v10 =	vld [tilespmem:$0x3];
	_ =	sdelay $0x1  }
0x142: {  	v11 =	vld [tilespmem:$0x4];
	(v2sf) =	vpush v7, $0x0  }
0x143: {  	(v2sf) =	vpush v8, $0x0  }
0x144: {  	v7 =	vld [tilespmem:$0x5];
	(v2sf) =	vpush v9, $0x0  }
0x145: {  	(v2sf) =	vpush v10, $0x0  }
0x146: {  	v8 =	vld [tilespmem:$0x6]  }
0x147: {  	(v2sf) =	vpush v11, $0x0  }
0x148: {  	v60 =	vld [tilespmem:$0x7]  }
0x149: {  	(v2sf) =	vpush v7, $0x0  }
0x14a: {  	v61 =	vld [tilespmem:$0x8]  }
0x14b: {  	(v2sf) =	vpush v8, $0x0  }
0x14c: {  	v62 =	vld [tilespmem:$0x9]  }
0x14d: {  	(v2sf) =	vpush v60, $0x0  }
0x14e: {  	v7 =	vld [tilespmem:$0xA]  }
0x14f: {  	(v2sf) =	vpush v61, $0x0  }
0x150: {  	v8 =	vld [tilespmem:$0xB]  }
0x151: {  	(v2sf) =	vpush v62, $0x0;
	s5 =	spop (v2sf)  }
0x152: {  	v63 =	vld [tilespmem:$0xC];
	s2 =	spop (v2sf);
	s0 =	sadd.s32 $0x1F, s5  }
0x153: {  	(v2sf) =	vpush v7, $0x0;
	[dreg:$0x7] =	wrdreg s5;
	s3 =	spop (v2sf);
	s21 =	sshra.s32 s0, $0x1F  }
0x154: {  	[dreg:$0x8] =	wrdreg s2;
	s2 =	sadd.s32 $0x1F, s2;
	s11 =	spop (v2sf)  }
0x155: {  	(v2sf) =	vpush v8, $0x0;
	s1 =	sshrl.u32 s21, $0x1B;
	s22 =	sshra.s32 s2, $0x1F;
	[dreg:$0x9] =	wrdreg s3  }
0x156: {  	s3 =	sadd.s32 $0x1F, s3;
	s6 =	spop (v2sf);
	s0 =	sadd.s32 s1, s0  }
0x157: {  	v7 =	vld [tilespmem:$0xD];
	(v2sf) =	vpush v63, $0x0;
	s1 =	sshrl.u32 s22, $0x1B;
	[dreg:$0xa] =	wrdreg s11;
	s4 =	sadd.s32 $0x1F, s11  }
0x158: {  	s23 =	sshra.s32 s3, $0x1F;
	s7 =	spop (v2sf);
	s1 =	sadd.s32 s1, s2  }
0x159: {  	s5 =	sshra.s32 s4, $0x1F;
	s2 =	sshrl.u32 s23, $0x1B;
	[dreg:$0xb] =	wrdreg s6  }
0x15a: {  	s6 =	sadd.s32 $0x1F, s6;
	s8 =	spop (v2sf);
	s5 =	sshrl.u32 s5, $0x1B  }
0x15b: {  	s2 =	sadd.s32 s2, s3;
	s25 =	sshra.s32 s6, $0x1F;
	[dreg:$0xc] =	wrdreg s7  }
0x15c: {  	(v2sf) =	vpush v7, $0x0;
	s26 =	sadd.s32 $0x1F, s7;
	s9 =	spop (v2sf);
	s3 =	sadd.s32 s5, s4  }
0x15d: {  	v7 =	vld [tilespmem:$0xE];
	s4 =	sshrl.u32 s25, $0x1B;
	[dreg:$0xd] =	wrdreg s8;
	s28 =	sadd.s32 $0x1F, s8  }
0x15e: {  	s11 =	sshra.s32 s26, $0x1F;
	s24 =	spop (v2sf);
	s4 =	sadd.s32 s4, s6  }
0x15f: {  	s8 =	sshra.s32 s28, $0x1F;
	s6 =	sshrl.u32 s11, $0x1B;
	[smem:$0x7C7] =	sst s9  }
0x160: {  	s9 =	sadd.s32 $0x1F, s9;
	s10 =	spop (v2sf);
	s8 =	sshrl.u32 s8, $0x1B  }
0x161: {  	s5 =	sadd.s32 s6, s26;
	s21 =	sshra.s32 s9, $0x1F;
	s22 =	sadd.s32 $0x1F, s24  }
0x162: {  	(v2sf) =	vpush v7, $0x0;
	s12 =	spop (v2sf);
	s7 =	sadd.s32 s8, s28;
	s6 =	sshrl.u32 s21, $0x1B  }
0x163: {  	v7 =	vld [tilespmem:$0xF];
	[dreg:$0xe] =	wrdreg s10;
	s10 =	sadd.s32 $0x1F, s10;
	s23 =	sshra.s32 s22, $0x1F  }
0x164: {  	s13 =	spop (v2sf);
	s9 =	sadd.s32 s6, s9;
	s11 =	sshra.s32 s10, $0x1F  }
0x165: {  	s6 =	sshrl.u32 s23, $0x1B;
	[dreg:$0xf] =	wrdreg s12;
	s12 =	sadd.s32 $0x1F, s12  }
0x166: {  	s23 =	sshra.s32 s1, $0x5;
	s14 =	spop (v2sf);
	s11 =	sshrl.u32 s11, $0x1B  }
0x167: {  	s8 =	sadd.s32 s6, s22;
	s25 =	sshra.s32 s12, $0x1F;
	[dreg:$0x10] =	wrdreg s13  }
0x168: {  	(v2sf) =	vpush v7, $0x0;
	s26 =	sadd.s32 $0x1F, s13;
	s10 =	sadd.s32 s11, s10;
	s6 =	sshrl.u32 s25, $0x1B  }
0x169: {  	[dreg:$0x11] =	wrdreg s14;
	s28 =	sadd.s32 $0x1F, s14;
	s21 =	sshra.s32 s26, $0x1F  }
0x16a: {  	s12 =	sadd.s32 s6, s12;
	s14 =	sshra.s32 s28, $0x1F;
	s6 =	sshrl.u32 s21, $0x1B  }
0x16b: {  	s14 =	sshrl.u32 s14, $0x1B;
	s22 =	spop (v2sf);
	s11 =	sadd.s32 s6, s26  }
0x16c: {  	s13 =	sadd.s32 s14, s28;
	[dreg:$0x12] =	wrdreg s22;
	s22 =	sadd.s32 $0x1F, s22  }
0x16d: {  	s14 =	sshra.s32 s0, $0x5;
	s28 =	sshra.s32 s2, $0x5;
	s2 =	sshra.s32 s3, $0x5  }
0x16e: {  	s3 =	sshra.s32 s4, $0x5;
	s11 =	sshra.s32 s11, $0x5;
	s25 =	sshra.s32 s22, $0x1F  }
0x16f: {  	s26 =	sadd.s32 s14, s23;
	s23 =	sshra.s32 s5, $0x5;
	s5 =	sshra.s32 s10, $0x5  }
0x170: {  	s13 =	sshra.s32 s13, $0x5;
	s1 =	sshrl.u32 s25, $0x1B;
	s6 =	smov.u32 s26  }
0x171: {  	s1 =	sadd.s32 s1, s22;
	s22 =	sadd.s32 s28, s26;
	s4 =	spop (v2sf)  }
0x172: {  	s25 =	sshra.s32 s7, $0x5;
	s29 =	sadd.s32 s2, s22;
	s2 =	sadd.s32 $0x1F, s4  }
0x173: {  	s28 =	sshra.s32 s9, $0x5;
	s21 =	sadd.s32 s3, s29;
	s26 =	sshra.s32 s2, $0x1F  }
0x174: {  	[dreg:$0x13] =	wrdreg s4;
	s0 =	sadd.s32 s23, s21;
	s4 =	sshrl.u32 s26, $0x1B  }
0x175: {  	[dreg:$0x16] =	wrdreg s0;
	s0 =	sadd.s32 s25, s0;
	s2 =	sadd.s32 s4, s2  }
0x176: {  	[dreg:$0x18] =	wrdreg s0;
	s0 =	sadd.s32 s28, s0;
	s4 =	sshra.s32 s8, $0x5  }
0x177: {  	[dreg:$0x14] =	wrdreg s0;
	s0 =	sadd.s32 s4, s0;
	s7 =	spop (v2sf)  }
0x178: {  	s8 =	sshra.s32 s12, $0x5;
	s10 =	sadd.s32 s5, s0;
	s9 =	sadd.s32 $0x1F, s7  }
0x179: {  	[dreg:$0x17] =	wrdreg s21;
	s26 =	sadd.s32 s8, s10;
	s12 =	sshra.s32 s9, $0x1F  }
0x17a: {  	[dreg:$0x15] =	wrdreg s7;
	s21 =	sadd.s32 s11, s26;
	s7 =	sshrl.u32 s12, $0x1B  }
0x17b: {  	s1 =	sshra.s32 s1, $0x5;
	s7 =	sadd.s32 s7, s9;
	s11 =	sadd.s32 s13, s21  }
0x17c: {  	s23 =	sshra.s32 s2, $0x5;
	s9 =	sadd.s32 s1, s11;
	s25 =	sshra.s32 s7, $0x5  }
0x17d: {  	s23 =	sadd.s32 s23, s9;
	s28 =	ssub.s32 s25, s15  }
0x17e: {  	s1 =	sadd.s32 s23, s28  }
0x17f: {  	p0 =	sgt.s32 s1, $0xFFFFFFF1  }
0x180: {  	s1 =	simm.s32 @!p0 $0xFFFFFFF1  }
0x181: {  	s1 =	sadd.s32 $0xF, s1  }
0x182: {  	s5 =	sshrl.u32 s1, $0x4  }
0x183: {  	p0 =	seq.s32 s5, $0x0  }
.Ltmp2:
0x184: {  	_ = 	snop;
	(pc) =	sbr.rel @p0 .LBB2_8-.Ltmp2, $3  }
0x185: {  	_ =	sdelay $0x1  }
0x186: {  	[dreg:$0x1a] =	wrdreg s0  }
0x187: {  	[dreg:$0x19] =	wrdreg s9  }
0x188: {  	p2 =	sne.s32 s5, $0x1  }
.Ltmp3:
0x189: {  	_ = 	snop;
	(pc) =	sbr.rel @!p2 .LBB2_3-.Ltmp3, $4  }
0x18a: {  	p3 =	sge.s32 s15, s29;
	p1 =	sge.s32 s15, s14;
	p4 =	sge.s32 s15, s22  }
0x18b: {  	p5 =	sge.s32 s15, s6;
	s7 =	simm.s32 $0x1;
	s3 =	simm.s32 $0x1  }
0x18c: {  	s9 =	simm.s32 $0x1;
	s2 =	sadd.s32 $0xFFFFFFFF, s5;
	s7 =	simm.s32 @!p1 $0x0  }
0x18d: {  	s3 =	simm.s32 @!p4 $0x0;
	s9 =	simm.s32 @!p5 $0x0;
	p1 =	por $0x0, $0x0  }
0x18e: {  	s1 =	sadd.s32 s9, s7;
	s0 =	rddreg [dreg:$0x17];
	s7 =	simm.s32 $0x1  }
0x18f: {  	s4 =	rddreg [dreg:$0x16];
	s1 =	sadd.s32 s3, s1;
	s3 =	simm.s32 $0x1  }
0x190: {  	s12 =	rddreg [dreg:$0x18];
	p1 =	sge.s32 s15, s0;
	s3 =	simm.s32 @!p3 $0x0  }
0x191: {  	s13 =	rddreg [dreg:$0x14];
	s7 =	simm.s32 @!p1 $0x0;
	s1 =	sadd.s32 s3, s1  }
0x192: {  	p1 =	sge.s32 s15, s4;
	s3 =	simm.s32 $0x1;
	s1 =	sadd.s32 s7, s1  }
0x193: {  	s3 =	simm.s32 @!p1 $0x0;
	p1 =	sge.s32 s15, s12;
	s7 =	simm.s32 $0x1  }
0x194: {  	s19 =	rddreg [dreg:$0x1a];
	s1 =	sadd.s32 s3, s1;
	s7 =	simm.s32 @!p1 $0x0  }
0x195: {  	p1 =	sge.s32 s15, s13;
	s3 =	simm.s32 $0x1;
	s1 =	sadd.s32 s7, s1  }
0x196: {  	s3 =	simm.s32 @!p1 $0x0;
	p1 =	sge.s32 s15, s19;
	s7 =	simm.s32 $0x1  }
0x197: {  	s1 =	sadd.s32 s3, s1;
	s7 =	simm.s32 @!p1 $0x0  }
0x198: {  	p1 =	sge.s32 s15, s10;
	s3 =	simm.s32 $0x1;
	s1 =	sadd.s32 s7, s1  }
0x199: {  	s3 =	simm.s32 @!p1 $0x0;
	p1 =	sge.s32 s15, s26;
	s7 =	simm.s32 $0x1  }
0x19a: {  	s1 =	sadd.s32 s3, s1;
	s7 =	simm.s32 @!p1 $0x0  }
0x19b: {  	p1 =	sge.s32 s15, s21;
	s3 =	simm.s32 $0x1;
	s1 =	sadd.s32 s7, s1  }
0x19c: {  	s3 =	simm.s32 @!p1 $0x0;
	p1 =	sge.s32 s15, s11;
	s7 =	simm.s32 $0x1  }
0x19d: {  	s25 =	rddreg [dreg:$0x19];
	s1 =	sadd.s32 s3, s1;
	s7 =	simm.s32 @!p1 $0x0  }
0x19e: {  	p1 =	sge.s32 s15, s25;
	s3 =	simm.s32 $0x1;
	s1 =	sadd.s32 s7, s1  }
0x19f: {  	s3 =	simm.s32 @!p1 $0x0;
	p1 =	sge.s32 s15, s23;
	s7 =	simm.s32 $0x1  }
0x1a0: {  	s1 =	sadd.s32 s3, s1;
	s7 =	simm.s32 @!p1 $0x0  }
0x1a1: {  	s8 =	smov.u32 s22;
	s7 =	sadd.s32 s7, s1  }
0x1a2: {  	s3 =	smov.u32 s6;
	s1 =	smov.u32 s14;
	p1 =	seq.s32 s7, $0x1  }
0x1a3: {  	p2 =	seq.s32 s7, $0x2;
	s1 =	simm.s32 @!p1 $0x0;
	p1 =	seq.s32 s7, $0x3  }
0x1a4: {  	s3 =	simm.s32 @!p2 $0x0;
	s8 =	simm.s32 @!p1 $0x0  }
0x1a5: {  	p1 =	seq.s32 s7, $0x4;
	s1 =	sadd.s32 s3, s1;
	s3 =	smov.u32 s29  }
0x1a6: {  	s3 =	simm.s32 @!p1 $0x0  }
0x1a7: {  	p1 =	seq.s32 s7, $0x5;
	s1 =	sadd.s32 s8, s1;
	s8 =	smov.u32 s0  }
0x1a8: {  	s8 =	simm.s32 @!p1 $0x0  }
0x1a9: {  	p1 =	seq.s32 s7, $0x6;
	s1 =	sadd.s32 s3, s1;
	s3 =	smov.u32 s4  }
0x1aa: {  	s3 =	simm.s32 @!p1 $0x0  }
0x1ab: {  	p1 =	seq.s32 s7, $0x7;
	s1 =	sadd.s32 s8, s1;
	s8 =	smov.u32 s12  }
0x1ac: {  	s8 =	simm.s32 @!p1 $0x0  }
0x1ad: {  	p1 =	seq.s32 s7, $0x8;
	s1 =	sadd.s32 s3, s1;
	s3 =	smov.u32 s13  }
0x1ae: {  	s3 =	simm.s32 @!p1 $0x0  }
0x1af: {  	p1 =	seq.s32 s7, $0x9;
	s1 =	sadd.s32 s8, s1;
	s8 =	smov.u32 s19  }
0x1b0: {  	s8 =	simm.s32 @!p1 $0x0  }
0x1b1: {  	p1 =	seq.s32 s7, $0xA;
	s1 =	sadd.s32 s3, s1;
	s3 =	smov.u32 s10  }
0x1b2: {  	s3 =	simm.s32 @!p1 $0x0  }
0x1b3: {  	p1 =	seq.s32 s7, $0xB;
	s1 =	sadd.s32 s8, s1;
	s8 =	smov.u32 s26  }
0x1b4: {  	s20 =	smov.u32 s10;
	s31 =	sld [smem:$0x7F6];
	s8 =	simm.s32 @!p1 $0x0  }
0x1b5: {  	p1 =	seq.s32 s7, $0xC;
	s1 =	sadd.s32 s3, s1;
	s3 =	smov.u32 s21  }
0x1b6: {  	s30 =	sld [smem:$0x7F5];
	p2 =	sne.s32 s2, $0x1;
	s3 =	simm.s32 @!p1 $0x0  }
0x1b7: {  	p1 =	seq.s32 s7, $0xD;
	s1 =	sadd.s32 s8, s1;
	s8 =	smov.u32 s11  }
0x1b8: {  	s2 =	sadd.s32 $0xFFFFFFFF, s2;
	s10 =	sshll.u32 s7, $0xC;
	s8 =	simm.s32 @!p1 $0x0  }
0x1b9: {  	p1 =	seq.s32 s7, $0xE;
	s1 =	sadd.s32 s3, s1;
	s3 =	smov.u32 s25  }
0x1ba: {  	s10 =	sand.u32 $0x7FFF8000, s10;
	s3 =	simm.s32 @!p1 $0x0;
	p1 =	seq.s32 s7, $0xF  }
0x1bb: {  	s1 =	sadd.s32 s8, s1;
	s8 =	smov.u32 s23;
	s7 =	sshll.u32 s7, $0x7  }
0x1bc: {  	s8 =	simm.s32 @!p1 $0x0;
	s3 =	sadd.s32 s3, s1;
	s1 =	sadd.s32 $0x10, s15  }
0x1bd: {  	s7 =	sand.u32 $0x380, s7;
	p3 =	sge.s32 s1, s29;
	s3 =	sadd.s32 s8, s3  }
0x1be: {  	s8 =	rddreg [dreg:$0x5];
	p1 =	sge.s32 s1, s14;
	s9 =	sshll.u32 s3, $0x8  }
0x1bf: {  	p4 =	sge.s32 s1, s22;
	s3 =	sshll.u32 s3, $0x5;
	s9 =	ssub.s32 s31, s9  }
0x1c0: {  	p5 =	sge.s32 s1, s6;
	s3 =	ssub.s32 s30, s3;
	s9 =	sand.u32 $0xFFFFFC00, s9  }
.Ltmp4:
0x1c1: {  	s28 =	sand.u32 $0x60, s3;
	s9 =	sadd.s32 s10, s9;
	(pc) =	sbr.rel @!p2 .LBB2_5-.Ltmp4, $4  }
0x1c2: {  	s3 =	simm.s32 $0x1;
	s10 =	sor.u32 s7, s9;
	s7 =	simm.s32 $0x1  }
0x1c3: {  	s3 =	simm.s32 @!p4 $0x0;
	s9 =	simm.s32 $0x1;
	s7 =	simm.s32 @!p1 $0x0  }
0x1c4: {  	s10 =	sor.u32 s28, s10;
	s28 =	smov.u32 s19;
	s9 =	simm.s32 @!p5 $0x0  }
0x1c5: {  	p1 =	por $0x1, $0x1;
	s19 =	simm.s32 $0x80;
	s10 =	sshrl.u32 s10, $0x3  }
.LBB2_6:
0x1c6: {  	s7 =	sadd.s32 s9, s7;
	s8 =	sadd.s32 s8, s10  }
0x1c7: {  	[tilespmem:s19], [sflag:$0x1] =	stream.linear.gather [hbm4b:s8+s17], $0x20, $0x38;
	[tilespmem:$0x1F908] =	vst v63  }
0x1c8: {  	s3 =	sadd.s32 s3, s7;
	s7 =	simm.s32 $0x1  }
0x1c9: {  	s7 =	simm.s32 @!p3 $0x0  }
0x1ca: {  	p3 =	sge.s32 s1, s0;
	s3 =	sadd.s32 s7, s3;
	s7 =	simm.s32 $0x1  }
0x1cb: {  	s7 =	simm.s32 @!p3 $0x0  }
0x1cc: {  	p3 =	sge.s32 s1, s4;
	s3 =	sadd.s32 s7, s3;
	s7 =	simm.s32 $0x1  }
0x1cd: {  	s7 =	simm.s32 @!p3 $0x0  }
0x1ce: {  	p3 =	sge.s32 s1, s12;
	s3 =	sadd.s32 s7, s3;
	s7 =	simm.s32 $0x1  }
0x1cf: {  	s7 =	simm.s32 @!p3 $0x0  }
0x1d0: {  	p3 =	sge.s32 s1, s13;
	s3 =	sadd.s32 s7, s3;
	s7 =	simm.s32 $0x1  }
0x1d1: {  	s7 =	simm.s32 @!p3 $0x0  }
0x1d2: {  	p3 =	sge.s32 s1, s28;
	s3 =	sadd.s32 s7, s3;
	s7 =	simm.s32 $0x1  }
0x1d3: {  	s7 =	simm.s32 @!p3 $0x0  }
0x1d4: {  	p3 =	sge.s32 s1, s20;
	s3 =	sadd.s32 s7, s3;
	s7 =	simm.s32 $0x1  }
0x1d5: {  	s7 =	simm.s32 @!p3 $0x0  }
0x1d6: {  	p3 =	sge.s32 s1, s26;
	s3 =	sadd.s32 s7, s3;
	s7 =	simm.s32 $0x1  }
0x1d7: {  	s7 =	simm.s32 @!p3 $0x0  }
0x1d8: {  	p3 =	sge.s32 s1, s21;
	s3 =	sadd.s32 s7, s3;
	s7 =	simm.s32 $0x1  }
0x1d9: {  	s7 =	simm.s32 @!p3 $0x0  }
0x1da: {  	p3 =	sge.s32 s1, s11;
	s3 =	sadd.s32 s7, s3;
	s7 =	simm.s32 $0x1  }
0x1db: {  	s7 =	simm.s32 @!p3 $0x0  }
0x1dc: {  	p3 =	sge.s32 s1, s25;
	s3 =	sadd.s32 s7, s3;
	s7 =	simm.s32 $0x1  }
0x1dd: {  	s7 =	simm.s32 @!p3 $0x0  }
0x1de: {  	p3 =	sge.s32 s1, s23;
	s3 =	sadd.s32 s7, s3;
	s7 =	simm.s32 $0x1  }
0x1df: {  	s7 =	simm.s32 @!p3 $0x0  }
0x1e0: {  	s9 =	smov.u32 s22;
	s7 =	sadd.s32 s7, s3  }
0x1e1: {  	s8 =	smov.u32 s6;
	s3 =	smov.u32 s14;
	p3 =	seq.s32 s7, $0x1  }
0x1e2: {  	p4 =	seq.s32 s7, $0x2;
	s3 =	simm.s32 @!p3 $0x0;
	p3 =	seq.s32 s7, $0x3  }
0x1e3: {  	s8 =	simm.s32 @!p4 $0x0;
	s9 =	simm.s32 @!p3 $0x0  }
0x1e4: {  	p3 =	seq.s32 s7, $0x4;
	s3 =	sadd.s32 s8, s3;
	s8 =	smov.u32 s29  }
0x1e5: {  	s8 =	simm.s32 @!p3 $0x0  }
0x1e6: {  	p3 =	seq.s32 s7, $0x5;
	s3 =	sadd.s32 s9, s3;
	s9 =	smov.u32 s0  }
0x1e7: {  	s9 =	simm.s32 @!p3 $0x0  }
0x1e8: {  	p3 =	seq.s32 s7, $0x6;
	s3 =	sadd.s32 s8, s3;
	s8 =	smov.u32 s4  }
0x1e9: {  	s8 =	simm.s32 @!p3 $0x0  }
0x1ea: {  	p3 =	seq.s32 s7, $0x7;
	s3 =	sadd.s32 s9, s3;
	s9 =	smov.u32 s12  }
0x1eb: {  	s9 =	simm.s32 @!p3 $0x0  }
0x1ec: {  	p3 =	seq.s32 s7, $0x8;
	s3 =	sadd.s32 s8, s3;
	s8 =	smov.u32 s13  }
0x1ed: {  	s8 =	simm.s32 @!p3 $0x0  }
0x1ee: {  	p3 =	seq.s32 s7, $0x9;
	s3 =	sadd.s32 s9, s3;
	s9 =	smov.u32 s28  }
0x1ef: {  	s9 =	simm.s32 @!p3 $0x0  }
0x1f0: {  	p3 =	seq.s32 s7, $0xA;
	s3 =	sadd.s32 s8, s3;
	s8 =	smov.u32 s20  }
0x1f1: {  	s8 =	simm.s32 @!p3 $0x0  }
0x1f2: {  	p3 =	seq.s32 s7, $0xB;
	s3 =	sadd.s32 s9, s3;
	s9 =	smov.u32 s26  }
0x1f3: {  	p2 =	sne.s32 s2, $0x1;
	s30 =	sadd.s32 $0x200, s30;
	s9 =	simm.s32 @!p3 $0x0  }
0x1f4: {  	p3 =	seq.s32 s7, $0xC;
	s3 =	sadd.s32 s8, s3;
	s8 =	smov.u32 s21  }
0x1f5: {  	s31 =	sadd.s32 $0x1000, s31;
	s2 =	sadd.s32 $0xFFFFFFFF, s2;
	s8 =	simm.s32 @!p3 $0x0  }
0x1f6: {  	p3 =	seq.s32 s7, $0xD;
	s3 =	sadd.s32 s9, s3;
	s9 =	smov.u32 s11  }
0x1f7: {  	s19 =	sadd.s32 $0x80, s19;
	s1 =	sadd.s32 $0x10, s1;
	s9 =	simm.s32 @!p3 $0x0  }
0x1f8: {  	p3 =	seq.s32 s7, $0xE;
	s3 =	sadd.s32 s8, s3;
	s8 =	smov.u32 s25  }
0x1f9: {  	p5 =	sge.s32 s1, s14;
	p6 =	sge.s32 s1, s6;
	s8 =	simm.s32 @!p3 $0x0  }
0x1fa: {  	p3 =	seq.s32 s7, $0xF;
	s3 =	sadd.s32 s9, s3;
	s9 =	smov.u32 s23  }
0x1fb: {  	s10 =	sshll.u32 s7, $0xC;
	s9 =	simm.s32 @!p3 $0x0;
	s3 =	sadd.s32 s8, s3  }
0x1fc: {  	p4 =	sge.s32 s1, s22;
	s10 =	sand.u32 $0x7FFF8000, s10;
	s3 =	sadd.s32 s9, s3  }
0x1fd: {  	s7 =	sshll.u32 s7, $0x7;
	p3 =	sge.s32 s1, s29;
	s9 =	sshll.u32 s3, $0x8  }
0x1fe: {  	s8 =	rddreg [dreg:$0x5];
	s3 =	sshll.u32 s3, $0x5;
	s9 =	ssub.s32 s31, s9  }
.Ltmp5:
0x1ff: {  	s3 =	ssub.s32 s30, s3;
	s9 =	sand.u32 $0xFFFFFC00, s9;
	(pc) =	sbr.rel @p2 .LBB2_6-.Ltmp5, $4  }
0x200: {  	s7 =	sand.u32 $0x380, s7;
	s9 =	sadd.s32 s10, s9;
	s10 =	sand.u32 $0x60, s3  }
0x201: {  	s3 =	simm.s32 $0x1;
	s9 =	sor.u32 s7, s9;
	s7 =	simm.s32 $0x1  }
0x202: {  	s3 =	simm.s32 @!p4 $0x0;
	s10 =	sor.u32 s10, s9;
	s9 =	simm.s32 $0x1  }
0x203: {  	s7 =	simm.s32 @!p5 $0x0;
	s9 =	simm.s32 @!p6 $0x0;
	s10 =	sshrl.u32 s10, $0x3  }
.LBB2_7:
0x204: {  	s2 =	sadd.s32 s9, s7;
	s7 =	sadd.s32 @p1 s8, s10  }
0x205: {  	[tilespmem:s19], [sflag:$0x1] =	stream.linear.gather @p1 [hbm4b:s7+s17], $0x20, $0x38;
	[tilespmem:$0x1F908] =	vst v63  }
0x206: {  	s2 =	sadd.s32 s3, s2;
	s3 =	simm.s32 $0x1  }
0x207: {  	p2 =	sge.s32 s1, s0;
	s7 =	simm.s32 $0x1;
	s3 =	simm.s32 @!p3 $0x0  }
0x208: {  	s7 =	simm.s32 @!p2 $0x0;
	s2 =	sadd.s32 s3, s2  }
0x209: {  	p2 =	sge.s32 s1, s4;
	s3 =	simm.s32 $0x1;
	s2 =	sadd.s32 s7, s2  }
0x20a: {  	s3 =	simm.s32 @!p2 $0x0;
	p2 =	sge.s32 s1, s12;
	s7 =	simm.s32 $0x1  }
0x20b: {  	s2 =	sadd.s32 s3, s2;
	s7 =	simm.s32 @!p2 $0x0  }
0x20c: {  	p2 =	sge.s32 s1, s13;
	s3 =	simm.s32 $0x1;
	s2 =	sadd.s32 s7, s2  }
0x20d: {  	s3 =	simm.s32 @!p2 $0x0;
	p2 =	sge.s32 s1, s28;
	s7 =	simm.s32 $0x1  }
0x20e: {  	s2 =	sadd.s32 s3, s2;
	s7 =	simm.s32 @!p2 $0x0  }
0x20f: {  	p2 =	sge.s32 s1, s20;
	s3 =	simm.s32 $0x1;
	s2 =	sadd.s32 s7, s2  }
0x210: {  	s3 =	simm.s32 @!p2 $0x0;
	p2 =	sge.s32 s1, s26;
	s7 =	simm.s32 $0x1  }
0x211: {  	s2 =	sadd.s32 s3, s2;
	s7 =	simm.s32 @!p2 $0x0  }
0x212: {  	p2 =	sge.s32 s1, s21;
	s3 =	simm.s32 $0x1;
	s2 =	sadd.s32 s7, s2  }
0x213: {  	s3 =	simm.s32 @!p2 $0x0;
	p2 =	sge.s32 s1, s11;
	s7 =	simm.s32 $0x1  }
0x214: {  	s9 =	rddreg [dreg:$0x19];
	s2 =	sadd.s32 s3, s2;
	s7 =	simm.s32 @!p2 $0x0  }
0x215: {  	p2 =	sge.s32 s1, s9;
	s3 =	simm.s32 $0x1;
	s2 =	sadd.s32 s7, s2  }
0x216: {  	s3 =	simm.s32 @!p2 $0x0;
	p2 =	sge.s32 s1, s23;
	s1 =	simm.s32 $0x1  }
0x217: {  	s2 =	sadd.s32 s3, s2;
	s1 =	simm.s32 @!p2 $0x0  }
0x218: {  	s7 =	smov.u32 s22;
	s1 =	sadd.s32 s1, s2  }
0x219: {  	s3 =	smov.u32 s6;
	s2 =	smov.u32 s14;
	p2 =	seq.s32 s1, $0x1  }
0x21a: {  	p3 =	seq.s32 s1, $0x2;
	s2 =	simm.s32 @!p2 $0x0;
	p2 =	seq.s32 s1, $0x3  }
0x21b: {  	s3 =	simm.s32 @!p3 $0x0;
	s7 =	simm.s32 @!p2 $0x0  }
0x21c: {  	p2 =	seq.s32 s1, $0x4;
	s2 =	sadd.s32 s3, s2;
	s3 =	smov.u32 s29  }
0x21d: {  	s3 =	simm.s32 @!p2 $0x0  }
0x21e: {  	p2 =	seq.s32 s1, $0x5;
	s2 =	sadd.s32 s7, s2;
	s7 =	smov.u32 s0  }
0x21f: {  	s7 =	simm.s32 @!p2 $0x0  }
0x220: {  	p2 =	seq.s32 s1, $0x6;
	s2 =	sadd.s32 s3, s2;
	s3 =	smov.u32 s4  }
0x221: {  	s3 =	simm.s32 @!p2 $0x0  }
0x222: {  	p2 =	seq.s32 s1, $0x7;
	s2 =	sadd.s32 s7, s2;
	s7 =	smov.u32 s12  }
0x223: {  	s7 =	simm.s32 @!p2 $0x0  }
0x224: {  	p2 =	seq.s32 s1, $0x8;
	s2 =	sadd.s32 s3, s2;
	s3 =	smov.u32 s13  }
0x225: {  	s3 =	simm.s32 @!p2 $0x0;
	p2 =	seq.s32 s1, $0x9  }
0x226: {  	s2 =	sadd.s32 s7, s2;
	s28 =	simm.s32 @!p2 $0x0  }
0x227: {  	p2 =	seq.s32 s1, $0xA;
	s2 =	sadd.s32 s3, s2;
	s3 =	smov.u32 s20  }
0x228: {  	s7 =	smov.u32 s26;
	s3 =	simm.s32 @!p2 $0x0;
	p2 =	seq.s32 s1, $0xB  }
0x229: {  	s2 =	sadd.s32 s28, s2;
	s7 =	simm.s32 @!p2 $0x0  }
0x22a: {  	p2 =	seq.s32 s1, $0xC;
	s2 =	sadd.s32 s3, s2;
	s3 =	smov.u32 s21  }
0x22b: {  	s3 =	simm.s32 @!p2 $0x0  }
0x22c: {  	p2 =	seq.s32 s1, $0xD;
	s2 =	sadd.s32 s7, s2;
	s7 =	smov.u32 s11  }
0x22d: {  	s7 =	simm.s32 @!p2 $0x0  }
0x22e: {  	p2 =	seq.s32 s1, $0xE;
	s2 =	sadd.s32 s3, s2;
	s3 =	smov.u32 s9  }
0x22f: {  	s3 =	simm.s32 @!p2 $0x0  }
0x230: {  	p2 =	seq.s32 s1, $0xF;
	s2 =	sadd.s32 s7, s2;
	s7 =	smov.u32 s23  }
0x231: {  	s2 =	sadd.s32 s3, s2;
	s7 =	simm.s32 @!p2 $0x0  }
0x232: {  	s2 =	sadd.s32 s7, s2;
	s7 =	sld [smem:$0x7F6];
	_ =	sdelay $0x1  }
0x233: {  	s3 =	sadd.s32 @p1 $0x1000, s31  }
0x234: {  	s10 =	smov.u32 s20;
	s20 =	sshll.u32 s2, $0x8;
	s7 =	smov.u32 @p1 s3  }
0x235: {  	s3 =	ssub.s32 s7, s20;
	s7 =	sld [smem:$0x7F5]  }
0x236: {  	s8 =	sadd.s32 @p1 $0x200, s30;
	s30 =	sld [smem:$0x7FC];
	s25 =	sshll.u32 s1, $0xC  }
0x237: {  	s28 =	rddreg [dreg:$0x5];
	s1 =	sshll.u32 s1, $0x7;
	s2 =	sshll.u32 s2, $0x5  }
0x238: {  	s3 =	sand.u32 $0xFFFFFC00, s3;
	s7 =	smov.u32 @p1 s8;
	s8 =	sand.u32 $0x7FFF8000, s25  }
0x239: {  	s1 =	sand.u32 $0x380, s1;
	s3 =	sadd.s32 s8, s3;
	s2 =	ssub.s32 s7, s2  }
0x23a: {  	s31 =	sld [smem:$0x7F9];
	s1 =	sor.u32 s1, s3;
	s2 =	sand.u32 $0x60, s2  }
0x23b: {  	s20 =	sld [smem:$0x7F8];
	s1 =	sor.u32 s2, s1  }
0x23c: {  	s7 =	simm.s32 $0x80;
	s2 =	sadd.s32 @p1 $0x80, s19;
	s1 =	sshrl.u32 s1, $0x3  }
0x23d: {  	s19 =	simm.s32 $0x2;
	s7 =	smov.u32 @p1 s2;
	s1 =	sadd.s32 s28, s1  }
0x23e: {  	[tilespmem:s7], [sflag:$0x1] =	stream.linear.gather [hbm4b:s1+s17], $0x20, $0x38;
	[tilespmem:$0x1F908] =	vst v63  }
.LBB2_8:
0x23f: {  	s1 =	simm.s32 $0x40;
	s2 =	simm.s32 $0x0  }
.LBB2_9:
0x240: {  	p1 =	sne.s32 s1, $0x7FC0;
	[tilespmem:s2+$0x5100] =	vst v2;
	s2 =	smov.u32 s1;
	s1 =	sadd.s32 $0x40, s1  }
.Ltmp6:
0x241: {  	(pc) =	sbr.rel @p1 .LBB2_9-.Ltmp6, $2  }
0x242: {  	_ =	sdelay $0x2  }
0x243: {  	s2 =	sshra.s32 s2, $0x2  }
0x244: {  	[tilespmem:s2+$0x5100] =	vst v2  }
0x245: {  	s2 =	rddreg [dreg:$0x7];
	[tilespmem:$0x5080] =	vst v4  }
0x246: {  	s4 =	rddreg [dreg:$0xe];
	[tilespmem:$0x5090] =	vst v4  }
0x247: {  	s13 =	rddreg [dreg:$0x18];
	[tilespmem:$0x50A0] =	vst v4  }
.Ltmp7:
0x248: {  	s7 =	rddreg [dreg:$0x14];
	[tilespmem:$0x50B0] =	vst v4;
	(pc) =	sbr.rel @p0 .LBB2_14-.Ltmp7, $4  }
0x249: {  	s28 =	rddreg [dreg:$0x1a];
	[tilespmem:$0x50C0] =	vst v4  }
0x24a: {  	s12 =	sld [smem:$0x7FA];
	[tilespmem:$0x50D0] =	vst v4  }
0x24b: {  	s25 =	sld [smem:$0x7FB];
	[tilespmem:$0x50E0] =	vst v4  }
0x24c: {  	s8 =	sld [smem:$0x7FD];
	[tilespmem:$0x50F0] =	vst v4  }
0x24d: {  	p1 =	sne.s32 s5, $0x1  }
.Ltmp8:
0x24e: {  	_ = 	snop;
	(pc) =	sbr.rel @!p1 .LBB2_13-.Ltmp8, $4  }
0x24f: {  	_ = 	snop  }
0x250: {  	s0 =	simm.s32 $0x1  }
0x251: {  	_ =	swait.ge [sflag:s0], $0x20  }
0x252: {  	s1 =	sadd.s32 $0xFFFFFFFF, s5;
	[sflag:s0] =	ssyncset.done $0x0  }
.LBB2_12:
0x253: {  	p1 =	sne.s32 s1, $0x1;
	s1 =	sadd.s32 $0xFFFFFFFF, s1;
	[sflag:s0] =	ssyncadd.s32 $0xFFFFFFE0  }
.Ltmp9:
0x254: {  	(pc) =	sbr.rel @p1 .LBB2_12-.Ltmp9, $3  }
0x255: {  	_ =	sdelay $0x1  }
0x256: {  	_ =	swait.ge [sflag:s0], $0x20  }
0x257: {  	[sflag:s0] =	ssyncset.done $0x0  }
.LBB2_13:
0x258: {  	[sflag:s0] =	ssyncadd.s32 $0xFFFFFFE0  }
.LBB2_14:
0x259: {  	s1 =	simm.s32 $0x5100  }
0x25a: {  	[spmem:s20] =	stream.linear.scatter [tilespmem:s1], [sflag:$0x2], $0x2000, $0x38;
	[tilespmem:$0x1F908] =	vst v63  }
0x25b: {  	_ = 	snop  }
0x25c: {  	[spmem:s31] =	stream.linear.scatter [tilespmem:s1], [sflag:$0x2], $0x2000, $0x38;
	[tilespmem:$0x1F908] =	vst v63  }
0x25d: {  	_ = 	snop  }
0x25e: {  	[spmem:s12] =	stream.linear.scatter [tilespmem:s1], [sflag:$0x2], $0x2000, $0x38;
	[tilespmem:$0x1F908] =	vst v63  }
0x25f: {  	_ = 	snop  }
0x260: {  	[spmem:s25] =	stream.linear.scatter [tilespmem:s1], [sflag:$0x2], $0x2000, $0x38;
	[tilespmem:$0x1F908] =	vst v63  }
0x261: {  	_ = 	snop  }
0x262: {  	[spmem:s30] =	stream.linear.scatter [tilespmem:s1], [sflag:$0x2], $0x2000, $0x38;
	[tilespmem:$0x1F908] =	vst v63  }
0x263: {  	s0 =	sld [smem:$0x7E2]  }
0x264: {  	[spmem:s8] =	stream.linear.scatter [tilespmem:s1], [sflag:$0x2], $0x2000, $0x38;
	[tilespmem:$0x1F908] =	vst v63  }
0x265: {  	s3 =	sld [smem:$0x7E3]  }
0x266: {  	[spmem:s0] =	stream.linear.scatter [tilespmem:s1], [sflag:$0x2], $0x2000, $0x38;
	[tilespmem:$0x1F908] =	vst v63  }
0x267: {  	_ = 	snop  }
0x268: {  	[spmem:s3] =	stream.linear.scatter [tilespmem:s1], [sflag:$0x2], $0x2000, $0x38;
	[tilespmem:$0x1F908] =	vst v63  }
0x269: {  	s3 =	sld [smem:$0x7E4];
	_ =	sdelay $0x2  }
0x26a: {  	[spmem:s3] =	stream.linear.scatter [tilespmem:s1], [sflag:$0x2], $0x2000, $0x38;
	[tilespmem:$0x1F908] =	vst v63  }
0x26b: {  	s3 =	sld [smem:$0x7E5];
	_ =	sdelay $0x2  }
0x26c: {  	[spmem:s3] =	stream.linear.scatter [tilespmem:s1], [sflag:$0x2], $0x2000, $0x38;
	[tilespmem:$0x1F908] =	vst v63  }
0x26d: {  	s3 =	sld [smem:$0x7E6];
	_ =	sdelay $0x2  }
0x26e: {  	[spmem:s3] =	stream.linear.scatter [tilespmem:s1], [sflag:$0x2], $0x2000, $0x38;
	[tilespmem:$0x1F908] =	vst v63  }
0x26f: {  	s3 =	sld [smem:$0x7E7];
	_ =	sdelay $0x2  }
0x270: {  	[spmem:s3] =	stream.linear.scatter [tilespmem:s1], [sflag:$0x2], $0x2000, $0x38;
	[tilespmem:$0x1F908] =	vst v63  }
0x271: {  	s3 =	sld [smem:$0x7E8];
	_ =	sdelay $0x2  }
0x272: {  	[spmem:s3] =	stream.linear.scatter [tilespmem:s1], [sflag:$0x2], $0x800, $0x38;
	[tilespmem:$0x1F908] =	vst v63  }
0x273: {  	_ =	swait.ge [sflag:s19], $0x2000  }
0x274: {  	[sflag:s19] =	ssyncset.done $0x0  }
0x275: {  	[sflag:s19] =	ssyncadd.s32 $0xFFFFE000  }
0x276: {  	_ =	swait.ge [sflag:s19], $0x2000  }
0x277: {  	[sflag:s19] =	ssyncset.done $0x0  }
0x278: {  	[sflag:s19] =	ssyncadd.s32 $0xFFFFE000  }
0x279: {  	_ =	swait.ge [sflag:s19], $0x2000  }
0x27a: {  	[sflag:s19] =	ssyncset.done $0x0  }
0x27b: {  	[sflag:s19] =	ssyncadd.s32 $0xFFFFE000  }
0x27c: {  	_ =	swait.ge [sflag:s19], $0x2000  }
0x27d: {  	[sflag:s19] =	ssyncset.done $0x0  }
0x27e: {  	[sflag:s19] =	ssyncadd.s32 $0xFFFFE000  }
0x27f: {  	_ =	swait.ge [sflag:s19], $0x2000  }
0x280: {  	[sflag:s19] =	ssyncset.done $0x0  }
0x281: {  	[sflag:s19] =	ssyncadd.s32 $0xFFFFE000  }
0x282: {  	_ =	swait.ge [sflag:s19], $0x2000  }
0x283: {  	[sflag:s19] =	ssyncset.done $0x0  }
0x284: {  	[sflag:s19] =	ssyncadd.s32 $0xFFFFE000  }
0x285: {  	_ =	swait.ge [sflag:s19], $0x2000  }
0x286: {  	[sflag:s19] =	ssyncset.done $0x0  }
0x287: {  	[sflag:s19] =	ssyncadd.s32 $0xFFFFE000  }
0x288: {  	_ =	swait.ge [sflag:s19], $0x2000  }
0x289: {  	[sflag:s19] =	ssyncset.done $0x0  }
0x28a: {  	[sflag:s19] =	ssyncadd.s32 $0xFFFFE000  }
0x28b: {  	_ =	swait.ge [sflag:s19], $0x2000  }
0x28c: {  	[sflag:s19] =	ssyncset.done $0x0  }
0x28d: {  	[sflag:s19] =	ssyncadd.s32 $0xFFFFE000  }
0x28e: {  	_ =	swait.ge [sflag:s19], $0x2000  }
0x28f: {  	[sflag:s19] =	ssyncset.done $0x0  }
0x290: {  	[sflag:s19] =	ssyncadd.s32 $0xFFFFE000  }
0x291: {  	_ =	swait.ge [sflag:s19], $0x2000  }
0x292: {  	[sflag:s19] =	ssyncset.done $0x0  }
0x293: {  	[sflag:s19] =	ssyncadd.s32 $0xFFFFE000  }
0x294: {  	_ =	swait.ge [sflag:s19], $0x2000  }
.Ltmp10:
0x295: {  	[sflag:s19] =	ssyncset.done $0x0;
	(pc) =	sbr.rel @p0 .LBB2_22-.Ltmp10, $4  }
0x296: {  	[sflag:s19] =	ssyncadd.s32 $0xFFFFE000  }
0x297: {  	_ =	swait.ge [sflag:s19], $0x800  }
0x298: {  	[sflag:s19] =	ssyncset.done $0x0  }
0x299: {  	[sflag:s19] =	ssyncadd.s32 $0xFFFFF800  }
0x29a: {  	s19 =	rddreg [dreg:$0x17]  }
0x29b: {  	s31 =	rddreg [dreg:$0x16]  }
0x29c: {  	[smem:$0x7C1] =	sst s5  }
0x29d: {  	s25 =	rddreg [dreg:$0xa]  }
0x29e: {  	s12 =	rddreg [dreg:$0xb]  }
0x29f: {  	[smem:$0x7C2] =	sst s14  }
0x2a0: {  	[dreg:$0x1c] =	wrdreg s26  }
0x2a1: {  	p0 =	sge.s32 s15, s14;
	[dreg:$0x1d] =	wrdreg s21  }
0x2a2: {  	s1 =	simm.s32 $0x1;
	p1 =	sge.s32 s15, s6;
	[dreg:$0x1b] =	wrdreg s23  }
0x2a3: {  	s0 =	smov.u32 s2;
	s2 =	simm.s32 $0x1;
	[smem:$0x7C3] =	sst s22  }
0x2a4: {  	s3 =	simm.s32 $0x1;
	s20 =	sshll.u32 s5, $0x5;
	[smem:$0x7C4] =	sst s29  }
0x2a5: {  	s8 =	smov.u32 s14;
	s5 =	smov.u32 s13;
	[smem:$0x7C5] =	sst s6  }
0x2a6: {  	s1 =	simm.s32 @!p0 $0x0;
	p0 =	sge.s32 s15, s22;
	s2 =	simm.s32 @!p1 $0x0  }
0x2a7: {  	[dreg:$0x6] =	wrdreg s20;
	s1 =	sadd.s32 s2, s1;
	s3 =	simm.s32 @!p0 $0x0  }
0x2a8: {  	p0 =	sge.s32 s15, s29;
	s2 =	simm.s32 $0x1;
	s1 =	sadd.s32 s3, s1  }
0x2a9: {  	s2 =	simm.s32 @!p0 $0x0;
	p0 =	sge.s32 s15, s19;
	s3 =	simm.s32 $0x1  }
0x2aa: {  	s20 =	smov.u32 s28;
	s1 =	sadd.s32 s2, s1;
	s3 =	simm.s32 @!p0 $0x0  }
0x2ab: {  	p0 =	sge.s32 s15, s31;
	s2 =	simm.s32 $0x1;
	s1 =	sadd.s32 s3, s1  }
0x2ac: {  	s2 =	simm.s32 @!p0 $0x0;
	p0 =	sge.s32 s15, s13;
	s3 =	simm.s32 $0x1  }
0x2ad: {  	s13 =	smov.u32 s29;
	s1 =	sadd.s32 s2, s1;
	s3 =	simm.s32 @!p0 $0x0  }
0x2ae: {  	p0 =	sge.s32 s15, s7;
	s2 =	simm.s32 $0x1;
	s7 =	sld [smem:$0x7C7]  }
0x2af: {  	s1 =	sadd.s32 s3, s1;
	s2 =	simm.s32 @!p0 $0x0;
	p0 =	sge.s32 s15, s28  }
0x2b0: {  	s3 =	simm.s32 $0x1;
	s28 =	rddreg [dreg:$0xc];
	s1 =	sadd.s32 s2, s1  }
0x2b1: {  	s3 =	simm.s32 @!p0 $0x0;
	p0 =	sge.s32 s15, s10;
	s2 =	simm.s32 $0x1  }
0x2b2: {  	s14 =	smov.u32 s28;
	s1 =	sadd.s32 s3, s1;
	s2 =	simm.s32 @!p0 $0x0  }
0x2b3: {  	p0 =	sge.s32 s15, s26;
	s3 =	simm.s32 $0x1;
	s1 =	sadd.s32 s2, s1  }
0x2b4: {  	s3 =	simm.s32 @!p0 $0x0;
	p0 =	sge.s32 s15, s21;
	s2 =	simm.s32 $0x1  }
0x2b5: {  	s28 =	rddreg [dreg:$0xd];
	s1 =	sadd.s32 s3, s1;
	s2 =	simm.s32 @!p0 $0x0  }
0x2b6: {  	p0 =	sge.s32 s15, s11;
	s3 =	simm.s32 $0x1;
	s1 =	sadd.s32 s2, s1  }
0x2b7: {  	s3 =	simm.s32 @!p0 $0x0;
	p0 =	sge.s32 s15, s9;
	s2 =	simm.s32 $0x1  }
0x2b8: {  	s9 =	rddreg [dreg:$0x8];
	s1 =	sadd.s32 s3, s1;
	s2 =	simm.s32 @!p0 $0x0  }
0x2b9: {  	p0 =	sge.s32 s15, s23;
	s3 =	simm.s32 $0x1;
	s15 =	smov.u32 s6  }
0x2ba: {  	s1 =	sadd.s32 s2, s1;
	s3 =	simm.s32 @!p0 $0x0;
	s2 =	rddreg [dreg:$0x6]  }
0x2bb: {  	s30 =	sadd.s32 s3, s1;
	s1 =	smov.u32 s0;
	s3 =	rddreg [dreg:$0x9]  }
0x2bc: {  	s0 =	smov.u32 s10;
	s10 =	smov.u32 s25;
	s25 =	smov.u32 s11  }
0x2bd: {  	s11 =	smov.u32 s22;
	p0 =	seq.s32 s30, $0x0;
	[dreg:$0x1e] =	wrdreg s0  }
0x2be: {  	p1 =	seq.s32 s30, $0x2;
	p2 =	seq.s32 s30, $0x6;
	[dreg:$0x1f] =	wrdreg s25  }
0x2bf: {  	s1 =	simm.s32 @!p0 $0x0;
	p0 =	seq.s32 s30, $0x1;
	s3 =	simm.s32 @!p1 $0x0  }
0x2c0: {  	s15 =	simm.s32 @!p1 $0x0;
	p1 =	seq.s32 s30, $0x3;
	s28 =	simm.s32 @!p2 $0x0  }
0x2c1: {  	s31 =	simm.s32 @!p2 $0x0;
	s8 =	simm.s32 @!p0 $0x0;
	s9 =	simm.s32 @!p0 $0x0  }
0x2c2: {  	p0 =	seq.s32 s30, $0x4;
	s10 =	simm.s32 @!p1 $0x0;
	s11 =	simm.s32 @!p1 $0x0  }
0x2c3: {  	p1 =	seq.s32 s30, $0x5;
	s12 =	simm.s32 @!p0 $0x0;
	s13 =	simm.s32 @!p0 $0x0  }
0x2c4: {  	s14 =	simm.s32 @!p1 $0x0;
	s19 =	simm.s32 @!p1 $0x0;
	p0 =	sne.s32 s2, $0x20  }
0x2c5: {  	p1 =	seq.s32 s30, $0x7;
	s15 =	sadd.s32 s15, s8;
	s1 =	sadd.s32 s9, s1  }
0x2c6: {  	s8 =	smov.u32 s5;
	s5 =	rddreg [dreg:$0x14];
	s2 =	sadd.s32 s11, s15  }
0x2c7: {  	s7 =	simm.s32 @!p1 $0x0;
	s8 =	simm.s32 @!p1 $0x0;
	p1 =	seq.s32 s30, $0x8  }
0x2c8: {  	s1 =	sadd.s32 s3, s1;
	s3 =	smov.u32 s24;
	s9 =	smov.u32 s5  }
0x2c9: {  	s2 =	sadd.s32 s13, s2;
	s1 =	sadd.s32 s10, s1;
	s3 =	simm.s32 @!p1 $0x0  }
0x2ca: {  	s9 =	simm.s32 @!p1 $0x0;
	p1 =	seq.s32 s30, $0x9;
	s10 =	smov.u32 s4  }
0x2cb: {  	s13 =	simm.s32 $0x0;
	s2 =	sadd.s32 s19, s2;
	s1 =	sadd.s32 s12, s1  }
0x2cc: {  	s10 =	simm.s32 @!p1 $0x0;
	s20 =	simm.s32 @!p1 $0x0;
	p1 =	seq.s32 s30, $0xA  }
0x2cd: {  	s19 =	rddreg [dreg:$0xf];
	s2 =	sadd.s32 s31, s2;
	s1 =	sadd.s32 s14, s1  }
0x2ce: {  	s12 =	smov.u32 s19;
	s0 =	simm.s32 @!p1 $0x0;
	s31 =	sld [smem:$0x7F7]  }
0x2cf: {  	s2 =	sadd.s32 s8, s2;
	s1 =	sadd.s32 s28, s1;
	s12 =	simm.s32 @!p1 $0x0  }
0x2d0: {  	p1 =	seq.s32 s30, $0xB;
	s2 =	sadd.s32 s9, s2;
	s9 =	rddreg [dreg:$0x10]  }
0x2d1: {  	s1 =	sadd.s32 s7, s1;
	s26 =	simm.s32 @!p1 $0x0;
	s7 =	rddreg [dreg:$0x12]  }
0x2d2: {  	s2 =	sadd.s32 s20, s2;
	s9 =	simm.s32 @!p1 $0x0;
	p1 =	seq.s32 s30, $0xC  }
0x2d3: {  	s1 =	sadd.s32 s3, s1;
	s3 =	rddreg [dreg:$0x11];
	s2 =	sadd.s32 s0, s2  }
0x2d4: {  	s1 =	sadd.s32 s10, s1;
	s3 =	simm.s32 @!p1 $0x0;
	s21 =	simm.s32 @!p1 $0x0  }
0x2d5: {  	p1 =	seq.s32 s30, $0xD;
	s10 =	rddreg [dreg:$0x15];
	s2 =	sadd.s32 s26, s2  }
0x2d6: {  	s1 =	sadd.s32 s12, s1;
	s7 =	simm.s32 @!p1 $0x0;
	s25 =	simm.s32 @!p1 $0x0  }
0x2d7: {  	s2 =	sadd.s32 s21, s2;
	s1 =	sadd.s32 s9, s1;
	s9 =	rddreg [dreg:$0x19]  }
0x2d8: {  	p1 =	seq.s32 s30, $0xE;
	s8 =	smov.u32 s9;
	s2 =	sadd.s32 s25, s2  }
.Ltmp11:
0x2d9: {  	s1 =	sadd.s32 s3, s1;
	s3 =	rddreg [dreg:$0x13];
	(pc) =	sbr.rel @!p0 .LBB2_16-.Ltmp11, $4  }
0x2da: {  	s8 =	simm.s32 @!p1 $0x0;
	s3 =	simm.s32 @!p1 $0x0;
	p1 =	seq.s32 s30, $0xF  }
0x2db: {  	s1 =	sadd.s32 s7, s1;
	s2 =	sadd.s32 s8, s2;
	s23 =	simm.s32 @!p1 $0x0  }
0x2dc: {  	s7 =	simm.s32 $0x90;
	s3 =	sadd.s32 s3, s1;
	s2 =	sadd.s32 s23, s2  }
0x2dd: {  	v7 =	vld [tilespmem:s7+$0xFFFFFFF0];
	s10 =	simm.s32 @!p1 $0x0;
	p1 =	por $0x0, $0x0;
	s11 =	sadd.s32 s2, s31  }
0x2de: {  	s7 =	sld [smem:$0x7C2]  }
0x2df: {  	s14 =	sld [smem:$0x7C5]  }
0x2e0: {  	s28 =	sld [smem:$0x7C3]  }
0x2e1: {  	s6 =	rddreg [dreg:$0x6]  }
0x2e2: {  	s21 =	sld [smem:$0x7C4]  }
0x2e3: {  	s15 =	rddreg [dreg:$0x17]  }
0x2e4: {  	s16 =	rddreg [dreg:$0x16]  }
0x2e5: {  	s17 =	rddreg [dreg:$0x18]  }
0x2e6: {  	s26 =	rddreg [dreg:$0x1e]  }
0x2e7: {  	s19 =	rddreg [dreg:$0x1c]  }
0x2e8: {  	s1 =	sadd.s32 s10, s3;
	s2 =	stileid.u32;
	s23 =	rddreg [dreg:$0x1d]  }
0x2e9: {  	s0 =	sshll.u32 s11, $0x5;
	s3 =	simm.s32 $0x1;
	s20 =	rddreg [dreg:$0x1f]  }
0x2ea: {  	s8 =	simm.s32 $0x1;
	s10 =	simm.s32 $0x1;
	s22 =	rddreg [dreg:$0xb]  }
0x2eb: {  	s12 =	sand.u32 $0xE00, s13;
	[smem:$0x7BD] =	sst s6;
	s6 =	smul.u32 $0x18800, s30  }
0x2ec: {  	s31 =	sadd.s32 $0x10, s2;
	s2 =	sadd.s32 s0, s1;
	s0 =	rddreg [dreg:$0x1a]  }
0x2ed: {  	s25 =	smov.u32 s9;
	s12 =	sshrl.u32 s12, $0x2;
	[smem:$0x7BF] =	sst s6  }
0x2ee: {  	p0 =	sge.s32 s31, s7;
	p1 =	sge.s32 s31, s14;
	s6 =	rddreg [dreg:$0xd]  }
0x2ef: {  	s3 =	simm.s32 @!p0 $0x0;
	p0 =	sge.s32 s31, s28;
	s8 =	simm.s32 @!p1 $0x0  }
0x2f0: {  	p1 =	slt.s32 s2, $0x20;
	s3 =	sadd.s32 s8, s3;
	s10 =	simm.s32 @!p0 $0x0  }
0x2f1: {  	p0 =	sge.s32 s31, s21;
	s8 =	simm.s32 $0x1;
	s3 =	sadd.s32 s10, s3  }
0x2f2: {  	s8 =	simm.s32 @!p0 $0x0;
	p0 =	sge.s32 s31, s15;
	s10 =	simm.s32 $0x1  }
0x2f3: {  	s2 =	simm.s32 @!p1 $0x20;
	s3 =	sadd.s32 s8, s3;
	s10 =	simm.s32 @!p0 $0x0  }
0x2f4: {  	p0 =	sge.s32 s31, s16;
	s1 =	sadd.s32 s10, s3;
	s3 =	simm.s32 $0x1  }
0x2f5: {  	[smem:$0x7BE] =	sst s2;
	s2 =	smov.u32 s15;
	s3 =	simm.s32 @!p0 $0x0  }
0x2f6: {  	s8 =	simm.s32 $0x1;
	p0 =	sge.s32 s31, s17;
	s1 =	sadd.s32 s3, s1  }
0x2f7: {  	s8 =	simm.s32 @!p0 $0x0;
	p0 =	sge.s32 s31, s5;
	s3 =	simm.s32 $0x1  }
0x2f8: {  	s15 =	sld [smem:$0x7C7];
	s1 =	sadd.s32 s8, s1;
	s3 =	simm.s32 @!p0 $0x0  }
0x2f9: {  	p0 =	sge.s32 s31, s0;
	s8 =	simm.s32 $0x1;
	s1 =	sadd.s32 s3, s1  }
0x2fa: {  	s8 =	simm.s32 @!p0 $0x0;
	p0 =	sge.s32 s31, s26;
	s3 =	simm.s32 $0x1  }
0x2fb: {  	s10 =	simm.s32 $0x1;
	s1 =	sadd.s32 s8, s1;
	s3 =	simm.s32 @!p0 $0x0  }
0x2fc: {  	p0 =	sge.s32 s31, s19;
	s8 =	sand.u32 $0xFFFFF000, s13;
	s1 =	sadd.s32 s3, s1  }
0x2fd: {  	s10 =	simm.s32 @!p0 $0x0;
	p0 =	sge.s32 s31, s23;
	s3 =	simm.s32 $0x1  }
0x2fe: {  	s11 =	sshra.s32 s8, $0x2;
	s8 =	rddreg [dreg:$0x9];
	s1 =	sadd.s32 s10, s1  }
0x2ff: {  	s3 =	simm.s32 @!p0 $0x0;
	p0 =	sge.s32 s31, s20;
	s10 =	simm.s32 $0x1  }
0x300: {  	s1 =	sadd.s32 s3, s1;
	s10 =	simm.s32 @!p0 $0x0;
	p0 =	sge.s32 s31, s9  }
0x301: {  	s3 =	simm.s32 $0x1;
	s1 =	sadd.s32 s10, s1;
	s10 =	rddreg [dreg:$0x1b]  }
0x302: {  	s9 =	rddreg [dreg:$0xc];
	s3 =	simm.s32 @!p0 $0x0;
	p0 =	sge.s32 s31, s10  }
0x303: {  	s10 =	simm.s32 $0x1;
	s1 =	sadd.s32 s3, s1;
	s3 =	sor.u32 s12, s11  }
0x304: {  	s11 =	smov.u32 s14;
	s14 =	rddreg [dreg:$0xa];
	s10 =	simm.s32 @!p0 $0x0  }
0x305: {  	s13 =	sand.u32 $0x60, s13;
	s30 =	sadd.s32 s10, s1;
	s10 =	rddreg [dreg:$0x7]  }
0x306: {  	s29 =	simm.s32 $0x20;
	s1 =	sor.u32 s13, s3;
	s13 =	rddreg [dreg:$0x8]  }
0x307: {  	s12 =	smov.u32 s7;
	s3 =	smov.u32 s16;
	s16 =	rddreg [dreg:$0x10]  }
0x308: {  	s7 =	smov.u32 s22;
	p0 =	seq.s32 s30, $0x0;
	[smem:$0x7C0] =	sst s1  }
0x309: {  	p1 =	seq.s32 s30, $0x2;
	s1 =	smov.u32 s21;
	s21 =	sld [smem:$0x7BD]  }
0x30a: {  	s10 =	simm.s32 @!p0 $0x0;
	p0 =	seq.s32 s30, $0x1;
	s8 =	simm.s32 @!p1 $0x0  }
0x30b: {  	s11 =	simm.s32 @!p1 $0x0;
	p1 =	seq.s32 s30, $0x3;
	s12 =	simm.s32 @!p0 $0x0  }
0x30c: {  	s13 =	simm.s32 @!p0 $0x0;
	p0 =	seq.s32 s30, $0x4;
	s14 =	simm.s32 @!p1 $0x0  }
0x30d: {  	s28 =	simm.s32 @!p1 $0x0;
	p1 =	seq.s32 s30, $0x5;
	s7 =	simm.s32 @!p0 $0x0  }
0x30e: {  	s1 =	simm.s32 @!p0 $0x0;
	p0 =	seq.s32 s30, $0x6;
	s9 =	simm.s32 @!p1 $0x0  }
0x30f: {  	s2 =	simm.s32 @!p1 $0x0;
	p1 =	sne.s32 s21, $0x40;
	s11 =	sadd.s32 s11, s12  }
0x310: {  	s12 =	smov.u32 s15;
	s10 =	sadd.s32 s13, s10;
	s21 =	rddreg [dreg:$0x12]  }
0x311: {  	s13 =	smov.u32 s17;
	s17 =	rddreg [dreg:$0x11];
	s6 =	simm.s32 @!p0 $0x0  }
0x312: {  	s3 =	simm.s32 @!p0 $0x0;
	p0 =	seq.s32 s30, $0x7;
	s11 =	sadd.s32 s28, s11  }
0x313: {  	s8 =	sadd.s32 s8, s10;
	s10 =	smov.u32 s24;
	s12 =	simm.s32 @!p0 $0x0  }
0x314: {  	s13 =	simm.s32 @!p0 $0x0;
	p0 =	seq.s32 s30, $0x8;
	s1 =	sadd.s32 s1, s11  }
0x315: {  	s11 =	smov.u32 s5;
	s8 =	sadd.s32 s14, s8;
	s5 =	sld [smem:$0x7BE]  }
0x316: {  	s14 =	sld [smem:$0x7BF];
	s10 =	simm.s32 @!p0 $0x0;
	s11 =	simm.s32 @!p0 $0x0  }
0x317: {  	p0 =	seq.s32 s30, $0x9;
	s1 =	sadd.s32 s2, s1;
	s2 =	smov.u32 s4  }
0x318: {  	s7 =	sadd.s32 s7, s8;
	s8 =	smov.u32 s0;
	s0 =	rddreg [dreg:$0xf]  }
0x319: {  	s2 =	simm.s32 @!p0 $0x0;
	s8 =	simm.s32 @!p0 $0x0;
	p0 =	seq.s32 s30, $0xA  }
0x31a: {  	s1 =	sadd.s32 s3, s1;
	s3 =	smov.u32 s0;
	s7 =	sadd.s32 s9, s7  }
0x31b: {  	s9 =	smov.u32 s26;
	s26 =	simm.s32 $0x90;
	s28 =	ssub.s32 s14, s18  }
0x31c: {  	s1 =	sadd.s32 s13, s1;
	s3 =	simm.s32 @!p0 $0x0;
	s9 =	simm.s32 @!p0 $0x0  }
0x31d: {  	p0 =	seq.s32 s30, $0xB;
	s7 =	sadd.s32 s6, s7;
	s13 =	smov.u32 s16  }
0x31e: {  	s6 =	smov.u32 s22;
	s1 =	sadd.s32 s11, s1;
	s11 =	smov.u32 s19  }
0x31f: {  	vm0 =	vge.s32 v7, v1;
	vm1 =	vlt.s32 v7, v0;
	v8 =	vmov s5;
	s7 =	sadd.s32 s12, s7;
	s19 =	sld [smem:$0x7C0];
	s13 =	simm.s32 @!p0 $0x0  }
0x320: {  	vm0 =	vmand vm0, vm1;
	vm12 =	vgt.s32 v8, v3;
	s11 =	simm.s32 @!p0 $0x0;
	p0 =	seq.s32 s30, $0xC;
	s1 =	sadd.s32 s8, s1  }
0x321: {  	v7 =	vadd.s32 s28, v7;
	vm0 =	vmand vm12, vm0;
	s8 =	smov.u32 s17;
	s7 =	sadd.s32 s10, s7;
	s10 =	smov.u32 s23  }
0x322: {  	v7 =	vnsel vm0, $0x188000, v7;
	s1 =	sadd.s32 s9, s1;
	s8 =	simm.s32 @!p0 $0x0;
	s10 =	simm.s32 @!p0 $0x0  }
0x323: {  	p0 =	seq.s32 s30, $0xD;
	s2 =	sadd.s32 s2, s7;
	s7 =	smov.u32 s21;
	[tilespmem:s19+$0x4080] =	vst v7  }
0x324: {  	s9 =	smov.u32 s20;
	s20 =	smov.u32 s15;
	s15 =	smov.u32 s0;
	v7 =	vld [tilespmem:s26+$0x0]  }
0x325: {  	s1 =	sadd.s32 s11, s1;
	s2 =	sadd.s32 s3, s2;
	s7 =	simm.s32 @!p0 $0x0  }
0x326: {  	s9 =	simm.s32 @!p0 $0x0;
	p0 =	seq.s32 s30, $0xE;
	s11 =	rddreg [dreg:$0x13]  }
0x327: {  	s1 =	sadd.s32 s10, s1;
	s3 =	sadd.s32 s13, s2;
	s10 =	smov.u32 s25  }
0x328: {  	s2 =	simm.s32 $0x40;
	s11 =	simm.s32 @!p0 $0x0;
	s10 =	simm.s32 @!p0 $0x0  }
0x329: {  	s1 =	sadd.s32 s9, s1;
	s3 =	sadd.s32 s8, s3;
	s8 =	rddreg [dreg:$0x1b];
	vm13 =	vge.s32 v7, v1;
	vm14 =	vlt.s32 v7, v0  }
.Ltmp12:
0x32a: {  	vm15 =	vgt.s32 v8, v6;
	p0 =	seq.s32 s30, $0xF;
	v7 =	vadd.s32 s28, v7;
	s28 =	sld [smem:$0x7F7];
	vm0 =	vmand vm13, vm14;
	(pc) =	sbr.rel @!p1 .LBB2_18-.Ltmp12, $4  }
0x32b: {  	s9 =	simm.s32 $0x110;
	s1 =	sadd.s32 s10, s1;
	s8 =	simm.s32 @!p0 $0x0;
	vm0 =	vmand vm15, vm0  }
0x32c: {  	s3 =	sadd.s32 s7, s3;
	s10 =	rddreg [dreg:$0x15];
	s1 =	sadd.s32 s8, s1;
	v7 =	vnsel vm0, $0x188000, v7  }
0x32d: {  	s3 =	sadd.s32 s11, s3;
	s10 =	simm.s32 @!p0 $0x0;
	s7 =	sadd.s32 $0xFFFFFFF0, s28;
	[tilespmem:s19+$0x4090] =	vst v7  }
0x32e: {  	s8 =	simm.s32 $0x110;
	s11 =	sadd.s32 s1, s7;
	s1 =	simm.s32 $0x0;
	v7 =	vld [tilespmem:s9+$0xFFFFFFF0]  }
.LBB2_19:
0x32f: {  	s12 =	sshll.u32 s11, $0x5;
	s11 =	rddreg [dreg:$0x6]  }
0x330: {  	s3 =	sadd.s32 s10, s3;
	s0 =	sld [smem:$0x7C3]  }
0x331: {  	s10 =	smov.u32 s2;
	s2 =	sadd.s32 $0x20, s2;
	s25 =	sld [smem:$0x7C5]  }
0x332: {  	s1 =	sadd.s32 $0x80, s1;
	s31 =	sadd.s32 $0x10, s31;
	s5 =	sld [smem:$0x7C4]  }
0x333: {  	s8 =	sadd.s32 $0x80, s8;
	s19 =	smul.u32 $0x18800, s30;
	s26 =	rddreg [dreg:$0x17]  }
0x334: {  	s7 =	sadd.s32 $0xFFFFFFF0, s7;
	s3 =	sadd.s32 s12, s3;
	s22 =	sand.u32 $0xFFFFF000, s1  }
0x335: {  	s14 =	sand.u32 $0xE00, s1;
	p0 =	slt.s32 s3, $0x20;
	s13 =	sand.u32 $0x60, s29  }
0x336: {  	s3 =	simm.s32 @!p0 $0x20;
	p0 =	sge.s32 s31, s0;
	s0 =	sld [smem:$0x7C2]  }
0x337: {  	s12 =	ssub.s32 s19, s18;
	s14 =	sshrl.u32 s14, $0x2;
	s19 =	simm.s32 $0x1  }
0x338: {  	s29 =	rddreg [dreg:$0x1d];
	p2 =	sge.s32 s31, s25;
	v8 =	vmov s3;
	s3 =	sshra.s32 s22, $0x2  }
0x339: {  	s3 =	sor.u32 s14, s3;
	s14 =	simm.s32 $0x1;
	p1 =	sge.s32 s31, s0  }
0x33a: {  	vm0 =	vge.s32 v7, v1;
	vm1 =	vlt.s32 v7, v0;
	s19 =	simm.s32 @!p2 $0x0;
	s22 =	rddreg [dreg:$0x14];
	s14 =	simm.s32 @!p1 $0x0  }
0x33b: {  	vm0 =	vmand vm0, vm1;
	vm12 =	vgt.s32 v8, v3;
	s3 =	sor.u32 s13, s3;
	s23 =	sadd.s32 s19, s14;
	s14 =	simm.s32 $0x1  }
0x33c: {  	v7 =	vadd.s32 s12, v7;
	vm0 =	vmand vm12, vm0;
	s19 =	rddreg [dreg:$0x18];
	s14 =	simm.s32 @!p0 $0x0;
	p0 =	sge.s32 s31, s5  }
0x33d: {  	v7 =	vnsel vm0, $0x188000, v7;
	s5 =	rddreg [dreg:$0x19];
	s13 =	sadd.s32 s14, s23;
	s14 =	simm.s32 $0x1  }
0x33e: {  	[tilespmem:s3+$0x4080] =	vst v7;
	s23 =	rddreg [dreg:$0x1a];
	s14 =	simm.s32 @!p0 $0x0;
	p0 =	sge.s32 s31, s26  }
0x33f: {  	v7 =	vld [tilespmem:s9+$0x0];
	s28 =	sadd.s32 s14, s13;
	s13 =	simm.s32 $0x1;
	s14 =	rddreg [dreg:$0x16]  }
0x340: {  	s26 =	rddreg [dreg:$0x1e];
	s13 =	simm.s32 @!p0 $0x0;
	p0 =	sge.s32 s31, s14  }
0x341: {  	s14 =	smov.u32 s10;
	s9 =	sadd.s32 s13, s28;
	s13 =	simm.s32 $0x1  }
0x342: {  	s10 =	smov.u32 s21;
	s28 =	rddreg [dreg:$0x1c];
	s13 =	simm.s32 @!p0 $0x0  }
0x343: {  	p0 =	sge.s32 s31, s19;
	s9 =	sadd.s32 s13, s9;
	s13 =	simm.s32 $0x1  }
0x344: {  	vm13 =	vge.s32 v7, v1;
	vm14 =	vlt.s32 v7, v0;
	v7 =	vadd.s32 s12, v7;
	s12 =	simm.s32 $0x1;
	[smem:$0x7B8] =	sst s14;
	s13 =	simm.s32 @!p0 $0x0  }
0x345: {  	p0 =	sge.s32 s31, s22;
	s9 =	sadd.s32 s13, s9;
	s13 =	simm.s32 $0x1  }
0x346: {  	s14 =	smov.u32 s4;
	s19 =	rddreg [dreg:$0x1f];
	s13 =	simm.s32 @!p0 $0x0  }
0x347: {  	p0 =	sge.s32 s31, s23;
	s9 =	sadd.s32 s13, s9;
	s13 =	simm.s32 $0x1  }
0x348: {  	s4 =	smov.u32 s24;
	s22 =	rddreg [dreg:$0x1b];
	s13 =	simm.s32 @!p0 $0x0  }
0x349: {  	p0 =	sge.s32 s31, s26;
	s9 =	sadd.s32 s13, s9;
	s13 =	simm.s32 $0x1  }
0x34a: {  	s23 =	smov.u32 s18;
	s18 =	smov.u32 s6;
	s13 =	simm.s32 @!p0 $0x0  }
0x34b: {  	p0 =	sge.s32 s31, s28;
	s9 =	sadd.s32 s13, s9;
	s13 =	simm.s32 $0x1  }
0x34c: {  	s6 =	rddreg [dreg:$0x7];
	s13 =	simm.s32 @!p0 $0x0;
	p0 =	sge.s32 s31, s29  }
0x34d: {  	s26 =	rddreg [dreg:$0xc];
	s9 =	sadd.s32 s13, s9;
	s12 =	simm.s32 @!p0 $0x0  }
0x34e: {  	p0 =	sge.s32 s31, s19;
	s9 =	sadd.s32 s12, s9;
	s12 =	simm.s32 $0x1  }
0x34f: {  	vm15 =	vgt.s32 v8, v6;
	vm0 =	vmand vm13, vm14;
	s28 =	smov.u32 s24;
	s24 =	smov.u32 s20;
	s12 =	simm.s32 @!p0 $0x0  }
0x350: {  	vm0 =	vmand vm15, vm0;
	p0 =	sge.s32 s31, s5;
	s13 =	sadd.s32 s12, s9;
	s9 =	simm.s32 $0x1  }
0x351: {  	v7 =	vnsel vm0, $0x188000, v7;
	s12 =	smov.u32 s16;
	s16 =	rddreg [dreg:$0x9];
	s9 =	simm.s32 @!p0 $0x0  }
0x352: {  	[tilespmem:s3+$0x4090] =	vst v7;
	p0 =	sge.s32 s31, s22;
	s3 =	sadd.s32 s9, s13;
	s9 =	simm.s32 $0x1  }
0x353: {  	s13 =	smov.u32 s15;
	s9 =	simm.s32 @!p0 $0x0;
	p0 =	sne.s32 s11, s2  }
0x354: {  	s15 =	rddreg [dreg:$0xd];
	s11 =	simm.s32 @!p0 $0x0;
	s30 =	sadd.s32 s9, s3  }
0x355: {  	s11 =	simm.s32 @p0 $0x1;
	p0 =	seq.s32 s30, $0xF;
	p2 =	seq.s32 s30, $0xB  }
0x356: {  	p1 =	seq.s32 s30, $0xC;
	p6 =	seq.s32 s30, $0x8;
	s3 =	simm.s32 @!p0 $0x0  }
0x357: {  	p3 =	seq.s32 s30, $0x9;
	p5 =	seq.s32 s30, $0xA;
	s3 =	simm.s32 @p0 $0x1  }
0x358: {  	p4 =	seq.s32 s30, $0x6;
	[smem:$0x7BB] =	sst s3;
	s3 =	simm.s32 @!p2 $0x0  }
0x359: {  	[smem:$0x7BC] =	sst s11;
	s12 =	simm.s32 @!p2 $0x0;
	s3 =	simm.s32 @p2 $0x1  }
0x35a: {  	s11 =	smov.u32 s17;
	[smem:$0x7B7] =	sst s3;
	s3 =	simm.s32 @!p1 $0x0  }
0x35b: {  	s14 =	simm.s32 @!p3 $0x0;
	p0 =	seq.s32 s30, $0xD;
	s3 =	simm.s32 @p1 $0x1  }
0x35c: {  	s13 =	simm.s32 @!p5 $0x0;
	[smem:$0x7B9] =	sst s3;
	s3 =	simm.s32 @!p0 $0x0  }
0x35d: {  	s28 =	simm.s32 @!p6 $0x0;
	s17 =	rddreg [dreg:$0xa];
	s3 =	simm.s32 @p0 $0x1  }
0x35e: {  	s11 =	simm.s32 @!p1 $0x0;
	[smem:$0x7BA] =	sst s3;
	s3 =	simm.s32 @!p3 $0x0  }
0x35f: {  	s10 =	simm.s32 @!p0 $0x0;
	p2 =	seq.s32 s30, $0x4;
	s3 =	simm.s32 @p3 $0x1  }
0x360: {  	p0 =	seq.s32 s30, $0x5;
	[smem:$0x7B5] =	sst s3;
	s3 =	simm.s32 @!p5 $0x0  }
0x361: {  	s26 =	simm.s32 @!p0 $0x0;
	p3 =	por p6, p6;
	s3 =	simm.s32 @p5 $0x1  }
0x362: {  	p6 =	por p0, p0;
	[smem:$0x7B6] =	sst s3;
	s3 =	simm.s32 @!p4 $0x0  }
0x363: {  	p0 =	seq.s32 s30, $0x2;
	s3 =	simm.s32 @p4 $0x1;
	p4 =	seq.s32 s30, $0x7  }
0x364: {  	s25 =	simm.s32 @!p0 $0x0;
	[smem:$0x7B3] =	sst s3;
	s3 =	simm.s32 @!p4 $0x0  }
0x365: {  	p5 =	seq.s32 s30, $0x0;
	s3 =	simm.s32 @p4 $0x1;
	s21 =	sld [smem:$0x7B3]  }
0x366: {  	s6 =	simm.s32 @!p5 $0x0;
	p5 =	seq.s32 s30, $0x1;
	[smem:$0x7B4] =	sst s3  }
0x367: {  	s0 =	simm.s32 @!p5 $0x0;
	s3 =	smov.u32 s20;
	s20 =	sld [smem:$0x7C3]  }
0x368: {  	p1 =	seq.s32 s30, $0x3;
	s16 =	simm.s32 @!p0 $0x0;
	s0 =	sadd.s32 s25, s0  }
0x369: {  	s3 =	simm.s32 @!p4 $0x0;
	p4 =	seq.s32 s21, $0x1;
	s21 =	rddreg [dreg:$0x8]  }
0x36a: {  	s25 =	sld [smem:$0x7B5];
	s21 =	simm.s32 @!p5 $0x0;
	s20 =	simm.s32 @!p1 $0x0  }
0x36b: {  	s6 =	sadd.s32 s21, s6;
	s21 =	sld [smem:$0x7C4];
	s0 =	sadd.s32 s20, s0  }
0x36c: {  	s20 =	smov.u32 s24;
	s24 =	smov.u32 s4;
	s4 =	rddreg [dreg:$0xe]  }
0x36d: {  	s17 =	simm.s32 @!p1 $0x0;
	s6 =	sadd.s32 s16, s6;
	s16 =	rddreg [dreg:$0x17]  }
0x36e: {  	s18 =	simm.s32 @!p2 $0x0;
	s6 =	sadd.s32 s17, s6;
	s17 =	rddreg [dreg:$0x16]  }
0x36f: {  	s6 =	sadd.s32 s18, s6;
	s18 =	smov.u32 s23;
	s23 =	sld [smem:$0x7B4]  }
0x370: {  	s21 =	simm.s32 @!p2 $0x0;
	s6 =	sadd.s32 s26, s6;
	s26 =	sld [smem:$0x7B6]  }
0x371: {  	s16 =	simm.s32 @!p6 $0x0;
	s0 =	sadd.s32 s21, s0;
	s21 =	rddreg [dreg:$0x12]  }
0x372: {  	s15 =	simm.s32 @!p4 $0x0;
	s0 =	sadd.s32 s16, s0;
	s16 =	rddreg [dreg:$0x18]  }
0x373: {  	s17 =	simm.s32 @!p4 $0x0;
	s6 =	sadd.s32 s15, s6;
	s15 =	rddreg [dreg:$0x1a]  }
0x374: {  	s9 =	smov.u32 s8;
	s0 =	sadd.s32 s17, s0;
	s17 =	rddreg [dreg:$0x14]  }
0x375: {  	p0 =	seq.s32 s30, $0xE;
	s3 =	sadd.s32 s3, s6;
	s6 =	rddreg [dreg:$0x1e]  }
0x376: {  	s5 =	simm.s32 @!p0 $0x0;
	p1 =	seq.s32 s23, $0x1;
	s23 =	sld [smem:$0x7B9]  }
0x377: {  	s16 =	simm.s32 @!p1 $0x0;
	s3 =	sadd.s32 s28, s3;
	s28 =	sld [smem:$0x7B7]  }
0x378: {  	s17 =	simm.s32 @!p3 $0x0;
	p1 =	seq.s32 s25, $0x1;
	s25 =	sld [smem:$0x7BA]  }
0x379: {  	s0 =	sadd.s32 s16, s0;
	s15 =	simm.s32 @!p1 $0x0;
	s16 =	rddreg [dreg:$0x10]  }
0x37a: {  	p1 =	seq.s32 s26, $0x1;
	s3 =	sadd.s32 s14, s3;
	s26 =	sld [smem:$0x7BB]  }
0x37b: {  	s0 =	sadd.s32 s17, s0;
	s6 =	simm.s32 @!p1 $0x0;
	s17 =	rddreg [dreg:$0x11]  }
0x37c: {  	s0 =	sadd.s32 s15, s0;
	s15 =	rddreg [dreg:$0x1c];
	p1 =	seq.s32 s28, $0x1  }
0x37d: {  	s3 =	sadd.s32 s13, s3;
	s28 =	sld [smem:$0x7BC];
	s15 =	simm.s32 @!p1 $0x0  }
0x37e: {  	s0 =	sadd.s32 s6, s0;
	s6 =	smov.u32 s29;
	p1 =	seq.s32 s23, $0x1  }
0x37f: {  	s29 =	sld [smem:$0x7B8];
	s6 =	simm.s32 @!p1 $0x0;
	s0 =	sadd.s32 s15, s0  }
0x380: {  	s3 =	sadd.s32 s12, s3;
	s0 =	sadd.s32 s6, s0;
	s6 =	rddreg [dreg:$0x13]  }
0x381: {  	p1 =	seq.s32 s25, $0x1;
	s6 =	simm.s32 @!p0 $0x0;
	p0 =	seq.s32 s28, $0x1  }
.Ltmp13:
0x382: {  	s3 =	sadd.s32 s11, s3;
	s19 =	simm.s32 @!p1 $0x0;
	(pc) =	sbr.rel @p0 .LBB2_19-.Ltmp13, $4  }
0x383: {  	s3 =	sadd.s32 s10, s3;
	p1 =	seq.s32 s26, $0x1;
	s0 =	sadd.s32 s19, s0  }
0x384: {  	s10 =	rddreg [dreg:$0x15];
	s22 =	simm.s32 @!p1 $0x0;
	s0 =	sadd.s32 s5, s0  }
0x385: {  	s15 =	rddreg [dreg:$0xf];
	s10 =	simm.s32 @!p1 $0x0;
	s0 =	sadd.s32 s22, s0  }
0x386: {  	v7 =	vld [tilespmem:s8+$0xFFFFFFF0];
	s3 =	sadd.s32 s6, s3;
	s6 =	rddreg [dreg:$0xb];
	s11 =	sadd.s32 s0, s7  }
0x387: {  	s16 =	rddreg [dreg:$0x3]  }
0x388: {  	s20 =	sld [smem:$0x7F8]  }
0x389: {  	s31 =	sld [smem:$0x7F9]  }
0x38a: {  	s12 =	sld [smem:$0x7FA]  }
0x38b: {  	s7 =	smov.u32 s9;
	s25 =	sld [smem:$0x7FB]  }
0x38c: {  	s15 =	stileid.u32;
	s17 =	simm.s32 $0x0;
	s4 =	sld [smem:$0x7FC]  }
0x38d: {  	s13 =	simm.s32 $0x0;
	s5 =	smov.u32 s29;
	p1 =	por $0x1, $0x1  }
.LBB2_21:
0x38e: {  	s0 =	sadd.s32 s10, s3;
	s2 =	sshll.u32 s11, $0x5  }
0x38f: {  	s0 =	sadd.s32 s2, s0  }
0x390: {  	s1 =	sadd.s32 @p1 $0x80, s1;
	p0 =	slt.s32 s0, $0x20  }
0x391: {  	s26 =	smul.u32 $0x18800, s30;
	s13 =	smov.u32 @p1 s1;
	s0 =	simm.s32 @!p0 $0x20  }
0x392: {  	vm0 =	vge.s32 v7, v1;
	vm1 =	vlt.s32 v7, v0;
	s28 =	sand.u32 $0xFFFFF000, s13;
	s1 =	sand.u32 $0xE00, s13;
	v8 =	vmov s0  }
0x393: {  	vm0 =	vmand vm0, vm1;
	s2 =	ssub.s32 s26, s18;
	s1 =	sshrl.u32 s1, $0x2;
	s0 =	sshra.s32 s28, $0x2;
	vm12 =	vgt.s32 v8, v3  }
0x394: {  	s29 =	sand.u32 $0x60, s5;
	v7 =	vadd.s32 s2, v7;
	s0 =	sor.u32 s1, s0;
	vm0 =	vmand vm12, vm0  }
0x395: {  	s0 =	sor.u32 s29, s0;
	v7 =	vnsel vm0, $0x188000, v7  }
0x396: {  	[tilespmem:s0+$0x4080] =	vst v7  }
0x397: {  	v7 =	vld [tilespmem:s7+$0x0];
	_ =	sdelay $0x4  }
0x398: {  	vm13 =	vge.s32 v7, v1;
	vm14 =	vlt.s32 v7, v0  }
0x399: {  	vm15 =	vgt.s32 v8, v6;
	vm0 =	vmand vm13, vm14  }
0x39a: {  	v7 =	vadd.s32 s2, v7;
	vm0 =	vmand vm15, vm0  }
0x39b: {  	s8 =	sld [smem:$0x7FD];
	v7 =	vnsel vm0, $0x188000, v7  }
0x39c: {  	s19 =	simm.s32 $0x2;
	s5 =	sld [smem:$0x7C1];
	s30 =	smov.u32 s4;
	[tilespmem:s0+$0x4090] =	vst v7  }
.LBB2_22:
0x39d: {  	_ =	sdelay $0x1  }
0x39e: {  	s3 =	sshll.u32 s5, $0x5  }
0x39f: {  	s1 =	sadd.s32 $0x7F, s3  }
0x3a0: {  	s0 =	sshra.s32 s1, $0x1F  }
0x3a1: {  	s0 =	sshrl.u32 s0, $0x19  }
0x3a2: {  	s0 =	sadd.s32 s0, s1  }
0x3a3: {  	s0 =	sshra.s32 s0, $0x7  }
0x3a4: {  	s2 =	sshll.u32 s0, $0x7  }
0x3a5: {  	s2 =	ssub.s32 s2, s3  }
0x3a6: {  	s4 =	sshra.s32 s2, $0x4  }
0x3a7: {  	p0 =	slt.s32 s4, $0x1  }
.Ltmp14:
0x3a8: {  	_ = 	snop;
	(pc) =	sbr.rel @p0 .LBB2_30-.Ltmp14, $2  }
0x3a9: {  	_ =	sdelay $0x2  }
0x3aa: {  	s11 =	simm.s32 $0x5080  }
0x3ab: {  	p1 =	sne.s32 s4, $0x1  }
.Ltmp15:
0x3ac: {  	_ = 	snop;
	(pc) =	sbr.rel @!p1 .LBB2_24-.Ltmp15, $3  }
0x3ad: {  	_ =	sdelay $0x1  }
0x3ae: {  	s14 =	smov.u32 s8;
	s2 =	sshra.s32 s3, $0x1F  }
0x3af: {  	s7 =	sadd.s32 $0xFFFFFFFF, s4;
	p0 =	por $0x0, $0x0;
	s5 =	sshrl.u32 s2, $0x16  }
0x3b0: {  	s8 =	sadd.s32 s5, s3  }
0x3b1: {  	s4 =	sand.u32 $0xFFFFFC00, s8  }
0x3b2: {  	p1 =	sne.s32 s7, $0x1;
	s29 =	ssub.s32 s3, s4  }
0x3b3: {  	s9 =	sshrl.u32 s2, $0x19;
	p0 =	por $0x1, $0x1;
	s4 =	sshll.u32 s29, $0x10  }
.Ltmp16:
0x3b4: {  	s9 =	sadd.s32 s9, s3;
	s6 =	sshra.s32 s4, $0x1F;
	(pc) =	sbr.rel @!p1 .LBB2_26-.Ltmp16, $4  }
0x3b5: {  	s8 =	sshll.u32 s8, $0x2;
	s4 =	sadd.s32 $0x10, s3;
	s6 =	sand.u32 $0x7F, s6  }
0x3b6: {  	s9 =	sand.u32 $0xFFFFFF80, s9;
	s2 =	sshra.s32 s4, $0x1F;
	s6 =	sadd.s32 s6, s29  }
0x3b7: {  	s8 =	sshra.s32 s8, $0x2;
	s5 =	sshrl.u32 s2, $0x16;
	s10 =	sshll.u32 s6, $0x10  }
0x3b8: {  	s6 =	ssub.s32 s3, s9;
	s3 =	sadd.s32 $0xFFFFFFFF, s7;
	s7 =	sshra.s32 s10, $0x10  }
.LBB2_27:
0x3b9: {  	p1 =	sne.s32 s3, $0x1;
	s8 =	sand.u32 $0xFFFFFC00, s8;
	s7 =	sand.u32 $0xFFFFFF80, s7  }
0x3ba: {  	s9 =	sadd.s32 s5, s4;
	s5 =	sand.u32 $0xFFFFFF80, s6;
	s7 =	sadd.s32 s7, s8  }
0x3bb: {  	s6 =	sand.u32 $0x70, s6;
	s8 =	sand.u32 $0xFFFFFC00, s9;
	s5 =	sadd.s32 s5, s7  }
0x3bc: {  	s7 =	ssub.s32 s4, s8;
	s5 =	sor.u32 s6, s5;
	s6 =	smov.u32 s4  }
0x3bd: {  	s8 =	sshll.u32 s7, $0x10;
	s4 =	sadd.s32 $0x10, s4;
	[tilespmem:s5+$0x4080] =	vst v5  }
.Ltmp17:
0x3be: {  	s5 =	sshra.s32 s8, $0x1F;
	s8 =	sshrl.u32 s2, $0x19;
	(pc) =	sbr.rel @p1 .LBB2_27-.Ltmp17, $4  }
0x3bf: {  	s2 =	sshra.s32 s4, $0x1F;
	s10 =	sand.u32 $0x7F, s5;
	s8 =	sadd.s32 s8, s6  }
0x3c0: {  	s5 =	sshrl.u32 s2, $0x16;
	s7 =	sadd.s32 s10, s7;
	s8 =	sand.u32 $0xFFFFFF80, s8  }
0x3c1: {  	s7 =	sshll.u32 s7, $0x10;
	s6 =	ssub.s32 s6, s8;
	s8 =	sshll.u32 s9, $0x2  }
0x3c2: {  	s3 =	sadd.s32 $0xFFFFFFFF, s3;
	s7 =	sshra.s32 s7, $0x10;
	s8 =	sshra.s32 s8, $0x2  }
0x3c3: {  	s3 =	smov.u32 s4  }
.LBB2_29:
0x3c4: {  	s4 =	sadd.s32 s5, s3  }
0x3c5: {  	s5 =	sand.u32 $0xFFFFFC00, s4  }
0x3c6: {  	s5 =	ssub.s32 s3, s5  }
0x3c7: {  	s9 =	sshll.u32 s5, $0x10  }
0x3c8: {  	s8 =	sand.u32 @p0 $0xFFFFFC00, s8;
	s7 =	sand.u32 @p0 $0xFFFFFF80, s7;
	s9 =	sshra.s32 s9, $0x1F  }
0x3c9: {  	s2 =	sshrl.u32 s2, $0x19;
	s7 =	sadd.s32 @p0 s7, s8;
	s9 =	sand.u32 $0x7F, s9  }
0x3ca: {  	s8 =	sand.u32 @p0 $0xFFFFFF80, s6;
	s6 =	sand.u32 @p0 $0x70, s6;
	s5 =	sadd.s32 s9, s5  }
0x3cb: {  	s2 =	sadd.s32 s2, s3;
	s4 =	sshll.u32 s4, $0x2;
	s5 =	sshll.u32 s5, $0x10  }
0x3cc: {  	s2 =	sand.u32 $0xFFFFFF80, s2;
	s4 =	sshra.s32 s4, $0x2;
	s5 =	sshra.s32 s5, $0x10  }
0x3cd: {  	s2 =	ssub.s32 s3, s2;
	s26 =	sand.u32 $0xFFFFFC00, s4;
	s28 =	sand.u32 $0xFFFFFF80, s5  }
0x3ce: {  	s29 =	sand.u32 $0xFFFFFF80, s2;
	s5 =	sadd.s32 @p0 s8, s7;
	s3 =	sadd.s32 s28, s26  }
0x3cf: {  	s2 =	sand.u32 $0x70, s2;
	s4 =	sor.u32 @p0 s6, s5;
	s3 =	sadd.s32 s29, s3  }
0x3d0: {  	[tilespmem:s4+$0x4080] =	vst @p0 v5;
	s2 =	sor.u32 s2, s3  }
0x3d1: {  	s8 =	smov.u32 s14;
	[tilespmem:s2+$0x4080] =	vst v5  }
.LBB2_30:
0x3d2: {  	p0 =	slt.s32 s1, $0x80  }
.Ltmp18:
0x3d3: {  	_ = 	snop;
	(pc) =	sbr.rel @p0 .LBB2_36-.Ltmp18, $3  }
0x3d4: {  	_ =	sdelay $0x1  }
0x3d5: {  	[bflag:$0x0] =	sbarrier.arrive $0xFFFF  }
0x3d6: {  	s2 =	simm.s32 $0x0;
	s5 =	simm.s32 $0x80;
	s4 =	sld [smem:$0x7C6]  }
0x3d7: {  	p0 =	sne.s32 s0, $0x1  }
.Ltmp19:
0x3d8: {  	_ = 	snop;
	(pc) =	sbr.rel @!p0 .LBB2_33-.Ltmp19, $4  }
0x3d9: {  	s1 =	sand.u32 $0xFFFFF000, s2;
	s3 =	sand.u32 $0xE00, s2  }
0x3da: {  	s1 =	sshra.s32 s1, $0x2;
	s3 =	sshrl.u32 s3, $0x2  }
0x3db: {  	s3 =	sor.u32 s3, s1  }
0x3dc: {  	s2 =	sadd.s32 $0x200, s2;
	s1 =	sadd.s32 $0xFFFFFFFF, s0;
	s3 =	sadd.s32 $0x4080, s3  }
.LBB2_32:
0x3dd: {  	[spmem:s16] =	stream.indirect.scatter.add.f32 [tilespmem:s11], [sflag:$0x2], $0x1, s3, s5, $0xb8;
	[tilespmem:$0x1F908] =	vst v63  }
0x3de: {  	p0 =	sne.s32 s1, $0x1  }
.Ltmp20:
0x3df: {  	s1 =	sadd.s32 $0xFFFFFFFF, s1;
	(pc) =	sbr.rel @p0 .LBB2_32-.Ltmp20, $4  }
0x3e0: {  	s3 =	sand.u32 $0xFFFFF000, s2;
	s4 =	sand.u32 $0xE00, s2  }
0x3e1: {  	s3 =	sshra.s32 s3, $0x2;
	s4 =	sshrl.u32 s4, $0x2  }
0x3e2: {  	s3 =	sor.u32 s4, s3  }
0x3e3: {  	s2 =	sadd.s32 $0x200, s2;
	s3 =	sadd.s32 $0x4080, s3  }
.LBB2_33:
0x3e4: {  	p0 =	sne.s32 s0, $0x1  }
.Ltmp21:
0x3e5: {  	_ = 	snop;
	(pc) =	sbr.rel @!p0 .LBB2_35-.Ltmp21, $4  }
0x3e6: {  	_ = 	snop  }
0x3e7: {  	[spmem:s16] =	stream.indirect.scatter.add.f32 [tilespmem:s11], [sflag:$0x2], $0x1, s3, s5, $0xb8;
	[tilespmem:$0x1F908] =	vst v63  }
0x3e8: {  	_ =	swait.ge [sflag:s19], $0x80  }
0x3e9: {  	s0 =	sadd.s32 $0xFFFFFFFF, s0;
	[sflag:s19] =	ssyncset.done $0x0  }
.LBB2_34:
0x3ea: {  	p0 =	sne.s32 s0, $0x1;
	s0 =	sadd.s32 $0xFFFFFFFF, s0;
	[sflag:s19] =	ssyncadd.s32 $0xFFFFFF80  }
.Ltmp22:
0x3eb: {  	(pc) =	sbr.rel @p0 .LBB2_34-.Ltmp22, $3  }
0x3ec: {  	_ =	sdelay $0x1  }
0x3ed: {  	_ =	swait.ge [sflag:s19], $0x80  }
0x3ee: {  	[sflag:s19] =	ssyncset.done $0x0  }
.Ltmp23:
0x3ef: {  	_ = 	snop;
	(pc) =	sbr.rel .LBB2_35-.Ltmp23, $1  }
0x3f0: {  	_ =	sdelay $0x3  }
.LBB2_3:
0x3f1: {  	s30 =	sld [smem:$0x7F5]  }
0x3f2: {  	s31 =	sld [smem:$0x7F6]  }
.Ltmp24:
0x3f3: {  	s0 =	rddreg [dreg:$0x17];
	(pc) =	sbr.rel .LBB2_7-.Ltmp24, $4  }
0x3f4: {  	s4 =	rddreg [dreg:$0x16]  }
0x3f5: {  	s12 =	rddreg [dreg:$0x18]  }
0x3f6: {  	s20 =	smov.u32 s10;
	s13 =	rddreg [dreg:$0x14]  }
0x3f7: {  	s19 =	simm.s32 $0x80;
	s1 =	stileid.u32;
	s28 =	rddreg [dreg:$0x1a]  }
.LBB2_16:
.Ltmp25:
0x3f8: {  	s31 =	sld [smem:$0x7F9];
	(pc) =	sbr.rel .LBB2_21-.Ltmp25, $4  }
0x3f9: {  	s12 =	sld [smem:$0x7FA]  }
0x3fa: {  	s25 =	sld [smem:$0x7FB]  }
0x3fb: {  	s1 =	simm.s32 $0x0;
	s4 =	sld [smem:$0x7FC]  }
0x3fc: {  	s5 =	simm.s32 $0x0;
	s20 =	sld [smem:$0x7F8];
	s15 =	stileid.u32  }
.LBB2_24:
.Ltmp26:
0x3fd: {  	(pc) =	sbr.rel .LBB2_29-.Ltmp26, $2  }
0x3fe: {  	_ =	sdelay $0x2  }
0x3ff: {  	_ = 	snop  }
.LBB2_5:
.Ltmp27:
0x400: {  	(pc) =	sbr.rel .LBB2_7-.Ltmp27, $3  }
0x401: {  	_ =	sdelay $0x1  }
0x402: {  	s30 =	sld [smem:$0x7F5]  }
0x403: {  	s19 =	simm.s32 $0x80;
	s31 =	sld [smem:$0x7F6]  }
.LBB2_18:
0x404: {  	s16 =	rddreg [dreg:$0x3]  }
0x405: {  	s20 =	sld [smem:$0x7F8]  }
.Ltmp28:
0x406: {  	s31 =	sld [smem:$0x7F9];
	(pc) =	sbr.rel .LBB2_21-.Ltmp28, $4  }
0x407: {  	s12 =	sld [smem:$0x7FA]  }
0x408: {  	s1 =	simm.s32 $0x0;
	s7 =	simm.s32 $0x110;
	s25 =	sld [smem:$0x7FB]  }
0x409: {  	s15 =	stileid.u32;
	s17 =	simm.s32 $0x0;
	s4 =	sld [smem:$0x7FC]  }
0x40a: {  	s13 =	simm.s32 $0x0;
	s5 =	simm.s32 $0x20;
	p1 =	por $0x1, $0x1  }
.LBB2_26:
.Ltmp29:
0x40b: {  	(pc) =	sbr.rel .LBB2_29-.Ltmp29, $2  }
0x40c: {  	_ =	sdelay $0x2  }
0x40d: {  	s3 =	smov.u32 s4  }
.LBB2_37:
0x40e: {  	_ =	sfence.sel $0x180000  }
0x40f: {  	[bflag:$0x0] =	sbarrier.arrive $0xFFFF  }
0x410: {  	_ =	strace $0x90000047  }
0x411: {  	[bflag:$0x2] =	sbarrier.arrive $0xFFFF  }
0x412: {  	p0 =	sne.s32 s15, $0x0;
	s0 =	rddreg [dreg:$0x4]  }
0x413: {  	s0 =	sadd.s32 @!p0 $0x100000, s0  }
0x414: {  	[sflag:s0] =	ssyncadd.tile.s32 @!p0 $0x1;
	_ =	shalt  }
.Lfunc_end2:
_tile_overlayer_lowered:
.L_overlay_start_2:
0x415: {  	(tag) =	ssettag $0x2  }
0x416: {  	s0 =	rddreg [dreg:$0x0];
	s2 =	stileid.u32  }
0x417: {  	s1 =	rddreg [dreg:$0x1];
	p0 =	sne.s32 s2, $0x0  }
0x418: {  	s3 =	rddreg [dreg:$0x2];
	[bflag:$0x3] =	sbarrier.arrive $0xFFFF;
	s2 =	simm.s32 @!p0 $0x1C03  }
0x419: {  	[timem:s3], [sflag:s2] =	dma.local @!p0 [hbm:s0], s1  }
0x41a: {  	s0 =	simm.s32 @!p0 $0x3  }
0x41b: {  	_ =	swait.ge @!p0 [sflag:s0], s1  }
0x41c: {  	s1 =	ssub.s32 @!p0 $0x0, s1;
	[sflag:s0] =	ssyncset.done @!p0 $0x0  }
0x41d: {  	[sflag:s0] =	ssyncadd.s32 @!p0 s1  }
0x41e: {  	[bflag:$0x3] =	sbarrier.arrive $0xFFFF  }
0x41f: {  	_ =	shalt  }

</sc_bundles>
